<compile_context>
chip_gen: v7x
topology: tpu7x:2x2x1
jax: 0.10.2.dev20260603
libtpu: 0.0.44.dev20260713+nightly
codegen_flags: <defaults>
</compile_context>

<pallas_src>
import functools

import jax
import jax.numpy as jnp
from jax import lax
from jax.experimental import pallas as pl
from jax.experimental.pallas import tpu as pltpu
from jax.experimental.pallas import tpu_sc as plsc

N_NODES = 10000
N_EDGES = 320000
D = 128

NC = 2
NS = 16
W = 100
NB = 3
EDGES_PER_TILE = N_EDGES // (NC * NS)
WINDOWS_PER_TILE = EDGES_PER_TILE // W
NPH = 10
WPP = WINDOWS_PER_TILE // NPH
ROWCHUNK = 80
N_ROW_CHUNKS = N_NODES // ROWCHUNK
CHUNKS_PER_SUBCORE = -(-N_ROW_CHUNKS // NS)


def _sc_aggregate(x, src2d, dst2d):
    mesh = plsc.VectorSubcoreMesh(core_axis_name="c", subcore_axis_name="s")

    @functools.partial(
        pl.kernel,
        out_type=jax.ShapeDtypeStruct((NC, N_NODES, D), jnp.float32),
        mesh=mesh,
        scratch_types=[
            pltpu.VMEM((WPP, W), jnp.int32),
            pltpu.VMEM((WPP, W), jnp.int32),
            pltpu.VMEM((WPP, W), jnp.int32),
            pltpu.VMEM((WPP, W), jnp.int32),
            pltpu.VMEM((W, D), jnp.float32),
            pltpu.VMEM((W, D), jnp.float32),
            pltpu.VMEM((W, D), jnp.float32),
            pltpu.SemaphoreType.DMA,
            pltpu.SemaphoreType.DMA,
            pltpu.SemaphoreType.DMA,
            pltpu.SemaphoreType.DMA,
            pltpu.SemaphoreType.DMA,
            pltpu.VMEM_SHARED((N_NODES, D), jnp.float32),
        ],
    )
    def k(x_hbm, src_hbm, dst_hbm, out_hbm, src_v0, dst_v0, src_v1,
          dst_v1, rows_0, rows_1, rows_2, gsem_0, gsem_1, gsem_2,
          isem_s, isem_d, acc):
        rows_v = rows_0
        cid = lax.axis_index("c")
        sid = lax.axis_index("s")
        wid = cid * NS + sid

        pltpu.async_copy(src_hbm.at[wid, 0], src_v0, isem_s)
        pltpu.async_copy(dst_hbm.at[wid, 0], dst_v0, isem_d)

        zero16 = jnp.zeros((16,), jnp.float32)

        @pl.loop(0, ROWCHUNK)
        def _(r):
            for c in range(0, D, 16):
                rows_v[r, pl.ds(c, 16)] = zero16

        @pl.loop(0, CHUNKS_PER_SUBCORE)
        def _(j):
            k = sid + j * NS

            @pl.when(k < N_ROW_CHUNKS)
            def _():
                pltpu.async_copy(rows_v.at[pl.ds(0, ROWCHUNK)],
                                 acc.at[pl.ds(k * ROWCHUNK, ROWCHUNK)], gsem_1)

        @pl.loop(0, CHUNKS_PER_SUBCORE)
        def _(j):
            k = sid + j * NS

            @pl.when(k < N_ROW_CHUNKS)
            def _():
                pltpu.make_async_copy(
                    rows_v.at[pl.ds(0, ROWCHUNK)],
                    acc.at[pl.ds(k * ROWCHUNK, ROWCHUNK)], gsem_1
                ).wait()

        plsc.subcore_barrier()

        pltpu.make_async_copy(src_hbm.at[wid, 0], src_v0, isem_s).wait()
        pltpu.make_async_copy(dst_hbm.at[wid, 0], dst_v0, isem_d).wait()

        def gather_start(src_v, w, buf, gsem):
            pltpu.async_copy(x_hbm.at[src_v.at[w]], buf, gsem)

        def gather_wait(src_v, w, buf, gsem):
            pltpu.make_async_copy(x_hbm.at[src_v.at[w]], buf, gsem).wait()

        def scatter_add(dst_v, w, buf):
            pltpu.sync_copy(buf, acc.at[dst_v.at[w]], add=True)

        bufs = ((rows_0, gsem_0), (rows_1, gsem_1), (rows_2, gsem_2))
        idx = ((src_v0, dst_v0), (src_v1, dst_v1))

        MAIN = WPP - NB - WPP % NB

        for p in range(NPH):
            src_v, dst_v = idx[p % 2]
            if p + 1 < NPH:
                nsrc_v, ndst_v = idx[(p + 1) % 2]
                pltpu.async_copy(src_hbm.at[wid, p + 1], nsrc_v, isem_s)
                pltpu.async_copy(dst_hbm.at[wid, p + 1], ndst_v, isem_d)

            if p == 0:
                for i in range(NB):
                    gather_start(src_v, i, *bufs[i])

            @pl.loop(0, MAIN // NB)
            def _(h, src_v=src_v, dst_v=dst_v):
                w = h * NB
                for i in range(NB):
                    buf, gsem = bufs[i]
                    gather_wait(src_v, w + i, buf, gsem)
                    scatter_add(dst_v, w + i, buf)
                    gather_start(src_v, w + i + NB, buf, gsem)

            if p + 1 < NPH:
                pltpu.make_async_copy(src_hbm.at[wid, p + 1], nsrc_v, isem_s).wait()
                pltpu.make_async_copy(dst_hbm.at[wid, p + 1], ndst_v, isem_d).wait()

            for wt in range(MAIN, WPP):
                buf, gsem = bufs[wt % NB]
                gather_wait(src_v, wt, buf, gsem)
                scatter_add(dst_v, wt, buf)
                if wt + NB < WPP:
                    gather_start(src_v, wt + NB, buf, gsem)
                elif p + 1 < NPH:
                    gather_start(nsrc_v, wt % NB, buf, gsem)

        plsc.subcore_barrier()

        @pl.loop(0, CHUNKS_PER_SUBCORE)
        def _(j):
            k = sid + j * NS

            @pl.when(k < N_ROW_CHUNKS)
            def _():
                base = k * ROWCHUNK
                stage = rows_v.at[pl.ds(0, ROWCHUNK)]
                pltpu.sync_copy(acc.at[pl.ds(base, ROWCHUNK)], stage)
                pltpu.sync_copy(stage, out_hbm.at[cid, pl.ds(base, ROWCHUNK)])

    return k(x, src2d, dst2d)


def _tc_combine(x, partials, W1T, W2T, b):
    BLK = 1000

    def body(x_ref, p_ref, w1_ref, w2_ref, b_ref, o_ref):
        agg = p_ref[0] + p_ref[1]
        o_ref[...] = (
            jnp.dot(x_ref[...], w1_ref[...], preferred_element_type=jnp.float32)
            + jnp.dot(agg, w2_ref[...], preferred_element_type=jnp.float32)
            + b_ref[...]
        )

    return pl.pallas_call(
        body,
        grid=(N_NODES // BLK,),
        in_specs=[
            pl.BlockSpec((BLK, D), lambda i: (i, 0)),
            pl.BlockSpec((NC, BLK, D), lambda i: (0, i, 0)),
            pl.BlockSpec((D, D), lambda i: (0, 0)),
            pl.BlockSpec((D, D), lambda i: (0, 0)),
            pl.BlockSpec((1, D), lambda i: (0, 0)),
        ],
        out_specs=pl.BlockSpec((BLK, D), lambda i: (i, 0)),
        out_shape=jax.ShapeDtypeStruct((N_NODES, D), jnp.float32),
    )(x, partials, W1T, W2T, b)


def kernel(shape_features, edge_index, W1, b1, W2, b2):
    src2d = edge_index[0].reshape(NC * NS, NPH, WPP, W)
    dst2d = edge_index[1].reshape(NC * NS, NPH, WPP, W)
    partials = _sc_aggregate(shape_features, src2d, dst2d)
    b = (b1 + b2).reshape(1, D)
    return _tc_combine(shape_features, partials, W1.T, W2.T, b)

# --- scband reference (transcript-rebuilt; emitter-appended) ---
"""Pipeline reference for scband-graph-convolution-16999480558222 (READ-ONLY COPY).

The authoritative reference and input builder live on the scoring server;
editing this copy changes nothing except your own understanding.
"""

import jax, jax.numpy as jnp
import numpy as np

N_NODES = 10000
N_EDGES = 320000
D_IN = 128
D_OUT = 128


def setup_inputs(seed: int = 0) -> dict:
    key = jax.random.key(seed)
    k1, k2, k3, k4, k5, k6 = jax.random.split(key, 6)
    shape_features = jax.random.normal(k1, (N_NODES, D_IN), dtype=jnp.float32)
    # The original module derives a neighbour adjacency from mesh faces;
    # we represent that adjacency directly as a directed edge list [2, E]
    # (src row 0 contributes to dst row 1), values in [0, N_NODES).
    edge_index = jax.random.randint(k2, (2, N_EDGES), 0, N_NODES, dtype=jnp.int32)
    # Learned parameters for linear1 and linear2 (torch Linear: y = x @ W.T + b)
    s_in = 1.0 / np.sqrt(D_IN)
    W1 = jax.random.uniform(k3, (D_OUT, D_IN), minval=-s_in, maxval=s_in, dtype=jnp.float32)
    b1 = jax.random.uniform(k4, (D_OUT,), minval=-s_in, maxval=s_in, dtype=jnp.float32)
    W2 = jax.random.uniform(k5, (D_OUT, D_IN), minval=-s_in, maxval=s_in, dtype=jnp.float32)
    b2 = jax.random.uniform(k6, (D_OUT,), minval=-s_in, maxval=s_in, dtype=jnp.float32)
    return {"shape_features": shape_features, "edge_index": edge_index,
            "W1": W1, "b1": b1, "W2": W2, "b2": b2}


def reference(shape_features, edge_index, W1, b1, W2, b2):
    # outputFeatures1 = linear1(shape_features)
    out1 = shape_features @ W1.T + b1
    # neighbour aggregation: for each dst vertex, sum features of its
    # neighbours (derived from the mesh faces -> edge list)
    src = edge_index[0]
    dst = edge_index[1]
    gathered = jnp.take(shape_features, src, axis=0)
    aggr = jax.ops.segment_sum(gathered, dst, num_segments=N_NODES)
    # shape_features = outputFeatures1 + linear2(shapeFeaturesAggr)
    out = out1 + (aggr @ W2.T + b2)
    return out

if __name__ == "__main__":
    import jax
    _d = setup_inputs()
    print(jax.jit(kernel)(*tuple(_d.values())))

</pallas_src>

<mosaic_0001>
#map = affine_map<(d0, d1) -> (0, 0)>
#map1 = affine_map<(d0, d1) -> (0, 0, 0, 0)>
#map2 = affine_map<(d0, d1) -> (0, 0, 0)>
module attributes {stable_mosaic.version = 14 : i64} {
  func.func @k(%arg0: i32, %arg1: i32, %arg2: memref<10000x128xf32, #tpu.memory_space<hbm>>, %arg3: memref<32x10x10x100xi32, #tpu.memory_space<hbm>>, %arg4: memref<32x10x10x100xi32, #tpu.memory_space<hbm>>, %arg5: memref<2x10000x128xf32, #tpu.memory_space<hbm>>, %arg6: memref<10x100xi32, #tpu.memory_space<vmem>>, %arg7: memref<10x100xi32, #tpu.memory_space<vmem>>, %arg8: memref<10x100xi32, #tpu.memory_space<vmem>>, %arg9: memref<10x100xi32, #tpu.memory_space<vmem>>, %arg10: memref<100x128xf32, #tpu.memory_space<vmem>>, %arg11: memref<100x128xf32, #tpu.memory_space<vmem>>, %arg12: memref<100x128xf32, #tpu.memory_space<vmem>>, %arg13: memref<!tpu.dma_semaphore, #tpu.memory_space<semaphore_mem>>, %arg14: memref<!tpu.dma_semaphore, #tpu.memory_space<semaphore_mem>>, %arg15: memref<!tpu.dma_semaphore, #tpu.memory_space<semaphore_mem>>, %arg16: memref<!tpu.dma_semaphore, #tpu.memory_space<semaphore_mem>>, %arg17: memref<!tpu.dma_semaphore, #tpu.memory_space<semaphore_mem>>, %arg18: memref<10000x128xf32, #tpu.memory_space<vmem_shared>>) attributes {dimension_semantics = [#tpu.dimension_semantics<core_parallel>, #tpu.dimension_semantics<subcore_parallel>], iteration_bounds = array<i64: 2, 16>, scalar_prefetch = 0 : i64, scratch_operands = 13 : i64, tpu.core_type = #tpu.core_type<sc_vector_subcore>, window_params = [{transform_indices = #map}, {transform_indices = #map1}, {transform_indices = #map1}, {transform_indices = #map2}]} {
    %mul3A = arith.constant 16 : i32
    %mul3A_0 = arith.muli %arg0, %mul3A : i32
    %add3A = arith.addi %mul3A_0, %arg1 : i32
    %dma_start3A = arith.constant 0 : i32
    %dma_start3A_1 = arith.constant 0 : i32
    %dma_start3A_2 = arith.constant 0 : i32
    %dma_start3A_3 = tpu.memref_slice %arg3[%add3A, %dma_start3A, %dma_start3A_1, %dma_start3A_2] : memref<32x10x10x100xi32, #tpu.memory_space<hbm>> -> memref<1x1x10x100xi32, #tpu.memory_space<hbm>>
    %dma_start3A_4 = tpu.memref_squeeze %dma_start3A_3 : memref<1x1x10x100xi32, #tpu.memory_space<hbm>> -> memref<10x100xi32, #tpu.memory_space<hbm>>
    %dma_start3A_5 = arith.constant 0 : i32
    %dma_start3A_6 = arith.constant 0 : i32
    %dma_start3A_7 = tpu.memref_slice %arg3[%add3A, %dma_start3A, %dma_start3A_5, %dma_start3A_6] : memref<32x10x10x100xi32, #tpu.memory_space<hbm>> -> memref<1x1x10x100xi32, #tpu.memory_space<hbm>>
    %dma_start3A_8 = tpu.memref_squeeze %dma_start3A_7 : memref<1x1x10x100xi32, #tpu.memory_space<hbm>> -> memref<10x100xi32, #tpu.memory_space<hbm>>
    tpu.enqueue_dma source(%dma_start3A_8 : memref<10x100xi32, #tpu.memory_space<hbm>>) target(%arg6 : memref<10x100xi32, #tpu.memory_space<vmem>>) target_semaphore(%arg16 : memref<!tpu.dma_semaphore, #tpu.memory_space<semaphore_mem>>)
    %dma_start3A_9 = arith.constant 0 : i32
    %dma_start3A_10 = arith.constant 0 : i32
    %dma_start3A_11 = arith.constant 0 : i32
    %dma_start3A_12 = tpu.memref_slice %arg4[%add3A, %dma_start3A_9, %dma_start3A_10, %dma_start3A_11] : memref<32x10x10x100xi32, #tpu.memory_space<hbm>> -> memref<1x1x10x100xi32, #tpu.memory_space<hbm>>
    %dma_start3A_13 = tpu.memref_squeeze %dma_start3A_12 : memref<1x1x10x100xi32, #tpu.memory_space<hbm>> -> memref<10x100xi32, #tpu.memory_space<hbm>>
    %dma_start3A_14 = arith.constant 0 : i32
    %dma_start3A_15 = arith.constant 0 : i32
    %dma_start3A_16 = tpu.memref_slice %arg4[%add3A, %dma_start3A_9, %dma_start3A_14, %dma_start3A_15] : memref<32x10x10x100xi32, #tpu.memory_space<hbm>> -> memref<1x1x10x100xi32, #tpu.memory_space<hbm>>
    %dma_start3A_17 = tpu.memref_squeeze %dma_start3A_16 : memref<1x1x10x100xi32, #tpu.memory_space<hbm>> -> memref<10x100xi32, #tpu.memory_space<hbm>>
    tpu.enqueue_dma source(%dma_start3A_17 : memref<10x100xi32, #tpu.memory_space<hbm>>) target(%arg7 : memref<10x100xi32, #tpu.memory_space<vmem>>) target_semaphore(%arg17 : memref<!tpu.dma_semaphore, #tpu.memory_space<semaphore_mem>>)
    %broadcast_in_dim3A = arith.constant 0.000000e+00 : f32
    %broadcast_in_dim3A_18 = vector.broadcast %broadcast_in_dim3A : f32 to vector<16xf32>
    %scan3A = arith.constant 0 : i32
    %scan3A_19 = arith.constant 80 : i32
    %scan3A_20 = arith.addi %scan3A, %scan3A_19 : i32
    %scan3A_21 = arith.constant 1 : i32
    scf.for %scan3A_1029 = %scan3A to %scan3A_20 step %scan3A_21  : i32 {
      %mul3A_1030 = arith.constant 1 : i32
      %mul3A_1031 = arith.muli %scan3A_1029, %mul3A_1030 : i32
      %add3A_1032 = arith.constant 0 : i32
      %add3A_1033 = arith.addi %add3A_1032, %mul3A_1031 : i32
      %swap3A = arith.index_cast %add3A_1033 : i32 to index
      %swap3A_1034 = arith.constant 0 : index
      %swap3A_1035 = tpu.vector_load %arg10[%swap3A, %swap3A_1034] {strides = array<i32>} : memref<100x128xf32, #tpu.memory_space<vmem>>, vector<1x16xf32>,
      %swap3A_1036 = vector.shape_cast %swap3A_1035 : vector<1x16xf32> to vector<16xf32>
      %swap3A_1037 = vector.shape_cast %broadcast_in_dim3A_18 : vector<16xf32> to vector<1x16xf32>
      tpu.vector_store %arg10[%swap3A, %swap3A_1034], %swap3A_1037 {strides = array<i32>} : memref<100x128xf32, #tpu.memory_space<vmem>>, vector<1x16xf32>,
      %swap3A_1038 = arith.index_cast %add3A_1033 : i32 to index
      %swap3A_1039 = arith.constant 16 : index
      %swap3A_1040 = tpu.vector_load %arg10[%swap3A_1038, %swap3A_1039] {strides = array<i32>} : memref<100x128xf32, #tpu.memory_space<vmem>>, vector<1x16xf32>,
      %swap3A_1041 = vector.shape_cast %swap3A_1040 : vector<1x16xf32> to vector<16xf32>
      %swap3A_1042 = vector.shape_cast %broadcast_in_dim3A_18 : vector<16xf32> to vector<1x16xf32>
      tpu.vector_store %arg10[%swap3A_1038, %swap3A_1039], %swap3A_1042 {strides = array<i32>} : memref<100x128xf32, #tpu.memory_space<vmem>>, vector<1x16xf32>,
      %swap3A_1043 = arith.index_cast %add3A_1033 : i32 to index
      %swap3A_1044 = arith.constant 32 : index
      %swap3A_1045 = tpu.vector_load %arg10[%swap3A_1043, %swap3A_1044] {strides = array<i32>} : memref<100x128xf32, #tpu.memory_space<vmem>>, vector<1x16xf32>,
      %swap3A_1046 = vector.shape_cast %swap3A_1045 : vector<1x16xf32> to vector<16xf32>
      %swap3A_1047 = vector.shape_cast %broadcast_in_dim3A_18 : vector<16xf32> to vector<1x16xf32>
      tpu.vector_store %arg10[%swap3A_1043, %swap3A_1044], %swap3A_1047 {strides = array<i32>} : memref<100x128xf32, #tpu.memory_space<vmem>>, vector<1x16xf32>,
      %swap3A_1048 = arith.index_cast %add3A_1033 : i32 to index
      %swap3A_1049 = arith.constant 48 : index
      %swap3A_1050 = tpu.vector_load %arg10[%swap3A_1048, %swap3A_1049] {strides = array<i32>} : memref<100x128xf32, #tpu.memory_space<vmem>>, vector<1x16xf32>,
      %swap3A_1051 = vector.shape_cast %swap3A_1050 : vector<1x16xf32> to vector<16xf32>
      %swap3A_1052 = vector.shape_cast %broadcast_in_dim3A_18 : vector<16xf32> to vector<1x16xf32>
      tpu.vector_store %arg10[%swap3A_1048, %swap3A_1049], %swap3A_1052 {strides = array<i32>} : memref<100x128xf32, #tpu.memory_space<vmem>>, vector<1x16xf32>,
      %swap3A_1053 = arith.index_cast %add3A_1033 : i32 to index
      %swap3A_1054 = arith.constant 64 : index
      %swap3A_1055 = tpu.vector_load %arg10[%swap3A_1053, %swap3A_1054] {strides = array<i32>} : memref<100x128xf32, #tpu.memory_space<vmem>>, vector<1x16xf32>,
      %swap3A_1056 = vector.shape_cast %swap3A_1055 : vector<1x16xf32> to vector<16xf32>
      %swap3A_1057 = vector.shape_cast %broadcast_in_dim3A_18 : vector<16xf32> to vector<1x16xf32>
      tpu.vector_store %arg10[%swap3A_1053, %swap3A_1054], %swap3A_1057 {strides = array<i32>} : memref<100x128xf32, #tpu.memory_space<vmem>>, vector<1x16xf32>,
      %swap3A_1058 = arith.index_cast %add3A_1033 : i32 to index
      %swap3A_1059 = arith.constant 80 : index
      %swap3A_1060 = tpu.vector_load %arg10[%swap3A_1058, %swap3A_1059] {strides = array<i32>} : memref<100x128xf32, #tpu.memory_space<vmem>>, vector<1x16xf32>,
      %swap3A_1061 = vector.shape_cast %swap3A_1060 : vector<1x16xf32> to vector<16xf32>
      %swap3A_1062 = vector.shape_cast %broadcast_in_dim3A_18 : vector<16xf32> to vector<1x16xf32>
      tpu.vector_store %arg10[%swap3A_1058, %swap3A_1059], %swap3A_1062 {strides = array<i32>} : memref<100x128xf32, #tpu.memory_space<vmem>>, vector<1x16xf32>,
      %swap3A_1063 = arith.index_cast %add3A_1033 : i32 to index
      %swap3A_1064 = arith.constant 96 : index
      %swap3A_1065 = tpu.vector_load %arg10[%swap3A_1063, %swap3A_1064] {strides = array<i32>} : memref<100x128xf32, #tpu.memory_space<vmem>>, vector<1x16xf32>,
      %swap3A_1066 = vector.shape_cast %swap3A_1065 : vector<1x16xf32> to vector<16xf32>
      %swap3A_1067 = vector.shape_cast %broadcast_in_dim3A_18 : vector<16xf32> to vector<1x16xf32>
      tpu.vector_store %arg10[%swap3A_1063, %swap3A_1064], %swap3A_1067 {strides = array<i32>} : memref<100x128xf32, #tpu.memory_space<vmem>>, vector<1x16xf32>,
      %swap3A_1068 = arith.index_cast %add3A_1033 : i32 to index
      %swap3A_1069 = arith.constant 112 : index
      %swap3A_1070 = tpu.vector_load %arg10[%swap3A_1068, %swap3A_1069] {strides = array<i32>} : memref<100x128xf32, #tpu.memory_space<vmem>>, vector<1x16xf32>,
      %swap3A_1071 = vector.shape_cast %swap3A_1070 : vector<1x16xf32> to vector<16xf32>
      %swap3A_1072 = vector.shape_cast %broadcast_in_dim3A_18 : vector<16xf32> to vector<1x16xf32>
      tpu.vector_store %arg10[%swap3A_1068, %swap3A_1069], %swap3A_1072 {strides = array<i32>} : memref<100x128xf32, #tpu.memory_space<vmem>>, vector<1x16xf32>,
    }
    %scan3A_22 = arith.constant 80 : i32
    %scan3A_23 = arith.constant 0 : i32
    %scan3A_24 = arith.constant 8 : i32
    %scan3A_25 = arith.addi %scan3A_23, %scan3A_24 : i32
    %scan3A_26 = arith.constant 1 : i32
    scf.for %scan3A_1029 = %scan3A_23 to %scan3A_25 step %scan3A_26  : i32 {
      %mul3A_1030 = arith.constant 1 : i32
      %mul3A_1031 = arith.muli %scan3A_1029, %mul3A_1030 : i32
      %add3A_1032 = arith.constant 0 : i32
      %add3A_1033 = arith.addi %add3A_1032, %mul3A_1031 : i32
      %mul3A_1034 = arith.constant 16 : i32
      %mul3A_1035 = arith.muli %add3A_1033, %mul3A_1034 : i32
      %add3A_1036 = arith.addi %arg1, %mul3A_1035 : i32
      %lt3A = arith.constant 125 : i32
      %lt3A_1037 = arith.cmpi slt, %add3A_1036, %lt3A : i32
      %convert_element_type3A = arith.extui %lt3A_1037 : i1 to i32
      %cond3A = arith.constant 0 : i32
      %cond3A_1038 = arith.cmpi ne, %convert_element_type3A, %cond3A : i32
      scf.if %cond3A_1038 {
        %mul3A_1039 = arith.constant 80 : i32
        %mul3A_1040 = arith.muli %add3A_1036, %mul3A_1039 : i32
        %dma_start3A_1041 = arith.constant 0 : i32
        %dma_start3A_1042 = arith.constant 0 : i32
        %dma_start3A_1043 = tpu.memref_slice %arg10[%dma_start3A_1041, %dma_start3A_1042] : memref<100x128xf32, #tpu.memory_space<vmem>> -> memref<80x128xf32, #tpu.memory_space<vmem>>
        %dma_start3A_1044 = arith.constant 0 : i32
        %dma_start3A_1045 = tpu.memref_slice %arg18[%mul3A_1040, %dma_start3A_1044] : memref<10000x128xf32, #tpu.memory_space<vmem_shared>> -> memref<80x128xf32, #tpu.memory_space<vmem_shared>>
        %dma_start3A_1046 = arith.constant 0 : i32
        %dma_start3A_1047 = tpu.memref_slice %arg18[%mul3A_1040, %dma_start3A_1046] : memref<10000x128xf32, #tpu.memory_space<vmem_shared>> -> memref<80x128xf32, #tpu.memory_space<vmem_shared>>
        %dma_start3A_1048 = arith.constant 0 : i32
        %dma_start3A_1049 = arith.constant 0 : i32
        %dma_start3A_1050 = tpu.memref_slice %arg10[%dma_start3A_1048, %dma_start3A_1049] : memref<100x128xf32, #tpu.memory_space<vmem>> -> memref<80x128xf32, #tpu.memory_space<vmem>>
        tpu.enqueue_dma source(%dma_start3A_1050 : memref<80x128xf32, #tpu.memory_space<vmem>>) target(%dma_start3A_1047 : memref<80x128xf32, #tpu.memory_space<vmem_shared>>) target_semaphore(%arg14 : memref<!tpu.dma_semaphore, #tpu.memory_space<semaphore_mem>>)
      } else {
      }
    }
    %scan3A_27 = arith.constant 8 : i32
    %scan3A_28 = arith.constant 0 : i32
    %scan3A_29 = arith.constant 8 : i32
    %scan3A_30 = arith.addi %scan3A_28, %scan3A_29 : i32
    %scan3A_31 = arith.constant 1 : i32
    scf.for %scan3A_1029 = %scan3A_28 to %scan3A_30 step %scan3A_31  : i32 {
      %mul3A_1030 = arith.constant 1 : i32
      %mul3A_1031 = arith.muli %scan3A_1029, %mul3A_1030 : i32
      %add3A_1032 = arith.constant 0 : i32
      %add3A_1033 = arith.addi %add3A_1032, %mul3A_1031 : i32
      %mul3A_1034 = arith.constant 16 : i32
      %mul3A_1035 = arith.muli %add3A_1033, %mul3A_1034 : i32
      %add3A_1036 = arith.addi %arg1, %mul3A_1035 : i32
      %lt3A = arith.constant 125 : i32
      %lt3A_1037 = arith.cmpi slt, %add3A_1036, %lt3A : i32
      %convert_element_type3A = arith.extui %lt3A_1037 : i1 to i32
      %cond3A = arith.constant 0 : i32
      %cond3A_1038 = arith.cmpi ne, %convert_element_type3A, %cond3A : i32
      scf.if %cond3A_1038 {
        %mul3A_1039 = arith.constant 80 : i32
        %mul3A_1040 = arith.muli %add3A_1036, %mul3A_1039 : i32
        %dma_wait3A_1041 = arith.constant 0 : i32
        %dma_wait3A_1042 = arith.constant 0 : i32
        %dma_wait3A_1043 = tpu.memref_slice %arg10[%dma_wait3A_1041, %dma_wait3A_1042] : memref<100x128xf32, #tpu.memory_space<vmem>> -> memref<80x128xf32, #tpu.memory_space<vmem>>
        %dma_wait3A_1044 = arith.constant 0 : i32
        %dma_wait3A_1045 = tpu.memref_slice %arg18[%mul3A_1040, %dma_wait3A_1044] : memref<10000x128xf32, #tpu.memory_space<vmem_shared>> -> memref<80x128xf32, #tpu.memory_space<vmem_shared>>
        %dma_wait3A_1046 = arith.constant 0 : i32
        %dma_wait3A_1047 = tpu.memref_slice %arg18[%mul3A_1040, %dma_wait3A_1046] : memref<10000x128xf32, #tpu.memory_space<vmem_shared>> -> memref<80x128xf32, #tpu.memory_space<vmem_shared>>
        %dma_wait3A_1048 = arith.constant 0 : i32
        %dma_wait3A_1049 = arith.constant 0 : i32
        %dma_wait3A_1050 = tpu.memref_slice %arg10[%dma_wait3A_1048, %dma_wait3A_1049] : memref<100x128xf32, #tpu.memory_space<vmem>> -> memref<80x128xf32, #tpu.memory_space<vmem>>
        tpu.wait_dma2 semaphore(%arg14 : memref<!tpu.dma_semaphore, #tpu.memory_space<semaphore_mem>>) src(%dma_wait3A_1050 : memref<80x128xf32, #tpu.memory_space<vmem>>) dst(%dma_wait3A_1047 : memref<80x128xf32, #tpu.memory_space<vmem_shared>>)
      } else {
      }
    }
    %scan3A_32 = arith.constant 8 : i32
    %barrier3A = arith.constant 0 : index
    tpu.barrier barrier_id(%barrier3A)
    %dma_wait3A = arith.constant 0 : i32
    %dma_wait3A_33 = arith.constant 0 : i32
    %dma_wait3A_34 = arith.constant 0 : i32
    %dma_wait3A_35 = tpu.memref_slice %arg3[%add3A, %dma_wait3A, %dma_wait3A_33, %dma_wait3A_34] : memref<32x10x10x100xi32, #tpu.memory_space<hbm>> -> memref<1x1x10x100xi32, #tpu.memory_space<hbm>>
    %dma_wait3A_36 = tpu.memref_squeeze %dma_wait3A_35 : memref<1x1x10x100xi32, #tpu.memory_space<hbm>> -> memref<10x100xi32, #tpu.memory_space<hbm>>
    %dma_wait3A_37 = arith.constant 0 : i32
    %dma_wait3A_38 = arith.constant 0 : i32
    %dma_wait3A_39 = tpu.memref_slice %arg3[%add3A, %dma_wait3A, %dma_wait3A_37, %dma_wait3A_38] : memref<32x10x10x100xi32, #tpu.memory_space<hbm>> -> memref<1x1x10x100xi32, #tpu.memory_space<hbm>>
    %dma_wait3A_40 = tpu.memref_squeeze %dma_wait3A_39 : memref<1x1x10x100xi32, #tpu.memory_space<hbm>> -> memref<10x100xi32, #tpu.memory_space<hbm>>
    tpu.wait_dma2 semaphore(%arg16 : memref<!tpu.dma_semaphore, #tpu.memory_space<semaphore_mem>>) src(%dma_wait3A_40 : memref<10x100xi32, #tpu.memory_space<hbm>>) dst(%arg6 : memref<10x100xi32, #tpu.memory_space<vmem>>)
    %dma_wait3A_41 = arith.constant 0 : i32
    %dma_wait3A_42 = arith.constant 0 : i32
    %dma_wait3A_43 = arith.constant 0 : i32
    %dma_wait3A_44 = tpu.memref_slice %arg4[%add3A, %dma_wait3A_41, %dma_wait3A_42, %dma_wait3A_43] : memref<32x10x10x100xi32, #tpu.memory_space<hbm>> -> memref<1x1x10x100xi32, #tpu.memory_space<hbm>>
    %dma_wait3A_45 = tpu.memref_squeeze %dma_wait3A_44 : memref<1x1x10x100xi32, #tpu.memory_space<hbm>> -> memref<10x100xi32, #tpu.memory_space<hbm>>
    %dma_wait3A_46 = arith.constant 0 : i32
    %dma_wait3A_47 = arith.constant 0 : i32
    %dma_wait3A_48 = tpu.memref_slice %arg4[%add3A, %dma_wait3A_41, %dma_wait3A_46, %dma_wait3A_47] : memref<32x10x10x100xi32, #tpu.memory_space<hbm>> -> memref<1x1x10x100xi32, #tpu.memory_space<hbm>>
    %dma_wait3A_49 = tpu.memref_squeeze %dma_wait3A_48 : memref<1x1x10x100xi32, #tpu.memory_space<hbm>> -> memref<10x100xi32, #tpu.memory_space<hbm>>
    tpu.wait_dma2 semaphore(%arg17 : memref<!tpu.dma_semaphore, #tpu.memory_space<semaphore_mem>>) src(%dma_wait3A_49 : memref<10x100xi32, #tpu.memory_space<hbm>>) dst(%arg7 : memref<10x100xi32, #tpu.memory_space<vmem>>)
    %dma_start3A_50 = arith.constant 1 : i32
    %dma_start3A_51 = arith.constant 0 : i32
    %dma_start3A_52 = arith.constant 0 : i32
    %dma_start3A_53 = tpu.memref_slice %arg3[%add3A, %dma_start3A_50, %dma_start3A_51, %dma_start3A_52] : memref<32x10x10x100xi32, #tpu.memory_space<hbm>> -> memref<1x1x10x100xi32, #tpu.memory_space<hbm>>
    %dma_start3A_54 = tpu.memref_squeeze %dma_start3A_53 : memref<1x1x10x100xi32, #tpu.memory_space<hbm>> -> memref<10x100xi32, #tpu.memory_space<hbm>>
    %dma_start3A_55 = arith.constant 0 : i32
    %dma_start3A_56 = arith.constant 0 : i32
    %dma_start3A_57 = tpu.memref_slice %arg3[%add3A, %dma_start3A_50, %dma_start3A_55, %dma_start3A_56] : memref<32x10x10x100xi32, #tpu.memory_space<hbm>> -> memref<1x1x10x100xi32, #tpu.memory_space<hbm>>
    %dma_start3A_58 = tpu.memref_squeeze %dma_start3A_57 : memref<1x1x10x100xi32, #tpu.memory_space<hbm>> -> memref<10x100xi32, #tpu.memory_space<hbm>>
    tpu.enqueue_dma source(%dma_start3A_58 : memref<10x100xi32, #tpu.memory_space<hbm>>) target(%arg8 : memref<10x100xi32, #tpu.memory_space<vmem>>) target_semaphore(%arg16 : memref<!tpu.dma_semaphore, #tpu.memory_space<semaphore_mem>>)
    %dma_start3A_59 = arith.constant 1 : i32
    %dma_start3A_60 = arith.constant 0 : i32
    %dma_start3A_61 = arith.constant 0 : i32
    %dma_start3A_62 = tpu.memref_slice %arg4[%add3A, %dma_start3A_59, %dma_start3A_60, %dma_start3A_61] : memref<32x10x10x100xi32, #tpu.memory_space<hbm>> -> memref<1x1x10x100xi32, #tpu.memory_space<hbm>>
    %dma_start3A_63 = tpu.memref_squeeze %dma_start3A_62 : memref<1x1x10x100xi32, #tpu.memory_space<hbm>> -> memref<10x100xi32, #tpu.memory_space<hbm>>
    %dma_start3A_64 = arith.constant 0 : i32
    %dma_start3A_65 = arith.constant 0 : i32
    %dma_start3A_66 = tpu.memref_slice %arg4[%add3A, %dma_start3A_59, %dma_start3A_64, %dma_start3A_65] : memref<32x10x10x100xi32, #tpu.memory_space<hbm>> -> memref<1x1x10x100xi32, #tpu.memory_space<hbm>>
    %dma_start3A_67 = tpu.memref_squeeze %dma_start3A_66 : memref<1x1x10x100xi32, #tpu.memory_space<hbm>> -> memref<10x100xi32, #tpu.memory_space<hbm>>
    tpu.enqueue_dma source(%dma_start3A_67 : memref<10x100xi32, #tpu.memory_space<hbm>>) target(%arg9 : memref<10x100xi32, #tpu.memory_space<vmem>>) target_semaphore(%arg17 : memref<!tpu.dma_semaphore, #tpu.memory_space<semaphore_mem>>)
    %dma_start3A_68 = arith.constant 0 : i32
    %dma_start3A_69 = arith.constant 0 : i32
    %dma_start3A_70 = tpu.memref_slice %arg6[%dma_start3A_68, %dma_start3A_69] : memref<10x100xi32, #tpu.memory_space<vmem>> -> memref<1x100xi32, #tpu.memory_space<vmem>>
    %dma_start3A_71 = tpu.memref_squeeze %dma_start3A_70 : memref<1x100xi32, #tpu.memory_space<vmem>> -> memref<100xi32, #tpu.memory_space<vmem>>
    %dma_start3A_72 = arith.constant 0 : i32
    %dma_start3A_73 = arith.constant 0 : i32
    %dma_start3A_74 = tpu.memref_slice %arg2[%dma_start3A_72, %dma_start3A_73] : memref<10000x128xf32, #tpu.memory_space<hbm>> -> memref<10000x128xf32, #tpu.memory_space<hbm>>
    tpu.enqueue_indirect_dma source(%dma_start3A_74 : memref<10000x128xf32, #tpu.memory_space<hbm>>) target(%arg10 : memref<100x128xf32, #tpu.memory_space<vmem>>) offsets(%dma_start3A_71 : memref<100xi32, #tpu.memory_space<vmem>>) semaphore(%arg13 : memref<!tpu.dma_semaphore, #tpu.memory_space<semaphore_mem>>)
    %dma_start3A_75 = arith.constant 1 : i32
    %dma_start3A_76 = arith.constant 0 : i32
    %dma_start3A_77 = tpu.memref_slice %arg6[%dma_start3A_75, %dma_start3A_76] : memref<10x100xi32, #tpu.memory_space<vmem>> -> memref<1x100xi32, #tpu.memory_space<vmem>>
    %dma_start3A_78 = tpu.memref_squeeze %dma_start3A_77 : memref<1x100xi32, #tpu.memory_space<vmem>> -> memref<100xi32, #tpu.memory_space<vmem>>
    %dma_start3A_79 = arith.constant 0 : i32
    %dma_start3A_80 = arith.constant 0 : i32
    %dma_start3A_81 = tpu.memref_slice %arg2[%dma_start3A_79, %dma_start3A_80] : memref<10000x128xf32, #tpu.memory_space<hbm>> -> memref<10000x128xf32, #tpu.memory_space<hbm>>
    tpu.enqueue_indirect_dma source(%dma_start3A_81 : memref<10000x128xf32, #tpu.memory_space<hbm>>) target(%arg11 : memref<100x128xf32, #tpu.memory_space<vmem>>) offsets(%dma_start3A_78 : memref<100xi32, #tpu.memory_space<vmem>>) semaphore(%arg14 : memref<!tpu.dma_semaphore, #tpu.memory_space<semaphore_mem>>)
    %dma_start3A_82 = arith.constant 2 : i32
    %dma_start3A_83 = arith.constant 0 : i32
    %dma_start3A_84 = tpu.memref_slice %arg6[%dma_start3A_82, %dma_start3A_83] : memref<10x100xi32, #tpu.memory_space<vmem>> -> memref<1x100xi32, #tpu.memory_space<vmem>>
    %dma_start3A_85 = tpu.memref_squeeze %dma_start3A_84 : memref<1x100xi32, #tpu.memory_space<vmem>> -> memref<100xi32, #tpu.memory_space<vmem>>
    %dma_start3A_86 = arith.constant 0 : i32
    %dma_start3A_87 = arith.constant 0 : i32
    %dma_start3A_88 = tpu.memref_slice %arg2[%dma_start3A_86, %dma_start3A_87] : memref<10000x128xf32, #tpu.memory_space<hbm>> -> memref<10000x128xf32, #tpu.memory_space<hbm>>
    tpu.enqueue_indirect_dma source(%dma_start3A_88 : memref<10000x128xf32, #tpu.memory_space<hbm>>) target(%arg12 : memref<100x128xf32, #tpu.memory_space<vmem>>) offsets(%dma_start3A_85 : memref<100xi32, #tpu.memory_space<vmem>>) semaphore(%arg15 : memref<!tpu.dma_semaphore, #tpu.memory_space<semaphore_mem>>)
    %scan3A_89 = arith.constant 0 : i32
    %scan3A_90 = arith.constant 2 : i32
    %scan3A_91 = arith.addi %scan3A_89, %scan3A_90 : i32
    %scan3A_92 = arith.constant 1 : i32
    scf.for %scan3A_1029 = %scan3A_89 to %scan3A_91 step %scan3A_92  : i32 {
      %mul3A_1030 = arith.constant 1 : i32
      %mul3A_1031 = arith.muli %scan3A_1029, %mul3A_1030 : i32
      %add3A_1032 = arith.constant 0 : i32
      %add3A_1033 = arith.addi %add3A_1032, %mul3A_1031 : i32
      %mul3A_1034 = arith.constant 3 : i32
      %mul3A_1035 = arith.muli %add3A_1033, %mul3A_1034 : i32
      %add3A_1036 = arith.constant 0 : i32
      %add3A_1037 = arith.addi %mul3A_1035, %add3A_1036 : i32
      %dma_wait3A_1038 = arith.constant 0 : i32
      %dma_wait3A_1039 = tpu.memref_slice %arg6[%add3A_1037, %dma_wait3A_1038] : memref<10x100xi32, #tpu.memory_space<vmem>> -> memref<1x100xi32, #tpu.memory_space<vmem>>
      %dma_wait3A_1040 = tpu.memref_squeeze %dma_wait3A_1039 : memref<1x100xi32, #tpu.memory_space<vmem>> -> memref<100xi32, #tpu.memory_space<vmem>>
      %dma_wait3A_1041 = arith.constant 0 : i32
      %dma_wait3A_1042 = arith.constant 0 : i32
      %dma_wait3A_1043 = tpu.memref_slice %arg2[%dma_wait3A_1041, %dma_wait3A_1042] : memref<10000x128xf32, #tpu.memory_space<hbm>> -> memref<10000x128xf32, #tpu.memory_space<hbm>>
      tpu.wait_indirect_dma semaphore(%arg13 : memref<!tpu.dma_semaphore, #tpu.memory_space<semaphore_mem>>) src(%dma_wait3A_1043 : memref<10000x128xf32, #tpu.memory_space<hbm>>) dst(%arg10 : memref<100x128xf32, #tpu.memory_space<vmem>>)
      %add3A_1044 = arith.constant 0 : i32
      %add3A_1045 = arith.addi %mul3A_1035, %add3A_1044 : i32
      "tpu.region"() ({
        %run_scoped3A_1096 = tpu.sem_alloc : memref<!tpu.dma_semaphore, #tpu.memory_space<semaphore_mem>>
        %dma_start3A_1097 = arith.constant 0 : i32
        %dma_start3A_1098 = tpu.memref_slice %arg7[%add3A_1045, %dma_start3A_1097] : memref<10x100xi32, #tpu.memory_space<vmem>> -> memref<1x100xi32, #tpu.memory_space<vmem>>
        %dma_start3A_1099 = tpu.memref_squeeze %dma_start3A_1098 : memref<1x100xi32, #tpu.memory_space<vmem>> -> memref<100xi32, #tpu.memory_space<vmem>>
        %dma_start3A_1100 = arith.constant 0 : i32
        %dma_start3A_1101 = arith.constant 0 : i32
        %dma_start3A_1102 = tpu.memref_slice %arg18[%dma_start3A_1100, %dma_start3A_1101] : memref<10000x128xf32, #tpu.memory_space<vmem_shared>> -> memref<10000x128xf32, #tpu.memory_space<vmem_shared>>
        tpu.enqueue_indirect_dma source(%arg10 : memref<100x128xf32, #tpu.memory_space<vmem>>) target(%dma_start3A_1102 : memref<10000x128xf32, #tpu.memory_space<vmem_shared>>) offsets(%dma_start3A_1099 : memref<100xi32, #tpu.memory_space<vmem>>) semaphore(%run_scoped3A_1096 : memref<!tpu.dma_semaphore, #tpu.memory_space<semaphore_mem>>) {add = true}
        %dma_wait3A_1103 = arith.constant 0 : i32
        %dma_wait3A_1104 = tpu.memref_slice %arg7[%add3A_1045, %dma_wait3A_1103] : memref<10x100xi32, #tpu.memory_space<vmem>> -> memref<1x100xi32, #tpu.memory_space<vmem>>
        %dma_wait3A_1105 = tpu.memref_squeeze %dma_wait3A_1104 : memref<1x100xi32, #tpu.memory_space<vmem>> -> memref<100xi32, #tpu.memory_space<vmem>>
        %dma_wait3A_1106 = arith.constant 0 : i32
        %dma_wait3A_1107 = arith.constant 0 : i32
        %dma_wait3A_1108 = tpu.memref_slice %arg18[%dma_wait3A_1106, %dma_wait3A_1107] : memref<10000x128xf32, #tpu.memory_space<vmem_shared>> -> memref<10000x128xf32, #tpu.memory_space<vmem_shared>>
        tpu.wait_indirect_dma semaphore(%run_scoped3A_1096 : memref<!tpu.dma_semaphore, #tpu.memory_space<semaphore_mem>>) src(%arg10 : memref<100x128xf32, #tpu.memory_space<vmem>>) dst(%dma_wait3A_1108 : memref<10000x128xf32, #tpu.memory_space<vmem_shared>>)
        tpu.yield
      }) : () -> ()
      %add3A_1046 = arith.constant 0 : i32
      %add3A_1047 = arith.addi %mul3A_1035, %add3A_1046 : i32
      %add3A_1048 = arith.constant 3 : i32
      %add3A_1049 = arith.addi %add3A_1047, %add3A_1048 : i32
      %dma_start3A_1050 = arith.constant 0 : i32
      %dma_start3A_1051 = tpu.memref_slice %arg6[%add3A_1049, %dma_start3A_1050] : memref<10x100xi32, #tpu.memory_space<vmem>> -> memref<1x100xi32, #tpu.memory_space<vmem>>
      %dma_start3A_1052 = tpu.memref_squeeze %dma_start3A_1051 : memref<1x100xi32, #tpu.memory_space<vmem>> -> memref<100xi32, #tpu.memory_space<vmem>>
      %dma_start3A_1053 = arith.constant 0 : i32
      %dma_start3A_1054 = arith.constant 0 : i32
      %dma_start3A_1055 = tpu.memref_slice %arg2[%dma_start3A_1053, %dma_start3A_1054] : memref<10000x128xf32, #tpu.memory_space<hbm>> -> memref<10000x128xf32, #tpu.memory_space<hbm>>
      tpu.enqueue_indirect_dma source(%dma_start3A_1055 : memref<10000x128xf32, #tpu.memory_space<hbm>>) target(%arg10 : memref<100x128xf32, #tpu.memory_space<vmem>>) offsets(%dma_start3A_1052 : memref<100xi32, #tpu.memory_space<vmem>>) semaphore(%arg13 : memref<!tpu.dma_semaphore, #tpu.memory_space<semaphore_mem>>)
      %add3A_1056 = arith.constant 1 : i32
      %add3A_1057 = arith.addi %mul3A_1035, %add3A_1056 : i32
      %dma_wait3A_1058 = arith.constant 0 : i32
      %dma_wait3A_1059 = tpu.memref_slice %arg6[%add3A_1057, %dma_wait3A_1058] : memref<10x100xi32, #tpu.memory_space<vmem>> -> memref<1x100xi32, #tpu.memory_space<vmem>>
      %dma_wait3A_1060 = tpu.memref_squeeze %dma_wait3A_1059 : memref<1x100xi32, #tpu.memory_space<vmem>> -> memref<100xi32, #tpu.memory_space<vmem>>
      %dma_wait3A_1061 = arith.constant 0 : i32
      %dma_wait3A_1062 = arith.constant 0 : i32
      %dma_wait3A_1063 = tpu.memref_slice %arg2[%dma_wait3A_1061, %dma_wait3A_1062] : memref<10000x128xf32, #tpu.memory_space<hbm>> -> memref<10000x128xf32, #tpu.memory_space<hbm>>
      tpu.wait_indirect_dma semaphore(%arg14 : memref<!tpu.dma_semaphore, #tpu.memory_space<semaphore_mem>>) src(%dma_wait3A_1063 : memref<10000x128xf32, #tpu.memory_space<hbm>>) dst(%arg11 : memref<100x128xf32, #tpu.memory_space<vmem>>)
      %add3A_1064 = arith.constant 1 : i32
      %add3A_1065 = arith.addi %mul3A_1035, %add3A_1064 : i32
      "tpu.region"() ({
        %run_scoped3A_1096 = tpu.sem_alloc : memref<!tpu.dma_semaphore, #tpu.memory_space<semaphore_mem>>
        %dma_start3A_1097 = arith.constant 0 : i32
        %dma_start3A_1098 = tpu.memref_slice %arg7[%add3A_1065, %dma_start3A_1097] : memref<10x100xi32, #tpu.memory_space<vmem>> -> memref<1x100xi32, #tpu.memory_space<vmem>>
        %dma_start3A_1099 = tpu.memref_squeeze %dma_start3A_1098 : memref<1x100xi32, #tpu.memory_space<vmem>> -> memref<100xi32, #tpu.memory_space<vmem>>
        %dma_start3A_1100 = arith.constant 0 : i32
        %dma_start3A_1101 = arith.constant 0 : i32
        %dma_start3A_1102 = tpu.memref_slice %arg18[%dma_start3A_1100, %dma_start3A_1101] : memref<10000x128xf32, #tpu.memory_space<vmem_shared>> -> memref<10000x128xf32, #tpu.memory_space<vmem_shared>>
        tpu.enqueue_indirect_dma source(%arg11 : memref<100x128xf32, #tpu.memory_space<vmem>>) target(%dma_start3A_1102 : memref<10000x128xf32, #tpu.memory_space<vmem_shared>>) offsets(%dma_start3A_1099 : memref<100xi32, #tpu.memory_space<vmem>>) semaphore(%run_scoped3A_1096 : memref<!tpu.dma_semaphore, #tpu.memory_space<semaphore_mem>>) {add = true}
        %dma_wait3A_1103 = arith.constant 0 : i32
        %dma_wait3A_1104 = tpu.memref_slice %arg7[%add3A_1065, %dma_wait3A_1103] : memref<10x100xi32, #tpu.memory_space<vmem>> -> memref<1x100xi32, #tpu.memory_space<vmem>>
        %dma_wait3A_1105 = tpu.memref_squeeze %dma_wait3A_1104 : memref<1x100xi32, #tpu.memory_space<vmem>> -> memref<100xi32, #tpu.memory_space<vmem>>
        %dma_wait3A_1106 = arith.constant 0 : i32
        %dma_wait3A_1107 = arith.constant 0 : i32
        %dma_wait3A_1108 = tpu.memref_slice %arg18[%dma_wait3A_1106, %dma_wait3A_1107] : memref<10000x128xf32, #tpu.memory_space<vmem_shared>> -> memref<10000x128xf32, #tpu.memory_space<vmem_shared>>
        tpu.wait_indirect_dma semaphore(%run_scoped3A_1096 : memref<!tpu.dma_semaphore, #tpu.memory_space<semaphore_mem>>) src(%arg11 : memref<100x128xf32, #tpu.memory_space<vmem>>) dst(%dma_wait3A_1108 : memref<10000x128xf32, #tpu.memory_space<vmem_shared>>)
        tpu.yield
      }) : () -> ()
      %add3A_1066 = arith.constant 1 : i32
      %add3A_1067 = arith.addi %mul3A_1035, %add3A_1066 : i32
      %add3A_1068 = arith.constant 3 : i32
      %add3A_1069 = arith.addi %add3A_1067, %add3A_1068 : i32
      %dma_start3A_1070 = arith.constant 0 : i32
      %dma_start3A_1071 = tpu.memref_slice %arg6[%add3A_1069, %dma_start3A_1070] : memref<10x100xi32, #tpu.memory_space<vmem>> -> memref<1x100xi32, #tpu.memory_space<vmem>>
      %dma_start3A_1072 = tpu.memref_squeeze %dma_start3A_1071 : memref<1x100xi32, #tpu.memory_space<vmem>> -> memref<100xi32, #tpu.memory_space<vmem>>
      %dma_start3A_1073 = arith.constant 0 : i32
      %dma_start3A_1074 = arith.constant 0 : i32
      %dma_start3A_1075 = tpu.memref_slice %arg2[%dma_start3A_1073, %dma_start3A_1074] : memref<10000x128xf32, #tpu.memory_space<hbm>> -> memref<10000x128xf32, #tpu.memory_space<hbm>>
      tpu.enqueue_indirect_dma source(%dma_start3A_1075 : memref<10000x128xf32, #tpu.memory_space<hbm>>) target(%arg11 : memref<100x128xf32, #tpu.memory_space<vmem>>) offsets(%dma_start3A_1072 : memref<100xi32, #tpu.memory_space<vmem>>) semaphore(%arg14 : memref<!tpu.dma_semaphore, #tpu.memory_space<semaphore_mem>>)
      %add3A_1076 = arith.constant 2 : i32
      %add3A_1077 = arith.addi %mul3A_1035, %add3A_1076 : i32
      %dma_wait3A_1078 = arith.constant 0 : i32
      %dma_wait3A_1079 = tpu.memref_slice %arg6[%add3A_1077, %dma_wait3A_1078] : memref<10x100xi32, #tpu.memory_space<vmem>> -> memref<1x100xi32, #tpu.memory_space<vmem>>
      %dma_wait3A_1080 = tpu.memref_squeeze %dma_wait3A_1079 : memref<1x100xi32, #tpu.memory_space<vmem>> -> memref<100xi32, #tpu.memory_space<vmem>>
      %dma_wait3A_1081 = arith.constant 0 : i32
      %dma_wait3A_1082 = arith.constant 0 : i32
      %dma_wait3A_1083 = tpu.memref_slice %arg2[%dma_wait3A_1081, %dma_wait3A_1082] : memref<10000x128xf32, #tpu.memory_space<hbm>> -> memref<10000x128xf32, #tpu.memory_space<hbm>>
      tpu.wait_indirect_dma semaphore(%arg15 : memref<!tpu.dma_semaphore, #tpu.memory_space<semaphore_mem>>) src(%dma_wait3A_1083 : memref<10000x128xf32, #tpu.memory_space<hbm>>) dst(%arg12 : memref<100x128xf32, #tpu.memory_space<vmem>>)
      %add3A_1084 = arith.constant 2 : i32
      %add3A_1085 = arith.addi %mul3A_1035, %add3A_1084 : i32
      "tpu.region"() ({
        %run_scoped3A_1096 = tpu.sem_alloc : memref<!tpu.dma_semaphore, #tpu.memory_space<semaphore_mem>>
        %dma_start3A_1097 = arith.constant 0 : i32
        %dma_start3A_1098 = tpu.memref_slice %arg7[%add3A_1085, %dma_start3A_1097] : memref<10x100xi32, #tpu.memory_space<vmem>> -> memref<1x100xi32, #tpu.memory_space<vmem>>
        %dma_start3A_1099 = tpu.memref_squeeze %dma_start3A_1098 : memref<1x100xi32, #tpu.memory_space<vmem>> -> memref<100xi32, #tpu.memory_space<vmem>>
        %dma_start3A_1100 = arith.constant 0 : i32
        %dma_start3A_1101 = arith.constant 0 : i32
        %dma_start3A_1102 = tpu.memref_slice %arg18[%dma_start3A_1100, %dma_start3A_1101] : memref<10000x128xf32, #tpu.memory_space<vmem_shared>> -> memref<10000x128xf32, #tpu.memory_space<vmem_shared>>
        tpu.enqueue_indirect_dma source(%arg12 : memref<100x128xf32, #tpu.memory_space<vmem>>) target(%dma_start3A_1102 : memref<10000x128xf32, #tpu.memory_space<vmem_shared>>) offsets(%dma_start3A_1099 : memref<100xi32, #tpu.memory_space<vmem>>) semaphore(%run_scoped3A_1096 : memref<!tpu.dma_semaphore, #tpu.memory_space<semaphore_mem>>) {add = true}
        %dma_wait3A_1103 = arith.constant 0 : i32
        %dma_wait3A_1104 = tpu.memref_slice %arg7[%add3A_1085, %dma_wait3A_1103] : memref<10x100xi32, #tpu.memory_space<vmem>> -> memref<1x100xi32, #tpu.memory_space<vmem>>
        %dma_wait3A_1105 = tpu.memref_squeeze %dma_wait3A_1104 : memref<1x100xi32, #tpu.memory_space<vmem>> -> memref<100xi32, #tpu.memory_space<vmem>>
        %dma_wait3A_1106 = arith.constant 0 : i32
        %dma_wait3A_1107 = arith.constant 0 : i32
        %dma_wait3A_1108 = tpu.memref_slice %arg18[%dma_wait3A_1106, %dma_wait3A_1107] : memref<10000x128xf32, #tpu.memory_space<vmem_shared>> -> memref<10000x128xf32, #tpu.memory_space<vmem_shared>>
        tpu.wait_indirect_dma semaphore(%run_scoped3A_1096 : memref<!tpu.dma_semaphore, #tpu.memory_space<semaphore_mem>>) src(%arg12 : memref<100x128xf32, #tpu.memory_space<vmem>>) dst(%dma_wait3A_1108 : memref<10000x128xf32, #tpu.memory_space<vmem_shared>>)
        tpu.yield
      }) : () -> ()
      %add3A_1086 = arith.constant 2 : i32
      %add3A_1087 = arith.addi %mul3A_1035, %add3A_1086 : i32
      %add3A_1088 = arith.constant 3 : i32
      %add3A_1089 = arith.addi %add3A_1087, %add3A_1088 : i32
      %dma_start3A_1090 = arith.constant 0 : i32
      %dma_start3A_1091 = tpu.memref_slice %arg6[%add3A_1089, %dma_start3A_1090] : memref<10x100xi32, #tpu.memory_space<vmem>> -> memref<1x100xi32, #tpu.memory_space<vmem>>
      %dma_start3A_1092 = tpu.memref_squeeze %dma_start3A_1091 : memref<1x100xi32, #tpu.memory_space<vmem>> -> memref<100xi32, #tpu.memory_space<vmem>>
      %dma_start3A_1093 = arith.constant 0 : i32
      %dma_start3A_1094 = arith.constant 0 : i32
      %dma_start3A_1095 = tpu.memref_slice %arg2[%dma_start3A_1093, %dma_start3A_1094] : memref<10000x128xf32, #tpu.memory_space<hbm>> -> memref<10000x128xf32, #tpu.memory_space<hbm>>
      tpu.enqueue_indirect_dma source(%dma_start3A_1095 : memref<10000x128xf32, #tpu.memory_space<hbm>>) target(%arg12 : memref<100x128xf32, #tpu.memory_space<vmem>>) offsets(%dma_start3A_1092 : memref<100xi32, #tpu.memory_space<vmem>>) semaphore(%arg15 : memref<!tpu.dma_semaphore, #tpu.memory_space<semaphore_mem>>)
    }
    %scan3A_93 = arith.constant 2 : i32
    %dma_wait3A_94 = arith.constant 1 : i32
    %dma_wait3A_95 = arith.constant 0 : i32
    %dma_wait3A_96 = arith.constant 0 : i32
    %dma_wait3A_97 = tpu.memref_slice %arg3[%add3A, %dma_wait3A_94, %dma_wait3A_95, %dma_wait3A_96] : memref<32x10x10x100xi32, #tpu.memory_space<hbm>> -> memref<1x1x10x100xi32, #tpu.memory_space<hbm>>
    %dma_wait3A_98 = tpu.memref_squeeze %dma_wait3A_97 : memref<1x1x10x100xi32, #tpu.memory_space<hbm>> -> memref<10x100xi32, #tpu.memory_space<hbm>>
    %dma_wait3A_99 = arith.constant 0 : i32
    %dma_wait3A_100 = arith.constant 0 : i32
    %dma_wait3A_101 = tpu.memref_slice %arg3[%add3A, %dma_wait3A_94, %dma_wait3A_99, %dma_wait3A_100] : memref<32x10x10x100xi32, #tpu.memory_space<hbm>> -> memref<1x1x10x100xi32, #tpu.memory_space<hbm>>
    %dma_wait3A_102 = tpu.memref_squeeze %dma_wait3A_101 : memref<1x1x10x100xi32, #tpu.memory_space<hbm>> -> memref<10x100xi32, #tpu.memory_space<hbm>>
    tpu.wait_dma2 semaphore(%arg16 : memref<!tpu.dma_semaphore, #tpu.memory_space<semaphore_mem>>) src(%dma_wait3A_102 : memref<10x100xi32, #tpu.memory_space<hbm>>) dst(%arg8 : memref<10x100xi32, #tpu.memory_space<vmem>>)
    %dma_wait3A_103 = arith.constant 1 : i32
    %dma_wait3A_104 = arith.constant 0 : i32
    %dma_wait3A_105 = arith.constant 0 : i32
    %dma_wait3A_106 = tpu.memref_slice %arg4[%add3A, %dma_wait3A_103, %dma_wait3A_104, %dma_wait3A_105] : memref<32x10x10x100xi32, #tpu.memory_space<hbm>> -> memref<1x1x10x100xi32, #tpu.memory_space<hbm>>
    %dma_wait3A_107 = tpu.memref_squeeze %dma_wait3A_106 : memref<1x1x10x100xi32, #tpu.memory_space<hbm>> -> memref<10x100xi32, #tpu.memory_space<hbm>>
    %dma_wait3A_108 = arith.constant 0 : i32
    %dma_wait3A_109 = arith.constant 0 : i32
    %dma_wait3A_110 = tpu.memref_slice %arg4[%add3A, %dma_wait3A_103, %dma_wait3A_108, %dma_wait3A_109] : memref<32x10x10x100xi32, #tpu.memory_space<hbm>> -> memref<1x1x10x100xi32, #tpu.memory_space<hbm>>
    %dma_wait3A_111 = tpu.memref_squeeze %dma_wait3A_110 : memref<1x1x10x100xi32, #tpu.memory_space<hbm>> -> memref<10x100xi32, #tpu.memory_space<hbm>>
    tpu.wait_dma2 semaphore(%arg17 : memref<!tpu.dma_semaphore, #tpu.memory_space<semaphore_mem>>) src(%dma_wait3A_111 : memref<10x100xi32, #tpu.memory_space<hbm>>) dst(%arg9 : memref<10x100xi32, #tpu.memory_space<vmem>>)
    %dma_wait3A_112 = arith.constant 6 : i32
    %dma_wait3A_113 = arith.constant 0 : i32
    %dma_wait3A_114 = tpu.memref_slice %arg6[%dma_wait3A_112, %dma_wait3A_113] : memref<10x100xi32, #tpu.memory_space<vmem>> -> memref<1x100xi32, #tpu.memory_space<vmem>>
    %dma_wait3A_115 = tpu.memref_squeeze %dma_wait3A_114 : memref<1x100xi32, #tpu.memory_space<vmem>> -> memref<100xi32, #tpu.memory_space<vmem>>
    %dma_wait3A_116 = arith.constant 0 : i32
    %dma_wait3A_117 = arith.constant 0 : i32
    %dma_wait3A_118 = tpu.memref_slice %arg2[%dma_wait3A_116, %dma_wait3A_117] : memref<10000x128xf32, #tpu.memory_space<hbm>> -> memref<10000x128xf32, #tpu.memory_space<hbm>>
    tpu.wait_indirect_dma semaphore(%arg13 : memref<!tpu.dma_semaphore, #tpu.memory_space<semaphore_mem>>) src(%dma_wait3A_118 : memref<10000x128xf32, #tpu.memory_space<hbm>>) dst(%arg10 : memref<100x128xf32, #tpu.memory_space<vmem>>)
    %run_scoped3A = arith.constant 6 : i32
    "tpu.region"() ({
      %run_scoped3A_1029 = tpu.sem_alloc : memref<!tpu.dma_semaphore, #tpu.memory_space<semaphore_mem>>
      %dma_start3A_1030 = arith.constant 0 : i32
      %dma_start3A_1031 = tpu.memref_slice %arg7[%run_scoped3A, %dma_start3A_1030] : memref<10x100xi32, #tpu.memory_space<vmem>> -> memref<1x100xi32, #tpu.memory_space<vmem>>
      %dma_start3A_1032 = tpu.memref_squeeze %dma_start3A_1031 : memref<1x100xi32, #tpu.memory_space<vmem>> -> memref<100xi32, #tpu.memory_space<vmem>>
      %dma_start3A_1033 = arith.constant 0 : i32
      %dma_start3A_1034 = arith.constant 0 : i32
      %dma_start3A_1035 = tpu.memref_slice %arg18[%dma_start3A_1033, %dma_start3A_1034] : memref<10000x128xf32, #tpu.memory_space<vmem_shared>> -> memref<10000x128xf32, #tpu.memory_space<vmem_shared>>
      tpu.enqueue_indirect_dma source(%arg10 : memref<100x128xf32, #tpu.memory_space<vmem>>) target(%dma_start3A_1035 : memref<10000x128xf32, #tpu.memory_space<vmem_shared>>) offsets(%dma_start3A_1032 : memref<100xi32, #tpu.memory_space<vmem>>) semaphore(%run_scoped3A_1029 : memref<!tpu.dma_semaphore, #tpu.memory_space<semaphore_mem>>) {add = true}
      %dma_wait3A_1036 = arith.constant 0 : i32
      %dma_wait3A_1037 = tpu.memref_slice %arg7[%run_scoped3A, %dma_wait3A_1036] : memref<10x100xi32, #tpu.memory_space<vmem>> -> memref<1x100xi32, #tpu.memory_space<vmem>>
      %dma_wait3A_1038 = tpu.memref_squeeze %dma_wait3A_1037 : memref<1x100xi32, #tpu.memory_space<vmem>> -> memref<100xi32, #tpu.memory_space<vmem>>
      %dma_wait3A_1039 = arith.constant 0 : i32
      %dma_wait3A_1040 = arith.constant 0 : i32
      %dma_wait3A_1041 = tpu.memref_slice %arg18[%dma_wait3A_1039, %dma_wait3A_1040] : memref<10000x128xf32, #tpu.memory_space<vmem_shared>> -> memref<10000x128xf32, #tpu.memory_space<vmem_shared>>
      tpu.wait_indirect_dma semaphore(%run_scoped3A_1029 : memref<!tpu.dma_semaphore, #tpu.memory_space<semaphore_mem>>) src(%arg10 : memref<100x128xf32, #tpu.memory_space<vmem>>) dst(%dma_wait3A_1041 : memref<10000x128xf32, #tpu.memory_space<vmem_shared>>)
      tpu.yield
    }) : () -> ()
    %dma_start3A_119 = arith.constant 9 : i32
    %dma_start3A_120 = arith.constant 0 : i32
    %dma_start3A_121 = tpu.memref_slice %arg6[%dma_start3A_119, %dma_start3A_120] : memref<10x100xi32, #tpu.memory_space<vmem>> -> memref<1x100xi32, #tpu.memory_space<vmem>>
    %dma_start3A_122 = tpu.memref_squeeze %dma_start3A_121 : memref<1x100xi32, #tpu.memory_space<vmem>> -> memref<100xi32, #tpu.memory_space<vmem>>
    %dma_start3A_123 = arith.constant 0 : i32
    %dma_start3A_124 = arith.constant 0 : i32
    %dma_start3A_125 = tpu.memref_slice %arg2[%dma_start3A_123, %dma_start3A_124] : memref<10000x128xf32, #tpu.memory_space<hbm>> -> memref<10000x128xf32, #tpu.memory_space<hbm>>
    tpu.enqueue_indirect_dma source(%dma_start3A_125 : memref<10000x128xf32, #tpu.memory_space<hbm>>) target(%arg10 : memref<100x128xf32, #tpu.memory_space<vmem>>) offsets(%dma_start3A_122 : memref<100xi32, #tpu.memory_space<vmem>>) semaphore(%arg13 : memref<!tpu.dma_semaphore, #tpu.memory_space<semaphore_mem>>)
    %dma_wait3A_126 = arith.constant 7 : i32
    %dma_wait3A_127 = arith.constant 0 : i32
    %dma_wait3A_128 = tpu.memref_slice %arg6[%dma_wait3A_126, %dma_wait3A_127] : memref<10x100xi32, #tpu.memory_space<vmem>> -> memref<1x100xi32, #tpu.memory_space<vmem>>
    %dma_wait3A_129 = tpu.memref_squeeze %dma_wait3A_128 : memref<1x100xi32, #tpu.memory_space<vmem>> -> memref<100xi32, #tpu.memory_space<vmem>>
    %dma_wait3A_130 = arith.constant 0 : i32
    %dma_wait3A_131 = arith.constant 0 : i32
    %dma_wait3A_132 = tpu.memref_slice %arg2[%dma_wait3A_130, %dma_wait3A_131] : memref<10000x128xf32, #tpu.memory_space<hbm>> -> memref<10000x128xf32, #tpu.memory_space<hbm>>
    tpu.wait_indirect_dma semaphore(%arg14 : memref<!tpu.dma_semaphore, #tpu.memory_space<semaphore_mem>>) src(%dma_wait3A_132 : memref<10000x128xf32, #tpu.memory_space<hbm>>) dst(%arg11 : memref<100x128xf32, #tpu.memory_space<vmem>>)
    %run_scoped3A_133 = arith.constant 7 : i32
    "tpu.region"() ({
      %run_scoped3A_1029 = tpu.sem_alloc : memref<!tpu.dma_semaphore, #tpu.memory_space<semaphore_mem>>
      %dma_start3A_1030 = arith.constant 0 : i32
      %dma_start3A_1031 = tpu.memref_slice %arg7[%run_scoped3A_133, %dma_start3A_1030] : memref<10x100xi32, #tpu.memory_space<vmem>> -> memref<1x100xi32, #tpu.memory_space<vmem>>
      %dma_start3A_1032 = tpu.memref_squeeze %dma_start3A_1031 : memref<1x100xi32, #tpu.memory_space<vmem>> -> memref<100xi32, #tpu.memory_space<vmem>>
      %dma_start3A_1033 = arith.constant 0 : i32
      %dma_start3A_1034 = arith.constant 0 : i32
      %dma_start3A_1035 = tpu.memref_slice %arg18[%dma_start3A_1033, %dma_start3A_1034] : memref<10000x128xf32, #tpu.memory_space<vmem_shared>> -> memref<10000x128xf32, #tpu.memory_space<vmem_shared>>
      tpu.enqueue_indirect_dma source(%arg11 : memref<100x128xf32, #tpu.memory_space<vmem>>) target(%dma_start3A_1035 : memref<10000x128xf32, #tpu.memory_space<vmem_shared>>) offsets(%dma_start3A_1032 : memref<100xi32, #tpu.memory_space<vmem>>) semaphore(%run_scoped3A_1029 : memref<!tpu.dma_semaphore, #tpu.memory_space<semaphore_mem>>) {add = true}
      %dma_wait3A_1036 = arith.constant 0 : i32
      %dma_wait3A_1037 = tpu.memref_slice %arg7[%run_scoped3A_133, %dma_wait3A_1036] : memref<10x100xi32, #tpu.memory_space<vmem>> -> memref<1x100xi32, #tpu.memory_space<vmem>>
      %dma_wait3A_1038 = tpu.memref_squeeze %dma_wait3A_1037 : memref<1x100xi32, #tpu.memory_space<vmem>> -> memref<100xi32, #tpu.memory_space<vmem>>
      %dma_wait3A_1039 = arith.constant 0 : i32
      %dma_wait3A_1040 = arith.constant 0 : i32
      %dma_wait3A_1041 = tpu.memref_slice %arg18[%dma_wait3A_1039, %dma_wait3A_1040] : memref<10000x128xf32, #tpu.memory_space<vmem_shared>> -> memref<10000x128xf32, #tpu.memory_space<vmem_shared>>
      tpu.wait_indirect_dma semaphore(%run_scoped3A_1029 : memref<!tpu.dma_semaphore, #tpu.memory_space<semaphore_mem>>) src(%arg11 : memref<100x128xf32, #tpu.memory_space<vmem>>) dst(%dma_wait3A_1041 : memref<10000x128xf32, #tpu.memory_space<vmem_shared>>)
      tpu.yield
    }) : () -> ()
    %dma_start3A_134 = arith.constant 1 : i32
    %dma_start3A_135 = arith.constant 0 : i32
    %dma_start3A_136 = tpu.memref_slice %arg8[%dma_start3A_134, %dma_start3A_135] : memref<10x100xi32, #tpu.memory_space<vmem>> -> memref<1x100xi32, #tpu.memory_space<vmem>>
    %dma_start3A_137 = tpu.memref_squeeze %dma_start3A_136 : memref<1x100xi32, #tpu.memory_space<vmem>> -> memref<100xi32, #tpu.memory_space<vmem>>
    %dma_start3A_138 = arith.constant 0 : i32
    %dma_start3A_139 = arith.constant 0 : i32
    %dma_start3A_140 = tpu.memref_slice %arg2[%dma_start3A_138, %dma_start3A_139] : memref<10000x128xf32, #tpu.memory_space<hbm>> -> memref<10000x128xf32, #tpu.memory_space<hbm>>
    tpu.enqueue_indirect_dma source(%dma_start3A_140 : memref<10000x128xf32, #tpu.memory_space<hbm>>) target(%arg11 : memref<100x128xf32, #tpu.memory_space<vmem>>) offsets(%dma_start3A_137 : memref<100xi32, #tpu.memory_space<vmem>>) semaphore(%arg14 : memref<!tpu.dma_semaphore, #tpu.memory_space<semaphore_mem>>)
    %dma_wait3A_141 = arith.constant 8 : i32
    %dma_wait3A_142 = arith.constant 0 : i32
    %dma_wait3A_143 = tpu.memref_slice %arg6[%dma_wait3A_141, %dma_wait3A_142] : memref<10x100xi32, #tpu.memory_space<vmem>> -> memref<1x100xi32, #tpu.memory_space<vmem>>
    %dma_wait3A_144 = tpu.memref_squeeze %dma_wait3A_143 : memref<1x100xi32, #tpu.memory_space<vmem>> -> memref<100xi32, #tpu.memory_space<vmem>>
    %dma_wait3A_145 = arith.constant 0 : i32
    %dma_wait3A_146 = arith.constant 0 : i32
    %dma_wait3A_147 = tpu.memref_slice %arg2[%dma_wait3A_145, %dma_wait3A_146] : memref<10000x128xf32, #tpu.memory_space<hbm>> -> memref<10000x128xf32, #tpu.memory_space<hbm>>
    tpu.wait_indirect_dma semaphore(%arg15 : memref<!tpu.dma_semaphore, #tpu.memory_space<semaphore_mem>>) src(%dma_wait3A_147 : memref<10000x128xf32, #tpu.memory_space<hbm>>) dst(%arg12 : memref<100x128xf32, #tpu.memory_space<vmem>>)
    %run_scoped3A_148 = arith.constant 8 : i32
    "tpu.region"() ({
      %run_scoped3A_1029 = tpu.sem_alloc : memref<!tpu.dma_semaphore, #tpu.memory_space<semaphore_mem>>
      %dma_start3A_1030 = arith.constant 0 : i32
      %dma_start3A_1031 = tpu.memref_slice %arg7[%run_scoped3A_148, %dma_start3A_1030] : memref<10x100xi32, #tpu.memory_space<vmem>> -> memref<1x100xi32, #tpu.memory_space<vmem>>
      %dma_start3A_1032 = tpu.memref_squeeze %dma_start3A_1031 : memref<1x100xi32, #tpu.memory_space<vmem>> -> memref<100xi32, #tpu.memory_space<vmem>>
      %dma_start3A_1033 = arith.constant 0 : i32
      %dma_start3A_1034 = arith.constant 0 : i32
      %dma_start3A_1035 = tpu.memref_slice %arg18[%dma_start3A_1033, %dma_start3A_1034] : memref<10000x128xf32, #tpu.memory_space<vmem_shared>> -> memref<10000x128xf32, #tpu.memory_space<vmem_shared>>
      tpu.enqueue_indirect_dma source(%arg12 : memref<100x128xf32, #tpu.memory_space<vmem>>) target(%dma_start3A_1035 : memref<10000x128xf32, #tpu.memory_space<vmem_shared>>) offsets(%dma_start3A_1032 : memref<100xi32, #tpu.memory_space<vmem>>) semaphore(%run_scoped3A_1029 : memref<!tpu.dma_semaphore, #tpu.memory_space<semaphore_mem>>) {add = true}
      %dma_wait3A_1036 = arith.constant 0 : i32
      %dma_wait3A_1037 = tpu.memref_slice %arg7[%run_scoped3A_148, %dma_wait3A_1036] : memref<10x100xi32, #tpu.memory_space<vmem>> -> memref<1x100xi32, #tpu.memory_space<vmem>>
      %dma_wait3A_1038 = tpu.memref_squeeze %dma_wait3A_1037 : memref<1x100xi32, #tpu.memory_space<vmem>> -> memref<100xi32, #tpu.memory_space<vmem>>
      %dma_wait3A_1039 = arith.constant 0 : i32
      %dma_wait3A_1040 = arith.constant 0 : i32
      %dma_wait3A_1041 = tpu.memref_slice %arg18[%dma_wait3A_1039, %dma_wait3A_1040] : memref<10000x128xf32, #tpu.memory_space<vmem_shared>> -> memref<10000x128xf32, #tpu.memory_space<vmem_shared>>
      tpu.wait_indirect_dma semaphore(%run_scoped3A_1029 : memref<!tpu.dma_semaphore, #tpu.memory_space<semaphore_mem>>) src(%arg12 : memref<100x128xf32, #tpu.memory_space<vmem>>) dst(%dma_wait3A_1041 : memref<10000x128xf32, #tpu.memory_space<vmem_shared>>)
      tpu.yield
    }) : () -> ()
    %dma_start3A_149 = arith.constant 2 : i32
    %dma_start3A_150 = arith.constant 0 : i32
    %dma_start3A_151 = tpu.memref_slice %arg8[%dma_start3A_149, %dma_start3A_150] : memref<10x100xi32, #tpu.memory_space<vmem>> -> memref<1x100xi32, #tpu.memory_space<vmem>>
    %dma_start3A_152 = tpu.memref_squeeze %dma_start3A_151 : memref<1x100xi32, #tpu.memory_space<vmem>> -> memref<100xi32, #tpu.memory_space<vmem>>
    %dma_start3A_153 = arith.constant 0 : i32
    %dma_start3A_154 = arith.constant 0 : i32
    %dma_start3A_155 = tpu.memref_slice %arg2[%dma_start3A_153, %dma_start3A_154] : memref<10000x128xf32, #tpu.memory_space<hbm>> -> memref<10000x128xf32, #tpu.memory_space<hbm>>
    tpu.enqueue_indirect_dma source(%dma_start3A_155 : memref<10000x128xf32, #tpu.memory_space<hbm>>) target(%arg12 : memref<100x128xf32, #tpu.memory_space<vmem>>) offsets(%dma_start3A_152 : memref<100xi32, #tpu.memory_space<vmem>>) semaphore(%arg15 : memref<!tpu.dma_semaphore, #tpu.memory_space<semaphore_mem>>)
    %dma_wait3A_156 = arith.constant 9 : i32
    %dma_wait3A_157 = arith.constant 0 : i32
    %dma_wait3A_158 = tpu.memref_slice %arg6[%dma_wait3A_156, %dma_wait3A_157] : memref<10x100xi32, #tpu.memory_space<vmem>> -> memref<1x100xi32, #tpu.memory_space<vmem>>
    %dma_wait3A_159 = tpu.memref_squeeze %dma_wait3A_158 : memref<1x100xi32, #tpu.memory_space<vmem>> -> memref<100xi32, #tpu.memory_space<vmem>>
    %dma_wait3A_160 = arith.constant 0 : i32
    %dma_wait3A_161 = arith.constant 0 : i32
    %dma_wait3A_162 = tpu.memref_slice %arg2[%dma_wait3A_160, %dma_wait3A_161] : memref<10000x128xf32, #tpu.memory_space<hbm>> -> memref<10000x128xf32, #tpu.memory_space<hbm>>
    tpu.wait_indirect_dma semaphore(%arg13 : memref<!tpu.dma_semaphore, #tpu.memory_space<semaphore_mem>>) src(%dma_wait3A_162 : memref<10000x128xf32, #tpu.memory_space<hbm>>) dst(%arg10 : memref<100x128xf32, #tpu.memory_space<vmem>>)
    %run_scoped3A_163 = arith.constant 9 : i32
    "tpu.region"() ({
      %run_scoped3A_1029 = tpu.sem_alloc : memref<!tpu.dma_semaphore, #tpu.memory_space<semaphore_mem>>
      %dma_start3A_1030 = arith.constant 0 : i32
      %dma_start3A_1031 = tpu.memref_slice %arg7[%run_scoped3A_163, %dma_start3A_1030] : memref<10x100xi32, #tpu.memory_space<vmem>> -> memref<1x100xi32, #tpu.memory_space<vmem>>
      %dma_start3A_1032 = tpu.memref_squeeze %dma_start3A_1031 : memref<1x100xi32, #tpu.memory_space<vmem>> -> memref<100xi32, #tpu.memory_space<vmem>>
      %dma_start3A_1033 = arith.constant 0 : i32
      %dma_start3A_1034 = arith.constant 0 : i32
      %dma_start3A_1035 = tpu.memref_slice %arg18[%dma_start3A_1033, %dma_start3A_1034] : memref<10000x128xf32, #tpu.memory_space<vmem_shared>> -> memref<10000x128xf32, #tpu.memory_space<vmem_shared>>
      tpu.enqueue_indirect_dma source(%arg10 : memref<100x128xf32, #tpu.memory_space<vmem>>) target(%dma_start3A_1035 : memref<10000x128xf32, #tpu.memory_space<vmem_shared>>) offsets(%dma_start3A_1032 : memref<100xi32, #tpu.memory_space<vmem>>) semaphore(%run_scoped3A_1029 : memref<!tpu.dma_semaphore, #tpu.memory_space<semaphore_mem>>) {add = true}
      %dma_wait3A_1036 = arith.constant 0 : i32
      %dma_wait3A_1037 = tpu.memref_slice %arg7[%run_scoped3A_163, %dma_wait3A_1036] : memref<10x100xi32, #tpu.memory_space<vmem>> -> memref<1x100xi32, #tpu.memory_space<vmem>>
      %dma_wait3A_1038 = tpu.memref_squeeze %dma_wait3A_1037 : memref<1x100xi32, #tpu.memory_space<vmem>> -> memref<100xi32, #tpu.memory_space<vmem>>
      %dma_wait3A_1039 = arith.constant 0 : i32
      %dma_wait3A_1040 = arith.constant 0 : i32
      %dma_wait3A_1041 = tpu.memref_slice %arg18[%dma_wait3A_1039, %dma_wait3A_1040] : memref<10000x128xf32, #tpu.memory_space<vmem_shared>> -> memref<10000x128xf32, #tpu.memory_space<vmem_shared>>
      tpu.wait_indirect_dma semaphore(%run_scoped3A_1029 : memref<!tpu.dma_semaphore, #tpu.memory_space<semaphore_mem>>) src(%arg10 : memref<100x128xf32, #tpu.memory_space<vmem>>) dst(%dma_wait3A_1041 : memref<10000x128xf32, #tpu.memory_space<vmem_shared>>)
      tpu.yield
    }) : () -> ()
    %dma_start3A_164 = arith.constant 0 : i32
    %dma_start3A_165 = arith.constant 0 : i32
    %dma_start3A_166 = tpu.memref_slice %arg8[%dma_start3A_164, %dma_start3A_165] : memref<10x100xi32, #tpu.memory_space<vmem>> -> memref<1x100xi32, #tpu.memory_space<vmem>>
    %dma_start3A_167 = tpu.memref_squeeze %dma_start3A_166 : memref<1x100xi32, #tpu.memory_space<vmem>> -> memref<100xi32, #tpu.memory_space<vmem>>
    %dma_start3A_168 = arith.constant 0 : i32
    %dma_start3A_169 = arith.constant 0 : i32
    %dma_start3A_170 = tpu.memref_slice %arg2[%dma_start3A_168, %dma_start3A_169] : memref<10000x128xf32, #tpu.memory_space<hbm>> -> memref<10000x128xf32, #tpu.memory_space<hbm>>
    tpu.enqueue_indirect_dma source(%dma_start3A_170 : memref<10000x128xf32, #tpu.memory_space<hbm>>) target(%arg10 : memref<100x128xf32, #tpu.memory_space<vmem>>) offsets(%dma_start3A_167 : memref<100xi32, #tpu.memory_space<vmem>>) semaphore(%arg13 : memref<!tpu.dma_semaphore, #tpu.memory_space<semaphore_mem>>)
    %dma_start3A_171 = arith.constant 2 : i32
    %dma_start3A_172 = arith.constant 0 : i32
    %dma_start3A_173 = arith.constant 0 : i32
    %dma_start3A_174 = tpu.memref_slice %arg3[%add3A, %dma_start3A_171, %dma_start3A_172, %dma_start3A_173] : memref<32x10x10x100xi32, #tpu.memory_space<hbm>> -> memref<1x1x10x100xi32, #tpu.memory_space<hbm>>
    %dma_start3A_175 = tpu.memref_squeeze %dma_start3A_174 : memref<1x1x10x100xi32, #tpu.memory_space<hbm>> -> memref<10x100xi32, #tpu.memory_space<hbm>>
    %dma_start3A_176 = arith.constant 0 : i32
    %dma_start3A_177 = arith.constant 0 : i32
    %dma_start3A_178 = tpu.memref_slice %arg3[%add3A, %dma_start3A_171, %dma_start3A_176, %dma_start3A_177] : memref<32x10x10x100xi32, #tpu.memory_space<hbm>> -> memref<1x1x10x100xi32, #tpu.memory_space<hbm>>
    %dma_start3A_179 = tpu.memref_squeeze %dma_start3A_178 : memref<1x1x10x100xi32, #tpu.memory_space<hbm>> -> memref<10x100xi32, #tpu.memory_space<hbm>>
    tpu.enqueue_dma source(%dma_start3A_179 : memref<10x100xi32, #tpu.memory_space<hbm>>) target(%arg6 : memref<10x100xi32, #tpu.memory_space<vmem>>) target_semaphore(%arg16 : memref<!tpu.dma_semaphore, #tpu.memory_space<semaphore_mem>>)
    %dma_start3A_180 = arith.constant 2 : i32
    %dma_start3A_181 = arith.constant 0 : i32
    %dma_start3A_182 = arith.constant 0 : i32
    %dma_start3A_183 = tpu.memref_slice %arg4[%add3A, %dma_start3A_180, %dma_start3A_181, %dma_start3A_182] : memref<32x10x10x100xi32, #tpu.memory_space<hbm>> -> memref<1x1x10x100xi32, #tpu.memory_space<hbm>>
    %dma_start3A_184 = tpu.memref_squeeze %dma_start3A_183 : memref<1x1x10x100xi32, #tpu.memory_space<hbm>> -> memref<10x100xi32, #tpu.memory_space<hbm>>
    %dma_start3A_185 = arith.constant 0 : i32
    %dma_start3A_186 = arith.constant 0 : i32
    %dma_start3A_187 = tpu.memref_slice %arg4[%add3A, %dma_start3A_180, %dma_start3A_185, %dma_start3A_186] : memref<32x10x10x100xi32, #tpu.memory_space<hbm>> -> memref<1x1x10x100xi32, #tpu.memory_space<hbm>>
    %dma_start3A_188 = tpu.memref_squeeze %dma_start3A_187 : memref<1x1x10x100xi32, #tpu.memory_space<hbm>> -> memref<10x100xi32, #tpu.memory_space<hbm>>
    tpu.enqueue_dma source(%dma_start3A_188 : memref<10x100xi32, #tpu.memory_space<hbm>>) target(%arg7 : memref<10x100xi32, #tpu.memory_space<vmem>>) target_semaphore(%arg17 : memref<!tpu.dma_semaphore, #tpu.memory_space<semaphore_mem>>)
    %scan3A_189 = arith.constant 0 : i32
    %scan3A_190 = arith.constant 2 : i32
    %scan3A_191 = arith.addi %scan3A_189, %scan3A_190 : i32
    %scan3A_192 = arith.constant 1 : i32
    scf.for %scan3A_1029 = %scan3A_189 to %scan3A_191 step %scan3A_192  : i32 {
      %mul3A_1030 = arith.constant 1 : i32
      %mul3A_1031 = arith.muli %scan3A_1029, %mul3A_1030 : i32
      %add3A_1032 = arith.constant 0 : i32
      %add3A_1033 = arith.addi %add3A_1032, %mul3A_1031 : i32
      %mul3A_1034 = arith.constant 3 : i32
      %mul3A_1035 = arith.muli %add3A_1033, %mul3A_1034 : i32
      %add3A_1036 = arith.constant 0 : i32
      %add3A_1037 = arith.addi %mul3A_1035, %add3A_1036 : i32
      %dma_wait3A_1038 = arith.constant 0 : i32
      %dma_wait3A_1039 = tpu.memref_slice %arg8[%add3A_1037, %dma_wait3A_1038] : memref<10x100xi32, #tpu.memory_space<vmem>> -> memref<1x100xi32, #tpu.memory_space<vmem>>
      %dma_wait3A_1040 = tpu.memref_squeeze %dma_wait3A_1039 : memref<1x100xi32, #tpu.memory_space<vmem>> -> memref<100xi32, #tpu.memory_space<vmem>>
      %dma_wait3A_1041 = arith.constant 0 : i32
      %dma_wait3A_1042 = arith.constant 0 : i32
      %dma_wait3A_1043 = tpu.memref_slice %arg2[%dma_wait3A_1041, %dma_wait3A_1042] : memref<10000x128xf32, #tpu.memory_space<hbm>> -> memref<10000x128xf32, #tpu.memory_space<hbm>>
      tpu.wait_indirect_dma semaphore(%arg13 : memref<!tpu.dma_semaphore, #tpu.memory_space<semaphore_mem>>) src(%dma_wait3A_1043 : memref<10000x128xf32, #tpu.memory_space<hbm>>) dst(%arg10 : memref<100x128xf32, #tpu.memory_space<vmem>>)
      %add3A_1044 = arith.constant 0 : i32
      %add3A_1045 = arith.addi %mul3A_1035, %add3A_1044 : i32
      "tpu.region"() ({
        %run_scoped3A_1096 = tpu.sem_alloc : memref<!tpu.dma_semaphore, #tpu.memory_space<semaphore_mem>>
        %dma_start3A_1097 = arith.constant 0 : i32
        %dma_start3A_1098 = tpu.memref_slice %arg9[%add3A_1045, %dma_start3A_1097] : memref<10x100xi32, #tpu.memory_space<vmem>> -> memref<1x100xi32, #tpu.memory_space<vmem>>
        %dma_start3A_1099 = tpu.memref_squeeze %dma_start3A_1098 : memref<1x100xi32, #tpu.memory_space<vmem>> -> memref<100xi32, #tpu.memory_space<vmem>>
        %dma_start3A_1100 = arith.constant 0 : i32
        %dma_start3A_1101 = arith.constant 0 : i32
        %dma_start3A_1102 = tpu.memref_slice %arg18[%dma_start3A_1100, %dma_start3A_1101] : memref<10000x128xf32, #tpu.memory_space<vmem_shared>> -> memref<10000x128xf32, #tpu.memory_space<vmem_shared>>
        tpu.enqueue_indirect_dma source(%arg10 : memref<100x128xf32, #tpu.memory_space<vmem>>) target(%dma_start3A_1102 : memref<10000x128xf32, #tpu.memory_space<vmem_shared>>) offsets(%dma_start3A_1099 : memref<100xi32, #tpu.memory_space<vmem>>) semaphore(%run_scoped3A_1096 : memref<!tpu.dma_semaphore, #tpu.memory_space<semaphore_mem>>) {add = true}
        %dma_wait3A_1103 = arith.constant 0 : i32
        %dma_wait3A_1104 = tpu.memref_slice %arg9[%add3A_1045, %dma_wait3A_1103] : memref<10x100xi32, #tpu.memory_space<vmem>> -> memref<1x100xi32, #tpu.memory_space<vmem>>
        %dma_wait3A_1105 = tpu.memref_squeeze %dma_wait3A_1104 : memref<1x100xi32, #tpu.memory_space<vmem>> -> memref<100xi32, #tpu.memory_space<vmem>>
        %dma_wait3A_1106 = arith.constant 0 : i32
        %dma_wait3A_1107 = arith.constant 0 : i32
        %dma_wait3A_1108 = tpu.memref_slice %arg18[%dma_wait3A_1106, %dma_wait3A_1107] : memref<10000x128xf32, #tpu.memory_space<vmem_shared>> -> memref<10000x128xf32, #tpu.memory_space<vmem_shared>>
        tpu.wait_indirect_dma semaphore(%run_scoped3A_1096 : memref<!tpu.dma_semaphore, #tpu.memory_space<semaphore_mem>>) src(%arg10 : memref<100x128xf32, #tpu.memory_space<vmem>>) dst(%dma_wait3A_1108 : memref<10000x128xf32, #tpu.memory_space<vmem_shared>>)
        tpu.yield
      }) : () -> ()
      %add3A_1046 = arith.constant 0 : i32
      %add3A_1047 = arith.addi %mul3A_1035, %add3A_1046 : i32
      %add3A_1048 = arith.constant 3 : i32
      %add3A_1049 = arith.addi %add3A_1047, %add3A_1048 : i32
      %dma_start3A_1050 = arith.constant 0 : i32
      %dma_start3A_1051 = tpu.memref_slice %arg8[%add3A_1049, %dma_start3A_1050] : memref<10x100xi32, #tpu.memory_space<vmem>> -> memref<1x100xi32, #tpu.memory_space<vmem>>
      %dma_start3A_1052 = tpu.memref_squeeze %dma_start3A_1051 : memref<1x100xi32, #tpu.memory_space<vmem>> -> memref<100xi32, #tpu.memory_space<vmem>>
      %dma_start3A_1053 = arith.constant 0 : i32
      %dma_start3A_1054 = arith.constant 0 : i32
      %dma_start3A_1055 = tpu.memref_slice %arg2[%dma_start3A_1053, %dma_start3A_1054] : memref<10000x128xf32, #tpu.memory_space<hbm>> -> memref<10000x128xf32, #tpu.memory_space<hbm>>
      tpu.enqueue_indirect_dma source(%dma_start3A_1055 : memref<10000x128xf32, #tpu.memory_space<hbm>>) target(%arg10 : memref<100x128xf32, #tpu.memory_space<vmem>>) offsets(%dma_start3A_1052 : memref<100xi32, #tpu.memory_space<vmem>>) semaphore(%arg13 : memref<!tpu.dma_semaphore, #tpu.memory_space<semaphore_mem>>)
      %add3A_1056 = arith.constant 1 : i32
      %add3A_1057 = arith.addi %mul3A_1035, %add3A_1056 : i32
      %dma_wait3A_1058 = arith.constant 0 : i32
      %dma_wait3A_1059 = tpu.memref_slice %arg8[%add3A_1057, %dma_wait3A_1058] : memref<10x100xi32, #tpu.memory_space<vmem>> -> memref<1x100xi32, #tpu.memory_space<vmem>>
      %dma_wait3A_1060 = tpu.memref_squeeze %dma_wait3A_1059 : memref<1x100xi32, #tpu.memory_space<vmem>> -> memref<100xi32, #tpu.memory_space<vmem>>
      %dma_wait3A_1061 = arith.constant 0 : i32
      %dma_wait3A_1062 = arith.constant 0 : i32
      %dma_wait3A_1063 = tpu.memref_slice %arg2[%dma_wait3A_1061, %dma_wait3A_1062] : memref<10000x128xf32, #tpu.memory_space<hbm>> -> memref<10000x128xf32, #tpu.memory_space<hbm>>
      tpu.wait_indirect_dma semaphore(%arg14 : memref<!tpu.dma_semaphore, #tpu.memory_space<semaphore_mem>>) src(%dma_wait3A_1063 : memref<10000x128xf32, #tpu.memory_space<hbm>>) dst(%arg11 : memref<100x128xf32, #tpu.memory_space<vmem>>)
      %add3A_1064 = arith.constant 1 : i32
      %add3A_1065 = arith.addi %mul3A_1035, %add3A_1064 : i32
      "tpu.region"() ({
        %run_scoped3A_1096 = tpu.sem_alloc : memref<!tpu.dma_semaphore, #tpu.memory_space<semaphore_mem>>
        %dma_start3A_1097 = arith.constant 0 : i32
        %dma_start3A_1098 = tpu.memref_slice %arg9[%add3A_1065, %dma_start3A_1097] : memref<10x100xi32, #tpu.memory_space<vmem>> -> memref<1x100xi32, #tpu.memory_space<vmem>>
        %dma_start3A_1099 = tpu.memref_squeeze %dma_start3A_1098 : memref<1x100xi32, #tpu.memory_space<vmem>> -> memref<100xi32, #tpu.memory_space<vmem>>
        %dma_start3A_1100 = arith.constant 0 : i32
        %dma_start3A_1101 = arith.constant 0 : i32
        %dma_start3A_1102 = tpu.memref_slice %arg18[%dma_start3A_1100, %dma_start3A_1101] : memref<10000x128xf32, #tpu.memory_space<vmem_shared>> -> memref<10000x128xf32, #tpu.memory_space<vmem_shared>>
        tpu.enqueue_indirect_dma source(%arg11 : memref<100x128xf32, #tpu.memory_space<vmem>>) target(%dma_start3A_1102 : memref<10000x128xf32, #tpu.memory_space<vmem_shared>>) offsets(%dma_start3A_1099 : memref<100xi32, #tpu.memory_space<vmem>>) semaphore(%run_scoped3A_1096 : memref<!tpu.dma_semaphore, #tpu.memory_space<semaphore_mem>>) {add = true}
        %dma_wait3A_1103 = arith.constant 0 : i32
        %dma_wait3A_1104 = tpu.memref_slice %arg9[%add3A_1065, %dma_wait3A_1103] : memref<10x100xi32, #tpu.memory_space<vmem>> -> memref<1x100xi32, #tpu.memory_space<vmem>>
        %dma_wait3A_1105 = tpu.memref_squeeze %dma_wait3A_1104 : memref<1x100xi32, #tpu.memory_space<vmem>> -> memref<100xi32, #tpu.memory_space<vmem>>
        %dma_wait3A_1106 = arith.constant 0 : i32
        %dma_wait3A_1107 = arith.constant 0 : i32
        %dma_wait3A_1108 = tpu.memref_slice %arg18[%dma_wait3A_1106, %dma_wait3A_1107] : memref<10000x128xf32, #tpu.memory_space<vmem_shared>> -> memref<10000x128xf32, #tpu.memory_space<vmem_shared>>
        tpu.wait_indirect_dma semaphore(%run_scoped3A_1096 : memref<!tpu.dma_semaphore, #tpu.memory_space<semaphore_mem>>) src(%arg11 : memref<100x128xf32, #tpu.memory_space<vmem>>) dst(%dma_wait3A_1108 : memref<10000x128xf32, #tpu.memory_space<vmem_shared>>)
        tpu.yield
      }) : () -> ()
      %add3A_1066 = arith.constant 1 : i32
      %add3A_1067 = arith.addi %mul3A_1035, %add3A_1066 : i32
      %add3A_1068 = arith.constant 3 : i32
      %add3A_1069 = arith.addi %add3A_1067, %add3A_1068 : i32
      %dma_start3A_1070 = arith.constant 0 : i32
      %dma_start3A_1071 = tpu.memref_slice %arg8[%add3A_1069, %dma_start3A_1070] : memref<10x100xi32, #tpu.memory_space<vmem>> -> memref<1x100xi32, #tpu.memory_space<vmem>>
      %dma_start3A_1072 = tpu.memref_squeeze %dma_start3A_1071 : memref<1x100xi32, #tpu.memory_space<vmem>> -> memref<100xi32, #tpu.memory_space<vmem>>
      %dma_start3A_1073 = arith.constant 0 : i32
      %dma_start3A_1074 = arith.constant 0 : i32
      %dma_start3A_1075 = tpu.memref_slice %arg2[%dma_start3A_1073, %dma_start3A_1074] : memref<10000x128xf32, #tpu.memory_space<hbm>> -> memref<10000x128xf32, #tpu.memory_space<hbm>>
      tpu.enqueue_indirect_dma source(%dma_start3A_1075 : memref<10000x128xf32, #tpu.memory_space<hbm>>) target(%arg11 : memref<100x128xf32, #tpu.memory_space<vmem>>) offsets(%dma_start3A_1072 : memref<100xi32, #tpu.memory_space<vmem>>) semaphore(%arg14 : memref<!tpu.dma_semaphore, #tpu.memory_space<semaphore_mem>>)
      %add3A_1076 = arith.constant 2 : i32
      %add3A_1077 = arith.addi %mul3A_1035, %add3A_1076 : i32
      %dma_wait3A_1078 = arith.constant 0 : i32
      %dma_wait3A_1079 = tpu.memref_slice %arg8[%add3A_1077, %dma_wait3A_1078] : memref<10x100xi32, #tpu.memory_space<vmem>> -> memref<1x100xi32, #tpu.memory_space<vmem>>
      %dma_wait3A_1080 = tpu.memref_squeeze %dma_wait3A_1079 : memref<1x100xi32, #tpu.memory_space<vmem>> -> memref<100xi32, #tpu.memory_space<vmem>>
      %dma_wait3A_1081 = arith.constant 0 : i32
      %dma_wait3A_1082 = arith.constant 0 : i32
      %dma_wait3A_1083 = tpu.memref_slice %arg2[%dma_wait3A_1081, %dma_wait3A_1082] : memref<10000x128xf32, #tpu.memory_space<hbm>> -> memref<10000x128xf32, #tpu.memory_space<hbm>>
      tpu.wait_indirect_dma semaphore(%arg15 : memref<!tpu.dma_semaphore, #tpu.memory_space<semaphore_mem>>) src(%dma_wait3A_1083 : memref<10000x128xf32, #tpu.memory_space<hbm>>) dst(%arg12 : memref<100x128xf32, #tpu.memory_space<vmem>>)
      %add3A_1084 = arith.constant 2 : i32
      %add3A_1085 = arith.addi %mul3A_1035, %add3A_1084 : i32
      "tpu.region"() ({
        %run_scoped3A_1096 = tpu.sem_alloc : memref<!tpu.dma_semaphore, #tpu.memory_space<semaphore_mem>>
        %dma_start3A_1097 = arith.constant 0 : i32
        %dma_start3A_1098 = tpu.memref_slice %arg9[%add3A_1085, %dma_start3A_1097] : memref<10x100xi32, #tpu.memory_space<vmem>> -> memref<1x100xi32, #tpu.memory_space<vmem>>
        %dma_start3A_1099 = tpu.memref_squeeze %dma_start3A_1098 : memref<1x100xi32, #tpu.memory_space<vmem>> -> memref<100xi32, #tpu.memory_space<vmem>>
        %dma_start3A_1100 = arith.constant 0 : i32
        %dma_start3A_1101 = arith.constant 0 : i32
        %dma_start3A_1102 = tpu.memref_slice %arg18[%dma_start3A_1100, %dma_start3A_1101] : memref<10000x128xf32, #tpu.memory_space<vmem_shared>> -> memref<10000x128xf32, #tpu.memory_space<vmem_shared>>
        tpu.enqueue_indirect_dma source(%arg12 : memref<100x128xf32, #tpu.memory_space<vmem>>) target(%dma_start3A_1102 : memref<10000x128xf32, #tpu.memory_space<vmem_shared>>) offsets(%dma_start3A_1099 : memref<100xi32, #tpu.memory_space<vmem>>) semaphore(%run_scoped3A_1096 : memref<!tpu.dma_semaphore, #tpu.memory_space<semaphore_mem>>) {add = true}
        %dma_wait3A_1103 = arith.constant 0 : i32
        %dma_wait3A_1104 = tpu.memref_slice %arg9[%add3A_1085, %dma_wait3A_1103] : memref<10x100xi32, #tpu.memory_space<vmem>> -> memref<1x100xi32, #tpu.memory_space<vmem>>
        %dma_wait3A_1105 = tpu.memref_squeeze %dma_wait3A_1104 : memref<1x100xi32, #tpu.memory_space<vmem>> -> memref<100xi32, #tpu.memory_space<vmem>>
        %dma_wait3A_1106 = arith.constant 0 : i32
        %dma_wait3A_1107 = arith.constant 0 : i32
        %dma_wait3A_1108 = tpu.memref_slice %arg18[%dma_wait3A_1106, %dma_wait3A_1107] : memref<10000x128xf32, #tpu.memory_space<vmem_shared>> -> memref<10000x128xf32, #tpu.memory_space<vmem_shared>>
        tpu.wait_indirect_dma semaphore(%run_scoped3A_1096 : memref<!tpu.dma_semaphore, #tpu.memory_space<semaphore_mem>>) src(%arg12 : memref<100x128xf32, #tpu.memory_space<vmem>>) dst(%dma_wait3A_1108 : memref<10000x128xf32, #tpu.memory_space<vmem_shared>>)
        tpu.yield
      }) : () -> ()
      %add3A_1086 = arith.constant 2 : i32
      %add3A_1087 = arith.addi %mul3A_1035, %add3A_1086 : i32
      %add3A_1088 = arith.constant 3 : i32
      %add3A_1089 = arith.addi %add3A_1087, %add3A_1088 : i32
      %dma_start3A_1090 = arith.constant 0 : i32
      %dma_start3A_1091 = tpu.memref_slice %arg8[%add3A_1089, %dma_start3A_1090] : memref<10x100xi32, #tpu.memory_space<vmem>> -> memref<1x100xi32, #tpu.memory_space<vmem>>
      %dma_start3A_1092 = tpu.memref_squeeze %dma_start3A_1091 : memref<1x100xi32, #tpu.memory_space<vmem>> -> memref<100xi32, #tpu.memory_space<vmem>>
      %dma_start3A_1093 = arith.constant 0 : i32
      %dma_start3A_1094 = arith.constant 0 : i32
      %dma_start3A_1095 = tpu.memref_slice %arg2[%dma_start3A_1093, %dma_start3A_1094] : memref<10000x128xf32, #tpu.memory_space<hbm>> -> memref<10000x128xf32, #tpu.memory_space<hbm>>
      tpu.enqueue_indirect_dma source(%dma_start3A_1095 : memref<10000x128xf32, #tpu.memory_space<hbm>>) target(%arg12 : memref<100x128xf32, #tpu.memory_space<vmem>>) offsets(%dma_start3A_1092 : memref<100xi32, #tpu.memory_space<vmem>>) semaphore(%arg15 : memref<!tpu.dma_semaphore, #tpu.memory_space<semaphore_mem>>)
    }
    %scan3A_193 = arith.constant 2 : i32
    %dma_wait3A_194 = arith.constant 2 : i32
    %dma_wait3A_195 = arith.constant 0 : i32
    %dma_wait3A_196 = arith.constant 0 : i32
    %dma_wait3A_197 = tpu.memref_slice %arg3[%add3A, %dma_wait3A_194, %dma_wait3A_195, %dma_wait3A_196] : memref<32x10x10x100xi32, #tpu.memory_space<hbm>> -> memref<1x1x10x100xi32, #tpu.memory_space<hbm>>
    %dma_wait3A_198 = tpu.memref_squeeze %dma_wait3A_197 : memref<1x1x10x100xi32, #tpu.memory_space<hbm>> -> memref<10x100xi32, #tpu.memory_space<hbm>>
    %dma_wait3A_199 = arith.constant 0 : i32
    %dma_wait3A_200 = arith.constant 0 : i32
    %dma_wait3A_201 = tpu.memref_slice %arg3[%add3A, %dma_wait3A_194, %dma_wait3A_199, %dma_wait3A_200] : memref<32x10x10x100xi32, #tpu.memory_space<hbm>> -> memref<1x1x10x100xi32, #tpu.memory_space<hbm>>
    %dma_wait3A_202 = tpu.memref_squeeze %dma_wait3A_201 : memref<1x1x10x100xi32, #tpu.memory_space<hbm>> -> memref<10x100xi32, #tpu.memory_space<hbm>>
    tpu.wait_dma2 semaphore(%arg16 : memref<!tpu.dma_semaphore, #tpu.memory_space<semaphore_mem>>) src(%dma_wait3A_202 : memref<10x100xi32, #tpu.memory_space<hbm>>) dst(%arg6 : memref<10x100xi32, #tpu.memory_space<vmem>>)
    %dma_wait3A_203 = arith.constant 2 : i32
    %dma_wait3A_204 = arith.constant 0 : i32
    %dma_wait3A_205 = arith.constant 0 : i32
    %dma_wait3A_206 = tpu.memref_slice %arg4[%add3A, %dma_wait3A_203, %dma_wait3A_204, %dma_wait3A_205] : memref<32x10x10x100xi32, #tpu.memory_space<hbm>> -> memref<1x1x10x100xi32, #tpu.memory_space<hbm>>
    %dma_wait3A_207 = tpu.memref_squeeze %dma_wait3A_206 : memref<1x1x10x100xi32, #tpu.memory_space<hbm>> -> memref<10x100xi32, #tpu.memory_space<hbm>>
    %dma_wait3A_208 = arith.constant 0 : i32
    %dma_wait3A_209 = arith.constant 0 : i32
    %dma_wait3A_210 = tpu.memref_slice %arg4[%add3A, %dma_wait3A_203, %dma_wait3A_208, %dma_wait3A_209] : memref<32x10x10x100xi32, #tpu.memory_space<hbm>> -> memref<1x1x10x100xi32, #tpu.memory_space<hbm>>
    %dma_wait3A_211 = tpu.memref_squeeze %dma_wait3A_210 : memref<1x1x10x100xi32, #tpu.memory_space<hbm>> -> memref<10x100xi32, #tpu.memory_space<hbm>>
    tpu.wait_dma2 semaphore(%arg17 : memref<!tpu.dma_semaphore, #tpu.memory_space<semaphore_mem>>) src(%dma_wait3A_211 : memref<10x100xi32, #tpu.memory_space<hbm>>) dst(%arg7 : memref<10x100xi32, #tpu.memory_space<vmem>>)
    %dma_wait3A_212 = arith.constant 6 : i32
    %dma_wait3A_213 = arith.constant 0 : i32
    %dma_wait3A_214 = tpu.memref_slice %arg8[%dma_wait3A_212, %dma_wait3A_213] : memref<10x100xi32, #tpu.memory_space<vmem>> -> memref<1x100xi32, #tpu.memory_space<vmem>>
    %dma_wait3A_215 = tpu.memref_squeeze %dma_wait3A_214 : memref<1x100xi32, #tpu.memory_space<vmem>> -> memref<100xi32, #tpu.memory_space<vmem>>
    %dma_wait3A_216 = arith.constant 0 : i32
    %dma_wait3A_217 = arith.constant 0 : i32
    %dma_wait3A_218 = tpu.memref_slice %arg2[%dma_wait3A_216, %dma_wait3A_217] : memref<10000x128xf32, #tpu.memory_space<hbm>> -> memref<10000x128xf32, #tpu.memory_space<hbm>>
    tpu.wait_indirect_dma semaphore(%arg13 : memref<!tpu.dma_semaphore, #tpu.memory_space<semaphore_mem>>) src(%dma_wait3A_218 : memref<10000x128xf32, #tpu.memory_space<hbm>>) dst(%arg10 : memref<100x128xf32, #tpu.memory_space<vmem>>)
    %run_scoped3A_219 = arith.constant 6 : i32
    "tpu.region"() ({
      %run_scoped3A_1029 = tpu.sem_alloc : memref<!tpu.dma_semaphore, #tpu.memory_space<semaphore_mem>>
      %dma_start3A_1030 = arith.constant 0 : i32
      %dma_start3A_1031 = tpu.memref_slice %arg9[%run_scoped3A_219, %dma_start3A_1030] : memref<10x100xi32, #tpu.memory_space<vmem>> -> memref<1x100xi32, #tpu.memory_space<vmem>>
      %dma_start3A_1032 = tpu.memref_squeeze %dma_start3A_1031 : memref<1x100xi32, #tpu.memory_space<vmem>> -> memref<100xi32, #tpu.memory_space<vmem>>
      %dma_start3A_1033 = arith.constant 0 : i32
      %dma_start3A_1034 = arith.constant 0 : i32
      %dma_start3A_1035 = tpu.memref_slice %arg18[%dma_start3A_1033, %dma_start3A_1034] : memref<10000x128xf32, #tpu.memory_space<vmem_shared>> -> memref<10000x128xf32, #tpu.memory_space<vmem_shared>>
      tpu.enqueue_indirect_dma source(%arg10 : memref<100x128xf32, #tpu.memory_space<vmem>>) target(%dma_start3A_1035 : memref<10000x128xf32, #tpu.memory_space<vmem_shared>>) offsets(%dma_start3A_1032 : memref<100xi32, #tpu.memory_space<vmem>>) semaphore(%run_scoped3A_1029 : memref<!tpu.dma_semaphore, #tpu.memory_space<semaphore_mem>>) {add = true}
      %dma_wait3A_1036 = arith.constant 0 : i32
      %dma_wait3A_1037 = tpu.memref_slice %arg9[%run_scoped3A_219, %dma_wait3A_1036] : memref<10x100xi32, #tpu.memory_space<vmem>> -> memref<1x100xi32, #tpu.memory_space<vmem>>
      %dma_wait3A_1038 = tpu.memref_squeeze %dma_wait3A_1037 : memref<1x100xi32, #tpu.memory_space<vmem>> -> memref<100xi32, #tpu.memory_space<vmem>>
      %dma_wait3A_1039 = arith.constant 0 : i32
      %dma_wait3A_1040 = arith.constant 0 : i32
      %dma_wait3A_1041 = tpu.memref_slice %arg18[%dma_wait3A_1039, %dma_wait3A_1040] : memref<10000x128xf32, #tpu.memory_space<vmem_shared>> -> memref<10000x128xf32, #tpu.memory_space<vmem_shared>>
      tpu.wait_indirect_dma semaphore(%run_scoped3A_1029 : memref<!tpu.dma_semaphore, #tpu.memory_space<semaphore_mem>>) src(%arg10 : memref<100x128xf32, #tpu.memory_space<vmem>>) dst(%dma_wait3A_1041 : memref<10000x128xf32, #tpu.memory_space<vmem_shared>>)
      tpu.yield
    }) : () -> ()
    %dma_start3A_220 = arith.constant 9 : i32
    %dma_start3A_221 = arith.constant 0 : i32
    %dma_start3A_222 = tpu.memref_slice %arg8[%dma_start3A_220, %dma_start3A_221] : memref<10x100xi32, #tpu.memory_space<vmem>> -> memref<1x100xi32, #tpu.memory_space<vmem>>
    %dma_start3A_223 = tpu.memref_squeeze %dma_start3A_222 : memref<1x100xi32, #tpu.memory_space<vmem>> -> memref<100xi32, #tpu.memory_space<vmem>>
    %dma_start3A_224 = arith.constant 0 : i32
    %dma_start3A_225 = arith.constant 0 : i32
    %dma_start3A_226 = tpu.memref_slice %arg2[%dma_start3A_224, %dma_start3A_225] : memref<10000x128xf32, #tpu.memory_space<hbm>> -> memref<10000x128xf32, #tpu.memory_space<hbm>>
    tpu.enqueue_indirect_dma source(%dma_start3A_226 : memref<10000x128xf32, #tpu.memory_space<hbm>>) target(%arg10 : memref<100x128xf32, #tpu.memory_space<vmem>>) offsets(%dma_start3A_223 : memref<100xi32, #tpu.memory_space<vmem>>) semaphore(%arg13 : memref<!tpu.dma_semaphore, #tpu.memory_space<semaphore_mem>>)
    %dma_wait3A_227 = arith.constant 7 : i32
    %dma_wait3A_228 = arith.constant 0 : i32
    %dma_wait3A_229 = tpu.memref_slice %arg8[%dma_wait3A_227, %dma_wait3A_228] : memref<10x100xi32, #tpu.memory_space<vmem>> -> memref<1x100xi32, #tpu.memory_space<vmem>>
    %dma_wait3A_230 = tpu.memref_squeeze %dma_wait3A_229 : memref<1x100xi32, #tpu.memory_space<vmem>> -> memref<100xi32, #tpu.memory_space<vmem>>
    %dma_wait3A_231 = arith.constant 0 : i32
    %dma_wait3A_232 = arith.constant 0 : i32
    %dma_wait3A_233 = tpu.memref_slice %arg2[%dma_wait3A_231, %dma_wait3A_232] : memref<10000x128xf32, #tpu.memory_space<hbm>> -> memref<10000x128xf32, #tpu.memory_space<hbm>>
    tpu.wait_indirect_dma semaphore(%arg14 : memref<!tpu.dma_semaphore, #tpu.memory_space<semaphore_mem>>) src(%dma_wait3A_233 : memref<10000x128xf32, #tpu.memory_space<hbm>>) dst(%arg11 : memref<100x128xf32, #tpu.memory_space<vmem>>)
    %run_scoped3A_234 = arith.constant 7 : i32
    "tpu.region"() ({
      %run_scoped3A_1029 = tpu.sem_alloc : memref<!tpu.dma_semaphore, #tpu.memory_space<semaphore_mem>>
      %dma_start3A_1030 = arith.constant 0 : i32
      %dma_start3A_1031 = tpu.memref_slice %arg9[%run_scoped3A_234, %dma_start3A_1030] : memref<10x100xi32, #tpu.memory_space<vmem>> -> memref<1x100xi32, #tpu.memory_space<vmem>>
      %dma_start3A_1032 = tpu.memref_squeeze %dma_start3A_1031 : memref<1x100xi32, #tpu.memory_space<vmem>> -> memref<100xi32, #tpu.memory_space<vmem>>
      %dma_start3A_1033 = arith.constant 0 : i32
      %dma_start3A_1034 = arith.constant 0 : i32
      %dma_start3A_1035 = tpu.memref_slice %arg18[%dma_start3A_1033, %dma_start3A_1034] : memref<10000x128xf32, #tpu.memory_space<vmem_shared>> -> memref<10000x128xf32, #tpu.memory_space<vmem_shared>>
      tpu.enqueue_indirect_dma source(%arg11 : memref<100x128xf32, #tpu.memory_space<vmem>>) target(%dma_start3A_1035 : memref<10000x128xf32, #tpu.memory_space<vmem_shared>>) offsets(%dma_start3A_1032 : memref<100xi32, #tpu.memory_space<vmem>>) semaphore(%run_scoped3A_1029 : memref<!tpu.dma_semaphore, #tpu.memory_space<semaphore_mem>>) {add = true}
      %dma_wait3A_1036 = arith.constant 0 : i32
      %dma_wait3A_1037 = tpu.memref_slice %arg9[%run_scoped3A_234, %dma_wait3A_1036] : memref<10x100xi32, #tpu.memory_space<vmem>> -> memref<1x100xi32, #tpu.memory_space<vmem>>
      %dma_wait3A_1038 = tpu.memref_squeeze %dma_wait3A_1037 : memref<1x100xi32, #tpu.memory_space<vmem>> -> memref<100xi32, #tpu.memory_space<vmem>>
      %dma_wait3A_1039 = arith.constant 0 : i32
      %dma_wait3A_1040 = arith.constant 0 : i32
      %dma_wait3A_1041 = tpu.memref_slice %arg18[%dma_wait3A_1039, %dma_wait3A_1040] : memref<10000x128xf32, #tpu.memory_space<vmem_shared>> -> memref<10000x128xf32, #tpu.memory_space<vmem_shared>>
      tpu.wait_indirect_dma semaphore(%run_scoped3A_1029 : memref<!tpu.dma_semaphore, #tpu.memory_space<semaphore_mem>>) src(%arg11 : memref<100x128xf32, #tpu.memory_space<vmem>>) dst(%dma_wait3A_1041 : memref<10000x128xf32, #tpu.memory_space<vmem_shared>>)
      tpu.yield
    }) : () -> ()
    %dma_start3A_235 = arith.constant 1 : i32
    %dma_start3A_236 = arith.constant 0 : i32
    %dma_start3A_237 = tpu.memref_slice %arg6[%dma_start3A_235, %dma_start3A_236] : memref<10x100xi32, #tpu.memory_space<vmem>> -> memref<1x100xi32, #tpu.memory_space<vmem>>
    %dma_start3A_238 = tpu.memref_squeeze %dma_start3A_237 : memref<1x100xi32, #tpu.memory_space<vmem>> -> memref<100xi32, #tpu.memory_space<vmem>>
    %dma_start3A_239 = arith.constant 0 : i32
    %dma_start3A_240 = arith.constant 0 : i32
    %dma_start3A_241 = tpu.memref_slice %arg2[%dma_start3A_239, %dma_start3A_240] : memref<10000x128xf32, #tpu.memory_space<hbm>> -> memref<10000x128xf32, #tpu.memory_space<hbm>>
    tpu.enqueue_indirect_dma source(%dma_start3A_241 : memref<10000x128xf32, #tpu.memory_space<hbm>>) target(%arg11 : memref<100x128xf32, #tpu.memory_space<vmem>>) offsets(%dma_start3A_238 : memref<100xi32, #tpu.memory_space<vmem>>) semaphore(%arg14 : memref<!tpu.dma_semaphore, #tpu.memory_space<semaphore_mem>>)
    %dma_wait3A_242 = arith.constant 8 : i32
    %dma_wait3A_243 = arith.constant 0 : i32
    %dma_wait3A_244 = tpu.memref_slice %arg8[%dma_wait3A_242, %dma_wait3A_243] : memref<10x100xi32, #tpu.memory_space<vmem>> -> memref<1x100xi32, #tpu.memory_space<vmem>>
    %dma_wait3A_245 = tpu.memref_squeeze %dma_wait3A_244 : memref<1x100xi32, #tpu.memory_space<vmem>> -> memref<100xi32, #tpu.memory_space<vmem>>
    %dma_wait3A_246 = arith.constant 0 : i32
    %dma_wait3A_247 = arith.constant 0 : i32
    %dma_wait3A_248 = tpu.memref_slice %arg2[%dma_wait3A_246, %dma_wait3A_247] : memref<10000x128xf32, #tpu.memory_space<hbm>> -> memref<10000x128xf32, #tpu.memory_space<hbm>>
    tpu.wait_indirect_dma semaphore(%arg15 : memref<!tpu.dma_semaphore, #tpu.memory_space<semaphore_mem>>) src(%dma_wait3A_248 : memref<10000x128xf32, #tpu.memory_space<hbm>>) dst(%arg12 : memref<100x128xf32, #tpu.memory_space<vmem>>)
    %run_scoped3A_249 = arith.constant 8 : i32
    "tpu.region"() ({
      %run_scoped3A_1029 = tpu.sem_alloc : memref<!tpu.dma_semaphore, #tpu.memory_space<semaphore_mem>>
      %dma_start3A_1030 = arith.constant 0 : i32
      %dma_start3A_1031 = tpu.memref_slice %arg9[%run_scoped3A_249, %dma_start3A_1030] : memref<10x100xi32, #tpu.memory_space<vmem>> -> memref<1x100xi32, #tpu.memory_space<vmem>>
      %dma_start3A_1032 = tpu.memref_squeeze %dma_start3A_1031 : memref<1x100xi32, #tpu.memory_space<vmem>> -> memref<100xi32, #tpu.memory_space<vmem>>
      %dma_start3A_1033 = arith.constant 0 : i32
      %dma_start3A_1034 = arith.constant 0 : i32
      %dma_start3A_1035 = tpu.memref_slice %arg18[%dma_start3A_1033, %dma_start3A_1034] : memref<10000x128xf32, #tpu.memory_space<vmem_shared>> -> memref<10000x128xf32, #tpu.memory_space<vmem_shared>>
      tpu.enqueue_indirect_dma source(%arg12 : memref<100x128xf32, #tpu.memory_space<vmem>>) target(%dma_start3A_1035 : memref<10000x128xf32, #tpu.memory_space<vmem_shared>>) offsets(%dma_start3A_1032 : memref<100xi32, #tpu.memory_space<vmem>>) semaphore(%run_scoped3A_1029 : memref<!tpu.dma_semaphore, #tpu.memory_space<semaphore_mem>>) {add = true}
      %dma_wait3A_1036 = arith.constant 0 : i32
      %dma_wait3A_1037 = tpu.memref_slice %arg9[%run_scoped3A_249, %dma_wait3A_1036] : memref<10x100xi32, #tpu.memory_space<vmem>> -> memref<1x100xi32, #tpu.memory_space<vmem>>
      %dma_wait3A_1038 = tpu.memref_squeeze %dma_wait3A_1037 : memref<1x100xi32, #tpu.memory_space<vmem>> -> memref<100xi32, #tpu.memory_space<vmem>>
      %dma_wait3A_1039 = arith.constant 0 : i32
      %dma_wait3A_1040 = arith.constant 0 : i32
      %dma_wait3A_1041 = tpu.memref_slice %arg18[%dma_wait3A_1039, %dma_wait3A_1040] : memref<10000x128xf32, #tpu.memory_space<vmem_shared>> -> memref<10000x128xf32, #tpu.memory_space<vmem_shared>>
      tpu.wait_indirect_dma semaphore(%run_scoped3A_1029 : memref<!tpu.dma_semaphore, #tpu.memory_space<semaphore_mem>>) src(%arg12 : memref<100x128xf32, #tpu.memory_space<vmem>>) dst(%dma_wait3A_1041 : memref<10000x128xf32, #tpu.memory_space<vmem_shared>>)
      tpu.yield
    }) : () -> ()
    %dma_start3A_250 = arith.constant 2 : i32
    %dma_start3A_251 = arith.constant 0 : i32
    %dma_start3A_252 = tpu.memref_slice %arg6[%dma_start3A_250, %dma_start3A_251] : memref<10x100xi32, #tpu.memory_space<vmem>> -> memref<1x100xi32, #tpu.memory_space<vmem>>
    %dma_start3A_253 = tpu.memref_squeeze %dma_start3A_252 : memref<1x100xi32, #tpu.memory_space<vmem>> -> memref<100xi32, #tpu.memory_space<vmem>>
    %dma_start3A_254 = arith.constant 0 : i32
    %dma_start3A_255 = arith.constant 0 : i32
    %dma_start3A_256 = tpu.memref_slice %arg2[%dma_start3A_254, %dma_start3A_255] : memref<10000x128xf32, #tpu.memory_space<hbm>> -> memref<10000x128xf32, #tpu.memory_space<hbm>>
    tpu.enqueue_indirect_dma source(%dma_start3A_256 : memref<10000x128xf32, #tpu.memory_space<hbm>>) target(%arg12 : memref<100x128xf32, #tpu.memory_space<vmem>>) offsets(%dma_start3A_253 : memref<100xi32, #tpu.memory_space<vmem>>) semaphore(%arg15 : memref<!tpu.dma_semaphore, #tpu.memory_space<semaphore_mem>>)
    %dma_wait3A_257 = arith.constant 9 : i32
    %dma_wait3A_258 = arith.constant 0 : i32
    %dma_wait3A_259 = tpu.memref_slice %arg8[%dma_wait3A_257, %dma_wait3A_258] : memref<10x100xi32, #tpu.memory_space<vmem>> -> memref<1x100xi32, #tpu.memory_space<vmem>>
    %dma_wait3A_260 = tpu.memref_squeeze %dma_wait3A_259 : memref<1x100xi32, #tpu.memory_space<vmem>> -> memref<100xi32, #tpu.memory_space<vmem>>
    %dma_wait3A_261 = arith.constant 0 : i32
    %dma_wait3A_262 = arith.constant 0 : i32
    %dma_wait3A_263 = tpu.memref_slice %arg2[%dma_wait3A_261, %dma_wait3A_262] : memref<10000x128xf32, #tpu.memory_space<hbm>> -> memref<10000x128xf32, #tpu.memory_space<hbm>>
    tpu.wait_indirect_dma semaphore(%arg13 : memref<!tpu.dma_semaphore, #tpu.memory_space<semaphore_mem>>) src(%dma_wait3A_263 : memref<10000x128xf32, #tpu.memory_space<hbm>>) dst(%arg10 : memref<100x128xf32, #tpu.memory_space<vmem>>)
    %run_scoped3A_264 = arith.constant 9 : i32
    "tpu.region"() ({
      %run_scoped3A_1029 = tpu.sem_alloc : memref<!tpu.dma_semaphore, #tpu.memory_space<semaphore_mem>>
      %dma_start3A_1030 = arith.constant 0 : i32
      %dma_start3A_1031 = tpu.memref_slice %arg9[%run_scoped3A_264, %dma_start3A_1030] : memref<10x100xi32, #tpu.memory_space<vmem>> -> memref<1x100xi32, #tpu.memory_space<vmem>>
      %dma_start3A_1032 = tpu.memref_squeeze %dma_start3A_1031 : memref<1x100xi32, #tpu.memory_space<vmem>> -> memref<100xi32, #tpu.memory_space<vmem>>
      %dma_start3A_1033 = arith.constant 0 : i32
      %dma_start3A_1034 = arith.constant 0 : i32
      %dma_start3A_1035 = tpu.memref_slice %arg18[%dma_start3A_1033, %dma_start3A_1034] : memref<10000x128xf32, #tpu.memory_space<vmem_shared>> -> memref<10000x128xf32, #tpu.memory_space<vmem_shared>>
      tpu.enqueue_indirect_dma source(%arg10 : memref<100x128xf32, #tpu.memory_space<vmem>>) target(%dma_start3A_1035 : memref<10000x128xf32, #tpu.memory_space<vmem_shared>>) offsets(%dma_start3A_1032 : memref<100xi32, #tpu.memory_space<vmem>>) semaphore(%run_scoped3A_1029 : memref<!tpu.dma_semaphore, #tpu.memory_space<semaphore_mem>>) {add = true}
      %dma_wait3A_1036 = arith.constant 0 : i32
      %dma_wait3A_1037 = tpu.memref_slice %arg9[%run_scoped3A_264, %dma_wait3A_1036] : memref<10x100xi32, #tpu.memory_space<vmem>> -> memref<1x100xi32, #tpu.memory_space<vmem>>
      %dma_wait3A_1038 = tpu.memref_squeeze %dma_wait3A_1037 : memref<1x100xi32, #tpu.memory_space<vmem>> -> memref<100xi32, #tpu.memory_space<vmem>>
      %dma_wait3A_1039 = arith.constant 0 : i32
      %dma_wait3A_1040 = arith.constant 0 : i32
      %dma_wait3A_1041 = tpu.memref_slice %arg18[%dma_wait3A_1039, %dma_wait3A_1040] : memref<10000x128xf32, #tpu.memory_space<vmem_shared>> -> memref<10000x128xf32, #tpu.memory_space<vmem_shared>>
      tpu.wait_indirect_dma semaphore(%run_scoped3A_1029 : memref<!tpu.dma_semaphore, #tpu.memory_space<semaphore_mem>>) src(%arg10 : memref<100x128xf32, #tpu.memory_space<vmem>>) dst(%dma_wait3A_1041 : memref<10000x128xf32, #tpu.memory_space<vmem_shared>>)
      tpu.yield
    }) : () -> ()
    %dma_start3A_265 = arith.constant 0 : i32
    %dma_start3A_266 = arith.constant 0 : i32
    %dma_start3A_267 = tpu.memref_slice %arg6[%dma_start3A_265, %dma_start3A_266] : memref<10x100xi32, #tpu.memory_space<vmem>> -> memref<1x100xi32, #tpu.memory_space<vmem>>
    %dma_start3A_268 = tpu.memref_squeeze %dma_start3A_267 : memref<1x100xi32, #tpu.memory_space<vmem>> -> memref<100xi32, #tpu.memory_space<vmem>>
    %dma_start3A_269 = arith.constant 0 : i32
    %dma_start3A_270 = arith.constant 0 : i32
    %dma_start3A_271 = tpu.memref_slice %arg2[%dma_start3A_269, %dma_start3A_270] : memref<10000x128xf32, #tpu.memory_space<hbm>> -> memref<10000x128xf32, #tpu.memory_space<hbm>>
    tpu.enqueue_indirect_dma source(%dma_start3A_271 : memref<10000x128xf32, #tpu.memory_space<hbm>>) target(%arg10 : memref<100x128xf32, #tpu.memory_space<vmem>>) offsets(%dma_start3A_268 : memref<100xi32, #tpu.memory_space<vmem>>) semaphore(%arg13 : memref<!tpu.dma_semaphore, #tpu.memory_space<semaphore_mem>>)
    %dma_start3A_272 = arith.constant 3 : i32
    %dma_start3A_273 = arith.constant 0 : i32
    %dma_start3A_274 = arith.constant 0 : i32
    %dma_start3A_275 = tpu.memref_slice %arg3[%add3A, %dma_start3A_272, %dma_start3A_273, %dma_start3A_274] : memref<32x10x10x100xi32, #tpu.memory_space<hbm>> -> memref<1x1x10x100xi32, #tpu.memory_space<hbm>>
    %dma_start3A_276 = tpu.memref_squeeze %dma_start3A_275 : memref<1x1x10x100xi32, #tpu.memory_space<hbm>> -> memref<10x100xi32, #tpu.memory_space<hbm>>
    %dma_start3A_277 = arith.constant 0 : i32
    %dma_start3A_278 = arith.constant 0 : i32
    %dma_start3A_279 = tpu.memref_slice %arg3[%add3A, %dma_start3A_272, %dma_start3A_277, %dma_start3A_278] : memref<32x10x10x100xi32, #tpu.memory_space<hbm>> -> memref<1x1x10x100xi32, #tpu.memory_space<hbm>>
    %dma_start3A_280 = tpu.memref_squeeze %dma_start3A_279 : memref<1x1x10x100xi32, #tpu.memory_space<hbm>> -> memref<10x100xi32, #tpu.memory_space<hbm>>
    tpu.enqueue_dma source(%dma_start3A_280 : memref<10x100xi32, #tpu.memory_space<hbm>>) target(%arg8 : memref<10x100xi32, #tpu.memory_space<vmem>>) target_semaphore(%arg16 : memref<!tpu.dma_semaphore, #tpu.memory_space<semaphore_mem>>)
    %dma_start3A_281 = arith.constant 3 : i32
    %dma_start3A_282 = arith.constant 0 : i32
    %dma_start3A_283 = arith.constant 0 : i32
    %dma_start3A_284 = tpu.memref_slice %arg4[%add3A, %dma_start3A_281, %dma_start3A_282, %dma_start3A_283] : memref<32x10x10x100xi32, #tpu.memory_space<hbm>> -> memref<1x1x10x100xi32, #tpu.memory_space<hbm>>
    %dma_start3A_285 = tpu.memref_squeeze %dma_start3A_284 : memref<1x1x10x100xi32, #tpu.memory_space<hbm>> -> memref<10x100xi32, #tpu.memory_space<hbm>>
    %dma_start3A_286 = arith.constant 0 : i32
    %dma_start3A_287 = arith.constant 0 : i32
    %dma_start3A_288 = tpu.memref_slice %arg4[%add3A, %dma_start3A_281, %dma_start3A_286, %dma_start3A_287] : memref<32x10x10x100xi32, #tpu.memory_space<hbm>> -> memref<1x1x10x100xi32, #tpu.memory_space<hbm>>
    %dma_start3A_289 = tpu.memref_squeeze %dma_start3A_288 : memref<1x1x10x100xi32, #tpu.memory_space<hbm>> -> memref<10x100xi32, #tpu.memory_space<hbm>>
    tpu.enqueue_dma source(%dma_start3A_289 : memref<10x100xi32, #tpu.memory_space<hbm>>) target(%arg9 : memref<10x100xi32, #tpu.memory_space<vmem>>) target_semaphore(%arg17 : memref<!tpu.dma_semaphore, #tpu.memory_space<semaphore_mem>>)
    %scan3A_290 = arith.constant 0 : i32
    %scan3A_291 = arith.constant 2 : i32
    %scan3A_292 = arith.addi %scan3A_290, %scan3A_291 : i32
    %scan3A_293 = arith.constant 1 : i32
    scf.for %scan3A_1029 = %scan3A_290 to %scan3A_292 step %scan3A_293  : i32 {
      %mul3A_1030 = arith.constant 1 : i32
      %mul3A_1031 = arith.muli %scan3A_1029, %mul3A_1030 : i32
      %add3A_1032 = arith.constant 0 : i32
      %add3A_1033 = arith.addi %add3A_1032, %mul3A_1031 : i32
      %mul3A_1034 = arith.constant 3 : i32
      %mul3A_1035 = arith.muli %add3A_1033, %mul3A_1034 : i32
      %add3A_1036 = arith.constant 0 : i32
      %add3A_1037 = arith.addi %mul3A_1035, %add3A_1036 : i32
      %dma_wait3A_1038 = arith.constant 0 : i32
      %dma_wait3A_1039 = tpu.memref_slice %arg6[%add3A_1037, %dma_wait3A_1038] : memref<10x100xi32, #tpu.memory_space<vmem>> -> memref<1x100xi32, #tpu.memory_space<vmem>>
      %dma_wait3A_1040 = tpu.memref_squeeze %dma_wait3A_1039 : memref<1x100xi32, #tpu.memory_space<vmem>> -> memref<100xi32, #tpu.memory_space<vmem>>
      %dma_wait3A_1041 = arith.constant 0 : i32
      %dma_wait3A_1042 = arith.constant 0 : i32
      %dma_wait3A_1043 = tpu.memref_slice %arg2[%dma_wait3A_1041, %dma_wait3A_1042] : memref<10000x128xf32, #tpu.memory_space<hbm>> -> memref<10000x128xf32, #tpu.memory_space<hbm>>
      tpu.wait_indirect_dma semaphore(%arg13 : memref<!tpu.dma_semaphore, #tpu.memory_space<semaphore_mem>>) src(%dma_wait3A_1043 : memref<10000x128xf32, #tpu.memory_space<hbm>>) dst(%arg10 : memref<100x128xf32, #tpu.memory_space<vmem>>)
      %add3A_1044 = arith.constant 0 : i32
      %add3A_1045 = arith.addi %mul3A_1035, %add3A_1044 : i32
      "tpu.region"() ({
        %run_scoped3A_1096 = tpu.sem_alloc : memref<!tpu.dma_semaphore, #tpu.memory_space<semaphore_mem>>
        %dma_start3A_1097 = arith.constant 0 : i32
        %dma_start3A_1098 = tpu.memref_slice %arg7[%add3A_1045, %dma_start3A_1097] : memref<10x100xi32, #tpu.memory_space<vmem>> -> memref<1x100xi32, #tpu.memory_space<vmem>>
        %dma_start3A_1099 = tpu.memref_squeeze %dma_start3A_1098 : memref<1x100xi32, #tpu.memory_space<vmem>> -> memref<100xi32, #tpu.memory_space<vmem>>
        %dma_start3A_1100 = arith.constant 0 : i32
        %dma_start3A_1101 = arith.constant 0 : i32
        %dma_start3A_1102 = tpu.memref_slice %arg18[%dma_start3A_1100, %dma_start3A_1101] : memref<10000x128xf32, #tpu.memory_space<vmem_shared>> -> memref<10000x128xf32, #tpu.memory_space<vmem_shared>>
        tpu.enqueue_indirect_dma source(%arg10 : memref<100x128xf32, #tpu.memory_space<vmem>>) target(%dma_start3A_1102 : memref<10000x128xf32, #tpu.memory_space<vmem_shared>>) offsets(%dma_start3A_1099 : memref<100xi32, #tpu.memory_space<vmem>>) semaphore(%run_scoped3A_1096 : memref<!tpu.dma_semaphore, #tpu.memory_space<semaphore_mem>>) {add = true}
        %dma_wait3A_1103 = arith.constant 0 : i32
        %dma_wait3A_1104 = tpu.memref_slice %arg7[%add3A_1045, %dma_wait3A_1103] : memref<10x100xi32, #tpu.memory_space<vmem>> -> memref<1x100xi32, #tpu.memory_space<vmem>>
        %dma_wait3A_1105 = tpu.memref_squeeze %dma_wait3A_1104 : memref<1x100xi32, #tpu.memory_space<vmem>> -> memref<100xi32, #tpu.memory_space<vmem>>
        %dma_wait3A_1106 = arith.constant 0 : i32
        %dma_wait3A_1107 = arith.constant 0 : i32
        %dma_wait3A_1108 = tpu.memref_slice %arg18[%dma_wait3A_1106, %dma_wait3A_1107] : memref<10000x128xf32, #tpu.memory_space<vmem_shared>> -> memref<10000x128xf32, #tpu.memory_space<vmem_shared>>
        tpu.wait_indirect_dma semaphore(%run_scoped3A_1096 : memref<!tpu.dma_semaphore, #tpu.memory_space<semaphore_mem>>) src(%arg10 : memref<100x128xf32, #tpu.memory_space<vmem>>) dst(%dma_wait3A_1108 : memref<10000x128xf32, #tpu.memory_space<vmem_shared>>)
        tpu.yield
      }) : () -> ()
      %add3A_1046 = arith.constant 0 : i32
      %add3A_1047 = arith.addi %mul3A_1035, %add3A_1046 : i32
      %add3A_1048 = arith.constant 3 : i32
      %add3A_1049 = arith.addi %add3A_1047, %add3A_1048 : i32
      %dma_start3A_1050 = arith.constant 0 : i32
      %dma_start3A_1051 = tpu.memref_slice %arg6[%add3A_1049, %dma_start3A_1050] : memref<10x100xi32, #tpu.memory_space<vmem>> -> memref<1x100xi32, #tpu.memory_space<vmem>>
      %dma_start3A_1052 = tpu.memref_squeeze %dma_start3A_1051 : memref<1x100xi32, #tpu.memory_space<vmem>> -> memref<100xi32, #tpu.memory_space<vmem>>
      %dma_start3A_1053 = arith.constant 0 : i32
      %dma_start3A_1054 = arith.constant 0 : i32
      %dma_start3A_1055 = tpu.memref_slice %arg2[%dma_start3A_1053, %dma_start3A_1054] : memref<10000x128xf32, #tpu.memory_space<hbm>> -> memref<10000x128xf32, #tpu.memory_space<hbm>>
      tpu.enqueue_indirect_dma source(%dma_start3A_1055 : memref<10000x128xf32, #tpu.memory_space<hbm>>) target(%arg10 : memref<100x128xf32, #tpu.memory_space<vmem>>) offsets(%dma_start3A_1052 : memref<100xi32, #tpu.memory_space<vmem>>) semaphore(%arg13 : memref<!tpu.dma_semaphore, #tpu.memory_space<semaphore_mem>>)
      %add3A_1056 = arith.constant 1 : i32
      %add3A_1057 = arith.addi %mul3A_1035, %add3A_1056 : i32
      %dma_wait3A_1058 = arith.constant 0 : i32
      %dma_wait3A_1059 = tpu.memref_slice %arg6[%add3A_1057, %dma_wait3A_1058] : memref<10x100xi32, #tpu.memory_space<vmem>> -> memref<1x100xi32, #tpu.memory_space<vmem>>
      %dma_wait3A_1060 = tpu.memref_squeeze %dma_wait3A_1059 : memref<1x100xi32, #tpu.memory_space<vmem>> -> memref<100xi32, #tpu.memory_space<vmem>>
      %dma_wait3A_1061 = arith.constant 0 : i32
      %dma_wait3A_1062 = arith.constant 0 : i32
      %dma_wait3A_1063 = tpu.memref_slice %arg2[%dma_wait3A_1061, %dma_wait3A_1062] : memref<10000x128xf32, #tpu.memory_space<hbm>> -> memref<10000x128xf32, #tpu.memory_space<hbm>>
      tpu.wait_indirect_dma semaphore(%arg14 : memref<!tpu.dma_semaphore, #tpu.memory_space<semaphore_mem>>) src(%dma_wait3A_1063 : memref<10000x128xf32, #tpu.memory_space<hbm>>) dst(%arg11 : memref<100x128xf32, #tpu.memory_space<vmem>>)
      %add3A_1064 = arith.constant 1 : i32
      %add3A_1065 = arith.addi %mul3A_1035, %add3A_1064 : i32
      "tpu.region"() ({
        %run_scoped3A_1096 = tpu.sem_alloc : memref<!tpu.dma_semaphore, #tpu.memory_space<semaphore_mem>>
        %dma_start3A_1097 = arith.constant 0 : i32
        %dma_start3A_1098 = tpu.memref_slice %arg7[%add3A_1065, %dma_start3A_1097] : memref<10x100xi32, #tpu.memory_space<vmem>> -> memref<1x100xi32, #tpu.memory_space<vmem>>
        %dma_start3A_1099 = tpu.memref_squeeze %dma_start3A_1098 : memref<1x100xi32, #tpu.memory_space<vmem>> -> memref<100xi32, #tpu.memory_space<vmem>>
        %dma_start3A_1100 = arith.constant 0 : i32
        %dma_start3A_1101 = arith.constant 0 : i32
        %dma_start3A_1102 = tpu.memref_slice %arg18[%dma_start3A_1100, %dma_start3A_1101] : memref<10000x128xf32, #tpu.memory_space<vmem_shared>> -> memref<10000x128xf32, #tpu.memory_space<vmem_shared>>
        tpu.enqueue_indirect_dma source(%arg11 : memref<100x128xf32, #tpu.memory_space<vmem>>) target(%dma_start3A_1102 : memref<10000x128xf32, #tpu.memory_space<vmem_shared>>) offsets(%dma_start3A_1099 : memref<100xi32, #tpu.memory_space<vmem>>) semaphore(%run_scoped3A_1096 : memref<!tpu.dma_semaphore, #tpu.memory_space<semaphore_mem>>) {add = true}
        %dma_wait3A_1103 = arith.constant 0 : i32
        %dma_wait3A_1104 = tpu.memref_slice %arg7[%add3A_1065, %dma_wait3A_1103] : memref<10x100xi32, #tpu.memory_space<vmem>> -> memref<1x100xi32, #tpu.memory_space<vmem>>
        %dma_wait3A_1105 = tpu.memref_squeeze %dma_wait3A_1104 : memref<1x100xi32, #tpu.memory_space<vmem>> -> memref<100xi32, #tpu.memory_space<vmem>>
        %dma_wait3A_1106 = arith.constant 0 : i32
        %dma_wait3A_1107 = arith.constant 0 : i32
        %dma_wait3A_1108 = tpu.memref_slice %arg18[%dma_wait3A_1106, %dma_wait3A_1107] : memref<10000x128xf32, #tpu.memory_space<vmem_shared>> -> memref<10000x128xf32, #tpu.memory_space<vmem_shared>>
        tpu.wait_indirect_dma semaphore(%run_scoped3A_1096 : memref<!tpu.dma_semaphore, #tpu.memory_space<semaphore_mem>>) src(%arg11 : memref<100x128xf32, #tpu.memory_space<vmem>>) dst(%dma_wait3A_1108 : memref<10000x128xf32, #tpu.memory_space<vmem_shared>>)
        tpu.yield
      }) : () -> ()
      %add3A_1066 = arith.constant 1 : i32
      %add3A_1067 = arith.addi %mul3A_1035, %add3A_1066 : i32
      %add3A_1068 = arith.constant 3 : i32
      %add3A_1069 = arith.addi %add3A_1067, %add3A_1068 : i32
      %dma_start3A_1070 = arith.constant 0 : i32
      %dma_start3A_1071 = tpu.memref_slice %arg6[%add3A_1069, %dma_start3A_1070] : memref<10x100xi32, #tpu.memory_space<vmem>> -> memref<1x100xi32, #tpu.memory_space<vmem>>
      %dma_start3A_1072 = tpu.memref_squeeze %dma_start3A_1071 : memref<1x100xi32, #tpu.memory_space<vmem>> -> memref<100xi32, #tpu.memory_space<vmem>>
      %dma_start3A_1073 = arith.constant 0 : i32
      %dma_start3A_1074 = arith.constant 0 : i32
      %dma_start3A_1075 = tpu.memref_slice %arg2[%dma_start3A_1073, %dma_start3A_1074] : memref<10000x128xf32, #tpu.memory_space<hbm>> -> memref<10000x128xf32, #tpu.memory_space<hbm>>
      tpu.enqueue_indirect_dma source(%dma_start3A_1075 : memref<10000x128xf32, #tpu.memory_space<hbm>>) target(%arg11 : memref<100x128xf32, #tpu.memory_space<vmem>>) offsets(%dma_start3A_1072 : memref<100xi32, #tpu.memory_space<vmem>>) semaphore(%arg14 : memref<!tpu.dma_semaphore, #tpu.memory_space<semaphore_mem>>)
      %add3A_1076 = arith.constant 2 : i32
      %add3A_1077 = arith.addi %mul3A_1035, %add3A_1076 : i32
      %dma_wait3A_1078 = arith.constant 0 : i32
      %dma_wait3A_1079 = tpu.memref_slice %arg6[%add3A_1077, %dma_wait3A_1078] : memref<10x100xi32, #tpu.memory_space<vmem>> -> memref<1x100xi32, #tpu.memory_space<vmem>>
      %dma_wait3A_1080 = tpu.memref_squeeze %dma_wait3A_1079 : memref<1x100xi32, #tpu.memory_space<vmem>> -> memref<100xi32, #tpu.memory_space<vmem>>
      %dma_wait3A_1081 = arith.constant 0 : i32
      %dma_wait3A_1082 = arith.constant 0 : i32
      %dma_wait3A_1083 = tpu.memref_slice %arg2[%dma_wait3A_1081, %dma_wait3A_1082] : memref<10000x128xf32, #tpu.memory_space<hbm>> -> memref<10000x128xf32, #tpu.memory_space<hbm>>
      tpu.wait_indirect_dma semaphore(%arg15 : memref<!tpu.dma_semaphore, #tpu.memory_space<semaphore_mem>>) src(%dma_wait3A_1083 : memref<10000x128xf32, #tpu.memory_space<hbm>>) dst(%arg12 : memref<100x128xf32, #tpu.memory_space<vmem>>)
      %add3A_1084 = arith.constant 2 : i32
      %add3A_1085 = arith.addi %mul3A_1035, %add3A_1084 : i32
      "tpu.region"() ({
        %run_scoped3A_1096 = tpu.sem_alloc : memref<!tpu.dma_semaphore, #tpu.memory_space<semaphore_mem>>
        %dma_start3A_1097 = arith.constant 0 : i32
        %dma_start3A_1098 = tpu.memref_slice %arg7[%add3A_1085, %dma_start3A_1097] : memref<10x100xi32, #tpu.memory_space<vmem>> -> memref<1x100xi32, #tpu.memory_space<vmem>>
        %dma_start3A_1099 = tpu.memref_squeeze %dma_start3A_1098 : memref<1x100xi32, #tpu.memory_space<vmem>> -> memref<100xi32, #tpu.memory_space<vmem>>
        %dma_start3A_1100 = arith.constant 0 : i32
        %dma_start3A_1101 = arith.constant 0 : i32
        %dma_start3A_1102 = tpu.memref_slice %arg18[%dma_start3A_1100, %dma_start3A_1101] : memref<10000x128xf32, #tpu.memory_space<vmem_shared>> -> memref<10000x128xf32, #tpu.memory_space<vmem_shared>>
        tpu.enqueue_indirect_dma source(%arg12 : memref<100x128xf32, #tpu.memory_space<vmem>>) target(%dma_start3A_1102 : memref<10000x128xf32, #tpu.memory_space<vmem_shared>>) offsets(%dma_start3A_1099 : memref<100xi32, #tpu.memory_space<vmem>>) semaphore(%run_scoped3A_1096 : memref<!tpu.dma_semaphore, #tpu.memory_space<semaphore_mem>>) {add = true}
        %dma_wait3A_1103 = arith.constant 0 : i32
        %dma_wait3A_1104 = tpu.memref_slice %arg7[%add3A_1085, %dma_wait3A_1103] : memref<10x100xi32, #tpu.memory_space<vmem>> -> memref<1x100xi32, #tpu.memory_space<vmem>>
        %dma_wait3A_1105 = tpu.memref_squeeze %dma_wait3A_1104 : memref<1x100xi32, #tpu.memory_space<vmem>> -> memref<100xi32, #tpu.memory_space<vmem>>
        %dma_wait3A_1106 = arith.constant 0 : i32
        %dma_wait3A_1107 = arith.constant 0 : i32
        %dma_wait3A_1108 = tpu.memref_slice %arg18[%dma_wait3A_1106, %dma_wait3A_1107] : memref<10000x128xf32, #tpu.memory_space<vmem_shared>> -> memref<10000x128xf32, #tpu.memory_space<vmem_shared>>
        tpu.wait_indirect_dma semaphore(%run_scoped3A_1096 : memref<!tpu.dma_semaphore, #tpu.memory_space<semaphore_mem>>) src(%arg12 : memref<100x128xf32, #tpu.memory_space<vmem>>) dst(%dma_wait3A_1108 : memref<10000x128xf32, #tpu.memory_space<vmem_shared>>)
        tpu.yield
      }) : () -> ()
      %add3A_1086 = arith.constant 2 : i32
      %add3A_1087 = arith.addi %mul3A_1035, %add3A_1086 : i32
      %add3A_1088 = arith.constant 3 : i32
      %add3A_1089 = arith.addi %add3A_1087, %add3A_1088 : i32
      %dma_start3A_1090 = arith.constant 0 : i32
      %dma_start3A_1091 = tpu.memref_slice %arg6[%add3A_1089, %dma_start3A_1090] : memref<10x100xi32, #tpu.memory_space<vmem>> -> memref<1x100xi32, #tpu.memory_space<vmem>>
      %dma_start3A_1092 = tpu.memref_squeeze %dma_start3A_1091 : memref<1x100xi32, #tpu.memory_space<vmem>> -> memref<100xi32, #tpu.memory_space<vmem>>
      %dma_start3A_1093 = arith.constant 0 : i32
      %dma_start3A_1094 = arith.constant 0 : i32
      %dma_start3A_1095 = tpu.memref_slice %arg2[%dma_start3A_1093, %dma_start3A_1094] : memref<10000x128xf32, #tpu.memory_space<hbm>> -> memref<10000x128xf32, #tpu.memory_space<hbm>>
      tpu.enqueue_indirect_dma source(%dma_start3A_1095 : memref<10000x128xf32, #tpu.memory_space<hbm>>) target(%arg12 : memref<100x128xf32, #tpu.memory_space<vmem>>) offsets(%dma_start3A_1092 : memref<100xi32, #tpu.memory_space<vmem>>) semaphore(%arg15 : memref<!tpu.dma_semaphore, #tpu.memory_space<semaphore_mem>>)
    }
    %scan3A_294 = arith.constant 2 : i32
    %dma_wait3A_295 = arith.constant 3 : i32
    %dma_wait3A_296 = arith.constant 0 : i32
    %dma_wait3A_297 = arith.constant 0 : i32
    %dma_wait3A_298 = tpu.memref_slice %arg3[%add3A, %dma_wait3A_295, %dma_wait3A_296, %dma_wait3A_297] : memref<32x10x10x100xi32, #tpu.memory_space<hbm>> -> memref<1x1x10x100xi32, #tpu.memory_space<hbm>>
    %dma_wait3A_299 = tpu.memref_squeeze %dma_wait3A_298 : memref<1x1x10x100xi32, #tpu.memory_space<hbm>> -> memref<10x100xi32, #tpu.memory_space<hbm>>
    %dma_wait3A_300 = arith.constant 0 : i32
    %dma_wait3A_301 = arith.constant 0 : i32
    %dma_wait3A_302 = tpu.memref_slice %arg3[%add3A, %dma_wait3A_295, %dma_wait3A_300, %dma_wait3A_301] : memref<32x10x10x100xi32, #tpu.memory_space<hbm>> -> memref<1x1x10x100xi32, #tpu.memory_space<hbm>>
    %dma_wait3A_303 = tpu.memref_squeeze %dma_wait3A_302 : memref<1x1x10x100xi32, #tpu.memory_space<hbm>> -> memref<10x100xi32, #tpu.memory_space<hbm>>
    tpu.wait_dma2 semaphore(%arg16 : memref<!tpu.dma_semaphore, #tpu.memory_space<semaphore_mem>>) src(%dma_wait3A_303 : memref<10x100xi32, #tpu.memory_space<hbm>>) dst(%arg8 : memref<10x100xi32, #tpu.memory_space<vmem>>)
    %dma_wait3A_304 = arith.constant 3 : i32
    %dma_wait3A_305 = arith.constant 0 : i32
    %dma_wait3A_306 = arith.constant 0 : i32
    %dma_wait3A_307 = tpu.memref_slice %arg4[%add3A, %dma_wait3A_304, %dma_wait3A_305, %dma_wait3A_306] : memref<32x10x10x100xi32, #tpu.memory_space<hbm>> -> memref<1x1x10x100xi32, #tpu.memory_space<hbm>>
    %dma_wait3A_308 = tpu.memref_squeeze %dma_wait3A_307 : memref<1x1x10x100xi32, #tpu.memory_space<hbm>> -> memref<10x100xi32, #tpu.memory_space<hbm>>
    %dma_wait3A_309 = arith.constant 0 : i32
    %dma_wait3A_310 = arith.constant 0 : i32
    %dma_wait3A_311 = tpu.memref_slice %arg4[%add3A, %dma_wait3A_304, %dma_wait3A_309, %dma_wait3A_310] : memref<32x10x10x100xi32, #tpu.memory_space<hbm>> -> memref<1x1x10x100xi32, #tpu.memory_space<hbm>>
    %dma_wait3A_312 = tpu.memref_squeeze %dma_wait3A_311 : memref<1x1x10x100xi32, #tpu.memory_space<hbm>> -> memref<10x100xi32, #tpu.memory_space<hbm>>
    tpu.wait_dma2 semaphore(%arg17 : memref<!tpu.dma_semaphore, #tpu.memory_space<semaphore_mem>>) src(%dma_wait3A_312 : memref<10x100xi32, #tpu.memory_space<hbm>>) dst(%arg9 : memref<10x100xi32, #tpu.memory_space<vmem>>)
    %dma_wait3A_313 = arith.constant 6 : i32
    %dma_wait3A_314 = arith.constant 0 : i32
    %dma_wait3A_315 = tpu.memref_slice %arg6[%dma_wait3A_313, %dma_wait3A_314] : memref<10x100xi32, #tpu.memory_space<vmem>> -> memref<1x100xi32, #tpu.memory_space<vmem>>
    %dma_wait3A_316 = tpu.memref_squeeze %dma_wait3A_315 : memref<1x100xi32, #tpu.memory_space<vmem>> -> memref<100xi32, #tpu.memory_space<vmem>>
    %dma_wait3A_317 = arith.constant 0 : i32
    %dma_wait3A_318 = arith.constant 0 : i32
    %dma_wait3A_319 = tpu.memref_slice %arg2[%dma_wait3A_317, %dma_wait3A_318] : memref<10000x128xf32, #tpu.memory_space<hbm>> -> memref<10000x128xf32, #tpu.memory_space<hbm>>
    tpu.wait_indirect_dma semaphore(%arg13 : memref<!tpu.dma_semaphore, #tpu.memory_space<semaphore_mem>>) src(%dma_wait3A_319 : memref<10000x128xf32, #tpu.memory_space<hbm>>) dst(%arg10 : memref<100x128xf32, #tpu.memory_space<vmem>>)
    %run_scoped3A_320 = arith.constant 6 : i32
    "tpu.region"() ({
      %run_scoped3A_1029 = tpu.sem_alloc : memref<!tpu.dma_semaphore, #tpu.memory_space<semaphore_mem>>
      %dma_start3A_1030 = arith.constant 0 : i32
      %dma_start3A_1031 = tpu.memref_slice %arg7[%run_scoped3A_320, %dma_start3A_1030] : memref<10x100xi32, #tpu.memory_space<vmem>> -> memref<1x100xi32, #tpu.memory_space<vmem>>
      %dma_start3A_1032 = tpu.memref_squeeze %dma_start3A_1031 : memref<1x100xi32, #tpu.memory_space<vmem>> -> memref<100xi32, #tpu.memory_space<vmem>>
      %dma_start3A_1033 = arith.constant 0 : i32
      %dma_start3A_1034 = arith.constant 0 : i32
      %dma_start3A_1035 = tpu.memref_slice %arg18[%dma_start3A_1033, %dma_start3A_1034] : memref<10000x128xf32, #tpu.memory_space<vmem_shared>> -> memref<10000x128xf32, #tpu.memory_space<vmem_shared>>
      tpu.enqueue_indirect_dma source(%arg10 : memref<100x128xf32, #tpu.memory_space<vmem>>) target(%dma_start3A_1035 : memref<10000x128xf32, #tpu.memory_space<vmem_shared>>) offsets(%dma_start3A_1032 : memref<100xi32, #tpu.memory_space<vmem>>) semaphore(%run_scoped3A_1029 : memref<!tpu.dma_semaphore, #tpu.memory_space<semaphore_mem>>) {add = true}
      %dma_wait3A_1036 = arith.constant 0 : i32
      %dma_wait3A_1037 = tpu.memref_slice %arg7[%run_scoped3A_320, %dma_wait3A_1036] : memref<10x100xi32, #tpu.memory_space<vmem>> -> memref<1x100xi32, #tpu.memory_space<vmem>>
      %dma_wait3A_1038 = tpu.memref_squeeze %dma_wait3A_1037 : memref<1x100xi32, #tpu.memory_space<vmem>> -> memref<100xi32, #tpu.memory_space<vmem>>
      %dma_wait3A_1039 = arith.constant 0 : i32
      %dma_wait3A_1040 = arith.constant 0 : i32
      %dma_wait3A_1041 = tpu.memref_slice %arg18[%dma_wait3A_1039, %dma_wait3A_1040] : memref<10000x128xf32, #tpu.memory_space<vmem_shared>> -> memref<10000x128xf32, #tpu.memory_space<vmem_shared>>
      tpu.wait_indirect_dma semaphore(%run_scoped3A_1029 : memref<!tpu.dma_semaphore, #tpu.memory_space<semaphore_mem>>) src(%arg10 : memref<100x128xf32, #tpu.memory_space<vmem>>) dst(%dma_wait3A_1041 : memref<10000x128xf32, #tpu.memory_space<vmem_shared>>)
      tpu.yield
    }) : () -> ()
    %dma_start3A_321 = arith.constant 9 : i32
    %dma_start3A_322 = arith.constant 0 : i32
    %dma_start3A_323 = tpu.memref_slice %arg6[%dma_start3A_321, %dma_start3A_322] : memref<10x100xi32, #tpu.memory_space<vmem>> -> memref<1x100xi32, #tpu.memory_space<vmem>>
    %dma_start3A_324 = tpu.memref_squeeze %dma_start3A_323 : memref<1x100xi32, #tpu.memory_space<vmem>> -> memref<100xi32, #tpu.memory_space<vmem>>
    %dma_start3A_325 = arith.constant 0 : i32
    %dma_start3A_326 = arith.constant 0 : i32
    %dma_start3A_327 = tpu.memref_slice %arg2[%dma_start3A_325, %dma_start3A_326] : memref<10000x128xf32, #tpu.memory_space<hbm>> -> memref<10000x128xf32, #tpu.memory_space<hbm>>
    tpu.enqueue_indirect_dma source(%dma_start3A_327 : memref<10000x128xf32, #tpu.memory_space<hbm>>) target(%arg10 : memref<100x128xf32, #tpu.memory_space<vmem>>) offsets(%dma_start3A_324 : memref<100xi32, #tpu.memory_space<vmem>>) semaphore(%arg13 : memref<!tpu.dma_semaphore, #tpu.memory_space<semaphore_mem>>)
    %dma_wait3A_328 = arith.constant 7 : i32
    %dma_wait3A_329 = arith.constant 0 : i32
    %dma_wait3A_330 = tpu.memref_slice %arg6[%dma_wait3A_328, %dma_wait3A_329] : memref<10x100xi32, #tpu.memory_space<vmem>> -> memref<1x100xi32, #tpu.memory_space<vmem>>
    %dma_wait3A_331 = tpu.memref_squeeze %dma_wait3A_330 : memref<1x100xi32, #tpu.memory_space<vmem>> -> memref<100xi32, #tpu.memory_space<vmem>>
    %dma_wait3A_332 = arith.constant 0 : i32
    %dma_wait3A_333 = arith.constant 0 : i32
    %dma_wait3A_334 = tpu.memref_slice %arg2[%dma_wait3A_332, %dma_wait3A_333] : memref<10000x128xf32, #tpu.memory_space<hbm>> -> memref<10000x128xf32, #tpu.memory_space<hbm>>
    tpu.wait_indirect_dma semaphore(%arg14 : memref<!tpu.dma_semaphore, #tpu.memory_space<semaphore_mem>>) src(%dma_wait3A_334 : memref<10000x128xf32, #tpu.memory_space<hbm>>) dst(%arg11 : memref<100x128xf32, #tpu.memory_space<vmem>>)
    %run_scoped3A_335 = arith.constant 7 : i32
    "tpu.region"() ({
      %run_scoped3A_1029 = tpu.sem_alloc : memref<!tpu.dma_semaphore, #tpu.memory_space<semaphore_mem>>
      %dma_start3A_1030 = arith.constant 0 : i32
      %dma_start3A_1031 = tpu.memref_slice %arg7[%run_scoped3A_335, %dma_start3A_1030] : memref<10x100xi32, #tpu.memory_space<vmem>> -> memref<1x100xi32, #tpu.memory_space<vmem>>
      %dma_start3A_1032 = tpu.memref_squeeze %dma_start3A_1031 : memref<1x100xi32, #tpu.memory_space<vmem>> -> memref<100xi32, #tpu.memory_space<vmem>>
      %dma_start3A_1033 = arith.constant 0 : i32
      %dma_start3A_1034 = arith.constant 0 : i32
      %dma_start3A_1035 = tpu.memref_slice %arg18[%dma_start3A_1033, %dma_start3A_1034] : memref<10000x128xf32, #tpu.memory_space<vmem_shared>> -> memref<10000x128xf32, #tpu.memory_space<vmem_shared>>
      tpu.enqueue_indirect_dma source(%arg11 : memref<100x128xf32, #tpu.memory_space<vmem>>) target(%dma_start3A_1035 : memref<10000x128xf32, #tpu.memory_space<vmem_shared>>) offsets(%dma_start3A_1032 : memref<100xi32, #tpu.memory_space<vmem>>) semaphore(%run_scoped3A_1029 : memref<!tpu.dma_semaphore, #tpu.memory_space<semaphore_mem>>) {add = true}
      %dma_wait3A_1036 = arith.constant 0 : i32
      %dma_wait3A_1037 = tpu.memref_slice %arg7[%run_scoped3A_335, %dma_wait3A_1036] : memref<10x100xi32, #tpu.memory_space<vmem>> -> memref<1x100xi32, #tpu.memory_space<vmem>>
      %dma_wait3A_1038 = tpu.memref_squeeze %dma_wait3A_1037 : memref<1x100xi32, #tpu.memory_space<vmem>> -> memref<100xi32, #tpu.memory_space<vmem>>
      %dma_wait3A_1039 = arith.constant 0 : i32
      %dma_wait3A_1040 = arith.constant 0 : i32
      %dma_wait3A_1041 = tpu.memref_slice %arg18[%dma_wait3A_1039, %dma_wait3A_1040] : memref<10000x128xf32, #tpu.memory_space<vmem_shared>> -> memref<10000x128xf32, #tpu.memory_space<vmem_shared>>
      tpu.wait_indirect_dma semaphore(%run_scoped3A_1029 : memref<!tpu.dma_semaphore, #tpu.memory_space<semaphore_mem>>) src(%arg11 : memref<100x128xf32, #tpu.memory_space<vmem>>) dst(%dma_wait3A_1041 : memref<10000x128xf32, #tpu.memory_space<vmem_shared>>)
      tpu.yield
    }) : () -> ()
    %dma_start3A_336 = arith.constant 1 : i32
    %dma_start3A_337 = arith.constant 0 : i32
    %dma_start3A_338 = tpu.memref_slice %arg8[%dma_start3A_336, %dma_start3A_337] : memref<10x100xi32, #tpu.memory_space<vmem>> -> memref<1x100xi32, #tpu.memory_space<vmem>>
    %dma_start3A_339 = tpu.memref_squeeze %dma_start3A_338 : memref<1x100xi32, #tpu.memory_space<vmem>> -> memref<100xi32, #tpu.memory_space<vmem>>
    %dma_start3A_340 = arith.constant 0 : i32
    %dma_start3A_341 = arith.constant 0 : i32
    %dma_start3A_342 = tpu.memref_slice %arg2[%dma_start3A_340, %dma_start3A_341] : memref<10000x128xf32, #tpu.memory_space<hbm>> -> memref<10000x128xf32, #tpu.memory_space<hbm>>
    tpu.enqueue_indirect_dma source(%dma_start3A_342 : memref<10000x128xf32, #tpu.memory_space<hbm>>) target(%arg11 : memref<100x128xf32, #tpu.memory_space<vmem>>) offsets(%dma_start3A_339 : memref<100xi32, #tpu.memory_space<vmem>>) semaphore(%arg14 : memref<!tpu.dma_semaphore, #tpu.memory_space<semaphore_mem>>)
    %dma_wait3A_343 = arith.constant 8 : i32
    %dma_wait3A_344 = arith.constant 0 : i32
    %dma_wait3A_345 = tpu.memref_slice %arg6[%dma_wait3A_343, %dma_wait3A_344] : memref<10x100xi32, #tpu.memory_space<vmem>> -> memref<1x100xi32, #tpu.memory_space<vmem>>
    %dma_wait3A_346 = tpu.memref_squeeze %dma_wait3A_345 : memref<1x100xi32, #tpu.memory_space<vmem>> -> memref<100xi32, #tpu.memory_space<vmem>>
    %dma_wait3A_347 = arith.constant 0 : i32
    %dma_wait3A_348 = arith.constant 0 : i32
    %dma_wait3A_349 = tpu.memref_slice %arg2[%dma_wait3A_347, %dma_wait3A_348] : memref<10000x128xf32, #tpu.memory_space<hbm>> -> memref<10000x128xf32, #tpu.memory_space<hbm>>
    tpu.wait_indirect_dma semaphore(%arg15 : memref<!tpu.dma_semaphore, #tpu.memory_space<semaphore_mem>>) src(%dma_wait3A_349 : memref<10000x128xf32, #tpu.memory_space<hbm>>) dst(%arg12 : memref<100x128xf32, #tpu.memory_space<vmem>>)
    %run_scoped3A_350 = arith.constant 8 : i32
    "tpu.region"() ({
      %run_scoped3A_1029 = tpu.sem_alloc : memref<!tpu.dma_semaphore, #tpu.memory_space<semaphore_mem>>
      %dma_start3A_1030 = arith.constant 0 : i32
      %dma_start3A_1031 = tpu.memref_slice %arg7[%run_scoped3A_350, %dma_start3A_1030] : memref<10x100xi32, #tpu.memory_space<vmem>> -> memref<1x100xi32, #tpu.memory_space<vmem>>
      %dma_start3A_1032 = tpu.memref_squeeze %dma_start3A_1031 : memref<1x100xi32, #tpu.memory_space<vmem>> -> memref<100xi32, #tpu.memory_space<vmem>>
      %dma_start3A_1033 = arith.constant 0 : i32
      %dma_start3A_1034 = arith.constant 0 : i32
      %dma_start3A_1035 = tpu.memref_slice %arg18[%dma_start3A_1033, %dma_start3A_1034] : memref<10000x128xf32, #tpu.memory_space<vmem_shared>> -> memref<10000x128xf32, #tpu.memory_space<vmem_shared>>
      tpu.enqueue_indirect_dma source(%arg12 : memref<100x128xf32, #tpu.memory_space<vmem>>) target(%dma_start3A_1035 : memref<10000x128xf32, #tpu.memory_space<vmem_shared>>) offsets(%dma_start3A_1032 : memref<100xi32, #tpu.memory_space<vmem>>) semaphore(%run_scoped3A_1029 : memref<!tpu.dma_semaphore, #tpu.memory_space<semaphore_mem>>) {add = true}
      %dma_wait3A_1036 = arith.constant 0 : i32
      %dma_wait3A_1037 = tpu.memref_slice %arg7[%run_scoped3A_350, %dma_wait3A_1036] : memref<10x100xi32, #tpu.memory_space<vmem>> -> memref<1x100xi32, #tpu.memory_space<vmem>>
      %dma_wait3A_1038 = tpu.memref_squeeze %dma_wait3A_1037 : memref<1x100xi32, #tpu.memory_space<vmem>> -> memref<100xi32, #tpu.memory_space<vmem>>
      %dma_wait3A_1039 = arith.constant 0 : i32
      %dma_wait3A_1040 = arith.constant 0 : i32
      %dma_wait3A_1041 = tpu.memref_slice %arg18[%dma_wait3A_1039, %dma_wait3A_1040] : memref<10000x128xf32, #tpu.memory_space<vmem_shared>> -> memref<10000x128xf32, #tpu.memory_space<vmem_shared>>
      tpu.wait_indirect_dma semaphore(%run_scoped3A_1029 : memref<!tpu.dma_semaphore, #tpu.memory_space<semaphore_mem>>) src(%arg12 : memref<100x128xf32, #tpu.memory_space<vmem>>) dst(%dma_wait3A_1041 : memref<10000x128xf32, #tpu.memory_space<vmem_shared>>)
      tpu.yield
    }) : () -> ()
    %dma_start3A_351 = arith.constant 2 : i32
    %dma_start3A_352 = arith.constant 0 : i32
    %dma_start3A_353 = tpu.memref_slice %arg8[%dma_start3A_351, %dma_start3A_352] : memref<10x100xi32, #tpu.memory_space<vmem>> -> memref<1x100xi32, #tpu.memory_space<vmem>>
    %dma_start3A_354 = tpu.memref_squeeze %dma_start3A_353 : memref<1x100xi32, #tpu.memory_space<vmem>> -> memref<100xi32, #tpu.memory_space<vmem>>
    %dma_start3A_355 = arith.constant 0 : i32
    %dma_start3A_356 = arith.constant 0 : i32
    %dma_start3A_357 = tpu.memref_slice %arg2[%dma_start3A_355, %dma_start3A_356] : memref<10000x128xf32, #tpu.memory_space<hbm>> -> memref<10000x128xf32, #tpu.memory_space<hbm>>
    tpu.enqueue_indirect_dma source(%dma_start3A_357 : memref<10000x128xf32, #tpu.memory_space<hbm>>) target(%arg12 : memref<100x128xf32, #tpu.memory_space<vmem>>) offsets(%dma_start3A_354 : memref<100xi32, #tpu.memory_space<vmem>>) semaphore(%arg15 : memref<!tpu.dma_semaphore, #tpu.memory_space<semaphore_mem>>)
    %dma_wait3A_358 = arith.constant 9 : i32
    %dma_wait3A_359 = arith.constant 0 : i32
    %dma_wait3A_360 = tpu.memref_slice %arg6[%dma_wait3A_358, %dma_wait3A_359] : memref<10x100xi32, #tpu.memory_space<vmem>> -> memref<1x100xi32, #tpu.memory_space<vmem>>
    %dma_wait3A_361 = tpu.memref_squeeze %dma_wait3A_360 : memref<1x100xi32, #tpu.memory_space<vmem>> -> memref<100xi32, #tpu.memory_space<vmem>>
    %dma_wait3A_362 = arith.constant 0 : i32
    %dma_wait3A_363 = arith.constant 0 : i32
    %dma_wait3A_364 = tpu.memref_slice %arg2[%dma_wait3A_362, %dma_wait3A_363] : memref<10000x128xf32, #tpu.memory_space<hbm>> -> memref<10000x128xf32, #tpu.memory_space<hbm>>
    tpu.wait_indirect_dma semaphore(%arg13 : memref<!tpu.dma_semaphore, #tpu.memory_space<semaphore_mem>>) src(%dma_wait3A_364 : memref<10000x128xf32, #tpu.memory_space<hbm>>) dst(%arg10 : memref<100x128xf32, #tpu.memory_space<vmem>>)
    %run_scoped3A_365 = arith.constant 9 : i32
    "tpu.region"() ({
      %run_scoped3A_1029 = tpu.sem_alloc : memref<!tpu.dma_semaphore, #tpu.memory_space<semaphore_mem>>
      %dma_start3A_1030 = arith.constant 0 : i32
      %dma_start3A_1031 = tpu.memref_slice %arg7[%run_scoped3A_365, %dma_start3A_1030] : memref<10x100xi32, #tpu.memory_space<vmem>> -> memref<1x100xi32, #tpu.memory_space<vmem>>
      %dma_start3A_1032 = tpu.memref_squeeze %dma_start3A_1031 : memref<1x100xi32, #tpu.memory_space<vmem>> -> memref<100xi32, #tpu.memory_space<vmem>>
      %dma_start3A_1033 = arith.constant 0 : i32
      %dma_start3A_1034 = arith.constant 0 : i32
      %dma_start3A_1035 = tpu.memref_slice %arg18[%dma_start3A_1033, %dma_start3A_1034] : memref<10000x128xf32, #tpu.memory_space<vmem_shared>> -> memref<10000x128xf32, #tpu.memory_space<vmem_shared>>
      tpu.enqueue_indirect_dma source(%arg10 : memref<100x128xf32, #tpu.memory_space<vmem>>) target(%dma_start3A_1035 : memref<10000x128xf32, #tpu.memory_space<vmem_shared>>) offsets(%dma_start3A_1032 : memref<100xi32, #tpu.memory_space<vmem>>) semaphore(%run_scoped3A_1029 : memref<!tpu.dma_semaphore, #tpu.memory_space<semaphore_mem>>) {add = true}
      %dma_wait3A_1036 = arith.constant 0 : i32
      %dma_wait3A_1037 = tpu.memref_slice %arg7[%run_scoped3A_365, %dma_wait3A_1036] : memref<10x100xi32, #tpu.memory_space<vmem>> -> memref<1x100xi32, #tpu.memory_space<vmem>>
      %dma_wait3A_1038 = tpu.memref_squeeze %dma_wait3A_1037 : memref<1x100xi32, #tpu.memory_space<vmem>> -> memref<100xi32, #tpu.memory_space<vmem>>
      %dma_wait3A_1039 = arith.constant 0 : i32
      %dma_wait3A_1040 = arith.constant 0 : i32
      %dma_wait3A_1041 = tpu.memref_slice %arg18[%dma_wait3A_1039, %dma_wait3A_1040] : memref<10000x128xf32, #tpu.memory_space<vmem_shared>> -> memref<10000x128xf32, #tpu.memory_space<vmem_shared>>
      tpu.wait_indirect_dma semaphore(%run_scoped3A_1029 : memref<!tpu.dma_semaphore, #tpu.memory_space<semaphore_mem>>) src(%arg10 : memref<100x128xf32, #tpu.memory_space<vmem>>) dst(%dma_wait3A_1041 : memref<10000x128xf32, #tpu.memory_space<vmem_shared>>)
      tpu.yield
    }) : () -> ()
    %dma_start3A_366 = arith.constant 0 : i32
    %dma_start3A_367 = arith.constant 0 : i32
    %dma_start3A_368 = tpu.memref_slice %arg8[%dma_start3A_366, %dma_start3A_367] : memref<10x100xi32, #tpu.memory_space<vmem>> -> memref<1x100xi32, #tpu.memory_space<vmem>>
    %dma_start3A_369 = tpu.memref_squeeze %dma_start3A_368 : memref<1x100xi32, #tpu.memory_space<vmem>> -> memref<100xi32, #tpu.memory_space<vmem>>
    %dma_start3A_370 = arith.constant 0 : i32
    %dma_start3A_371 = arith.constant 0 : i32
    %dma_start3A_372 = tpu.memref_slice %arg2[%dma_start3A_370, %dma_start3A_371] : memref<10000x128xf32, #tpu.memory_space<hbm>> -> memref<10000x128xf32, #tpu.memory_space<hbm>>
    tpu.enqueue_indirect_dma source(%dma_start3A_372 : memref<10000x128xf32, #tpu.memory_space<hbm>>) target(%arg10 : memref<100x128xf32, #tpu.memory_space<vmem>>) offsets(%dma_start3A_369 : memref<100xi32, #tpu.memory_space<vmem>>) semaphore(%arg13 : memref<!tpu.dma_semaphore, #tpu.memory_space<semaphore_mem>>)
    %dma_start3A_373 = arith.constant 4 : i32
    %dma_start3A_374 = arith.constant 0 : i32
    %dma_start3A_375 = arith.constant 0 : i32
    %dma_start3A_376 = tpu.memref_slice %arg3[%add3A, %dma_start3A_373, %dma_start3A_374, %dma_start3A_375] : memref<32x10x10x100xi32, #tpu.memory_space<hbm>> -> memref<1x1x10x100xi32, #tpu.memory_space<hbm>>
    %dma_start3A_377 = tpu.memref_squeeze %dma_start3A_376 : memref<1x1x10x100xi32, #tpu.memory_space<hbm>> -> memref<10x100xi32, #tpu.memory_space<hbm>>
    %dma_start3A_378 = arith.constant 0 : i32
    %dma_start3A_379 = arith.constant 0 : i32
    %dma_start3A_380 = tpu.memref_slice %arg3[%add3A, %dma_start3A_373, %dma_start3A_378, %dma_start3A_379] : memref<32x10x10x100xi32, #tpu.memory_space<hbm>> -> memref<1x1x10x100xi32, #tpu.memory_space<hbm>>
    %dma_start3A_381 = tpu.memref_squeeze %dma_start3A_380 : memref<1x1x10x100xi32, #tpu.memory_space<hbm>> -> memref<10x100xi32, #tpu.memory_space<hbm>>
    tpu.enqueue_dma source(%dma_start3A_381 : memref<10x100xi32, #tpu.memory_space<hbm>>) target(%arg6 : memref<10x100xi32, #tpu.memory_space<vmem>>) target_semaphore(%arg16 : memref<!tpu.dma_semaphore, #tpu.memory_space<semaphore_mem>>)
    %dma_start3A_382 = arith.constant 4 : i32
    %dma_start3A_383 = arith.constant 0 : i32
    %dma_start3A_384 = arith.constant 0 : i32
    %dma_start3A_385 = tpu.memref_slice %arg4[%add3A, %dma_start3A_382, %dma_start3A_383, %dma_start3A_384] : memref<32x10x10x100xi32, #tpu.memory_space<hbm>> -> memref<1x1x10x100xi32, #tpu.memory_space<hbm>>
    %dma_start3A_386 = tpu.memref_squeeze %dma_start3A_385 : memref<1x1x10x100xi32, #tpu.memory_space<hbm>> -> memref<10x100xi32, #tpu.memory_space<hbm>>
    %dma_start3A_387 = arith.constant 0 : i32
    %dma_start3A_388 = arith.constant 0 : i32
    %dma_start3A_389 = tpu.memref_slice %arg4[%add3A, %dma_start3A_382, %dma_start3A_387, %dma_start3A_388] : memref<32x10x10x100xi32, #tpu.memory_space<hbm>> -> memref<1x1x10x100xi32, #tpu.memory_space<hbm>>
    %dma_start3A_390 = tpu.memref_squeeze %dma_start3A_389 : memref<1x1x10x100xi32, #tpu.memory_space<hbm>> -> memref<10x100xi32, #tpu.memory_space<hbm>>
    tpu.enqueue_dma source(%dma_start3A_390 : memref<10x100xi32, #tpu.memory_space<hbm>>) target(%arg7 : memref<10x100xi32, #tpu.memory_space<vmem>>) target_semaphore(%arg17 : memref<!tpu.dma_semaphore, #tpu.memory_space<semaphore_mem>>)
    %scan3A_391 = arith.constant 0 : i32
    %scan3A_392 = arith.constant 2 : i32
    %scan3A_393 = arith.addi %scan3A_391, %scan3A_392 : i32
    %scan3A_394 = arith.constant 1 : i32
    scf.for %scan3A_1029 = %scan3A_391 to %scan3A_393 step %scan3A_394  : i32 {
      %mul3A_1030 = arith.constant 1 : i32
      %mul3A_1031 = arith.muli %scan3A_1029, %mul3A_1030 : i32
      %add3A_1032 = arith.constant 0 : i32
      %add3A_1033 = arith.addi %add3A_1032, %mul3A_1031 : i32
      %mul3A_1034 = arith.constant 3 : i32
      %mul3A_1035 = arith.muli %add3A_1033, %mul3A_1034 : i32
      %add3A_1036 = arith.constant 0 : i32
      %add3A_1037 = arith.addi %mul3A_1035, %add3A_1036 : i32
      %dma_wait3A_1038 = arith.constant 0 : i32
      %dma_wait3A_1039 = tpu.memref_slice %arg8[%add3A_1037, %dma_wait3A_1038] : memref<10x100xi32, #tpu.memory_space<vmem>> -> memref<1x100xi32, #tpu.memory_space<vmem>>
      %dma_wait3A_1040 = tpu.memref_squeeze %dma_wait3A_1039 : memref<1x100xi32, #tpu.memory_space<vmem>> -> memref<100xi32, #tpu.memory_space<vmem>>
      %dma_wait3A_1041 = arith.constant 0 : i32
      %dma_wait3A_1042 = arith.constant 0 : i32
      %dma_wait3A_1043 = tpu.memref_slice %arg2[%dma_wait3A_1041, %dma_wait3A_1042] : memref<10000x128xf32, #tpu.memory_space<hbm>> -> memref<10000x128xf32, #tpu.memory_space<hbm>>
      tpu.wait_indirect_dma semaphore(%arg13 : memref<!tpu.dma_semaphore, #tpu.memory_space<semaphore_mem>>) src(%dma_wait3A_1043 : memref<10000x128xf32, #tpu.memory_space<hbm>>) dst(%arg10 : memref<100x128xf32, #tpu.memory_space<vmem>>)
      %add3A_1044 = arith.constant 0 : i32
      %add3A_1045 = arith.addi %mul3A_1035, %add3A_1044 : i32
      "tpu.region"() ({
        %run_scoped3A_1096 = tpu.sem_alloc : memref<!tpu.dma_semaphore, #tpu.memory_space<semaphore_mem>>
        %dma_start3A_1097 = arith.constant 0 : i32
        %dma_start3A_1098 = tpu.memref_slice %arg9[%add3A_1045, %dma_start3A_1097] : memref<10x100xi32, #tpu.memory_space<vmem>> -> memref<1x100xi32, #tpu.memory_space<vmem>>
        %dma_start3A_1099 = tpu.memref_squeeze %dma_start3A_1098 : memref<1x100xi32, #tpu.memory_space<vmem>> -> memref<100xi32, #tpu.memory_space<vmem>>
        %dma_start3A_1100 = arith.constant 0 : i32
        %dma_start3A_1101 = arith.constant 0 : i32
        %dma_start3A_1102 = tpu.memref_slice %arg18[%dma_start3A_1100, %dma_start3A_1101] : memref<10000x128xf32, #tpu.memory_space<vmem_shared>> -> memref<10000x128xf32, #tpu.memory_space<vmem_shared>>
        tpu.enqueue_indirect_dma source(%arg10 : memref<100x128xf32, #tpu.memory_space<vmem>>) target(%dma_start3A_1102 : memref<10000x128xf32, #tpu.memory_space<vmem_shared>>) offsets(%dma_start3A_1099 : memref<100xi32, #tpu.memory_space<vmem>>) semaphore(%run_scoped3A_1096 : memref<!tpu.dma_semaphore, #tpu.memory_space<semaphore_mem>>) {add = true}
        %dma_wait3A_1103 = arith.constant 0 : i32
        %dma_wait3A_1104 = tpu.memref_slice %arg9[%add3A_1045, %dma_wait3A_1103] : memref<10x100xi32, #tpu.memory_space<vmem>> -> memref<1x100xi32, #tpu.memory_space<vmem>>
        %dma_wait3A_1105 = tpu.memref_squeeze %dma_wait3A_1104 : memref<1x100xi32, #tpu.memory_space<vmem>> -> memref<100xi32, #tpu.memory_space<vmem>>
        %dma_wait3A_1106 = arith.constant 0 : i32
        %dma_wait3A_1107 = arith.constant 0 : i32
        %dma_wait3A_1108 = tpu.memref_slice %arg18[%dma_wait3A_1106, %dma_wait3A_1107] : memref<10000x128xf32, #tpu.memory_space<vmem_shared>> -> memref<10000x128xf32, #tpu.memory_space<vmem_shared>>
        tpu.wait_indirect_dma semaphore(%run_scoped3A_1096 : memref<!tpu.dma_semaphore, #tpu.memory_space<semaphore_mem>>) src(%arg10 : memref<100x128xf32, #tpu.memory_space<vmem>>) dst(%dma_wait3A_1108 : memref<10000x128xf32, #tpu.memory_space<vmem_shared>>)
        tpu.yield
      }) : () -> ()
      %add3A_1046 = arith.constant 0 : i32
      %add3A_1047 = arith.addi %mul3A_1035, %add3A_1046 : i32
      %add3A_1048 = arith.constant 3 : i32
      %add3A_1049 = arith.addi %add3A_1047, %add3A_1048 : i32
      %dma_start3A_1050 = arith.constant 0 : i32
      %dma_start3A_1051 = tpu.memref_slice %arg8[%add3A_1049, %dma_start3A_1050] : memref<10x100xi32, #tpu.memory_space<vmem>> -> memref<1x100xi32, #tpu.memory_space<vmem>>
      %dma_start3A_1052 = tpu.memref_squeeze %dma_start3A_1051 : memref<1x100xi32, #tpu.memory_space<vmem>> -> memref<100xi32, #tpu.memory_space<vmem>>
      %dma_start3A_1053 = arith.constant 0 : i32
      %dma_start3A_1054 = arith.constant 0 : i32
      %dma_start3A_1055 = tpu.memref_slice %arg2[%dma_start3A_1053, %dma_start3A_1054] : memref<10000x128xf32, #tpu.memory_space<hbm>> -> memref<10000x128xf32, #tpu.memory_space<hbm>>
      tpu.enqueue_indirect_dma source(%dma_start3A_1055 : memref<10000x128xf32, #tpu.memory_space<hbm>>) target(%arg10 : memref<100x128xf32, #tpu.memory_space<vmem>>) offsets(%dma_start3A_1052 : memref<100xi32, #tpu.memory_space<vmem>>) semaphore(%arg13 : memref<!tpu.dma_semaphore, #tpu.memory_space<semaphore_mem>>)
      %add3A_1056 = arith.constant 1 : i32
      %add3A_1057 = arith.addi %mul3A_1035, %add3A_1056 : i32
      %dma_wait3A_1058 = arith.constant 0 : i32
      %dma_wait3A_1059 = tpu.memref_slice %arg8[%add3A_1057, %dma_wait3A_1058] : memref<10x100xi32, #tpu.memory_space<vmem>> -> memref<1x100xi32, #tpu.memory_space<vmem>>
      %dma_wait3A_1060 = tpu.memref_squeeze %dma_wait3A_1059 : memref<1x100xi32, #tpu.memory_space<vmem>> -> memref<100xi32, #tpu.memory_space<vmem>>
      %dma_wait3A_1061 = arith.constant 0 : i32
      %dma_wait3A_1062 = arith.constant 0 : i32
      %dma_wait3A_1063 = tpu.memref_slice %arg2[%dma_wait3A_1061, %dma_wait3A_1062] : memref<10000x128xf32, #tpu.memory_space<hbm>> -> memref<10000x128xf32, #tpu.memory_space<hbm>>
      tpu.wait_indirect_dma semaphore(%arg14 : memref<!tpu.dma_semaphore, #tpu.memory_space<semaphore_mem>>) src(%dma_wait3A_1063 : memref<10000x128xf32, #tpu.memory_space<hbm>>) dst(%arg11 : memref<100x128xf32, #tpu.memory_space<vmem>>)
      %add3A_1064 = arith.constant 1 : i32
      %add3A_1065 = arith.addi %mul3A_1035, %add3A_1064 : i32
      "tpu.region"() ({
        %run_scoped3A_1096 = tpu.sem_alloc : memref<!tpu.dma_semaphore, #tpu.memory_space<semaphore_mem>>
        %dma_start3A_1097 = arith.constant 0 : i32
        %dma_start3A_1098 = tpu.memref_slice %arg9[%add3A_1065, %dma_start3A_1097] : memref<10x100xi32, #tpu.memory_space<vmem>> -> memref<1x100xi32, #tpu.memory_space<vmem>>
        %dma_start3A_1099 = tpu.memref_squeeze %dma_start3A_1098 : memref<1x100xi32, #tpu.memory_space<vmem>> -> memref<100xi32, #tpu.memory_space<vmem>>
        %dma_start3A_1100 = arith.constant 0 : i32
        %dma_start3A_1101 = arith.constant 0 : i32
        %dma_start3A_1102 = tpu.memref_slice %arg18[%dma_start3A_1100, %dma_start3A_1101] : memref<10000x128xf32, #tpu.memory_space<vmem_shared>> -> memref<10000x128xf32, #tpu.memory_space<vmem_shared>>
        tpu.enqueue_indirect_dma source(%arg11 : memref<100x128xf32, #tpu.memory_space<vmem>>) target(%dma_start3A_1102 : memref<10000x128xf32, #tpu.memory_space<vmem_shared>>) offsets(%dma_start3A_1099 : memref<100xi32, #tpu.memory_space<vmem>>) semaphore(%run_scoped3A_1096 : memref<!tpu.dma_semaphore, #tpu.memory_space<semaphore_mem>>) {add = true}
        %dma_wait3A_1103 = arith.constant 0 : i32
        %dma_wait3A_1104 = tpu.memref_slice %arg9[%add3A_1065, %dma_wait3A_1103] : memref<10x100xi32, #tpu.memory_space<vmem>> -> memref<1x100xi32, #tpu.memory_space<vmem>>
        %dma_wait3A_1105 = tpu.memref_squeeze %dma_wait3A_1104 : memref<1x100xi32, #tpu.memory_space<vmem>> -> memref<100xi32, #tpu.memory_space<vmem>>
        %dma_wait3A_1106 = arith.constant 0 : i32
        %dma_wait3A_1107 = arith.constant 0 : i32
        %dma_wait3A_1108 = tpu.memref_slice %arg18[%dma_wait3A_1106, %dma_wait3A_1107] : memref<10000x128xf32, #tpu.memory_space<vmem_shared>> -> memref<10000x128xf32, #tpu.memory_space<vmem_shared>>
        tpu.wait_indirect_dma semaphore(%run_scoped3A_1096 : memref<!tpu.dma_semaphore, #tpu.memory_space<semaphore_mem>>) src(%arg11 : memref<100x128xf32, #tpu.memory_space<vmem>>) dst(%dma_wait3A_1108 : memref<10000x128xf32, #tpu.memory_space<vmem_shared>>)
        tpu.yield
      }) : () -> ()
      %add3A_1066 = arith.constant 1 : i32
      %add3A_1067 = arith.addi %mul3A_1035, %add3A_1066 : i32
      %add3A_1068 = arith.constant 3 : i32
      %add3A_1069 = arith.addi %add3A_1067, %add3A_1068 : i32
      %dma_start3A_1070 = arith.constant 0 : i32
      %dma_start3A_1071 = tpu.memref_slice %arg8[%add3A_1069, %dma_start3A_1070] : memref<10x100xi32, #tpu.memory_space<vmem>> -> memref<1x100xi32, #tpu.memory_space<vmem>>
      %dma_start3A_1072 = tpu.memref_squeeze %dma_start3A_1071 : memref<1x100xi32, #tpu.memory_space<vmem>> -> memref<100xi32, #tpu.memory_space<vmem>>
      %dma_start3A_1073 = arith.constant 0 : i32
      %dma_start3A_1074 = arith.constant 0 : i32
      %dma_start3A_1075 = tpu.memref_slice %arg2[%dma_start3A_1073, %dma_start3A_1074] : memref<10000x128xf32, #tpu.memory_space<hbm>> -> memref<10000x128xf32, #tpu.memory_space<hbm>>
      tpu.enqueue_indirect_dma source(%dma_start3A_1075 : memref<10000x128xf32, #tpu.memory_space<hbm>>) target(%arg11 : memref<100x128xf32, #tpu.memory_space<vmem>>) offsets(%dma_start3A_1072 : memref<100xi32, #tpu.memory_space<vmem>>) semaphore(%arg14 : memref<!tpu.dma_semaphore, #tpu.memory_space<semaphore_mem>>)
      %add3A_1076 = arith.constant 2 : i32
      %add3A_1077 = arith.addi %mul3A_1035, %add3A_1076 : i32
      %dma_wait3A_1078 = arith.constant 0 : i32
      %dma_wait3A_1079 = tpu.memref_slice %arg8[%add3A_1077, %dma_wait3A_1078] : memref<10x100xi32, #tpu.memory_space<vmem>> -> memref<1x100xi32, #tpu.memory_space<vmem>>
      %dma_wait3A_1080 = tpu.memref_squeeze %dma_wait3A_1079 : memref<1x100xi32, #tpu.memory_space<vmem>> -> memref<100xi32, #tpu.memory_space<vmem>>
      %dma_wait3A_1081 = arith.constant 0 : i32
      %dma_wait3A_1082 = arith.constant 0 : i32
      %dma_wait3A_1083 = tpu.memref_slice %arg2[%dma_wait3A_1081, %dma_wait3A_1082] : memref<10000x128xf32, #tpu.memory_space<hbm>> -> memref<10000x128xf32, #tpu.memory_space<hbm>>
      tpu.wait_indirect_dma semaphore(%arg15 : memref<!tpu.dma_semaphore, #tpu.memory_space<semaphore_mem>>) src(%dma_wait3A_1083 : memref<10000x128xf32, #tpu.memory_space<hbm>>) dst(%arg12 : memref<100x128xf32, #tpu.memory_space<vmem>>)
      %add3A_1084 = arith.constant 2 : i32
      %add3A_1085 = arith.addi %mul3A_1035, %add3A_1084 : i32
      "tpu.region"() ({
        %run_scoped3A_1096 = tpu.sem_alloc : memref<!tpu.dma_semaphore, #tpu.memory_space<semaphore_mem>>
        %dma_start3A_1097 = arith.constant 0 : i32
        %dma_start3A_1098 = tpu.memref_slice %arg9[%add3A_1085, %dma_start3A_1097] : memref<10x100xi32, #tpu.memory_space<vmem>> -> memref<1x100xi32, #tpu.memory_space<vmem>>
        %dma_start3A_1099 = tpu.memref_squeeze %dma_start3A_1098 : memref<1x100xi32, #tpu.memory_space<vmem>> -> memref<100xi32, #tpu.memory_space<vmem>>
        %dma_start3A_1100 = arith.constant 0 : i32
        %dma_start3A_1101 = arith.constant 0 : i32
        %dma_start3A_1102 = tpu.memref_slice %arg18[%dma_start3A_1100, %dma_start3A_1101] : memref<10000x128xf32, #tpu.memory_space<vmem_shared>> -> memref<10000x128xf32, #tpu.memory_space<vmem_shared>>
        tpu.enqueue_indirect_dma source(%arg12 : memref<100x128xf32, #tpu.memory_space<vmem>>) target(%dma_start3A_1102 : memref<10000x128xf32, #tpu.memory_space<vmem_shared>>) offsets(%dma_start3A_1099 : memref<100xi32, #tpu.memory_space<vmem>>) semaphore(%run_scoped3A_1096 : memref<!tpu.dma_semaphore, #tpu.memory_space<semaphore_mem>>) {add = true}
        %dma_wait3A_1103 = arith.constant 0 : i32
        %dma_wait3A_1104 = tpu.memref_slice %arg9[%add3A_1085, %dma_wait3A_1103] : memref<10x100xi32, #tpu.memory_space<vmem>> -> memref<1x100xi32, #tpu.memory_space<vmem>>
        %dma_wait3A_1105 = tpu.memref_squeeze %dma_wait3A_1104 : memref<1x100xi32, #tpu.memory_space<vmem>> -> memref<100xi32, #tpu.memory_space<vmem>>
        %dma_wait3A_1106 = arith.constant 0 : i32
        %dma_wait3A_1107 = arith.constant 0 : i32
        %dma_wait3A_1108 = tpu.memref_slice %arg18[%dma_wait3A_1106, %dma_wait3A_1107] : memref<10000x128xf32, #tpu.memory_space<vmem_shared>> -> memref<10000x128xf32, #tpu.memory_space<vmem_shared>>
        tpu.wait_indirect_dma semaphore(%run_scoped3A_1096 : memref<!tpu.dma_semaphore, #tpu.memory_space<semaphore_mem>>) src(%arg12 : memref<100x128xf32, #tpu.memory_space<vmem>>) dst(%dma_wait3A_1108 : memref<10000x128xf32, #tpu.memory_space<vmem_shared>>)
        tpu.yield
      }) : () -> ()
      %add3A_1086 = arith.constant 2 : i32
      %add3A_1087 = arith.addi %mul3A_1035, %add3A_1086 : i32
      %add3A_1088 = arith.constant 3 : i32
      %add3A_1089 = arith.addi %add3A_1087, %add3A_1088 : i32
      %dma_start3A_1090 = arith.constant 0 : i32
      %dma_start3A_1091 = tpu.memref_slice %arg8[%add3A_1089, %dma_start3A_1090] : memref<10x100xi32, #tpu.memory_space<vmem>> -> memref<1x100xi32, #tpu.memory_space<vmem>>
      %dma_start3A_1092 = tpu.memref_squeeze %dma_start3A_1091 : memref<1x100xi32, #tpu.memory_space<vmem>> -> memref<100xi32, #tpu.memory_space<vmem>>
      %dma_start3A_1093 = arith.constant 0 : i32
      %dma_start3A_1094 = arith.constant 0 : i32
      %dma_start3A_1095 = tpu.memref_slice %arg2[%dma_start3A_1093, %dma_start3A_1094] : memref<10000x128xf32, #tpu.memory_space<hbm>> -> memref<10000x128xf32, #tpu.memory_space<hbm>>
      tpu.enqueue_indirect_dma source(%dma_start3A_1095 : memref<10000x128xf32, #tpu.memory_space<hbm>>) target(%arg12 : memref<100x128xf32, #tpu.memory_space<vmem>>) offsets(%dma_start3A_1092 : memref<100xi32, #tpu.memory_space<vmem>>) semaphore(%arg15 : memref<!tpu.dma_semaphore, #tpu.memory_space<semaphore_mem>>)
    }
    %scan3A_395 = arith.constant 2 : i32
    %dma_wait3A_396 = arith.constant 4 : i32
    %dma_wait3A_397 = arith.constant 0 : i32
    %dma_wait3A_398 = arith.constant 0 : i32
    %dma_wait3A_399 = tpu.memref_slice %arg3[%add3A, %dma_wait3A_396, %dma_wait3A_397, %dma_wait3A_398] : memref<32x10x10x100xi32, #tpu.memory_space<hbm>> -> memref<1x1x10x100xi32, #tpu.memory_space<hbm>>
    %dma_wait3A_400 = tpu.memref_squeeze %dma_wait3A_399 : memref<1x1x10x100xi32, #tpu.memory_space<hbm>> -> memref<10x100xi32, #tpu.memory_space<hbm>>
    %dma_wait3A_401 = arith.constant 0 : i32
    %dma_wait3A_402 = arith.constant 0 : i32
    %dma_wait3A_403 = tpu.memref_slice %arg3[%add3A, %dma_wait3A_396, %dma_wait3A_401, %dma_wait3A_402] : memref<32x10x10x100xi32, #tpu.memory_space<hbm>> -> memref<1x1x10x100xi32, #tpu.memory_space<hbm>>
    %dma_wait3A_404 = tpu.memref_squeeze %dma_wait3A_403 : memref<1x1x10x100xi32, #tpu.memory_space<hbm>> -> memref<10x100xi32, #tpu.memory_space<hbm>>
    tpu.wait_dma2 semaphore(%arg16 : memref<!tpu.dma_semaphore, #tpu.memory_space<semaphore_mem>>) src(%dma_wait3A_404 : memref<10x100xi32, #tpu.memory_space<hbm>>) dst(%arg6 : memref<10x100xi32, #tpu.memory_space<vmem>>)
    %dma_wait3A_405 = arith.constant 4 : i32
    %dma_wait3A_406 = arith.constant 0 : i32
    %dma_wait3A_407 = arith.constant 0 : i32
    %dma_wait3A_408 = tpu.memref_slice %arg4[%add3A, %dma_wait3A_405, %dma_wait3A_406, %dma_wait3A_407] : memref<32x10x10x100xi32, #tpu.memory_space<hbm>> -> memref<1x1x10x100xi32, #tpu.memory_space<hbm>>
    %dma_wait3A_409 = tpu.memref_squeeze %dma_wait3A_408 : memref<1x1x10x100xi32, #tpu.memory_space<hbm>> -> memref<10x100xi32, #tpu.memory_space<hbm>>
    %dma_wait3A_410 = arith.constant 0 : i32
    %dma_wait3A_411 = arith.constant 0 : i32
    %dma_wait3A_412 = tpu.memref_slice %arg4[%add3A, %dma_wait3A_405, %dma_wait3A_410, %dma_wait3A_411] : memref<32x10x10x100xi32, #tpu.memory_space<hbm>> -> memref<1x1x10x100xi32, #tpu.memory_space<hbm>>
    %dma_wait3A_413 = tpu.memref_squeeze %dma_wait3A_412 : memref<1x1x10x100xi32, #tpu.memory_space<hbm>> -> memref<10x100xi32, #tpu.memory_space<hbm>>
    tpu.wait_dma2 semaphore(%arg17 : memref<!tpu.dma_semaphore, #tpu.memory_space<semaphore_mem>>) src(%dma_wait3A_413 : memref<10x100xi32, #tpu.memory_space<hbm>>) dst(%arg7 : memref<10x100xi32, #tpu.memory_space<vmem>>)
    %dma_wait3A_414 = arith.constant 6 : i32
    %dma_wait3A_415 = arith.constant 0 : i32
    %dma_wait3A_416 = tpu.memref_slice %arg8[%dma_wait3A_414, %dma_wait3A_415] : memref<10x100xi32, #tpu.memory_space<vmem>> -> memref<1x100xi32, #tpu.memory_space<vmem>>
    %dma_wait3A_417 = tpu.memref_squeeze %dma_wait3A_416 : memref<1x100xi32, #tpu.memory_space<vmem>> -> memref<100xi32, #tpu.memory_space<vmem>>
    %dma_wait3A_418 = arith.constant 0 : i32
    %dma_wait3A_419 = arith.constant 0 : i32
    %dma_wait3A_420 = tpu.memref_slice %arg2[%dma_wait3A_418, %dma_wait3A_419] : memref<10000x128xf32, #tpu.memory_space<hbm>> -> memref<10000x128xf32, #tpu.memory_space<hbm>>
    tpu.wait_indirect_dma semaphore(%arg13 : memref<!tpu.dma_semaphore, #tpu.memory_space<semaphore_mem>>) src(%dma_wait3A_420 : memref<10000x128xf32, #tpu.memory_space<hbm>>) dst(%arg10 : memref<100x128xf32, #tpu.memory_space<vmem>>)
    %run_scoped3A_421 = arith.constant 6 : i32
    "tpu.region"() ({
      %run_scoped3A_1029 = tpu.sem_alloc : memref<!tpu.dma_semaphore, #tpu.memory_space<semaphore_mem>>
      %dma_start3A_1030 = arith.constant 0 : i32
      %dma_start3A_1031 = tpu.memref_slice %arg9[%run_scoped3A_421, %dma_start3A_1030] : memref<10x100xi32, #tpu.memory_space<vmem>> -> memref<1x100xi32, #tpu.memory_space<vmem>>
      %dma_start3A_1032 = tpu.memref_squeeze %dma_start3A_1031 : memref<1x100xi32, #tpu.memory_space<vmem>> -> memref<100xi32, #tpu.memory_space<vmem>>
      %dma_start3A_1033 = arith.constant 0 : i32
      %dma_start3A_1034 = arith.constant 0 : i32
      %dma_start3A_1035 = tpu.memref_slice %arg18[%dma_start3A_1033, %dma_start3A_1034] : memref<10000x128xf32, #tpu.memory_space<vmem_shared>> -> memref<10000x128xf32, #tpu.memory_space<vmem_shared>>
      tpu.enqueue_indirect_dma source(%arg10 : memref<100x128xf32, #tpu.memory_space<vmem>>) target(%dma_start3A_1035 : memref<10000x128xf32, #tpu.memory_space<vmem_shared>>) offsets(%dma_start3A_1032 : memref<100xi32, #tpu.memory_space<vmem>>) semaphore(%run_scoped3A_1029 : memref<!tpu.dma_semaphore, #tpu.memory_space<semaphore_mem>>) {add = true}
      %dma_wait3A_1036 = arith.constant 0 : i32
      %dma_wait3A_1037 = tpu.memref_slice %arg9[%run_scoped3A_421, %dma_wait3A_1036] : memref<10x100xi32, #tpu.memory_space<vmem>> -> memref<1x100xi32, #tpu.memory_space<vmem>>
      %dma_wait3A_1038 = tpu.memref_squeeze %dma_wait3A_1037 : memref<1x100xi32, #tpu.memory_space<vmem>> -> memref<100xi32, #tpu.memory_space<vmem>>
      %dma_wait3A_1039 = arith.constant 0 : i32
      %dma_wait3A_1040 = arith.constant 0 : i32
      %dma_wait3A_1041 = tpu.memref_slice %arg18[%dma_wait3A_1039, %dma_wait3A_1040] : memref<10000x128xf32, #tpu.memory_space<vmem_shared>> -> memref<10000x128xf32, #tpu.memory_space<vmem_shared>>
      tpu.wait_indirect_dma semaphore(%run_scoped3A_1029 : memref<!tpu.dma_semaphore, #tpu.memory_space<semaphore_mem>>) src(%arg10 : memref<100x128xf32, #tpu.memory_space<vmem>>) dst(%dma_wait3A_1041 : memref<10000x128xf32, #tpu.memory_space<vmem_shared>>)
      tpu.yield
    }) : () -> ()
    %dma_start3A_422 = arith.constant 9 : i32
    %dma_start3A_423 = arith.constant 0 : i32
    %dma_start3A_424 = tpu.memref_slice %arg8[%dma_start3A_422, %dma_start3A_423] : memref<10x100xi32, #tpu.memory_space<vmem>> -> memref<1x100xi32, #tpu.memory_space<vmem>>
    %dma_start3A_425 = tpu.memref_squeeze %dma_start3A_424 : memref<1x100xi32, #tpu.memory_space<vmem>> -> memref<100xi32, #tpu.memory_space<vmem>>
    %dma_start3A_426 = arith.constant 0 : i32
    %dma_start3A_427 = arith.constant 0 : i32
    %dma_start3A_428 = tpu.memref_slice %arg2[%dma_start3A_426, %dma_start3A_427] : memref<10000x128xf32, #tpu.memory_space<hbm>> -> memref<10000x128xf32, #tpu.memory_space<hbm>>
    tpu.enqueue_indirect_dma source(%dma_start3A_428 : memref<10000x128xf32, #tpu.memory_space<hbm>>) target(%arg10 : memref<100x128xf32, #tpu.memory_space<vmem>>) offsets(%dma_start3A_425 : memref<100xi32, #tpu.memory_space<vmem>>) semaphore(%arg13 : memref<!tpu.dma_semaphore, #tpu.memory_space<semaphore_mem>>)
    %dma_wait3A_429 = arith.constant 7 : i32
    %dma_wait3A_430 = arith.constant 0 : i32
    %dma_wait3A_431 = tpu.memref_slice %arg8[%dma_wait3A_429, %dma_wait3A_430] : memref<10x100xi32, #tpu.memory_space<vmem>> -> memref<1x100xi32, #tpu.memory_space<vmem>>
    %dma_wait3A_432 = tpu.memref_squeeze %dma_wait3A_431 : memref<1x100xi32, #tpu.memory_space<vmem>> -> memref<100xi32, #tpu.memory_space<vmem>>
    %dma_wait3A_433 = arith.constant 0 : i32
    %dma_wait3A_434 = arith.constant 0 : i32
    %dma_wait3A_435 = tpu.memref_slice %arg2[%dma_wait3A_433, %dma_wait3A_434] : memref<10000x128xf32, #tpu.memory_space<hbm>> -> memref<10000x128xf32, #tpu.memory_space<hbm>>
    tpu.wait_indirect_dma semaphore(%arg14 : memref<!tpu.dma_semaphore, #tpu.memory_space<semaphore_mem>>) src(%dma_wait3A_435 : memref<10000x128xf32, #tpu.memory_space<hbm>>) dst(%arg11 : memref<100x128xf32, #tpu.memory_space<vmem>>)
    %run_scoped3A_436 = arith.constant 7 : i32
    "tpu.region"() ({
      %run_scoped3A_1029 = tpu.sem_alloc : memref<!tpu.dma_semaphore, #tpu.memory_space<semaphore_mem>>
      %dma_start3A_1030 = arith.constant 0 : i32
      %dma_start3A_1031 = tpu.memref_slice %arg9[%run_scoped3A_436, %dma_start3A_1030] : memref<10x100xi32, #tpu.memory_space<vmem>> -> memref<1x100xi32, #tpu.memory_space<vmem>>
      %dma_start3A_1032 = tpu.memref_squeeze %dma_start3A_1031 : memref<1x100xi32, #tpu.memory_space<vmem>> -> memref<100xi32, #tpu.memory_space<vmem>>
      %dma_start3A_1033 = arith.constant 0 : i32
      %dma_start3A_1034 = arith.constant 0 : i32
      %dma_start3A_1035 = tpu.memref_slice %arg18[%dma_start3A_1033, %dma_start3A_1034] : memref<10000x128xf32, #tpu.memory_space<vmem_shared>> -> memref<10000x128xf32, #tpu.memory_space<vmem_shared>>
      tpu.enqueue_indirect_dma source(%arg11 : memref<100x128xf32, #tpu.memory_space<vmem>>) target(%dma_start3A_1035 : memref<10000x128xf32, #tpu.memory_space<vmem_shared>>) offsets(%dma_start3A_1032 : memref<100xi32, #tpu.memory_space<vmem>>) semaphore(%run_scoped3A_1029 : memref<!tpu.dma_semaphore, #tpu.memory_space<semaphore_mem>>) {add = true}
      %dma_wait3A_1036 = arith.constant 0 : i32
      %dma_wait3A_1037 = tpu.memref_slice %arg9[%run_scoped3A_436, %dma_wait3A_1036] : memref<10x100xi32, #tpu.memory_space<vmem>> -> memref<1x100xi32, #tpu.memory_space<vmem>>
      %dma_wait3A_1038 = tpu.memref_squeeze %dma_wait3A_1037 : memref<1x100xi32, #tpu.memory_space<vmem>> -> memref<100xi32, #tpu.memory_space<vmem>>
      %dma_wait3A_1039 = arith.constant 0 : i32
      %dma_wait3A_1040 = arith.constant 0 : i32
      %dma_wait3A_1041 = tpu.memref_slice %arg18[%dma_wait3A_1039, %dma_wait3A_1040] : memref<10000x128xf32, #tpu.memory_space<vmem_shared>> -> memref<10000x128xf32, #tpu.memory_space<vmem_shared>>
      tpu.wait_indirect_dma semaphore(%run_scoped3A_1029 : memref<!tpu.dma_semaphore, #tpu.memory_space<semaphore_mem>>) src(%arg11 : memref<100x128xf32, #tpu.memory_space<vmem>>) dst(%dma_wait3A_1041 : memref<10000x128xf32, #tpu.memory_space<vmem_shared>>)
      tpu.yield
    }) : () -> ()
    %dma_start3A_437 = arith.constant 1 : i32
    %dma_start3A_438 = arith.constant 0 : i32
    %dma_start3A_439 = tpu.memref_slice %arg6[%dma_start3A_437, %dma_start3A_438] : memref<10x100xi32, #tpu.memory_space<vmem>> -> memref<1x100xi32, #tpu.memory_space<vmem>>
    %dma_start3A_440 = tpu.memref_squeeze %dma_start3A_439 : memref<1x100xi32, #tpu.memory_space<vmem>> -> memref<100xi32, #tpu.memory_space<vmem>>
    %dma_start3A_441 = arith.constant 0 : i32
    %dma_start3A_442 = arith.constant 0 : i32
    %dma_start3A_443 = tpu.memref_slice %arg2[%dma_start3A_441, %dma_start3A_442] : memref<10000x128xf32, #tpu.memory_space<hbm>> -> memref<10000x128xf32, #tpu.memory_space<hbm>>
    tpu.enqueue_indirect_dma source(%dma_start3A_443 : memref<10000x128xf32, #tpu.memory_space<hbm>>) target(%arg11 : memref<100x128xf32, #tpu.memory_space<vmem>>) offsets(%dma_start3A_440 : memref<100xi32, #tpu.memory_space<vmem>>) semaphore(%arg14 : memref<!tpu.dma_semaphore, #tpu.memory_space<semaphore_mem>>)
    %dma_wait3A_444 = arith.constant 8 : i32
    %dma_wait3A_445 = arith.constant 0 : i32
    %dma_wait3A_446 = tpu.memref_slice %arg8[%dma_wait3A_444, %dma_wait3A_445] : memref<10x100xi32, #tpu.memory_space<vmem>> -> memref<1x100xi32, #tpu.memory_space<vmem>>
    %dma_wait3A_447 = tpu.memref_squeeze %dma_wait3A_446 : memref<1x100xi32, #tpu.memory_space<vmem>> -> memref<100xi32, #tpu.memory_space<vmem>>
    %dma_wait3A_448 = arith.constant 0 : i32
    %dma_wait3A_449 = arith.constant 0 : i32
    %dma_wait3A_450 = tpu.memref_slice %arg2[%dma_wait3A_448, %dma_wait3A_449] : memref<10000x128xf32, #tpu.memory_space<hbm>> -> memref<10000x128xf32, #tpu.memory_space<hbm>>
    tpu.wait_indirect_dma semaphore(%arg15 : memref<!tpu.dma_semaphore, #tpu.memory_space<semaphore_mem>>) src(%dma_wait3A_450 : memref<10000x128xf32, #tpu.memory_space<hbm>>) dst(%arg12 : memref<100x128xf32, #tpu.memory_space<vmem>>)
    %run_scoped3A_451 = arith.constant 8 : i32
    "tpu.region"() ({
      %run_scoped3A_1029 = tpu.sem_alloc : memref<!tpu.dma_semaphore, #tpu.memory_space<semaphore_mem>>
      %dma_start3A_1030 = arith.constant 0 : i32
      %dma_start3A_1031 = tpu.memref_slice %arg9[%run_scoped3A_451, %dma_start3A_1030] : memref<10x100xi32, #tpu.memory_space<vmem>> -> memref<1x100xi32, #tpu.memory_space<vmem>>
      %dma_start3A_1032 = tpu.memref_squeeze %dma_start3A_1031 : memref<1x100xi32, #tpu.memory_space<vmem>> -> memref<100xi32, #tpu.memory_space<vmem>>
      %dma_start3A_1033 = arith.constant 0 : i32
      %dma_start3A_1034 = arith.constant 0 : i32
      %dma_start3A_1035 = tpu.memref_slice %arg18[%dma_start3A_1033, %dma_start3A_1034] : memref<10000x128xf32, #tpu.memory_space<vmem_shared>> -> memref<10000x128xf32, #tpu.memory_space<vmem_shared>>
      tpu.enqueue_indirect_dma source(%arg12 : memref<100x128xf32, #tpu.memory_space<vmem>>) target(%dma_start3A_1035 : memref<10000x128xf32, #tpu.memory_space<vmem_shared>>) offsets(%dma_start3A_1032 : memref<100xi32, #tpu.memory_space<vmem>>) semaphore(%run_scoped3A_1029 : memref<!tpu.dma_semaphore, #tpu.memory_space<semaphore_mem>>) {add = true}
      %dma_wait3A_1036 = arith.constant 0 : i32
      %dma_wait3A_1037 = tpu.memref_slice %arg9[%run_scoped3A_451, %dma_wait3A_1036] : memref<10x100xi32, #tpu.memory_space<vmem>> -> memref<1x100xi32, #tpu.memory_space<vmem>>
      %dma_wait3A_1038 = tpu.memref_squeeze %dma_wait3A_1037 : memref<1x100xi32, #tpu.memory_space<vmem>> -> memref<100xi32, #tpu.memory_space<vmem>>
      %dma_wait3A_1039 = arith.constant 0 : i32
      %dma_wait3A_1040 = arith.constant 0 : i32
      %dma_wait3A_1041 = tpu.memref_slice %arg18[%dma_wait3A_1039, %dma_wait3A_1040] : memref<10000x128xf32, #tpu.memory_space<vmem_shared>> -> memref<10000x128xf32, #tpu.memory_space<vmem_shared>>
      tpu.wait_indirect_dma semaphore(%run_scoped3A_1029 : memref<!tpu.dma_semaphore, #tpu.memory_space<semaphore_mem>>) src(%arg12 : memref<100x128xf32, #tpu.memory_space<vmem>>) dst(%dma_wait3A_1041 : memref<10000x128xf32, #tpu.memory_space<vmem_shared>>)
      tpu.yield
    }) : () -> ()
    %dma_start3A_452 = arith.constant 2 : i32
    %dma_start3A_453 = arith.constant 0 : i32
    %dma_start3A_454 = tpu.memref_slice %arg6[%dma_start3A_452, %dma_start3A_453] : memref<10x100xi32, #tpu.memory_space<vmem>> -> memref<1x100xi32, #tpu.memory_space<vmem>>
    %dma_start3A_455 = tpu.memref_squeeze %dma_start3A_454 : memref<1x100xi32, #tpu.memory_space<vmem>> -> memref<100xi32, #tpu.memory_space<vmem>>
    %dma_start3A_456 = arith.constant 0 : i32
    %dma_start3A_457 = arith.constant 0 : i32
    %dma_start3A_458 = tpu.memref_slice %arg2[%dma_start3A_456, %dma_start3A_457] : memref<10000x128xf32, #tpu.memory_space<hbm>> -> memref<10000x128xf32, #tpu.memory_space<hbm>>
    tpu.enqueue_indirect_dma source(%dma_start3A_458 : memref<10000x128xf32, #tpu.memory_space<hbm>>) target(%arg12 : memref<100x128xf32, #tpu.memory_space<vmem>>) offsets(%dma_start3A_455 : memref<100xi32, #tpu.memory_space<vmem>>) semaphore(%arg15 : memref<!tpu.dma_semaphore, #tpu.memory_space<semaphore_mem>>)
    %dma_wait3A_459 = arith.constant 9 : i32
    %dma_wait3A_460 = arith.constant 0 : i32
    %dma_wait3A_461 = tpu.memref_slice %arg8[%dma_wait3A_459, %dma_wait3A_460] : memref<10x100xi32, #tpu.memory_space<vmem>> -> memref<1x100xi32, #tpu.memory_space<vmem>>
    %dma_wait3A_462 = tpu.memref_squeeze %dma_wait3A_461 : memref<1x100xi32, #tpu.memory_space<vmem>> -> memref<100xi32, #tpu.memory_space<vmem>>
    %dma_wait3A_463 = arith.constant 0 : i32
    %dma_wait3A_464 = arith.constant 0 : i32
    %dma_wait3A_465 = tpu.memref_slice %arg2[%dma_wait3A_463, %dma_wait3A_464] : memref<10000x128xf32, #tpu.memory_space<hbm>> -> memref<10000x128xf32, #tpu.memory_space<hbm>>
    tpu.wait_indirect_dma semaphore(%arg13 : memref<!tpu.dma_semaphore, #tpu.memory_space<semaphore_mem>>) src(%dma_wait3A_465 : memref<10000x128xf32, #tpu.memory_space<hbm>>) dst(%arg10 : memref<100x128xf32, #tpu.memory_space<vmem>>)
    %run_scoped3A_466 = arith.constant 9 : i32
    "tpu.region"() ({
      %run_scoped3A_1029 = tpu.sem_alloc : memref<!tpu.dma_semaphore, #tpu.memory_space<semaphore_mem>>
      %dma_start3A_1030 = arith.constant 0 : i32
      %dma_start3A_1031 = tpu.memref_slice %arg9[%run_scoped3A_466, %dma_start3A_1030] : memref<10x100xi32, #tpu.memory_space<vmem>> -> memref<1x100xi32, #tpu.memory_space<vmem>>
      %dma_start3A_1032 = tpu.memref_squeeze %dma_start3A_1031 : memref<1x100xi32, #tpu.memory_space<vmem>> -> memref<100xi32, #tpu.memory_space<vmem>>
      %dma_start3A_1033 = arith.constant 0 : i32
      %dma_start3A_1034 = arith.constant 0 : i32
      %dma_start3A_1035 = tpu.memref_slice %arg18[%dma_start3A_1033, %dma_start3A_1034] : memref<10000x128xf32, #tpu.memory_space<vmem_shared>> -> memref<10000x128xf32, #tpu.memory_space<vmem_shared>>
      tpu.enqueue_indirect_dma source(%arg10 : memref<100x128xf32, #tpu.memory_space<vmem>>) target(%dma_start3A_1035 : memref<10000x128xf32, #tpu.memory_space<vmem_shared>>) offsets(%dma_start3A_1032 : memref<100xi32, #tpu.memory_space<vmem>>) semaphore(%run_scoped3A_1029 : memref<!tpu.dma_semaphore, #tpu.memory_space<semaphore_mem>>) {add = true}
      %dma_wait3A_1036 = arith.constant 0 : i32
      %dma_wait3A_1037 = tpu.memref_slice %arg9[%run_scoped3A_466, %dma_wait3A_1036] : memref<10x100xi32, #tpu.memory_space<vmem>> -> memref<1x100xi32, #tpu.memory_space<vmem>>
      %dma_wait3A_1038 = tpu.memref_squeeze %dma_wait3A_1037 : memref<1x100xi32, #tpu.memory_space<vmem>> -> memref<100xi32, #tpu.memory_space<vmem>>
      %dma_wait3A_1039 = arith.constant 0 : i32
      %dma_wait3A_1040 = arith.constant 0 : i32
      %dma_wait3A_1041 = tpu.memref_slice %arg18[%dma_wait3A_1039, %dma_wait3A_1040] : memref<10000x128xf32, #tpu.memory_space<vmem_shared>> -> memref<10000x128xf32, #tpu.memory_space<vmem_shared>>
      tpu.wait_indirect_dma semaphore(%run_scoped3A_1029 : memref<!tpu.dma_semaphore, #tpu.memory_space<semaphore_mem>>) src(%arg10 : memref<100x128xf32, #tpu.memory_space<vmem>>) dst(%dma_wait3A_1041 : memref<10000x128xf32, #tpu.memory_space<vmem_shared>>)
      tpu.yield
    }) : () -> ()
    %dma_start3A_467 = arith.constant 0 : i32
    %dma_start3A_468 = arith.constant 0 : i32
    %dma_start3A_469 = tpu.memref_slice %arg6[%dma_start3A_467, %dma_start3A_468] : memref<10x100xi32, #tpu.memory_space<vmem>> -> memref<1x100xi32, #tpu.memory_space<vmem>>
    %dma_start3A_470 = tpu.memref_squeeze %dma_start3A_469 : memref<1x100xi32, #tpu.memory_space<vmem>> -> memref<100xi32, #tpu.memory_space<vmem>>
    %dma_start3A_471 = arith.constant 0 : i32
    %dma_start3A_472 = arith.constant 0 : i32
    %dma_start3A_473 = tpu.memref_slice %arg2[%dma_start3A_471, %dma_start3A_472] : memref<10000x128xf32, #tpu.memory_space<hbm>> -> memref<10000x128xf32, #tpu.memory_space<hbm>>
    tpu.enqueue_indirect_dma source(%dma_start3A_473 : memref<10000x128xf32, #tpu.memory_space<hbm>>) target(%arg10 : memref<100x128xf32, #tpu.memory_space<vmem>>) offsets(%dma_start3A_470 : memref<100xi32, #tpu.memory_space<vmem>>) semaphore(%arg13 : memref<!tpu.dma_semaphore, #tpu.memory_space<semaphore_mem>>)
    %dma_start3A_474 = arith.constant 5 : i32
    %dma_start3A_475 = arith.constant 0 : i32
    %dma_start3A_476 = arith.constant 0 : i32
    %dma_start3A_477 = tpu.memref_slice %arg3[%add3A, %dma_start3A_474, %dma_start3A_475, %dma_start3A_476] : memref<32x10x10x100xi32, #tpu.memory_space<hbm>> -> memref<1x1x10x100xi32, #tpu.memory_space<hbm>>
    %dma_start3A_478 = tpu.memref_squeeze %dma_start3A_477 : memref<1x1x10x100xi32, #tpu.memory_space<hbm>> -> memref<10x100xi32, #tpu.memory_space<hbm>>
    %dma_start3A_479 = arith.constant 0 : i32
    %dma_start3A_480 = arith.constant 0 : i32
    %dma_start3A_481 = tpu.memref_slice %arg3[%add3A, %dma_start3A_474, %dma_start3A_479, %dma_start3A_480] : memref<32x10x10x100xi32, #tpu.memory_space<hbm>> -> memref<1x1x10x100xi32, #tpu.memory_space<hbm>>
    %dma_start3A_482 = tpu.memref_squeeze %dma_start3A_481 : memref<1x1x10x100xi32, #tpu.memory_space<hbm>> -> memref<10x100xi32, #tpu.memory_space<hbm>>
    tpu.enqueue_dma source(%dma_start3A_482 : memref<10x100xi32, #tpu.memory_space<hbm>>) target(%arg8 : memref<10x100xi32, #tpu.memory_space<vmem>>) target_semaphore(%arg16 : memref<!tpu.dma_semaphore, #tpu.memory_space<semaphore_mem>>)
    %dma_start3A_483 = arith.constant 5 : i32
    %dma_start3A_484 = arith.constant 0 : i32
    %dma_start3A_485 = arith.constant 0 : i32
    %dma_start3A_486 = tpu.memref_slice %arg4[%add3A, %dma_start3A_483, %dma_start3A_484, %dma_start3A_485] : memref<32x10x10x100xi32, #tpu.memory_space<hbm>> -> memref<1x1x10x100xi32, #tpu.memory_space<hbm>>
    %dma_start3A_487 = tpu.memref_squeeze %dma_start3A_486 : memref<1x1x10x100xi32, #tpu.memory_space<hbm>> -> memref<10x100xi32, #tpu.memory_space<hbm>>
    %dma_start3A_488 = arith.constant 0 : i32
    %dma_start3A_489 = arith.constant 0 : i32
    %dma_start3A_490 = tpu.memref_slice %arg4[%add3A, %dma_start3A_483, %dma_start3A_488, %dma_start3A_489] : memref<32x10x10x100xi32, #tpu.memory_space<hbm>> -> memref<1x1x10x100xi32, #tpu.memory_space<hbm>>
    %dma_start3A_491 = tpu.memref_squeeze %dma_start3A_490 : memref<1x1x10x100xi32, #tpu.memory_space<hbm>> -> memref<10x100xi32, #tpu.memory_space<hbm>>
    tpu.enqueue_dma source(%dma_start3A_491 : memref<10x100xi32, #tpu.memory_space<hbm>>) target(%arg9 : memref<10x100xi32, #tpu.memory_space<vmem>>) target_semaphore(%arg17 : memref<!tpu.dma_semaphore, #tpu.memory_space<semaphore_mem>>)
    %scan3A_492 = arith.constant 0 : i32
    %scan3A_493 = arith.constant 2 : i32
    %scan3A_494 = arith.addi %scan3A_492, %scan3A_493 : i32
    %scan3A_495 = arith.constant 1 : i32
    scf.for %scan3A_1029 = %scan3A_492 to %scan3A_494 step %scan3A_495  : i32 {
      %mul3A_1030 = arith.constant 1 : i32
      %mul3A_1031 = arith.muli %scan3A_1029, %mul3A_1030 : i32
      %add3A_1032 = arith.constant 0 : i32
      %add3A_1033 = arith.addi %add3A_1032, %mul3A_1031 : i32
      %mul3A_1034 = arith.constant 3 : i32
      %mul3A_1035 = arith.muli %add3A_1033, %mul3A_1034 : i32
      %add3A_1036 = arith.constant 0 : i32
      %add3A_1037 = arith.addi %mul3A_1035, %add3A_1036 : i32
      %dma_wait3A_1038 = arith.constant 0 : i32
      %dma_wait3A_1039 = tpu.memref_slice %arg6[%add3A_1037, %dma_wait3A_1038] : memref<10x100xi32, #tpu.memory_space<vmem>> -> memref<1x100xi32, #tpu.memory_space<vmem>>
      %dma_wait3A_1040 = tpu.memref_squeeze %dma_wait3A_1039 : memref<1x100xi32, #tpu.memory_space<vmem>> -> memref<100xi32, #tpu.memory_space<vmem>>
      %dma_wait3A_1041 = arith.constant 0 : i32
      %dma_wait3A_1042 = arith.constant 0 : i32
      %dma_wait3A_1043 = tpu.memref_slice %arg2[%dma_wait3A_1041, %dma_wait3A_1042] : memref<10000x128xf32, #tpu.memory_space<hbm>> -> memref<10000x128xf32, #tpu.memory_space<hbm>>
      tpu.wait_indirect_dma semaphore(%arg13 : memref<!tpu.dma_semaphore, #tpu.memory_space<semaphore_mem>>) src(%dma_wait3A_1043 : memref<10000x128xf32, #tpu.memory_space<hbm>>) dst(%arg10 : memref<100x128xf32, #tpu.memory_space<vmem>>)
      %add3A_1044 = arith.constant 0 : i32
      %add3A_1045 = arith.addi %mul3A_1035, %add3A_1044 : i32
      "tpu.region"() ({
        %run_scoped3A_1096 = tpu.sem_alloc : memref<!tpu.dma_semaphore, #tpu.memory_space<semaphore_mem>>
        %dma_start3A_1097 = arith.constant 0 : i32
        %dma_start3A_1098 = tpu.memref_slice %arg7[%add3A_1045, %dma_start3A_1097] : memref<10x100xi32, #tpu.memory_space<vmem>> -> memref<1x100xi32, #tpu.memory_space<vmem>>
        %dma_start3A_1099 = tpu.memref_squeeze %dma_start3A_1098 : memref<1x100xi32, #tpu.memory_space<vmem>> -> memref<100xi32, #tpu.memory_space<vmem>>
        %dma_start3A_1100 = arith.constant 0 : i32
        %dma_start3A_1101 = arith.constant 0 : i32
        %dma_start3A_1102 = tpu.memref_slice %arg18[%dma_start3A_1100, %dma_start3A_1101] : memref<10000x128xf32, #tpu.memory_space<vmem_shared>> -> memref<10000x128xf32, #tpu.memory_space<vmem_shared>>
        tpu.enqueue_indirect_dma source(%arg10 : memref<100x128xf32, #tpu.memory_space<vmem>>) target(%dma_start3A_1102 : memref<10000x128xf32, #tpu.memory_space<vmem_shared>>) offsets(%dma_start3A_1099 : memref<100xi32, #tpu.memory_space<vmem>>) semaphore(%run_scoped3A_1096 : memref<!tpu.dma_semaphore, #tpu.memory_space<semaphore_mem>>) {add = true}
        %dma_wait3A_1103 = arith.constant 0 : i32
        %dma_wait3A_1104 = tpu.memref_slice %arg7[%add3A_1045, %dma_wait3A_1103] : memref<10x100xi32, #tpu.memory_space<vmem>> -> memref<1x100xi32, #tpu.memory_space<vmem>>
        %dma_wait3A_1105 = tpu.memref_squeeze %dma_wait3A_1104 : memref<1x100xi32, #tpu.memory_space<vmem>> -> memref<100xi32, #tpu.memory_space<vmem>>
        %dma_wait3A_1106 = arith.constant 0 : i32
        %dma_wait3A_1107 = arith.constant 0 : i32
        %dma_wait3A_1108 = tpu.memref_slice %arg18[%dma_wait3A_1106, %dma_wait3A_1107] : memref<10000x128xf32, #tpu.memory_space<vmem_shared>> -> memref<10000x128xf32, #tpu.memory_space<vmem_shared>>
        tpu.wait_indirect_dma semaphore(%run_scoped3A_1096 : memref<!tpu.dma_semaphore, #tpu.memory_space<semaphore_mem>>) src(%arg10 : memref<100x128xf32, #tpu.memory_space<vmem>>) dst(%dma_wait3A_1108 : memref<10000x128xf32, #tpu.memory_space<vmem_shared>>)
        tpu.yield
      }) : () -> ()
      %add3A_1046 = arith.constant 0 : i32
      %add3A_1047 = arith.addi %mul3A_1035, %add3A_1046 : i32
      %add3A_1048 = arith.constant 3 : i32
      %add3A_1049 = arith.addi %add3A_1047, %add3A_1048 : i32
      %dma_start3A_1050 = arith.constant 0 : i32
      %dma_start3A_1051 = tpu.memref_slice %arg6[%add3A_1049, %dma_start3A_1050] : memref<10x100xi32, #tpu.memory_space<vmem>> -> memref<1x100xi32, #tpu.memory_space<vmem>>
      %dma_start3A_1052 = tpu.memref_squeeze %dma_start3A_1051 : memref<1x100xi32, #tpu.memory_space<vmem>> -> memref<100xi32, #tpu.memory_space<vmem>>
      %dma_start3A_1053 = arith.constant 0 : i32
      %dma_start3A_1054 = arith.constant 0 : i32
      %dma_start3A_1055 = tpu.memref_slice %arg2[%dma_start3A_1053, %dma_start3A_1054] : memref<10000x128xf32, #tpu.memory_space<hbm>> -> memref<10000x128xf32, #tpu.memory_space<hbm>>
      tpu.enqueue_indirect_dma source(%dma_start3A_1055 : memref<10000x128xf32, #tpu.memory_space<hbm>>) target(%arg10 : memref<100x128xf32, #tpu.memory_space<vmem>>) offsets(%dma_start3A_1052 : memref<100xi32, #tpu.memory_space<vmem>>) semaphore(%arg13 : memref<!tpu.dma_semaphore, #tpu.memory_space<semaphore_mem>>)
      %add3A_1056 = arith.constant 1 : i32
      %add3A_1057 = arith.addi %mul3A_1035, %add3A_1056 : i32
      %dma_wait3A_1058 = arith.constant 0 : i32
      %dma_wait3A_1059 = tpu.memref_slice %arg6[%add3A_1057, %dma_wait3A_1058] : memref<10x100xi32, #tpu.memory_space<vmem>> -> memref<1x100xi32, #tpu.memory_space<vmem>>
      %dma_wait3A_1060 = tpu.memref_squeeze %dma_wait3A_1059 : memref<1x100xi32, #tpu.memory_space<vmem>> -> memref<100xi32, #tpu.memory_space<vmem>>
      %dma_wait3A_1061 = arith.constant 0 : i32
      %dma_wait3A_1062 = arith.constant 0 : i32
      %dma_wait3A_1063 = tpu.memref_slice %arg2[%dma_wait3A_1061, %dma_wait3A_1062] : memref<10000x128xf32, #tpu.memory_space<hbm>> -> memref<10000x128xf32, #tpu.memory_space<hbm>>
      tpu.wait_indirect_dma semaphore(%arg14 : memref<!tpu.dma_semaphore, #tpu.memory_space<semaphore_mem>>) src(%dma_wait3A_1063 : memref<10000x128xf32, #tpu.memory_space<hbm>>) dst(%arg11 : memref<100x128xf32, #tpu.memory_space<vmem>>)
      %add3A_1064 = arith.constant 1 : i32
      %add3A_1065 = arith.addi %mul3A_1035, %add3A_1064 : i32
      "tpu.region"() ({
        %run_scoped3A_1096 = tpu.sem_alloc : memref<!tpu.dma_semaphore, #tpu.memory_space<semaphore_mem>>
        %dma_start3A_1097 = arith.constant 0 : i32
        %dma_start3A_1098 = tpu.memref_slice %arg7[%add3A_1065, %dma_start3A_1097] : memref<10x100xi32, #tpu.memory_space<vmem>> -> memref<1x100xi32, #tpu.memory_space<vmem>>
        %dma_start3A_1099 = tpu.memref_squeeze %dma_start3A_1098 : memref<1x100xi32, #tpu.memory_space<vmem>> -> memref<100xi32, #tpu.memory_space<vmem>>
        %dma_start3A_1100 = arith.constant 0 : i32
        %dma_start3A_1101 = arith.constant 0 : i32
        %dma_start3A_1102 = tpu.memref_slice %arg18[%dma_start3A_1100, %dma_start3A_1101] : memref<10000x128xf32, #tpu.memory_space<vmem_shared>> -> memref<10000x128xf32, #tpu.memory_space<vmem_shared>>
        tpu.enqueue_indirect_dma source(%arg11 : memref<100x128xf32, #tpu.memory_space<vmem>>) target(%dma_start3A_1102 : memref<10000x128xf32, #tpu.memory_space<vmem_shared>>) offsets(%dma_start3A_1099 : memref<100xi32, #tpu.memory_space<vmem>>) semaphore(%run_scoped3A_1096 : memref<!tpu.dma_semaphore, #tpu.memory_space<semaphore_mem>>) {add = true}
        %dma_wait3A_1103 = arith.constant 0 : i32
        %dma_wait3A_1104 = tpu.memref_slice %arg7[%add3A_1065, %dma_wait3A_1103] : memref<10x100xi32, #tpu.memory_space<vmem>> -> memref<1x100xi32, #tpu.memory_space<vmem>>
        %dma_wait3A_1105 = tpu.memref_squeeze %dma_wait3A_1104 : memref<1x100xi32, #tpu.memory_space<vmem>> -> memref<100xi32, #tpu.memory_space<vmem>>
        %dma_wait3A_1106 = arith.constant 0 : i32
        %dma_wait3A_1107 = arith.constant 0 : i32
        %dma_wait3A_1108 = tpu.memref_slice %arg18[%dma_wait3A_1106, %dma_wait3A_1107] : memref<10000x128xf32, #tpu.memory_space<vmem_shared>> -> memref<10000x128xf32, #tpu.memory_space<vmem_shared>>
        tpu.wait_indirect_dma semaphore(%run_scoped3A_1096 : memref<!tpu.dma_semaphore, #tpu.memory_space<semaphore_mem>>) src(%arg11 : memref<100x128xf32, #tpu.memory_space<vmem>>) dst(%dma_wait3A_1108 : memref<10000x128xf32, #tpu.memory_space<vmem_shared>>)
        tpu.yield
      }) : () -> ()
      %add3A_1066 = arith.constant 1 : i32
      %add3A_1067 = arith.addi %mul3A_1035, %add3A_1066 : i32
      %add3A_1068 = arith.constant 3 : i32
      %add3A_1069 = arith.addi %add3A_1067, %add3A_1068 : i32
      %dma_start3A_1070 = arith.constant 0 : i32
      %dma_start3A_1071 = tpu.memref_slice %arg6[%add3A_1069, %dma_start3A_1070] : memref<10x100xi32, #tpu.memory_space<vmem>> -> memref<1x100xi32, #tpu.memory_space<vmem>>
      %dma_start3A_1072 = tpu.memref_squeeze %dma_start3A_1071 : memref<1x100xi32, #tpu.memory_space<vmem>> -> memref<100xi32, #tpu.memory_space<vmem>>
      %dma_start3A_1073 = arith.constant 0 : i32
      %dma_start3A_1074 = arith.constant 0 : i32
      %dma_start3A_1075 = tpu.memref_slice %arg2[%dma_start3A_1073, %dma_start3A_1074] : memref<10000x128xf32, #tpu.memory_space<hbm>> -> memref<10000x128xf32, #tpu.memory_space<hbm>>
      tpu.enqueue_indirect_dma source(%dma_start3A_1075 : memref<10000x128xf32, #tpu.memory_space<hbm>>) target(%arg11 : memref<100x128xf32, #tpu.memory_space<vmem>>) offsets(%dma_start3A_1072 : memref<100xi32, #tpu.memory_space<vmem>>) semaphore(%arg14 : memref<!tpu.dma_semaphore, #tpu.memory_space<semaphore_mem>>)
      %add3A_1076 = arith.constant 2 : i32
      %add3A_1077 = arith.addi %mul3A_1035, %add3A_1076 : i32
      %dma_wait3A_1078 = arith.constant 0 : i32
      %dma_wait3A_1079 = tpu.memref_slice %arg6[%add3A_1077, %dma_wait3A_1078] : memref<10x100xi32, #tpu.memory_space<vmem>> -> memref<1x100xi32, #tpu.memory_space<vmem>>
      %dma_wait3A_1080 = tpu.memref_squeeze %dma_wait3A_1079 : memref<1x100xi32, #tpu.memory_space<vmem>> -> memref<100xi32, #tpu.memory_space<vmem>>
      %dma_wait3A_1081 = arith.constant 0 : i32
      %dma_wait3A_1082 = arith.constant 0 : i32
      %dma_wait3A_1083 = tpu.memref_slice %arg2[%dma_wait3A_1081, %dma_wait3A_1082] : memref<10000x128xf32, #tpu.memory_space<hbm>> -> memref<10000x128xf32, #tpu.memory_space<hbm>>
      tpu.wait_indirect_dma semaphore(%arg15 : memref<!tpu.dma_semaphore, #tpu.memory_space<semaphore_mem>>) src(%dma_wait3A_1083 : memref<10000x128xf32, #tpu.memory_space<hbm>>) dst(%arg12 : memref<100x128xf32, #tpu.memory_space<vmem>>)
      %add3A_1084 = arith.constant 2 : i32
      %add3A_1085 = arith.addi %mul3A_1035, %add3A_1084 : i32
      "tpu.region"() ({
        %run_scoped3A_1096 = tpu.sem_alloc : memref<!tpu.dma_semaphore, #tpu.memory_space<semaphore_mem>>
        %dma_start3A_1097 = arith.constant 0 : i32
        %dma_start3A_1098 = tpu.memref_slice %arg7[%add3A_1085, %dma_start3A_1097] : memref<10x100xi32, #tpu.memory_space<vmem>> -> memref<1x100xi32, #tpu.memory_space<vmem>>
        %dma_start3A_1099 = tpu.memref_squeeze %dma_start3A_1098 : memref<1x100xi32, #tpu.memory_space<vmem>> -> memref<100xi32, #tpu.memory_space<vmem>>
        %dma_start3A_1100 = arith.constant 0 : i32
        %dma_start3A_1101 = arith.constant 0 : i32
        %dma_start3A_1102 = tpu.memref_slice %arg18[%dma_start3A_1100, %dma_start3A_1101] : memref<10000x128xf32, #tpu.memory_space<vmem_shared>> -> memref<10000x128xf32, #tpu.memory_space<vmem_shared>>
        tpu.enqueue_indirect_dma source(%arg12 : memref<100x128xf32, #tpu.memory_space<vmem>>) target(%dma_start3A_1102 : memref<10000x128xf32, #tpu.memory_space<vmem_shared>>) offsets(%dma_start3A_1099 : memref<100xi32, #tpu.memory_space<vmem>>) semaphore(%run_scoped3A_1096 : memref<!tpu.dma_semaphore, #tpu.memory_space<semaphore_mem>>) {add = true}
        %dma_wait3A_1103 = arith.constant 0 : i32
        %dma_wait3A_1104 = tpu.memref_slice %arg7[%add3A_1085, %dma_wait3A_1103] : memref<10x100xi32, #tpu.memory_space<vmem>> -> memref<1x100xi32, #tpu.memory_space<vmem>>
        %dma_wait3A_1105 = tpu.memref_squeeze %dma_wait3A_1104 : memref<1x100xi32, #tpu.memory_space<vmem>> -> memref<100xi32, #tpu.memory_space<vmem>>
        %dma_wait3A_1106 = arith.constant 0 : i32
        %dma_wait3A_1107 = arith.constant 0 : i32
        %dma_wait3A_1108 = tpu.memref_slice %arg18[%dma_wait3A_1106, %dma_wait3A_1107] : memref<10000x128xf32, #tpu.memory_space<vmem_shared>> -> memref<10000x128xf32, #tpu.memory_space<vmem_shared>>
        tpu.wait_indirect_dma semaphore(%run_scoped3A_1096 : memref<!tpu.dma_semaphore, #tpu.memory_space<semaphore_mem>>) src(%arg12 : memref<100x128xf32, #tpu.memory_space<vmem>>) dst(%dma_wait3A_1108 : memref<10000x128xf32, #tpu.memory_space<vmem_shared>>)
        tpu.yield
      }) : () -> ()
      %add3A_1086 = arith.constant 2 : i32
      %add3A_1087 = arith.addi %mul3A_1035, %add3A_1086 : i32
      %add3A_1088 = arith.constant 3 : i32
      %add3A_1089 = arith.addi %add3A_1087, %add3A_1088 : i32
      %dma_start3A_1090 = arith.constant 0 : i32
      %dma_start3A_1091 = tpu.memref_slice %arg6[%add3A_1089, %dma_start3A_1090] : memref<10x100xi32, #tpu.memory_space<vmem>> -> memref<1x100xi32, #tpu.memory_space<vmem>>
      %dma_start3A_1092 = tpu.memref_squeeze %dma_start3A_1091 : memref<1x100xi32, #tpu.memory_space<vmem>> -> memref<100xi32, #tpu.memory_space<vmem>>
      %dma_start3A_1093 = arith.constant 0 : i32
      %dma_start3A_1094 = arith.constant 0 : i32
      %dma_start3A_1095 = tpu.memref_slice %arg2[%dma_start3A_1093, %dma_start3A_1094] : memref<10000x128xf32, #tpu.memory_space<hbm>> -> memref<10000x128xf32, #tpu.memory_space<hbm>>
      tpu.enqueue_indirect_dma source(%dma_start3A_1095 : memref<10000x128xf32, #tpu.memory_space<hbm>>) target(%arg12 : memref<100x128xf32, #tpu.memory_space<vmem>>) offsets(%dma_start3A_1092 : memref<100xi32, #tpu.memory_space<vmem>>) semaphore(%arg15 : memref<!tpu.dma_semaphore, #tpu.memory_space<semaphore_mem>>)
    }
    %scan3A_496 = arith.constant 2 : i32
    %dma_wait3A_497 = arith.constant 5 : i32
    %dma_wait3A_498 = arith.constant 0 : i32
    %dma_wait3A_499 = arith.constant 0 : i32
    %dma_wait3A_500 = tpu.memref_slice %arg3[%add3A, %dma_wait3A_497, %dma_wait3A_498, %dma_wait3A_499] : memref<32x10x10x100xi32, #tpu.memory_space<hbm>> -> memref<1x1x10x100xi32, #tpu.memory_space<hbm>>
    %dma_wait3A_501 = tpu.memref_squeeze %dma_wait3A_500 : memref<1x1x10x100xi32, #tpu.memory_space<hbm>> -> memref<10x100xi32, #tpu.memory_space<hbm>>
    %dma_wait3A_502 = arith.constant 0 : i32
    %dma_wait3A_503 = arith.constant 0 : i32
    %dma_wait3A_504 = tpu.memref_slice %arg3[%add3A, %dma_wait3A_497, %dma_wait3A_502, %dma_wait3A_503] : memref<32x10x10x100xi32, #tpu.memory_space<hbm>> -> memref<1x1x10x100xi32, #tpu.memory_space<hbm>>
    %dma_wait3A_505 = tpu.memref_squeeze %dma_wait3A_504 : memref<1x1x10x100xi32, #tpu.memory_space<hbm>> -> memref<10x100xi32, #tpu.memory_space<hbm>>
    tpu.wait_dma2 semaphore(%arg16 : memref<!tpu.dma_semaphore, #tpu.memory_space<semaphore_mem>>) src(%dma_wait3A_505 : memref<10x100xi32, #tpu.memory_space<hbm>>) dst(%arg8 : memref<10x100xi32, #tpu.memory_space<vmem>>)
    %dma_wait3A_506 = arith.constant 5 : i32
    %dma_wait3A_507 = arith.constant 0 : i32
    %dma_wait3A_508 = arith.constant 0 : i32
    %dma_wait3A_509 = tpu.memref_slice %arg4[%add3A, %dma_wait3A_506, %dma_wait3A_507, %dma_wait3A_508] : memref<32x10x10x100xi32, #tpu.memory_space<hbm>> -> memref<1x1x10x100xi32, #tpu.memory_space<hbm>>
    %dma_wait3A_510 = tpu.memref_squeeze %dma_wait3A_509 : memref<1x1x10x100xi32, #tpu.memory_space<hbm>> -> memref<10x100xi32, #tpu.memory_space<hbm>>
    %dma_wait3A_511 = arith.constant 0 : i32
    %dma_wait3A_512 = arith.constant 0 : i32
    %dma_wait3A_513 = tpu.memref_slice %arg4[%add3A, %dma_wait3A_506, %dma_wait3A_511, %dma_wait3A_512] : memref<32x10x10x100xi32, #tpu.memory_space<hbm>> -> memref<1x1x10x100xi32, #tpu.memory_space<hbm>>
    %dma_wait3A_514 = tpu.memref_squeeze %dma_wait3A_513 : memref<1x1x10x100xi32, #tpu.memory_space<hbm>> -> memref<10x100xi32, #tpu.memory_space<hbm>>
    tpu.wait_dma2 semaphore(%arg17 : memref<!tpu.dma_semaphore, #tpu.memory_space<semaphore_mem>>) src(%dma_wait3A_514 : memref<10x100xi32, #tpu.memory_space<hbm>>) dst(%arg9 : memref<10x100xi32, #tpu.memory_space<vmem>>)
    %dma_wait3A_515 = arith.constant 6 : i32
    %dma_wait3A_516 = arith.constant 0 : i32
    %dma_wait3A_517 = tpu.memref_slice %arg6[%dma_wait3A_515, %dma_wait3A_516] : memref<10x100xi32, #tpu.memory_space<vmem>> -> memref<1x100xi32, #tpu.memory_space<vmem>>
    %dma_wait3A_518 = tpu.memref_squeeze %dma_wait3A_517 : memref<1x100xi32, #tpu.memory_space<vmem>> -> memref<100xi32, #tpu.memory_space<vmem>>
    %dma_wait3A_519 = arith.constant 0 : i32
    %dma_wait3A_520 = arith.constant 0 : i32
    %dma_wait3A_521 = tpu.memref_slice %arg2[%dma_wait3A_519, %dma_wait3A_520] : memref<10000x128xf32, #tpu.memory_space<hbm>> -> memref<10000x128xf32, #tpu.memory_space<hbm>>
    tpu.wait_indirect_dma semaphore(%arg13 : memref<!tpu.dma_semaphore, #tpu.memory_space<semaphore_mem>>) src(%dma_wait3A_521 : memref<10000x128xf32, #tpu.memory_space<hbm>>) dst(%arg10 : memref<100x128xf32, #tpu.memory_space<vmem>>)
    %run_scoped3A_522 = arith.constant 6 : i32
    "tpu.region"() ({
      %run_scoped3A_1029 = tpu.sem_alloc : memref<!tpu.dma_semaphore, #tpu.memory_space<semaphore_mem>>
      %dma_start3A_1030 = arith.constant 0 : i32
      %dma_start3A_1031 = tpu.memref_slice %arg7[%run_scoped3A_522, %dma_start3A_1030] : memref<10x100xi32, #tpu.memory_space<vmem>> -> memref<1x100xi32, #tpu.memory_space<vmem>>
      %dma_start3A_1032 = tpu.memref_squeeze %dma_start3A_1031 : memref<1x100xi32, #tpu.memory_space<vmem>> -> memref<100xi32, #tpu.memory_space<vmem>>
      %dma_start3A_1033 = arith.constant 0 : i32
      %dma_start3A_1034 = arith.constant 0 : i32
      %dma_start3A_1035 = tpu.memref_slice %arg18[%dma_start3A_1033, %dma_start3A_1034] : memref<10000x128xf32, #tpu.memory_space<vmem_shared>> -> memref<10000x128xf32, #tpu.memory_space<vmem_shared>>
      tpu.enqueue_indirect_dma source(%arg10 : memref<100x128xf32, #tpu.memory_space<vmem>>) target(%dma_start3A_1035 : memref<10000x128xf32, #tpu.memory_space<vmem_shared>>) offsets(%dma_start3A_1032 : memref<100xi32, #tpu.memory_space<vmem>>) semaphore(%run_scoped3A_1029 : memref<!tpu.dma_semaphore, #tpu.memory_space<semaphore_mem>>) {add = true}
      %dma_wait3A_1036 = arith.constant 0 : i32
      %dma_wait3A_1037 = tpu.memref_slice %arg7[%run_scoped3A_522, %dma_wait3A_1036] : memref<10x100xi32, #tpu.memory_space<vmem>> -> memref<1x100xi32, #tpu.memory_space<vmem>>
      %dma_wait3A_1038 = tpu.memref_squeeze %dma_wait3A_1037 : memref<1x100xi32, #tpu.memory_space<vmem>> -> memref<100xi32, #tpu.memory_space<vmem>>
      %dma_wait3A_1039 = arith.constant 0 : i32
      %dma_wait3A_1040 = arith.constant 0 : i32
      %dma_wait3A_1041 = tpu.memref_slice %arg18[%dma_wait3A_1039, %dma_wait3A_1040] : memref<10000x128xf32, #tpu.memory_space<vmem_shared>> -> memref<10000x128xf32, #tpu.memory_space<vmem_shared>>
      tpu.wait_indirect_dma semaphore(%run_scoped3A_1029 : memref<!tpu.dma_semaphore, #tpu.memory_space<semaphore_mem>>) src(%arg10 : memref<100x128xf32, #tpu.memory_space<vmem>>) dst(%dma_wait3A_1041 : memref<10000x128xf32, #tpu.memory_space<vmem_shared>>)
      tpu.yield
    }) : () -> ()
    %dma_start3A_523 = arith.constant 9 : i32
    %dma_start3A_524 = arith.constant 0 : i32
    %dma_start3A_525 = tpu.memref_slice %arg6[%dma_start3A_523, %dma_start3A_524] : memref<10x100xi32, #tpu.memory_space<vmem>> -> memref<1x100xi32, #tpu.memory_space<vmem>>
    %dma_start3A_526 = tpu.memref_squeeze %dma_start3A_525 : memref<1x100xi32, #tpu.memory_space<vmem>> -> memref<100xi32, #tpu.memory_space<vmem>>
    %dma_start3A_527 = arith.constant 0 : i32
    %dma_start3A_528 = arith.constant 0 : i32
    %dma_start3A_529 = tpu.memref_slice %arg2[%dma_start3A_527, %dma_start3A_528] : memref<10000x128xf32, #tpu.memory_space<hbm>> -> memref<10000x128xf32, #tpu.memory_space<hbm>>
    tpu.enqueue_indirect_dma source(%dma_start3A_529 : memref<10000x128xf32, #tpu.memory_space<hbm>>) target(%arg10 : memref<100x128xf32, #tpu.memory_space<vmem>>) offsets(%dma_start3A_526 : memref<100xi32, #tpu.memory_space<vmem>>) semaphore(%arg13 : memref<!tpu.dma_semaphore, #tpu.memory_space<semaphore_mem>>)
    %dma_wait3A_530 = arith.constant 7 : i32
    %dma_wait3A_531 = arith.constant 0 : i32
    %dma_wait3A_532 = tpu.memref_slice %arg6[%dma_wait3A_530, %dma_wait3A_531] : memref<10x100xi32, #tpu.memory_space<vmem>> -> memref<1x100xi32, #tpu.memory_space<vmem>>
    %dma_wait3A_533 = tpu.memref_squeeze %dma_wait3A_532 : memref<1x100xi32, #tpu.memory_space<vmem>> -> memref<100xi32, #tpu.memory_space<vmem>>
    %dma_wait3A_534 = arith.constant 0 : i32
    %dma_wait3A_535 = arith.constant 0 : i32
    %dma_wait3A_536 = tpu.memref_slice %arg2[%dma_wait3A_534, %dma_wait3A_535] : memref<10000x128xf32, #tpu.memory_space<hbm>> -> memref<10000x128xf32, #tpu.memory_space<hbm>>
    tpu.wait_indirect_dma semaphore(%arg14 : memref<!tpu.dma_semaphore, #tpu.memory_space<semaphore_mem>>) src(%dma_wait3A_536 : memref<10000x128xf32, #tpu.memory_space<hbm>>) dst(%arg11 : memref<100x128xf32, #tpu.memory_space<vmem>>)
    %run_scoped3A_537 = arith.constant 7 : i32
    "tpu.region"() ({
      %run_scoped3A_1029 = tpu.sem_alloc : memref<!tpu.dma_semaphore, #tpu.memory_space<semaphore_mem>>
      %dma_start3A_1030 = arith.constant 0 : i32
      %dma_start3A_1031 = tpu.memref_slice %arg7[%run_scoped3A_537, %dma_start3A_1030] : memref<10x100xi32, #tpu.memory_space<vmem>> -> memref<1x100xi32, #tpu.memory_space<vmem>>
      %dma_start3A_1032 = tpu.memref_squeeze %dma_start3A_1031 : memref<1x100xi32, #tpu.memory_space<vmem>> -> memref<100xi32, #tpu.memory_space<vmem>>
      %dma_start3A_1033 = arith.constant 0 : i32
      %dma_start3A_1034 = arith.constant 0 : i32
      %dma_start3A_1035 = tpu.memref_slice %arg18[%dma_start3A_1033, %dma_start3A_1034] : memref<10000x128xf32, #tpu.memory_space<vmem_shared>> -> memref<10000x128xf32, #tpu.memory_space<vmem_shared>>
      tpu.enqueue_indirect_dma source(%arg11 : memref<100x128xf32, #tpu.memory_space<vmem>>) target(%dma_start3A_1035 : memref<10000x128xf32, #tpu.memory_space<vmem_shared>>) offsets(%dma_start3A_1032 : memref<100xi32, #tpu.memory_space<vmem>>) semaphore(%run_scoped3A_1029 : memref<!tpu.dma_semaphore, #tpu.memory_space<semaphore_mem>>) {add = true}
      %dma_wait3A_1036 = arith.constant 0 : i32
      %dma_wait3A_1037 = tpu.memref_slice %arg7[%run_scoped3A_537, %dma_wait3A_1036] : memref<10x100xi32, #tpu.memory_space<vmem>> -> memref<1x100xi32, #tpu.memory_space<vmem>>
      %dma_wait3A_1038 = tpu.memref_squeeze %dma_wait3A_1037 : memref<1x100xi32, #tpu.memory_space<vmem>> -> memref<100xi32, #tpu.memory_space<vmem>>
      %dma_wait3A_1039 = arith.constant 0 : i32
      %dma_wait3A_1040 = arith.constant 0 : i32
      %dma_wait3A_1041 = tpu.memref_slice %arg18[%dma_wait3A_1039, %dma_wait3A_1040] : memref<10000x128xf32, #tpu.memory_space<vmem_shared>> -> memref<10000x128xf32, #tpu.memory_space<vmem_shared>>
      tpu.wait_indirect_dma semaphore(%run_scoped3A_1029 : memref<!tpu.dma_semaphore, #tpu.memory_space<semaphore_mem>>) src(%arg11 : memref<100x128xf32, #tpu.memory_space<vmem>>) dst(%dma_wait3A_1041 : memref<10000x128xf32, #tpu.memory_space<vmem_shared>>)
      tpu.yield
    }) : () -> ()
    %dma_start3A_538 = arith.constant 1 : i32
    %dma_start3A_539 = arith.constant 0 : i32
    %dma_start3A_540 = tpu.memref_slice %arg8[%dma_start3A_538, %dma_start3A_539] : memref<10x100xi32, #tpu.memory_space<vmem>> -> memref<1x100xi32, #tpu.memory_space<vmem>>
    %dma_start3A_541 = tpu.memref_squeeze %dma_start3A_540 : memref<1x100xi32, #tpu.memory_space<vmem>> -> memref<100xi32, #tpu.memory_space<vmem>>
    %dma_start3A_542 = arith.constant 0 : i32
    %dma_start3A_543 = arith.constant 0 : i32
    %dma_start3A_544 = tpu.memref_slice %arg2[%dma_start3A_542, %dma_start3A_543] : memref<10000x128xf32, #tpu.memory_space<hbm>> -> memref<10000x128xf32, #tpu.memory_space<hbm>>
    tpu.enqueue_indirect_dma source(%dma_start3A_544 : memref<10000x128xf32, #tpu.memory_space<hbm>>) target(%arg11 : memref<100x128xf32, #tpu.memory_space<vmem>>) offsets(%dma_start3A_541 : memref<100xi32, #tpu.memory_space<vmem>>) semaphore(%arg14 : memref<!tpu.dma_semaphore, #tpu.memory_space<semaphore_mem>>)
    %dma_wait3A_545 = arith.constant 8 : i32
    %dma_wait3A_546 = arith.constant 0 : i32
    %dma_wait3A_547 = tpu.memref_slice %arg6[%dma_wait3A_545, %dma_wait3A_546] : memref<10x100xi32, #tpu.memory_space<vmem>> -> memref<1x100xi32, #tpu.memory_space<vmem>>
    %dma_wait3A_548 = tpu.memref_squeeze %dma_wait3A_547 : memref<1x100xi32, #tpu.memory_space<vmem>> -> memref<100xi32, #tpu.memory_space<vmem>>
    %dma_wait3A_549 = arith.constant 0 : i32
    %dma_wait3A_550 = arith.constant 0 : i32
    %dma_wait3A_551 = tpu.memref_slice %arg2[%dma_wait3A_549, %dma_wait3A_550] : memref<10000x128xf32, #tpu.memory_space<hbm>> -> memref<10000x128xf32, #tpu.memory_space<hbm>>
    tpu.wait_indirect_dma semaphore(%arg15 : memref<!tpu.dma_semaphore, #tpu.memory_space<semaphore_mem>>) src(%dma_wait3A_551 : memref<10000x128xf32, #tpu.memory_space<hbm>>) dst(%arg12 : memref<100x128xf32, #tpu.memory_space<vmem>>)
    %run_scoped3A_552 = arith.constant 8 : i32
    "tpu.region"() ({
      %run_scoped3A_1029 = tpu.sem_alloc : memref<!tpu.dma_semaphore, #tpu.memory_space<semaphore_mem>>
      %dma_start3A_1030 = arith.constant 0 : i32
      %dma_start3A_1031 = tpu.memref_slice %arg7[%run_scoped3A_552, %dma_start3A_1030] : memref<10x100xi32, #tpu.memory_space<vmem>> -> memref<1x100xi32, #tpu.memory_space<vmem>>
      %dma_start3A_1032 = tpu.memref_squeeze %dma_start3A_1031 : memref<1x100xi32, #tpu.memory_space<vmem>> -> memref<100xi32, #tpu.memory_space<vmem>>
      %dma_start3A_1033 = arith.constant 0 : i32
      %dma_start3A_1034 = arith.constant 0 : i32
      %dma_start3A_1035 = tpu.memref_slice %arg18[%dma_start3A_1033, %dma_start3A_1034] : memref<10000x128xf32, #tpu.memory_space<vmem_shared>> -> memref<10000x128xf32, #tpu.memory_space<vmem_shared>>
      tpu.enqueue_indirect_dma source(%arg12 : memref<100x128xf32, #tpu.memory_space<vmem>>) target(%dma_start3A_1035 : memref<10000x128xf32, #tpu.memory_space<vmem_shared>>) offsets(%dma_start3A_1032 : memref<100xi32, #tpu.memory_space<vmem>>) semaphore(%run_scoped3A_1029 : memref<!tpu.dma_semaphore, #tpu.memory_space<semaphore_mem>>) {add = true}
      %dma_wait3A_1036 = arith.constant 0 : i32
      %dma_wait3A_1037 = tpu.memref_slice %arg7[%run_scoped3A_552, %dma_wait3A_1036] : memref<10x100xi32, #tpu.memory_space<vmem>> -> memref<1x100xi32, #tpu.memory_space<vmem>>
      %dma_wait3A_1038 = tpu.memref_squeeze %dma_wait3A_1037 : memref<1x100xi32, #tpu.memory_space<vmem>> -> memref<100xi32, #tpu.memory_space<vmem>>
      %dma_wait3A_1039 = arith.constant 0 : i32
      %dma_wait3A_1040 = arith.constant 0 : i32
      %dma_wait3A_1041 = tpu.memref_slice %arg18[%dma_wait3A_1039, %dma_wait3A_1040] : memref<10000x128xf32, #tpu.memory_space<vmem_shared>> -> memref<10000x128xf32, #tpu.memory_space<vmem_shared>>
      tpu.wait_indirect_dma semaphore(%run_scoped3A_1029 : memref<!tpu.dma_semaphore, #tpu.memory_space<semaphore_mem>>) src(%arg12 : memref<100x128xf32, #tpu.memory_space<vmem>>) dst(%dma_wait3A_1041 : memref<10000x128xf32, #tpu.memory_space<vmem_shared>>)
      tpu.yield
    }) : () -> ()
    %dma_start3A_553 = arith.constant 2 : i32
    %dma_start3A_554 = arith.constant 0 : i32
    %dma_start3A_555 = tpu.memref_slice %arg8[%dma_start3A_553, %dma_start3A_554] : memref<10x100xi32, #tpu.memory_space<vmem>> -> memref<1x100xi32, #tpu.memory_space<vmem>>
    %dma_start3A_556 = tpu.memref_squeeze %dma_start3A_555 : memref<1x100xi32, #tpu.memory_space<vmem>> -> memref<100xi32, #tpu.memory_space<vmem>>
    %dma_start3A_557 = arith.constant 0 : i32
    %dma_start3A_558 = arith.constant 0 : i32
    %dma_start3A_559 = tpu.memref_slice %arg2[%dma_start3A_557, %dma_start3A_558] : memref<10000x128xf32, #tpu.memory_space<hbm>> -> memref<10000x128xf32, #tpu.memory_space<hbm>>
    tpu.enqueue_indirect_dma source(%dma_start3A_559 : memref<10000x128xf32, #tpu.memory_space<hbm>>) target(%arg12 : memref<100x128xf32, #tpu.memory_space<vmem>>) offsets(%dma_start3A_556 : memref<100xi32, #tpu.memory_space<vmem>>) semaphore(%arg15 : memref<!tpu.dma_semaphore, #tpu.memory_space<semaphore_mem>>)
    %dma_wait3A_560 = arith.constant 9 : i32
    %dma_wait3A_561 = arith.constant 0 : i32
    %dma_wait3A_562 = tpu.memref_slice %arg6[%dma_wait3A_560, %dma_wait3A_561] : memref<10x100xi32, #tpu.memory_space<vmem>> -> memref<1x100xi32, #tpu.memory_space<vmem>>
    %dma_wait3A_563 = tpu.memref_squeeze %dma_wait3A_562 : memref<1x100xi32, #tpu.memory_space<vmem>> -> memref<100xi32, #tpu.memory_space<vmem>>
    %dma_wait3A_564 = arith.constant 0 : i32
    %dma_wait3A_565 = arith.constant 0 : i32
    %dma_wait3A_566 = tpu.memref_slice %arg2[%dma_wait3A_564, %dma_wait3A_565] : memref<10000x128xf32, #tpu.memory_space<hbm>> -> memref<10000x128xf32, #tpu.memory_space<hbm>>
    tpu.wait_indirect_dma semaphore(%arg13 : memref<!tpu.dma_semaphore, #tpu.memory_space<semaphore_mem>>) src(%dma_wait3A_566 : memref<10000x128xf32, #tpu.memory_space<hbm>>) dst(%arg10 : memref<100x128xf32, #tpu.memory_space<vmem>>)
    %run_scoped3A_567 = arith.constant 9 : i32
    "tpu.region"() ({
      %run_scoped3A_1029 = tpu.sem_alloc : memref<!tpu.dma_semaphore, #tpu.memory_space<semaphore_mem>>
      %dma_start3A_1030 = arith.constant 0 : i32
      %dma_start3A_1031 = tpu.memref_slice %arg7[%run_scoped3A_567, %dma_start3A_1030] : memref<10x100xi32, #tpu.memory_space<vmem>> -> memref<1x100xi32, #tpu.memory_space<vmem>>
      %dma_start3A_1032 = tpu.memref_squeeze %dma_start3A_1031 : memref<1x100xi32, #tpu.memory_space<vmem>> -> memref<100xi32, #tpu.memory_space<vmem>>
      %dma_start3A_1033 = arith.constant 0 : i32
      %dma_start3A_1034 = arith.constant 0 : i32
      %dma_start3A_1035 = tpu.memref_slice %arg18[%dma_start3A_1033, %dma_start3A_1034] : memref<10000x128xf32, #tpu.memory_space<vmem_shared>> -> memref<10000x128xf32, #tpu.memory_space<vmem_shared>>
      tpu.enqueue_indirect_dma source(%arg10 : memref<100x128xf32, #tpu.memory_space<vmem>>) target(%dma_start3A_1035 : memref<10000x128xf32, #tpu.memory_space<vmem_shared>>) offsets(%dma_start3A_1032 : memref<100xi32, #tpu.memory_space<vmem>>) semaphore(%run_scoped3A_1029 : memref<!tpu.dma_semaphore, #tpu.memory_space<semaphore_mem>>) {add = true}
      %dma_wait3A_1036 = arith.constant 0 : i32
      %dma_wait3A_1037 = tpu.memref_slice %arg7[%run_scoped3A_567, %dma_wait3A_1036] : memref<10x100xi32, #tpu.memory_space<vmem>> -> memref<1x100xi32, #tpu.memory_space<vmem>>
      %dma_wait3A_1038 = tpu.memref_squeeze %dma_wait3A_1037 : memref<1x100xi32, #tpu.memory_space<vmem>> -> memref<100xi32, #tpu.memory_space<vmem>>
      %dma_wait3A_1039 = arith.constant 0 : i32
      %dma_wait3A_1040 = arith.constant 0 : i32
      %dma_wait3A_1041 = tpu.memref_slice %arg18[%dma_wait3A_1039, %dma_wait3A_1040] : memref<10000x128xf32, #tpu.memory_space<vmem_shared>> -> memref<10000x128xf32, #tpu.memory_space<vmem_shared>>
      tpu.wait_indirect_dma semaphore(%run_scoped3A_1029 : memref<!tpu.dma_semaphore, #tpu.memory_space<semaphore_mem>>) src(%arg10 : memref<100x128xf32, #tpu.memory_space<vmem>>) dst(%dma_wait3A_1041 : memref<10000x128xf32, #tpu.memory_space<vmem_shared>>)
      tpu.yield
    }) : () -> ()
    %dma_start3A_568 = arith.constant 0 : i32
    %dma_start3A_569 = arith.constant 0 : i32
    %dma_start3A_570 = tpu.memref_slice %arg8[%dma_start3A_568, %dma_start3A_569] : memref<10x100xi32, #tpu.memory_space<vmem>> -> memref<1x100xi32, #tpu.memory_space<vmem>>
    %dma_start3A_571 = tpu.memref_squeeze %dma_start3A_570 : memref<1x100xi32, #tpu.memory_space<vmem>> -> memref<100xi32, #tpu.memory_space<vmem>>
    %dma_start3A_572 = arith.constant 0 : i32
    %dma_start3A_573 = arith.constant 0 : i32
    %dma_start3A_574 = tpu.memref_slice %arg2[%dma_start3A_572, %dma_start3A_573] : memref<10000x128xf32, #tpu.memory_space<hbm>> -> memref<10000x128xf32, #tpu.memory_space<hbm>>
    tpu.enqueue_indirect_dma source(%dma_start3A_574 : memref<10000x128xf32, #tpu.memory_space<hbm>>) target(%arg10 : memref<100x128xf32, #tpu.memory_space<vmem>>) offsets(%dma_start3A_571 : memref<100xi32, #tpu.memory_space<vmem>>) semaphore(%arg13 : memref<!tpu.dma_semaphore, #tpu.memory_space<semaphore_mem>>)
    %dma_start3A_575 = arith.constant 6 : i32
    %dma_start3A_576 = arith.constant 0 : i32
    %dma_start3A_577 = arith.constant 0 : i32
    %dma_start3A_578 = tpu.memref_slice %arg3[%add3A, %dma_start3A_575, %dma_start3A_576, %dma_start3A_577] : memref<32x10x10x100xi32, #tpu.memory_space<hbm>> -> memref<1x1x10x100xi32, #tpu.memory_space<hbm>>
    %dma_start3A_579 = tpu.memref_squeeze %dma_start3A_578 : memref<1x1x10x100xi32, #tpu.memory_space<hbm>> -> memref<10x100xi32, #tpu.memory_space<hbm>>
    %dma_start3A_580 = arith.constant 0 : i32
    %dma_start3A_581 = arith.constant 0 : i32
    %dma_start3A_582 = tpu.memref_slice %arg3[%add3A, %dma_start3A_575, %dma_start3A_580, %dma_start3A_581] : memref<32x10x10x100xi32, #tpu.memory_space<hbm>> -> memref<1x1x10x100xi32, #tpu.memory_space<hbm>>
    %dma_start3A_583 = tpu.memref_squeeze %dma_start3A_582 : memref<1x1x10x100xi32, #tpu.memory_space<hbm>> -> memref<10x100xi32, #tpu.memory_space<hbm>>
    tpu.enqueue_dma source(%dma_start3A_583 : memref<10x100xi32, #tpu.memory_space<hbm>>) target(%arg6 : memref<10x100xi32, #tpu.memory_space<vmem>>) target_semaphore(%arg16 : memref<!tpu.dma_semaphore, #tpu.memory_space<semaphore_mem>>)
    %dma_start3A_584 = arith.constant 6 : i32
    %dma_start3A_585 = arith.constant 0 : i32
    %dma_start3A_586 = arith.constant 0 : i32
    %dma_start3A_587 = tpu.memref_slice %arg4[%add3A, %dma_start3A_584, %dma_start3A_585, %dma_start3A_586] : memref<32x10x10x100xi32, #tpu.memory_space<hbm>> -> memref<1x1x10x100xi32, #tpu.memory_space<hbm>>
    %dma_start3A_588 = tpu.memref_squeeze %dma_start3A_587 : memref<1x1x10x100xi32, #tpu.memory_space<hbm>> -> memref<10x100xi32, #tpu.memory_space<hbm>>
    %dma_start3A_589 = arith.constant 0 : i32
    %dma_start3A_590 = arith.constant 0 : i32
    %dma_start3A_591 = tpu.memref_slice %arg4[%add3A, %dma_start3A_584, %dma_start3A_589, %dma_start3A_590] : memref<32x10x10x100xi32, #tpu.memory_space<hbm>> -> memref<1x1x10x100xi32, #tpu.memory_space<hbm>>
    %dma_start3A_592 = tpu.memref_squeeze %dma_start3A_591 : memref<1x1x10x100xi32, #tpu.memory_space<hbm>> -> memref<10x100xi32, #tpu.memory_space<hbm>>
    tpu.enqueue_dma source(%dma_start3A_592 : memref<10x100xi32, #tpu.memory_space<hbm>>) target(%arg7 : memref<10x100xi32, #tpu.memory_space<vmem>>) target_semaphore(%arg17 : memref<!tpu.dma_semaphore, #tpu.memory_space<semaphore_mem>>)
    %scan3A_593 = arith.constant 0 : i32
    %scan3A_594 = arith.constant 2 : i32
    %scan3A_595 = arith.addi %scan3A_593, %scan3A_594 : i32
    %scan3A_596 = arith.constant 1 : i32
    scf.for %scan3A_1029 = %scan3A_593 to %scan3A_595 step %scan3A_596  : i32 {
      %mul3A_1030 = arith.constant 1 : i32
      %mul3A_1031 = arith.muli %scan3A_1029, %mul3A_1030 : i32
      %add3A_1032 = arith.constant 0 : i32
      %add3A_1033 = arith.addi %add3A_1032, %mul3A_1031 : i32
      %mul3A_1034 = arith.constant 3 : i32
      %mul3A_1035 = arith.muli %add3A_1033, %mul3A_1034 : i32
      %add3A_1036 = arith.constant 0 : i32
      %add3A_1037 = arith.addi %mul3A_1035, %add3A_1036 : i32
      %dma_wait3A_1038 = arith.constant 0 : i32
      %dma_wait3A_1039 = tpu.memref_slice %arg8[%add3A_1037, %dma_wait3A_1038] : memref<10x100xi32, #tpu.memory_space<vmem>> -> memref<1x100xi32, #tpu.memory_space<vmem>>
      %dma_wait3A_1040 = tpu.memref_squeeze %dma_wait3A_1039 : memref<1x100xi32, #tpu.memory_space<vmem>> -> memref<100xi32, #tpu.memory_space<vmem>>
      %dma_wait3A_1041 = arith.constant 0 : i32
      %dma_wait3A_1042 = arith.constant 0 : i32
      %dma_wait3A_1043 = tpu.memref_slice %arg2[%dma_wait3A_1041, %dma_wait3A_1042] : memref<10000x128xf32, #tpu.memory_space<hbm>> -> memref<10000x128xf32, #tpu.memory_space<hbm>>
      tpu.wait_indirect_dma semaphore(%arg13 : memref<!tpu.dma_semaphore, #tpu.memory_space<semaphore_mem>>) src(%dma_wait3A_1043 : memref<10000x128xf32, #tpu.memory_space<hbm>>) dst(%arg10 : memref<100x128xf32, #tpu.memory_space<vmem>>)
      %add3A_1044 = arith.constant 0 : i32
      %add3A_1045 = arith.addi %mul3A_1035, %add3A_1044 : i32
      "tpu.region"() ({
        %run_scoped3A_1096 = tpu.sem_alloc : memref<!tpu.dma_semaphore, #tpu.memory_space<semaphore_mem>>
        %dma_start3A_1097 = arith.constant 0 : i32
        %dma_start3A_1098 = tpu.memref_slice %arg9[%add3A_1045, %dma_start3A_1097] : memref<10x100xi32, #tpu.memory_space<vmem>> -> memref<1x100xi32, #tpu.memory_space<vmem>>
        %dma_start3A_1099 = tpu.memref_squeeze %dma_start3A_1098 : memref<1x100xi32, #tpu.memory_space<vmem>> -> memref<100xi32, #tpu.memory_space<vmem>>
        %dma_start3A_1100 = arith.constant 0 : i32
        %dma_start3A_1101 = arith.constant 0 : i32
        %dma_start3A_1102 = tpu.memref_slice %arg18[%dma_start3A_1100, %dma_start3A_1101] : memref<10000x128xf32, #tpu.memory_space<vmem_shared>> -> memref<10000x128xf32, #tpu.memory_space<vmem_shared>>
        tpu.enqueue_indirect_dma source(%arg10 : memref<100x128xf32, #tpu.memory_space<vmem>>) target(%dma_start3A_1102 : memref<10000x128xf32, #tpu.memory_space<vmem_shared>>) offsets(%dma_start3A_1099 : memref<100xi32, #tpu.memory_space<vmem>>) semaphore(%run_scoped3A_1096 : memref<!tpu.dma_semaphore, #tpu.memory_space<semaphore_mem>>) {add = true}
        %dma_wait3A_1103 = arith.constant 0 : i32
        %dma_wait3A_1104 = tpu.memref_slice %arg9[%add3A_1045, %dma_wait3A_1103] : memref<10x100xi32, #tpu.memory_space<vmem>> -> memref<1x100xi32, #tpu.memory_space<vmem>>
        %dma_wait3A_1105 = tpu.memref_squeeze %dma_wait3A_1104 : memref<1x100xi32, #tpu.memory_space<vmem>> -> memref<100xi32, #tpu.memory_space<vmem>>
        %dma_wait3A_1106 = arith.constant 0 : i32
        %dma_wait3A_1107 = arith.constant 0 : i32
        %dma_wait3A_1108 = tpu.memref_slice %arg18[%dma_wait3A_1106, %dma_wait3A_1107] : memref<10000x128xf32, #tpu.memory_space<vmem_shared>> -> memref<10000x128xf32, #tpu.memory_space<vmem_shared>>
        tpu.wait_indirect_dma semaphore(%run_scoped3A_1096 : memref<!tpu.dma_semaphore, #tpu.memory_space<semaphore_mem>>) src(%arg10 : memref<100x128xf32, #tpu.memory_space<vmem>>) dst(%dma_wait3A_1108 : memref<10000x128xf32, #tpu.memory_space<vmem_shared>>)
        tpu.yield
      }) : () -> ()
      %add3A_1046 = arith.constant 0 : i32
      %add3A_1047 = arith.addi %mul3A_1035, %add3A_1046 : i32
      %add3A_1048 = arith.constant 3 : i32
      %add3A_1049 = arith.addi %add3A_1047, %add3A_1048 : i32
      %dma_start3A_1050 = arith.constant 0 : i32
      %dma_start3A_1051 = tpu.memref_slice %arg8[%add3A_1049, %dma_start3A_1050] : memref<10x100xi32, #tpu.memory_space<vmem>> -> memref<1x100xi32, #tpu.memory_space<vmem>>
      %dma_start3A_1052 = tpu.memref_squeeze %dma_start3A_1051 : memref<1x100xi32, #tpu.memory_space<vmem>> -> memref<100xi32, #tpu.memory_space<vmem>>
      %dma_start3A_1053 = arith.constant 0 : i32
      %dma_start3A_1054 = arith.constant 0 : i32
      %dma_start3A_1055 = tpu.memref_slice %arg2[%dma_start3A_1053, %dma_start3A_1054] : memref<10000x128xf32, #tpu.memory_space<hbm>> -> memref<10000x128xf32, #tpu.memory_space<hbm>>
      tpu.enqueue_indirect_dma source(%dma_start3A_1055 : memref<10000x128xf32, #tpu.memory_space<hbm>>) target(%arg10 : memref<100x128xf32, #tpu.memory_space<vmem>>) offsets(%dma_start3A_1052 : memref<100xi32, #tpu.memory_space<vmem>>) semaphore(%arg13 : memref<!tpu.dma_semaphore, #tpu.memory_space<semaphore_mem>>)
      %add3A_1056 = arith.constant 1 : i32
      %add3A_1057 = arith.addi %mul3A_1035, %add3A_1056 : i32
      %dma_wait3A_1058 = arith.constant 0 : i32
      %dma_wait3A_1059 = tpu.memref_slice %arg8[%add3A_1057, %dma_wait3A_1058] : memref<10x100xi32, #tpu.memory_space<vmem>> -> memref<1x100xi32, #tpu.memory_space<vmem>>
      %dma_wait3A_1060 = tpu.memref_squeeze %dma_wait3A_1059 : memref<1x100xi32, #tpu.memory_space<vmem>> -> memref<100xi32, #tpu.memory_space<vmem>>
      %dma_wait3A_1061 = arith.constant 0 : i32
      %dma_wait3A_1062 = arith.constant 0 : i32
      %dma_wait3A_1063 = tpu.memref_slice %arg2[%dma_wait3A_1061, %dma_wait3A_1062] : memref<10000x128xf32, #tpu.memory_space<hbm>> -> memref<10000x128xf32, #tpu.memory_space<hbm>>
      tpu.wait_indirect_dma semaphore(%arg14 : memref<!tpu.dma_semaphore, #tpu.memory_space<semaphore_mem>>) src(%dma_wait3A_1063 : memref<10000x128xf32, #tpu.memory_space<hbm>>) dst(%arg11 : memref<100x128xf32, #tpu.memory_space<vmem>>)
      %add3A_1064 = arith.constant 1 : i32
      %add3A_1065 = arith.addi %mul3A_1035, %add3A_1064 : i32
      "tpu.region"() ({
        %run_scoped3A_1096 = tpu.sem_alloc : memref<!tpu.dma_semaphore, #tpu.memory_space<semaphore_mem>>
        %dma_start3A_1097 = arith.constant 0 : i32
        %dma_start3A_1098 = tpu.memref_slice %arg9[%add3A_1065, %dma_start3A_1097] : memref<10x100xi32, #tpu.memory_space<vmem>> -> memref<1x100xi32, #tpu.memory_space<vmem>>
        %dma_start3A_1099 = tpu.memref_squeeze %dma_start3A_1098 : memref<1x100xi32, #tpu.memory_space<vmem>> -> memref<100xi32, #tpu.memory_space<vmem>>
        %dma_start3A_1100 = arith.constant 0 : i32
        %dma_start3A_1101 = arith.constant 0 : i32
        %dma_start3A_1102 = tpu.memref_slice %arg18[%dma_start3A_1100, %dma_start3A_1101] : memref<10000x128xf32, #tpu.memory_space<vmem_shared>> -> memref<10000x128xf32, #tpu.memory_space<vmem_shared>>
        tpu.enqueue_indirect_dma source(%arg11 : memref<100x128xf32, #tpu.memory_space<vmem>>) target(%dma_start3A_1102 : memref<10000x128xf32, #tpu.memory_space<vmem_shared>>) offsets(%dma_start3A_1099 : memref<100xi32, #tpu.memory_space<vmem>>) semaphore(%run_scoped3A_1096 : memref<!tpu.dma_semaphore, #tpu.memory_space<semaphore_mem>>) {add = true}
        %dma_wait3A_1103 = arith.constant 0 : i32
        %dma_wait3A_1104 = tpu.memref_slice %arg9[%add3A_1065, %dma_wait3A_1103] : memref<10x100xi32, #tpu.memory_space<vmem>> -> memref<1x100xi32, #tpu.memory_space<vmem>>
        %dma_wait3A_1105 = tpu.memref_squeeze %dma_wait3A_1104 : memref<1x100xi32, #tpu.memory_space<vmem>> -> memref<100xi32, #tpu.memory_space<vmem>>
        %dma_wait3A_1106 = arith.constant 0 : i32
        %dma_wait3A_1107 = arith.constant 0 : i32
        %dma_wait3A_1108 = tpu.memref_slice %arg18[%dma_wait3A_1106, %dma_wait3A_1107] : memref<10000x128xf32, #tpu.memory_space<vmem_shared>> -> memref<10000x128xf32, #tpu.memory_space<vmem_shared>>
        tpu.wait_indirect_dma semaphore(%run_scoped3A_1096 : memref<!tpu.dma_semaphore, #tpu.memory_space<semaphore_mem>>) src(%arg11 : memref<100x128xf32, #tpu.memory_space<vmem>>) dst(%dma_wait3A_1108 : memref<10000x128xf32, #tpu.memory_space<vmem_shared>>)
        tpu.yield
      }) : () -> ()
      %add3A_1066 = arith.constant 1 : i32
      %add3A_1067 = arith.addi %mul3A_1035, %add3A_1066 : i32
      %add3A_1068 = arith.constant 3 : i32
      %add3A_1069 = arith.addi %add3A_1067, %add3A_1068 : i32
      %dma_start3A_1070 = arith.constant 0 : i32
      %dma_start3A_1071 = tpu.memref_slice %arg8[%add3A_1069, %dma_start3A_1070] : memref<10x100xi32, #tpu.memory_space<vmem>> -> memref<1x100xi32, #tpu.memory_space<vmem>>
      %dma_start3A_1072 = tpu.memref_squeeze %dma_start3A_1071 : memref<1x100xi32, #tpu.memory_space<vmem>> -> memref<100xi32, #tpu.memory_space<vmem>>
      %dma_start3A_1073 = arith.constant 0 : i32
      %dma_start3A_1074 = arith.constant 0 : i32
      %dma_start3A_1075 = tpu.memref_slice %arg2[%dma_start3A_1073, %dma_start3A_1074] : memref<10000x128xf32, #tpu.memory_space<hbm>> -> memref<10000x128xf32, #tpu.memory_space<hbm>>
      tpu.enqueue_indirect_dma source(%dma_start3A_1075 : memref<10000x128xf32, #tpu.memory_space<hbm>>) target(%arg11 : memref<100x128xf32, #tpu.memory_space<vmem>>) offsets(%dma_start3A_1072 : memref<100xi32, #tpu.memory_space<vmem>>) semaphore(%arg14 : memref<!tpu.dma_semaphore, #tpu.memory_space<semaphore_mem>>)
      %add3A_1076 = arith.constant 2 : i32
      %add3A_1077 = arith.addi %mul3A_1035, %add3A_1076 : i32
      %dma_wait3A_1078 = arith.constant 0 : i32
      %dma_wait3A_1079 = tpu.memref_slice %arg8[%add3A_1077, %dma_wait3A_1078] : memref<10x100xi32, #tpu.memory_space<vmem>> -> memref<1x100xi32, #tpu.memory_space<vmem>>
      %dma_wait3A_1080 = tpu.memref_squeeze %dma_wait3A_1079 : memref<1x100xi32, #tpu.memory_space<vmem>> -> memref<100xi32, #tpu.memory_space<vmem>>
      %dma_wait3A_1081 = arith.constant 0 : i32
      %dma_wait3A_1082 = arith.constant 0 : i32
      %dma_wait3A_1083 = tpu.memref_slice %arg2[%dma_wait3A_1081, %dma_wait3A_1082] : memref<10000x128xf32, #tpu.memory_space<hbm>> -> memref<10000x128xf32, #tpu.memory_space<hbm>>
      tpu.wait_indirect_dma semaphore(%arg15 : memref<!tpu.dma_semaphore, #tpu.memory_space<semaphore_mem>>) src(%dma_wait3A_1083 : memref<10000x128xf32, #tpu.memory_space<hbm>>) dst(%arg12 : memref<100x128xf32, #tpu.memory_space<vmem>>)
      %add3A_1084 = arith.constant 2 : i32
      %add3A_1085 = arith.addi %mul3A_1035, %add3A_1084 : i32
      "tpu.region"() ({
        %run_scoped3A_1096 = tpu.sem_alloc : memref<!tpu.dma_semaphore, #tpu.memory_space<semaphore_mem>>
        %dma_start3A_1097 = arith.constant 0 : i32
        %dma_start3A_1098 = tpu.memref_slice %arg9[%add3A_1085, %dma_start3A_1097] : memref<10x100xi32, #tpu.memory_space<vmem>> -> memref<1x100xi32, #tpu.memory_space<vmem>>
        %dma_start3A_1099 = tpu.memref_squeeze %dma_start3A_1098 : memref<1x100xi32, #tpu.memory_space<vmem>> -> memref<100xi32, #tpu.memory_space<vmem>>
        %dma_start3A_1100 = arith.constant 0 : i32
        %dma_start3A_1101 = arith.constant 0 : i32
        %dma_start3A_1102 = tpu.memref_slice %arg18[%dma_start3A_1100, %dma_start3A_1101] : memref<10000x128xf32, #tpu.memory_space<vmem_shared>> -> memref<10000x128xf32, #tpu.memory_space<vmem_shared>>
        tpu.enqueue_indirect_dma source(%arg12 : memref<100x128xf32, #tpu.memory_space<vmem>>) target(%dma_start3A_1102 : memref<10000x128xf32, #tpu.memory_space<vmem_shared>>) offsets(%dma_start3A_1099 : memref<100xi32, #tpu.memory_space<vmem>>) semaphore(%run_scoped3A_1096 : memref<!tpu.dma_semaphore, #tpu.memory_space<semaphore_mem>>) {add = true}
        %dma_wait3A_1103 = arith.constant 0 : i32
        %dma_wait3A_1104 = tpu.memref_slice %arg9[%add3A_1085, %dma_wait3A_1103] : memref<10x100xi32, #tpu.memory_space<vmem>> -> memref<1x100xi32, #tpu.memory_space<vmem>>
        %dma_wait3A_1105 = tpu.memref_squeeze %dma_wait3A_1104 : memref<1x100xi32, #tpu.memory_space<vmem>> -> memref<100xi32, #tpu.memory_space<vmem>>
        %dma_wait3A_1106 = arith.constant 0 : i32
        %dma_wait3A_1107 = arith.constant 0 : i32
        %dma_wait3A_1108 = tpu.memref_slice %arg18[%dma_wait3A_1106, %dma_wait3A_1107] : memref<10000x128xf32, #tpu.memory_space<vmem_shared>> -> memref<10000x128xf32, #tpu.memory_space<vmem_shared>>
        tpu.wait_indirect_dma semaphore(%run_scoped3A_1096 : memref<!tpu.dma_semaphore, #tpu.memory_space<semaphore_mem>>) src(%arg12 : memref<100x128xf32, #tpu.memory_space<vmem>>) dst(%dma_wait3A_1108 : memref<10000x128xf32, #tpu.memory_space<vmem_shared>>)
        tpu.yield
      }) : () -> ()
      %add3A_1086 = arith.constant 2 : i32
      %add3A_1087 = arith.addi %mul3A_1035, %add3A_1086 : i32
      %add3A_1088 = arith.constant 3 : i32
      %add3A_1089 = arith.addi %add3A_1087, %add3A_1088 : i32
      %dma_start3A_1090 = arith.constant 0 : i32
      %dma_start3A_1091 = tpu.memref_slice %arg8[%add3A_1089, %dma_start3A_1090] : memref<10x100xi32, #tpu.memory_space<vmem>> -> memref<1x100xi32, #tpu.memory_space<vmem>>
      %dma_start3A_1092 = tpu.memref_squeeze %dma_start3A_1091 : memref<1x100xi32, #tpu.memory_space<vmem>> -> memref<100xi32, #tpu.memory_space<vmem>>
      %dma_start3A_1093 = arith.constant 0 : i32
      %dma_start3A_1094 = arith.constant 0 : i32
      %dma_start3A_1095 = tpu.memref_slice %arg2[%dma_start3A_1093, %dma_start3A_1094] : memref<10000x128xf32, #tpu.memory_space<hbm>> -> memref<10000x128xf32, #tpu.memory_space<hbm>>
      tpu.enqueue_indirect_dma source(%dma_start3A_1095 : memref<10000x128xf32, #tpu.memory_space<hbm>>) target(%arg12 : memref<100x128xf32, #tpu.memory_space<vmem>>) offsets(%dma_start3A_1092 : memref<100xi32, #tpu.memory_space<vmem>>) semaphore(%arg15 : memref<!tpu.dma_semaphore, #tpu.memory_space<semaphore_mem>>)
    }
    %scan3A_597 = arith.constant 2 : i32
    %dma_wait3A_598 = arith.constant 6 : i32
    %dma_wait3A_599 = arith.constant 0 : i32
    %dma_wait3A_600 = arith.constant 0 : i32
    %dma_wait3A_601 = tpu.memref_slice %arg3[%add3A, %dma_wait3A_598, %dma_wait3A_599, %dma_wait3A_600] : memref<32x10x10x100xi32, #tpu.memory_space<hbm>> -> memref<1x1x10x100xi32, #tpu.memory_space<hbm>>
    %dma_wait3A_602 = tpu.memref_squeeze %dma_wait3A_601 : memref<1x1x10x100xi32, #tpu.memory_space<hbm>> -> memref<10x100xi32, #tpu.memory_space<hbm>>
    %dma_wait3A_603 = arith.constant 0 : i32
    %dma_wait3A_604 = arith.constant 0 : i32
    %dma_wait3A_605 = tpu.memref_slice %arg3[%add3A, %dma_wait3A_598, %dma_wait3A_603, %dma_wait3A_604] : memref<32x10x10x100xi32, #tpu.memory_space<hbm>> -> memref<1x1x10x100xi32, #tpu.memory_space<hbm>>
    %dma_wait3A_606 = tpu.memref_squeeze %dma_wait3A_605 : memref<1x1x10x100xi32, #tpu.memory_space<hbm>> -> memref<10x100xi32, #tpu.memory_space<hbm>>
    tpu.wait_dma2 semaphore(%arg16 : memref<!tpu.dma_semaphore, #tpu.memory_space<semaphore_mem>>) src(%dma_wait3A_606 : memref<10x100xi32, #tpu.memory_space<hbm>>) dst(%arg6 : memref<10x100xi32, #tpu.memory_space<vmem>>)
    %dma_wait3A_607 = arith.constant 6 : i32
    %dma_wait3A_608 = arith.constant 0 : i32
    %dma_wait3A_609 = arith.constant 0 : i32
    %dma_wait3A_610 = tpu.memref_slice %arg4[%add3A, %dma_wait3A_607, %dma_wait3A_608, %dma_wait3A_609] : memref<32x10x10x100xi32, #tpu.memory_space<hbm>> -> memref<1x1x10x100xi32, #tpu.memory_space<hbm>>
    %dma_wait3A_611 = tpu.memref_squeeze %dma_wait3A_610 : memref<1x1x10x100xi32, #tpu.memory_space<hbm>> -> memref<10x100xi32, #tpu.memory_space<hbm>>
    %dma_wait3A_612 = arith.constant 0 : i32
    %dma_wait3A_613 = arith.constant 0 : i32
    %dma_wait3A_614 = tpu.memref_slice %arg4[%add3A, %dma_wait3A_607, %dma_wait3A_612, %dma_wait3A_613] : memref<32x10x10x100xi32, #tpu.memory_space<hbm>> -> memref<1x1x10x100xi32, #tpu.memory_space<hbm>>
    %dma_wait3A_615 = tpu.memref_squeeze %dma_wait3A_614 : memref<1x1x10x100xi32, #tpu.memory_space<hbm>> -> memref<10x100xi32, #tpu.memory_space<hbm>>
    tpu.wait_dma2 semaphore(%arg17 : memref<!tpu.dma_semaphore, #tpu.memory_space<semaphore_mem>>) src(%dma_wait3A_615 : memref<10x100xi32, #tpu.memory_space<hbm>>) dst(%arg7 : memref<10x100xi32, #tpu.memory_space<vmem>>)
    %dma_wait3A_616 = arith.constant 6 : i32
    %dma_wait3A_617 = arith.constant 0 : i32
    %dma_wait3A_618 = tpu.memref_slice %arg8[%dma_wait3A_616, %dma_wait3A_617] : memref<10x100xi32, #tpu.memory_space<vmem>> -> memref<1x100xi32, #tpu.memory_space<vmem>>
    %dma_wait3A_619 = tpu.memref_squeeze %dma_wait3A_618 : memref<1x100xi32, #tpu.memory_space<vmem>> -> memref<100xi32, #tpu.memory_space<vmem>>
    %dma_wait3A_620 = arith.constant 0 : i32
    %dma_wait3A_621 = arith.constant 0 : i32
    %dma_wait3A_622 = tpu.memref_slice %arg2[%dma_wait3A_620, %dma_wait3A_621] : memref<10000x128xf32, #tpu.memory_space<hbm>> -> memref<10000x128xf32, #tpu.memory_space<hbm>>
    tpu.wait_indirect_dma semaphore(%arg13 : memref<!tpu.dma_semaphore, #tpu.memory_space<semaphore_mem>>) src(%dma_wait3A_622 : memref<10000x128xf32, #tpu.memory_space<hbm>>) dst(%arg10 : memref<100x128xf32, #tpu.memory_space<vmem>>)
    %run_scoped3A_623 = arith.constant 6 : i32
    "tpu.region"() ({
      %run_scoped3A_1029 = tpu.sem_alloc : memref<!tpu.dma_semaphore, #tpu.memory_space<semaphore_mem>>
      %dma_start3A_1030 = arith.constant 0 : i32
      %dma_start3A_1031 = tpu.memref_slice %arg9[%run_scoped3A_623, %dma_start3A_1030] : memref<10x100xi32, #tpu.memory_space<vmem>> -> memref<1x100xi32, #tpu.memory_space<vmem>>
      %dma_start3A_1032 = tpu.memref_squeeze %dma_start3A_1031 : memref<1x100xi32, #tpu.memory_space<vmem>> -> memref<100xi32, #tpu.memory_space<vmem>>
      %dma_start3A_1033 = arith.constant 0 : i32
      %dma_start3A_1034 = arith.constant 0 : i32
      %dma_start3A_1035 = tpu.memref_slice %arg18[%dma_start3A_1033, %dma_start3A_1034] : memref<10000x128xf32, #tpu.memory_space<vmem_shared>> -> memref<10000x128xf32, #tpu.memory_space<vmem_shared>>
      tpu.enqueue_indirect_dma source(%arg10 : memref<100x128xf32, #tpu.memory_space<vmem>>) target(%dma_start3A_1035 : memref<10000x128xf32, #tpu.memory_space<vmem_shared>>) offsets(%dma_start3A_1032 : memref<100xi32, #tpu.memory_space<vmem>>) semaphore(%run_scoped3A_1029 : memref<!tpu.dma_semaphore, #tpu.memory_space<semaphore_mem>>) {add = true}
      %dma_wait3A_1036 = arith.constant 0 : i32
      %dma_wait3A_1037 = tpu.memref_slice %arg9[%run_scoped3A_623, %dma_wait3A_1036] : memref<10x100xi32, #tpu.memory_space<vmem>> -> memref<1x100xi32, #tpu.memory_space<vmem>>
      %dma_wait3A_1038 = tpu.memref_squeeze %dma_wait3A_1037 : memref<1x100xi32, #tpu.memory_space<vmem>> -> memref<100xi32, #tpu.memory_space<vmem>>
      %dma_wait3A_1039 = arith.constant 0 : i32
      %dma_wait3A_1040 = arith.constant 0 : i32
      %dma_wait3A_1041 = tpu.memref_slice %arg18[%dma_wait3A_1039, %dma_wait3A_1040] : memref<10000x128xf32, #tpu.memory_space<vmem_shared>> -> memref<10000x128xf32, #tpu.memory_space<vmem_shared>>
      tpu.wait_indirect_dma semaphore(%run_scoped3A_1029 : memref<!tpu.dma_semaphore, #tpu.memory_space<semaphore_mem>>) src(%arg10 : memref<100x128xf32, #tpu.memory_space<vmem>>) dst(%dma_wait3A_1041 : memref<10000x128xf32, #tpu.memory_space<vmem_shared>>)
      tpu.yield
    }) : () -> ()
    %dma_start3A_624 = arith.constant 9 : i32
    %dma_start3A_625 = arith.constant 0 : i32
    %dma_start3A_626 = tpu.memref_slice %arg8[%dma_start3A_624, %dma_start3A_625] : memref<10x100xi32, #tpu.memory_space<vmem>> -> memref<1x100xi32, #tpu.memory_space<vmem>>
    %dma_start3A_627 = tpu.memref_squeeze %dma_start3A_626 : memref<1x100xi32, #tpu.memory_space<vmem>> -> memref<100xi32, #tpu.memory_space<vmem>>
    %dma_start3A_628 = arith.constant 0 : i32
    %dma_start3A_629 = arith.constant 0 : i32
    %dma_start3A_630 = tpu.memref_slice %arg2[%dma_start3A_628, %dma_start3A_629] : memref<10000x128xf32, #tpu.memory_space<hbm>> -> memref<10000x128xf32, #tpu.memory_space<hbm>>
    tpu.enqueue_indirect_dma source(%dma_start3A_630 : memref<10000x128xf32, #tpu.memory_space<hbm>>) target(%arg10 : memref<100x128xf32, #tpu.memory_space<vmem>>) offsets(%dma_start3A_627 : memref<100xi32, #tpu.memory_space<vmem>>) semaphore(%arg13 : memref<!tpu.dma_semaphore, #tpu.memory_space<semaphore_mem>>)
    %dma_wait3A_631 = arith.constant 7 : i32
    %dma_wait3A_632 = arith.constant 0 : i32
    %dma_wait3A_633 = tpu.memref_slice %arg8[%dma_wait3A_631, %dma_wait3A_632] : memref<10x100xi32, #tpu.memory_space<vmem>> -> memref<1x100xi32, #tpu.memory_space<vmem>>
    %dma_wait3A_634 = tpu.memref_squeeze %dma_wait3A_633 : memref<1x100xi32, #tpu.memory_space<vmem>> -> memref<100xi32, #tpu.memory_space<vmem>>
    %dma_wait3A_635 = arith.constant 0 : i32
    %dma_wait3A_636 = arith.constant 0 : i32
    %dma_wait3A_637 = tpu.memref_slice %arg2[%dma_wait3A_635, %dma_wait3A_636] : memref<10000x128xf32, #tpu.memory_space<hbm>> -> memref<10000x128xf32, #tpu.memory_space<hbm>>
    tpu.wait_indirect_dma semaphore(%arg14 : memref<!tpu.dma_semaphore, #tpu.memory_space<semaphore_mem>>) src(%dma_wait3A_637 : memref<10000x128xf32, #tpu.memory_space<hbm>>) dst(%arg11 : memref<100x128xf32, #tpu.memory_space<vmem>>)
    %run_scoped3A_638 = arith.constant 7 : i32
    "tpu.region"() ({
      %run_scoped3A_1029 = tpu.sem_alloc : memref<!tpu.dma_semaphore, #tpu.memory_space<semaphore_mem>>
      %dma_start3A_1030 = arith.constant 0 : i32
      %dma_start3A_1031 = tpu.memref_slice %arg9[%run_scoped3A_638, %dma_start3A_1030] : memref<10x100xi32, #tpu.memory_space<vmem>> -> memref<1x100xi32, #tpu.memory_space<vmem>>
      %dma_start3A_1032 = tpu.memref_squeeze %dma_start3A_1031 : memref<1x100xi32, #tpu.memory_space<vmem>> -> memref<100xi32, #tpu.memory_space<vmem>>
      %dma_start3A_1033 = arith.constant 0 : i32
      %dma_start3A_1034 = arith.constant 0 : i32
      %dma_start3A_1035 = tpu.memref_slice %arg18[%dma_start3A_1033, %dma_start3A_1034] : memref<10000x128xf32, #tpu.memory_space<vmem_shared>> -> memref<10000x128xf32, #tpu.memory_space<vmem_shared>>
      tpu.enqueue_indirect_dma source(%arg11 : memref<100x128xf32, #tpu.memory_space<vmem>>) target(%dma_start3A_1035 : memref<10000x128xf32, #tpu.memory_space<vmem_shared>>) offsets(%dma_start3A_1032 : memref<100xi32, #tpu.memory_space<vmem>>) semaphore(%run_scoped3A_1029 : memref<!tpu.dma_semaphore, #tpu.memory_space<semaphore_mem>>) {add = true}
      %dma_wait3A_1036 = arith.constant 0 : i32
      %dma_wait3A_1037 = tpu.memref_slice %arg9[%run_scoped3A_638, %dma_wait3A_1036] : memref<10x100xi32, #tpu.memory_space<vmem>> -> memref<1x100xi32, #tpu.memory_space<vmem>>
      %dma_wait3A_1038 = tpu.memref_squeeze %dma_wait3A_1037 : memref<1x100xi32, #tpu.memory_space<vmem>> -> memref<100xi32, #tpu.memory_space<vmem>>
      %dma_wait3A_1039 = arith.constant 0 : i32
      %dma_wait3A_1040 = arith.constant 0 : i32
      %dma_wait3A_1041 = tpu.memref_slice %arg18[%dma_wait3A_1039, %dma_wait3A_1040] : memref<10000x128xf32, #tpu.memory_space<vmem_shared>> -> memref<10000x128xf32, #tpu.memory_space<vmem_shared>>
      tpu.wait_indirect_dma semaphore(%run_scoped3A_1029 : memref<!tpu.dma_semaphore, #tpu.memory_space<semaphore_mem>>) src(%arg11 : memref<100x128xf32, #tpu.memory_space<vmem>>) dst(%dma_wait3A_1041 : memref<10000x128xf32, #tpu.memory_space<vmem_shared>>)
      tpu.yield
    }) : () -> ()
    %dma_start3A_639 = arith.constant 1 : i32
    %dma_start3A_640 = arith.constant 0 : i32
    %dma_start3A_641 = tpu.memref_slice %arg6[%dma_start3A_639, %dma_start3A_640] : memref<10x100xi32, #tpu.memory_space<vmem>> -> memref<1x100xi32, #tpu.memory_space<vmem>>
    %dma_start3A_642 = tpu.memref_squeeze %dma_start3A_641 : memref<1x100xi32, #tpu.memory_space<vmem>> -> memref<100xi32, #tpu.memory_space<vmem>>
    %dma_start3A_643 = arith.constant 0 : i32
    %dma_start3A_644 = arith.constant 0 : i32
    %dma_start3A_645 = tpu.memref_slice %arg2[%dma_start3A_643, %dma_start3A_644] : memref<10000x128xf32, #tpu.memory_space<hbm>> -> memref<10000x128xf32, #tpu.memory_space<hbm>>
    tpu.enqueue_indirect_dma source(%dma_start3A_645 : memref<10000x128xf32, #tpu.memory_space<hbm>>) target(%arg11 : memref<100x128xf32, #tpu.memory_space<vmem>>) offsets(%dma_start3A_642 : memref<100xi32, #tpu.memory_space<vmem>>) semaphore(%arg14 : memref<!tpu.dma_semaphore, #tpu.memory_space<semaphore_mem>>)
    %dma_wait3A_646 = arith.constant 8 : i32
    %dma_wait3A_647 = arith.constant 0 : i32
    %dma_wait3A_648 = tpu.memref_slice %arg8[%dma_wait3A_646, %dma_wait3A_647] : memref<10x100xi32, #tpu.memory_space<vmem>> -> memref<1x100xi32, #tpu.memory_space<vmem>>
    %dma_wait3A_649 = tpu.memref_squeeze %dma_wait3A_648 : memref<1x100xi32, #tpu.memory_space<vmem>> -> memref<100xi32, #tpu.memory_space<vmem>>
    %dma_wait3A_650 = arith.constant 0 : i32
    %dma_wait3A_651 = arith.constant 0 : i32
    %dma_wait3A_652 = tpu.memref_slice %arg2[%dma_wait3A_650, %dma_wait3A_651] : memref<10000x128xf32, #tpu.memory_space<hbm>> -> memref<10000x128xf32, #tpu.memory_space<hbm>>
    tpu.wait_indirect_dma semaphore(%arg15 : memref<!tpu.dma_semaphore, #tpu.memory_space<semaphore_mem>>) src(%dma_wait3A_652 : memref<10000x128xf32, #tpu.memory_space<hbm>>) dst(%arg12 : memref<100x128xf32, #tpu.memory_space<vmem>>)
    %run_scoped3A_653 = arith.constant 8 : i32
    "tpu.region"() ({
      %run_scoped3A_1029 = tpu.sem_alloc : memref<!tpu.dma_semaphore, #tpu.memory_space<semaphore_mem>>
      %dma_start3A_1030 = arith.constant 0 : i32
      %dma_start3A_1031 = tpu.memref_slice %arg9[%run_scoped3A_653, %dma_start3A_1030] : memref<10x100xi32, #tpu.memory_space<vmem>> -> memref<1x100xi32, #tpu.memory_space<vmem>>
      %dma_start3A_1032 = tpu.memref_squeeze %dma_start3A_1031 : memref<1x100xi32, #tpu.memory_space<vmem>> -> memref<100xi32, #tpu.memory_space<vmem>>
      %dma_start3A_1033 = arith.constant 0 : i32
      %dma_start3A_1034 = arith.constant 0 : i32
      %dma_start3A_1035 = tpu.memref_slice %arg18[%dma_start3A_1033, %dma_start3A_1034] : memref<10000x128xf32, #tpu.memory_space<vmem_shared>> -> memref<10000x128xf32, #tpu.memory_space<vmem_shared>>
      tpu.enqueue_indirect_dma source(%arg12 : memref<100x128xf32, #tpu.memory_space<vmem>>) target(%dma_start3A_1035 : memref<10000x128xf32, #tpu.memory_space<vmem_shared>>) offsets(%dma_start3A_1032 : memref<100xi32, #tpu.memory_space<vmem>>) semaphore(%run_scoped3A_1029 : memref<!tpu.dma_semaphore, #tpu.memory_space<semaphore_mem>>) {add = true}
      %dma_wait3A_1036 = arith.constant 0 : i32
      %dma_wait3A_1037 = tpu.memref_slice %arg9[%run_scoped3A_653, %dma_wait3A_1036] : memref<10x100xi32, #tpu.memory_space<vmem>> -> memref<1x100xi32, #tpu.memory_space<vmem>>
      %dma_wait3A_1038 = tpu.memref_squeeze %dma_wait3A_1037 : memref<1x100xi32, #tpu.memory_space<vmem>> -> memref<100xi32, #tpu.memory_space<vmem>>
      %dma_wait3A_1039 = arith.constant 0 : i32
      %dma_wait3A_1040 = arith.constant 0 : i32
      %dma_wait3A_1041 = tpu.memref_slice %arg18[%dma_wait3A_1039, %dma_wait3A_1040] : memref<10000x128xf32, #tpu.memory_space<vmem_shared>> -> memref<10000x128xf32, #tpu.memory_space<vmem_shared>>
      tpu.wait_indirect_dma semaphore(%run_scoped3A_1029 : memref<!tpu.dma_semaphore, #tpu.memory_space<semaphore_mem>>) src(%arg12 : memref<100x128xf32, #tpu.memory_space<vmem>>) dst(%dma_wait3A_1041 : memref<10000x128xf32, #tpu.memory_space<vmem_shared>>)
      tpu.yield
    }) : () -> ()
    %dma_start3A_654 = arith.constant 2 : i32
    %dma_start3A_655 = arith.constant 0 : i32
    %dma_start3A_656 = tpu.memref_slice %arg6[%dma_start3A_654, %dma_start3A_655] : memref<10x100xi32, #tpu.memory_space<vmem>> -> memref<1x100xi32, #tpu.memory_space<vmem>>
    %dma_start3A_657 = tpu.memref_squeeze %dma_start3A_656 : memref<1x100xi32, #tpu.memory_space<vmem>> -> memref<100xi32, #tpu.memory_space<vmem>>
    %dma_start3A_658 = arith.constant 0 : i32
    %dma_start3A_659 = arith.constant 0 : i32
    %dma_start3A_660 = tpu.memref_slice %arg2[%dma_start3A_658, %dma_start3A_659] : memref<10000x128xf32, #tpu.memory_space<hbm>> -> memref<10000x128xf32, #tpu.memory_space<hbm>>
    tpu.enqueue_indirect_dma source(%dma_start3A_660 : memref<10000x128xf32, #tpu.memory_space<hbm>>) target(%arg12 : memref<100x128xf32, #tpu.memory_space<vmem>>) offsets(%dma_start3A_657 : memref<100xi32, #tpu.memory_space<vmem>>) semaphore(%arg15 : memref<!tpu.dma_semaphore, #tpu.memory_space<semaphore_mem>>)
    %dma_wait3A_661 = arith.constant 9 : i32
    %dma_wait3A_662 = arith.constant 0 : i32
    %dma_wait3A_663 = tpu.memref_slice %arg8[%dma_wait3A_661, %dma_wait3A_662] : memref<10x100xi32, #tpu.memory_space<vmem>> -> memref<1x100xi32, #tpu.memory_space<vmem>>
    %dma_wait3A_664 = tpu.memref_squeeze %dma_wait3A_663 : memref<1x100xi32, #tpu.memory_space<vmem>> -> memref<100xi32, #tpu.memory_space<vmem>>
    %dma_wait3A_665 = arith.constant 0 : i32
    %dma_wait3A_666 = arith.constant 0 : i32
    %dma_wait3A_667 = tpu.memref_slice %arg2[%dma_wait3A_665, %dma_wait3A_666] : memref<10000x128xf32, #tpu.memory_space<hbm>> -> memref<10000x128xf32, #tpu.memory_space<hbm>>
    tpu.wait_indirect_dma semaphore(%arg13 : memref<!tpu.dma_semaphore, #tpu.memory_space<semaphore_mem>>) src(%dma_wait3A_667 : memref<10000x128xf32, #tpu.memory_space<hbm>>) dst(%arg10 : memref<100x128xf32, #tpu.memory_space<vmem>>)
    %run_scoped3A_668 = arith.constant 9 : i32
    "tpu.region"() ({
      %run_scoped3A_1029 = tpu.sem_alloc : memref<!tpu.dma_semaphore, #tpu.memory_space<semaphore_mem>>
      %dma_start3A_1030 = arith.constant 0 : i32
      %dma_start3A_1031 = tpu.memref_slice %arg9[%run_scoped3A_668, %dma_start3A_1030] : memref<10x100xi32, #tpu.memory_space<vmem>> -> memref<1x100xi32, #tpu.memory_space<vmem>>
      %dma_start3A_1032 = tpu.memref_squeeze %dma_start3A_1031 : memref<1x100xi32, #tpu.memory_space<vmem>> -> memref<100xi32, #tpu.memory_space<vmem>>
      %dma_start3A_1033 = arith.constant 0 : i32
      %dma_start3A_1034 = arith.constant 0 : i32
      %dma_start3A_1035 = tpu.memref_slice %arg18[%dma_start3A_1033, %dma_start3A_1034] : memref<10000x128xf32, #tpu.memory_space<vmem_shared>> -> memref<10000x128xf32, #tpu.memory_space<vmem_shared>>
      tpu.enqueue_indirect_dma source(%arg10 : memref<100x128xf32, #tpu.memory_space<vmem>>) target(%dma_start3A_1035 : memref<10000x128xf32, #tpu.memory_space<vmem_shared>>) offsets(%dma_start3A_1032 : memref<100xi32, #tpu.memory_space<vmem>>) semaphore(%run_scoped3A_1029 : memref<!tpu.dma_semaphore, #tpu.memory_space<semaphore_mem>>) {add = true}
      %dma_wait3A_1036 = arith.constant 0 : i32
      %dma_wait3A_1037 = tpu.memref_slice %arg9[%run_scoped3A_668, %dma_wait3A_1036] : memref<10x100xi32, #tpu.memory_space<vmem>> -> memref<1x100xi32, #tpu.memory_space<vmem>>
      %dma_wait3A_1038 = tpu.memref_squeeze %dma_wait3A_1037 : memref<1x100xi32, #tpu.memory_space<vmem>> -> memref<100xi32, #tpu.memory_space<vmem>>
      %dma_wait3A_1039 = arith.constant 0 : i32
      %dma_wait3A_1040 = arith.constant 0 : i32
      %dma_wait3A_1041 = tpu.memref_slice %arg18[%dma_wait3A_1039, %dma_wait3A_1040] : memref<10000x128xf32, #tpu.memory_space<vmem_shared>> -> memref<10000x128xf32, #tpu.memory_space<vmem_shared>>
      tpu.wait_indirect_dma semaphore(%run_scoped3A_1029 : memref<!tpu.dma_semaphore, #tpu.memory_space<semaphore_mem>>) src(%arg10 : memref<100x128xf32, #tpu.memory_space<vmem>>) dst(%dma_wait3A_1041 : memref<10000x128xf32, #tpu.memory_space<vmem_shared>>)
      tpu.yield
    }) : () -> ()
    %dma_start3A_669 = arith.constant 0 : i32
    %dma_start3A_670 = arith.constant 0 : i32
    %dma_start3A_671 = tpu.memref_slice %arg6[%dma_start3A_669, %dma_start3A_670] : memref<10x100xi32, #tpu.memory_space<vmem>> -> memref<1x100xi32, #tpu.memory_space<vmem>>
    %dma_start3A_672 = tpu.memref_squeeze %dma_start3A_671 : memref<1x100xi32, #tpu.memory_space<vmem>> -> memref<100xi32, #tpu.memory_space<vmem>>
    %dma_start3A_673 = arith.constant 0 : i32
    %dma_start3A_674 = arith.constant 0 : i32
    %dma_start3A_675 = tpu.memref_slice %arg2[%dma_start3A_673, %dma_start3A_674] : memref<10000x128xf32, #tpu.memory_space<hbm>> -> memref<10000x128xf32, #tpu.memory_space<hbm>>
    tpu.enqueue_indirect_dma source(%dma_start3A_675 : memref<10000x128xf32, #tpu.memory_space<hbm>>) target(%arg10 : memref<100x128xf32, #tpu.memory_space<vmem>>) offsets(%dma_start3A_672 : memref<100xi32, #tpu.memory_space<vmem>>) semaphore(%arg13 : memref<!tpu.dma_semaphore, #tpu.memory_space<semaphore_mem>>)
    %dma_start3A_676 = arith.constant 7 : i32
    %dma_start3A_677 = arith.constant 0 : i32
    %dma_start3A_678 = arith.constant 0 : i32
    %dma_start3A_679 = tpu.memref_slice %arg3[%add3A, %dma_start3A_676, %dma_start3A_677, %dma_start3A_678] : memref<32x10x10x100xi32, #tpu.memory_space<hbm>> -> memref<1x1x10x100xi32, #tpu.memory_space<hbm>>
    %dma_start3A_680 = tpu.memref_squeeze %dma_start3A_679 : memref<1x1x10x100xi32, #tpu.memory_space<hbm>> -> memref<10x100xi32, #tpu.memory_space<hbm>>
    %dma_start3A_681 = arith.constant 0 : i32
    %dma_start3A_682 = arith.constant 0 : i32
    %dma_start3A_683 = tpu.memref_slice %arg3[%add3A, %dma_start3A_676, %dma_start3A_681, %dma_start3A_682] : memref<32x10x10x100xi32, #tpu.memory_space<hbm>> -> memref<1x1x10x100xi32, #tpu.memory_space<hbm>>
    %dma_start3A_684 = tpu.memref_squeeze %dma_start3A_683 : memref<1x1x10x100xi32, #tpu.memory_space<hbm>> -> memref<10x100xi32, #tpu.memory_space<hbm>>
    tpu.enqueue_dma source(%dma_start3A_684 : memref<10x100xi32, #tpu.memory_space<hbm>>) target(%arg8 : memref<10x100xi32, #tpu.memory_space<vmem>>) target_semaphore(%arg16 : memref<!tpu.dma_semaphore, #tpu.memory_space<semaphore_mem>>)
    %dma_start3A_685 = arith.constant 7 : i32
    %dma_start3A_686 = arith.constant 0 : i32
    %dma_start3A_687 = arith.constant 0 : i32
    %dma_start3A_688 = tpu.memref_slice %arg4[%add3A, %dma_start3A_685, %dma_start3A_686, %dma_start3A_687] : memref<32x10x10x100xi32, #tpu.memory_space<hbm>> -> memref<1x1x10x100xi32, #tpu.memory_space<hbm>>
    %dma_start3A_689 = tpu.memref_squeeze %dma_start3A_688 : memref<1x1x10x100xi32, #tpu.memory_space<hbm>> -> memref<10x100xi32, #tpu.memory_space<hbm>>
    %dma_start3A_690 = arith.constant 0 : i32
    %dma_start3A_691 = arith.constant 0 : i32
    %dma_start3A_692 = tpu.memref_slice %arg4[%add3A, %dma_start3A_685, %dma_start3A_690, %dma_start3A_691] : memref<32x10x10x100xi32, #tpu.memory_space<hbm>> -> memref<1x1x10x100xi32, #tpu.memory_space<hbm>>
    %dma_start3A_693 = tpu.memref_squeeze %dma_start3A_692 : memref<1x1x10x100xi32, #tpu.memory_space<hbm>> -> memref<10x100xi32, #tpu.memory_space<hbm>>
    tpu.enqueue_dma source(%dma_start3A_693 : memref<10x100xi32, #tpu.memory_space<hbm>>) target(%arg9 : memref<10x100xi32, #tpu.memory_space<vmem>>) target_semaphore(%arg17 : memref<!tpu.dma_semaphore, #tpu.memory_space<semaphore_mem>>)
    %scan3A_694 = arith.constant 0 : i32
    %scan3A_695 = arith.constant 2 : i32
    %scan3A_696 = arith.addi %scan3A_694, %scan3A_695 : i32
    %scan3A_697 = arith.constant 1 : i32
    scf.for %scan3A_1029 = %scan3A_694 to %scan3A_696 step %scan3A_697  : i32 {
      %mul3A_1030 = arith.constant 1 : i32
      %mul3A_1031 = arith.muli %scan3A_1029, %mul3A_1030 : i32
      %add3A_1032 = arith.constant 0 : i32
      %add3A_1033 = arith.addi %add3A_1032, %mul3A_1031 : i32
      %mul3A_1034 = arith.constant 3 : i32
      %mul3A_1035 = arith.muli %add3A_1033, %mul3A_1034 : i32
      %add3A_1036 = arith.constant 0 : i32
      %add3A_1037 = arith.addi %mul3A_1035, %add3A_1036 : i32
      %dma_wait3A_1038 = arith.constant 0 : i32
      %dma_wait3A_1039 = tpu.memref_slice %arg6[%add3A_1037, %dma_wait3A_1038] : memref<10x100xi32, #tpu.memory_space<vmem>> -> memref<1x100xi32, #tpu.memory_space<vmem>>
      %dma_wait3A_1040 = tpu.memref_squeeze %dma_wait3A_1039 : memref<1x100xi32, #tpu.memory_space<vmem>> -> memref<100xi32, #tpu.memory_space<vmem>>
      %dma_wait3A_1041 = arith.constant 0 : i32
      %dma_wait3A_1042 = arith.constant 0 : i32
      %dma_wait3A_1043 = tpu.memref_slice %arg2[%dma_wait3A_1041, %dma_wait3A_1042] : memref<10000x128xf32, #tpu.memory_space<hbm>> -> memref<10000x128xf32, #tpu.memory_space<hbm>>
      tpu.wait_indirect_dma semaphore(%arg13 : memref<!tpu.dma_semaphore, #tpu.memory_space<semaphore_mem>>) src(%dma_wait3A_1043 : memref<10000x128xf32, #tpu.memory_space<hbm>>) dst(%arg10 : memref<100x128xf32, #tpu.memory_space<vmem>>)
      %add3A_1044 = arith.constant 0 : i32
      %add3A_1045 = arith.addi %mul3A_1035, %add3A_1044 : i32
      "tpu.region"() ({
        %run_scoped3A_1096 = tpu.sem_alloc : memref<!tpu.dma_semaphore, #tpu.memory_space<semaphore_mem>>
        %dma_start3A_1097 = arith.constant 0 : i32
        %dma_start3A_1098 = tpu.memref_slice %arg7[%add3A_1045, %dma_start3A_1097] : memref<10x100xi32, #tpu.memory_space<vmem>> -> memref<1x100xi32, #tpu.memory_space<vmem>>
        %dma_start3A_1099 = tpu.memref_squeeze %dma_start3A_1098 : memref<1x100xi32, #tpu.memory_space<vmem>> -> memref<100xi32, #tpu.memory_space<vmem>>
        %dma_start3A_1100 = arith.constant 0 : i32
        %dma_start3A_1101 = arith.constant 0 : i32
        %dma_start3A_1102 = tpu.memref_slice %arg18[%dma_start3A_1100, %dma_start3A_1101] : memref<10000x128xf32, #tpu.memory_space<vmem_shared>> -> memref<10000x128xf32, #tpu.memory_space<vmem_shared>>
        tpu.enqueue_indirect_dma source(%arg10 : memref<100x128xf32, #tpu.memory_space<vmem>>) target(%dma_start3A_1102 : memref<10000x128xf32, #tpu.memory_space<vmem_shared>>) offsets(%dma_start3A_1099 : memref<100xi32, #tpu.memory_space<vmem>>) semaphore(%run_scoped3A_1096 : memref<!tpu.dma_semaphore, #tpu.memory_space<semaphore_mem>>) {add = true}
        %dma_wait3A_1103 = arith.constant 0 : i32
        %dma_wait3A_1104 = tpu.memref_slice %arg7[%add3A_1045, %dma_wait3A_1103] : memref<10x100xi32, #tpu.memory_space<vmem>> -> memref<1x100xi32, #tpu.memory_space<vmem>>
        %dma_wait3A_1105 = tpu.memref_squeeze %dma_wait3A_1104 : memref<1x100xi32, #tpu.memory_space<vmem>> -> memref<100xi32, #tpu.memory_space<vmem>>
        %dma_wait3A_1106 = arith.constant 0 : i32
        %dma_wait3A_1107 = arith.constant 0 : i32
        %dma_wait3A_1108 = tpu.memref_slice %arg18[%dma_wait3A_1106, %dma_wait3A_1107] : memref<10000x128xf32, #tpu.memory_space<vmem_shared>> -> memref<10000x128xf32, #tpu.memory_space<vmem_shared>>
        tpu.wait_indirect_dma semaphore(%run_scoped3A_1096 : memref<!tpu.dma_semaphore, #tpu.memory_space<semaphore_mem>>) src(%arg10 : memref<100x128xf32, #tpu.memory_space<vmem>>) dst(%dma_wait3A_1108 : memref<10000x128xf32, #tpu.memory_space<vmem_shared>>)
        tpu.yield
      }) : () -> ()
      %add3A_1046 = arith.constant 0 : i32
      %add3A_1047 = arith.addi %mul3A_1035, %add3A_1046 : i32
      %add3A_1048 = arith.constant 3 : i32
      %add3A_1049 = arith.addi %add3A_1047, %add3A_1048 : i32
      %dma_start3A_1050 = arith.constant 0 : i32
      %dma_start3A_1051 = tpu.memref_slice %arg6[%add3A_1049, %dma_start3A_1050] : memref<10x100xi32, #tpu.memory_space<vmem>> -> memref<1x100xi32, #tpu.memory_space<vmem>>
      %dma_start3A_1052 = tpu.memref_squeeze %dma_start3A_1051 : memref<1x100xi32, #tpu.memory_space<vmem>> -> memref<100xi32, #tpu.memory_space<vmem>>
      %dma_start3A_1053 = arith.constant 0 : i32
      %dma_start3A_1054 = arith.constant 0 : i32
      %dma_start3A_1055 = tpu.memref_slice %arg2[%dma_start3A_1053, %dma_start3A_1054] : memref<10000x128xf32, #tpu.memory_space<hbm>> -> memref<10000x128xf32, #tpu.memory_space<hbm>>
      tpu.enqueue_indirect_dma source(%dma_start3A_1055 : memref<10000x128xf32, #tpu.memory_space<hbm>>) target(%arg10 : memref<100x128xf32, #tpu.memory_space<vmem>>) offsets(%dma_start3A_1052 : memref<100xi32, #tpu.memory_space<vmem>>) semaphore(%arg13 : memref<!tpu.dma_semaphore, #tpu.memory_space<semaphore_mem>>)
      %add3A_1056 = arith.constant 1 : i32
      %add3A_1057 = arith.addi %mul3A_1035, %add3A_1056 : i32
      %dma_wait3A_1058 = arith.constant 0 : i32
      %dma_wait3A_1059 = tpu.memref_slice %arg6[%add3A_1057, %dma_wait3A_1058] : memref<10x100xi32, #tpu.memory_space<vmem>> -> memref<1x100xi32, #tpu.memory_space<vmem>>
      %dma_wait3A_1060 = tpu.memref_squeeze %dma_wait3A_1059 : memref<1x100xi32, #tpu.memory_space<vmem>> -> memref<100xi32, #tpu.memory_space<vmem>>
      %dma_wait3A_1061 = arith.constant 0 : i32
      %dma_wait3A_1062 = arith.constant 0 : i32
      %dma_wait3A_1063 = tpu.memref_slice %arg2[%dma_wait3A_1061, %dma_wait3A_1062] : memref<10000x128xf32, #tpu.memory_space<hbm>> -> memref<10000x128xf32, #tpu.memory_space<hbm>>
      tpu.wait_indirect_dma semaphore(%arg14 : memref<!tpu.dma_semaphore, #tpu.memory_space<semaphore_mem>>) src(%dma_wait3A_1063 : memref<10000x128xf32, #tpu.memory_space<hbm>>) dst(%arg11 : memref<100x128xf32, #tpu.memory_space<vmem>>)
      %add3A_1064 = arith.constant 1 : i32
      %add3A_1065 = arith.addi %mul3A_1035, %add3A_1064 : i32
      "tpu.region"() ({
        %run_scoped3A_1096 = tpu.sem_alloc : memref<!tpu.dma_semaphore, #tpu.memory_space<semaphore_mem>>
        %dma_start3A_1097 = arith.constant 0 : i32
        %dma_start3A_1098 = tpu.memref_slice %arg7[%add3A_1065, %dma_start3A_1097] : memref<10x100xi32, #tpu.memory_space<vmem>> -> memref<1x100xi32, #tpu.memory_space<vmem>>
        %dma_start3A_1099 = tpu.memref_squeeze %dma_start3A_1098 : memref<1x100xi32, #tpu.memory_space<vmem>> -> memref<100xi32, #tpu.memory_space<vmem>>
        %dma_start3A_1100 = arith.constant 0 : i32
        %dma_start3A_1101 = arith.constant 0 : i32
        %dma_start3A_1102 = tpu.memref_slice %arg18[%dma_start3A_1100, %dma_start3A_1101] : memref<10000x128xf32, #tpu.memory_space<vmem_shared>> -> memref<10000x128xf32, #tpu.memory_space<vmem_shared>>
        tpu.enqueue_indirect_dma source(%arg11 : memref<100x128xf32, #tpu.memory_space<vmem>>) target(%dma_start3A_1102 : memref<10000x128xf32, #tpu.memory_space<vmem_shared>>) offsets(%dma_start3A_1099 : memref<100xi32, #tpu.memory_space<vmem>>) semaphore(%run_scoped3A_1096 : memref<!tpu.dma_semaphore, #tpu.memory_space<semaphore_mem>>) {add = true}
        %dma_wait3A_1103 = arith.constant 0 : i32
        %dma_wait3A_1104 = tpu.memref_slice %arg7[%add3A_1065, %dma_wait3A_1103] : memref<10x100xi32, #tpu.memory_space<vmem>> -> memref<1x100xi32, #tpu.memory_space<vmem>>
        %dma_wait3A_1105 = tpu.memref_squeeze %dma_wait3A_1104 : memref<1x100xi32, #tpu.memory_space<vmem>> -> memref<100xi32, #tpu.memory_space<vmem>>
        %dma_wait3A_1106 = arith.constant 0 : i32
        %dma_wait3A_1107 = arith.constant 0 : i32
        %dma_wait3A_1108 = tpu.memref_slice %arg18[%dma_wait3A_1106, %dma_wait3A_1107] : memref<10000x128xf32, #tpu.memory_space<vmem_shared>> -> memref<10000x128xf32, #tpu.memory_space<vmem_shared>>
        tpu.wait_indirect_dma semaphore(%run_scoped3A_1096 : memref<!tpu.dma_semaphore, #tpu.memory_space<semaphore_mem>>) src(%arg11 : memref<100x128xf32, #tpu.memory_space<vmem>>) dst(%dma_wait3A_1108 : memref<10000x128xf32, #tpu.memory_space<vmem_shared>>)
        tpu.yield
      }) : () -> ()
      %add3A_1066 = arith.constant 1 : i32
      %add3A_1067 = arith.addi %mul3A_1035, %add3A_1066 : i32
      %add3A_1068 = arith.constant 3 : i32
      %add3A_1069 = arith.addi %add3A_1067, %add3A_1068 : i32
      %dma_start3A_1070 = arith.constant 0 : i32
      %dma_start3A_1071 = tpu.memref_slice %arg6[%add3A_1069, %dma_start3A_1070] : memref<10x100xi32, #tpu.memory_space<vmem>> -> memref<1x100xi32, #tpu.memory_space<vmem>>
      %dma_start3A_1072 = tpu.memref_squeeze %dma_start3A_1071 : memref<1x100xi32, #tpu.memory_space<vmem>> -> memref<100xi32, #tpu.memory_space<vmem>>
      %dma_start3A_1073 = arith.constant 0 : i32
      %dma_start3A_1074 = arith.constant 0 : i32
      %dma_start3A_1075 = tpu.memref_slice %arg2[%dma_start3A_1073, %dma_start3A_1074] : memref<10000x128xf32, #tpu.memory_space<hbm>> -> memref<10000x128xf32, #tpu.memory_space<hbm>>
      tpu.enqueue_indirect_dma source(%dma_start3A_1075 : memref<10000x128xf32, #tpu.memory_space<hbm>>) target(%arg11 : memref<100x128xf32, #tpu.memory_space<vmem>>) offsets(%dma_start3A_1072 : memref<100xi32, #tpu.memory_space<vmem>>) semaphore(%arg14 : memref<!tpu.dma_semaphore, #tpu.memory_space<semaphore_mem>>)
      %add3A_1076 = arith.constant 2 : i32
      %add3A_1077 = arith.addi %mul3A_1035, %add3A_1076 : i32
      %dma_wait3A_1078 = arith.constant 0 : i32
      %dma_wait3A_1079 = tpu.memref_slice %arg6[%add3A_1077, %dma_wait3A_1078] : memref<10x100xi32, #tpu.memory_space<vmem>> -> memref<1x100xi32, #tpu.memory_space<vmem>>
      %dma_wait3A_1080 = tpu.memref_squeeze %dma_wait3A_1079 : memref<1x100xi32, #tpu.memory_space<vmem>> -> memref<100xi32, #tpu.memory_space<vmem>>
      %dma_wait3A_1081 = arith.constant 0 : i32
      %dma_wait3A_1082 = arith.constant 0 : i32
      %dma_wait3A_1083 = tpu.memref_slice %arg2[%dma_wait3A_1081, %dma_wait3A_1082] : memref<10000x128xf32, #tpu.memory_space<hbm>> -> memref<10000x128xf32, #tpu.memory_space<hbm>>
      tpu.wait_indirect_dma semaphore(%arg15 : memref<!tpu.dma_semaphore, #tpu.memory_space<semaphore_mem>>) src(%dma_wait3A_1083 : memref<10000x128xf32, #tpu.memory_space<hbm>>) dst(%arg12 : memref<100x128xf32, #tpu.memory_space<vmem>>)
      %add3A_1084 = arith.constant 2 : i32
      %add3A_1085 = arith.addi %mul3A_1035, %add3A_1084 : i32
      "tpu.region"() ({
        %run_scoped3A_1096 = tpu.sem_alloc : memref<!tpu.dma_semaphore, #tpu.memory_space<semaphore_mem>>
        %dma_start3A_1097 = arith.constant 0 : i32
        %dma_start3A_1098 = tpu.memref_slice %arg7[%add3A_1085, %dma_start3A_1097] : memref<10x100xi32, #tpu.memory_space<vmem>> -> memref<1x100xi32, #tpu.memory_space<vmem>>
        %dma_start3A_1099 = tpu.memref_squeeze %dma_start3A_1098 : memref<1x100xi32, #tpu.memory_space<vmem>> -> memref<100xi32, #tpu.memory_space<vmem>>
        %dma_start3A_1100 = arith.constant 0 : i32
        %dma_start3A_1101 = arith.constant 0 : i32
        %dma_start3A_1102 = tpu.memref_slice %arg18[%dma_start3A_1100, %dma_start3A_1101] : memref<10000x128xf32, #tpu.memory_space<vmem_shared>> -> memref<10000x128xf32, #tpu.memory_space<vmem_shared>>
        tpu.enqueue_indirect_dma source(%arg12 : memref<100x128xf32, #tpu.memory_space<vmem>>) target(%dma_start3A_1102 : memref<10000x128xf32, #tpu.memory_space<vmem_shared>>) offsets(%dma_start3A_1099 : memref<100xi32, #tpu.memory_space<vmem>>) semaphore(%run_scoped3A_1096 : memref<!tpu.dma_semaphore, #tpu.memory_space<semaphore_mem>>) {add = true}
        %dma_wait3A_1103 = arith.constant 0 : i32
        %dma_wait3A_1104 = tpu.memref_slice %arg7[%add3A_1085, %dma_wait3A_1103] : memref<10x100xi32, #tpu.memory_space<vmem>> -> memref<1x100xi32, #tpu.memory_space<vmem>>
        %dma_wait3A_1105 = tpu.memref_squeeze %dma_wait3A_1104 : memref<1x100xi32, #tpu.memory_space<vmem>> -> memref<100xi32, #tpu.memory_space<vmem>>
        %dma_wait3A_1106 = arith.constant 0 : i32
        %dma_wait3A_1107 = arith.constant 0 : i32
        %dma_wait3A_1108 = tpu.memref_slice %arg18[%dma_wait3A_1106, %dma_wait3A_1107] : memref<10000x128xf32, #tpu.memory_space<vmem_shared>> -> memref<10000x128xf32, #tpu.memory_space<vmem_shared>>
        tpu.wait_indirect_dma semaphore(%run_scoped3A_1096 : memref<!tpu.dma_semaphore, #tpu.memory_space<semaphore_mem>>) src(%arg12 : memref<100x128xf32, #tpu.memory_space<vmem>>) dst(%dma_wait3A_1108 : memref<10000x128xf32, #tpu.memory_space<vmem_shared>>)
        tpu.yield
      }) : () -> ()
      %add3A_1086 = arith.constant 2 : i32
      %add3A_1087 = arith.addi %mul3A_1035, %add3A_1086 : i32
      %add3A_1088 = arith.constant 3 : i32
      %add3A_1089 = arith.addi %add3A_1087, %add3A_1088 : i32
      %dma_start3A_1090 = arith.constant 0 : i32
      %dma_start3A_1091 = tpu.memref_slice %arg6[%add3A_1089, %dma_start3A_1090] : memref<10x100xi32, #tpu.memory_space<vmem>> -> memref<1x100xi32, #tpu.memory_space<vmem>>
      %dma_start3A_1092 = tpu.memref_squeeze %dma_start3A_1091 : memref<1x100xi32, #tpu.memory_space<vmem>> -> memref<100xi32, #tpu.memory_space<vmem>>
      %dma_start3A_1093 = arith.constant 0 : i32
      %dma_start3A_1094 = arith.constant 0 : i32
      %dma_start3A_1095 = tpu.memref_slice %arg2[%dma_start3A_1093, %dma_start3A_1094] : memref<10000x128xf32, #tpu.memory_space<hbm>> -> memref<10000x128xf32, #tpu.memory_space<hbm>>
      tpu.enqueue_indirect_dma source(%dma_start3A_1095 : memref<10000x128xf32, #tpu.memory_space<hbm>>) target(%arg12 : memref<100x128xf32, #tpu.memory_space<vmem>>) offsets(%dma_start3A_1092 : memref<100xi32, #tpu.memory_space<vmem>>) semaphore(%arg15 : memref<!tpu.dma_semaphore, #tpu.memory_space<semaphore_mem>>)
    }
    %scan3A_698 = arith.constant 2 : i32
    %dma_wait3A_699 = arith.constant 7 : i32
    %dma_wait3A_700 = arith.constant 0 : i32
    %dma_wait3A_701 = arith.constant 0 : i32
    %dma_wait3A_702 = tpu.memref_slice %arg3[%add3A, %dma_wait3A_699, %dma_wait3A_700, %dma_wait3A_701] : memref<32x10x10x100xi32, #tpu.memory_space<hbm>> -> memref<1x1x10x100xi32, #tpu.memory_space<hbm>>
    %dma_wait3A_703 = tpu.memref_squeeze %dma_wait3A_702 : memref<1x1x10x100xi32, #tpu.memory_space<hbm>> -> memref<10x100xi32, #tpu.memory_space<hbm>>
    %dma_wait3A_704 = arith.constant 0 : i32
    %dma_wait3A_705 = arith.constant 0 : i32
    %dma_wait3A_706 = tpu.memref_slice %arg3[%add3A, %dma_wait3A_699, %dma_wait3A_704, %dma_wait3A_705] : memref<32x10x10x100xi32, #tpu.memory_space<hbm>> -> memref<1x1x10x100xi32, #tpu.memory_space<hbm>>
    %dma_wait3A_707 = tpu.memref_squeeze %dma_wait3A_706 : memref<1x1x10x100xi32, #tpu.memory_space<hbm>> -> memref<10x100xi32, #tpu.memory_space<hbm>>
    tpu.wait_dma2 semaphore(%arg16 : memref<!tpu.dma_semaphore, #tpu.memory_space<semaphore_mem>>) src(%dma_wait3A_707 : memref<10x100xi32, #tpu.memory_space<hbm>>) dst(%arg8 : memref<10x100xi32, #tpu.memory_space<vmem>>)
    %dma_wait3A_708 = arith.constant 7 : i32
    %dma_wait3A_709 = arith.constant 0 : i32
    %dma_wait3A_710 = arith.constant 0 : i32
    %dma_wait3A_711 = tpu.memref_slice %arg4[%add3A, %dma_wait3A_708, %dma_wait3A_709, %dma_wait3A_710] : memref<32x10x10x100xi32, #tpu.memory_space<hbm>> -> memref<1x1x10x100xi32, #tpu.memory_space<hbm>>
    %dma_wait3A_712 = tpu.memref_squeeze %dma_wait3A_711 : memref<1x1x10x100xi32, #tpu.memory_space<hbm>> -> memref<10x100xi32, #tpu.memory_space<hbm>>
    %dma_wait3A_713 = arith.constant 0 : i32
    %dma_wait3A_714 = arith.constant 0 : i32
    %dma_wait3A_715 = tpu.memref_slice %arg4[%add3A, %dma_wait3A_708, %dma_wait3A_713, %dma_wait3A_714] : memref<32x10x10x100xi32, #tpu.memory_space<hbm>> -> memref<1x1x10x100xi32, #tpu.memory_space<hbm>>
    %dma_wait3A_716 = tpu.memref_squeeze %dma_wait3A_715 : memref<1x1x10x100xi32, #tpu.memory_space<hbm>> -> memref<10x100xi32, #tpu.memory_space<hbm>>
    tpu.wait_dma2 semaphore(%arg17 : memref<!tpu.dma_semaphore, #tpu.memory_space<semaphore_mem>>) src(%dma_wait3A_716 : memref<10x100xi32, #tpu.memory_space<hbm>>) dst(%arg9 : memref<10x100xi32, #tpu.memory_space<vmem>>)
    %dma_wait3A_717 = arith.constant 6 : i32
    %dma_wait3A_718 = arith.constant 0 : i32
    %dma_wait3A_719 = tpu.memref_slice %arg6[%dma_wait3A_717, %dma_wait3A_718] : memref<10x100xi32, #tpu.memory_space<vmem>> -> memref<1x100xi32, #tpu.memory_space<vmem>>
    %dma_wait3A_720 = tpu.memref_squeeze %dma_wait3A_719 : memref<1x100xi32, #tpu.memory_space<vmem>> -> memref<100xi32, #tpu.memory_space<vmem>>
    %dma_wait3A_721 = arith.constant 0 : i32
    %dma_wait3A_722 = arith.constant 0 : i32
    %dma_wait3A_723 = tpu.memref_slice %arg2[%dma_wait3A_721, %dma_wait3A_722] : memref<10000x128xf32, #tpu.memory_space<hbm>> -> memref<10000x128xf32, #tpu.memory_space<hbm>>
    tpu.wait_indirect_dma semaphore(%arg13 : memref<!tpu.dma_semaphore, #tpu.memory_space<semaphore_mem>>) src(%dma_wait3A_723 : memref<10000x128xf32, #tpu.memory_space<hbm>>) dst(%arg10 : memref<100x128xf32, #tpu.memory_space<vmem>>)
    %run_scoped3A_724 = arith.constant 6 : i32
    "tpu.region"() ({
      %run_scoped3A_1029 = tpu.sem_alloc : memref<!tpu.dma_semaphore, #tpu.memory_space<semaphore_mem>>
      %dma_start3A_1030 = arith.constant 0 : i32
      %dma_start3A_1031 = tpu.memref_slice %arg7[%run_scoped3A_724, %dma_start3A_1030] : memref<10x100xi32, #tpu.memory_space<vmem>> -> memref<1x100xi32, #tpu.memory_space<vmem>>
      %dma_start3A_1032 = tpu.memref_squeeze %dma_start3A_1031 : memref<1x100xi32, #tpu.memory_space<vmem>> -> memref<100xi32, #tpu.memory_space<vmem>>
      %dma_start3A_1033 = arith.constant 0 : i32
      %dma_start3A_1034 = arith.constant 0 : i32
      %dma_start3A_1035 = tpu.memref_slice %arg18[%dma_start3A_1033, %dma_start3A_1034] : memref<10000x128xf32, #tpu.memory_space<vmem_shared>> -> memref<10000x128xf32, #tpu.memory_space<vmem_shared>>
      tpu.enqueue_indirect_dma source(%arg10 : memref<100x128xf32, #tpu.memory_space<vmem>>) target(%dma_start3A_1035 : memref<10000x128xf32, #tpu.memory_space<vmem_shared>>) offsets(%dma_start3A_1032 : memref<100xi32, #tpu.memory_space<vmem>>) semaphore(%run_scoped3A_1029 : memref<!tpu.dma_semaphore, #tpu.memory_space<semaphore_mem>>) {add = true}
      %dma_wait3A_1036 = arith.constant 0 : i32
      %dma_wait3A_1037 = tpu.memref_slice %arg7[%run_scoped3A_724, %dma_wait3A_1036] : memref<10x100xi32, #tpu.memory_space<vmem>> -> memref<1x100xi32, #tpu.memory_space<vmem>>
      %dma_wait3A_1038 = tpu.memref_squeeze %dma_wait3A_1037 : memref<1x100xi32, #tpu.memory_space<vmem>> -> memref<100xi32, #tpu.memory_space<vmem>>
      %dma_wait3A_1039 = arith.constant 0 : i32
      %dma_wait3A_1040 = arith.constant 0 : i32
      %dma_wait3A_1041 = tpu.memref_slice %arg18[%dma_wait3A_1039, %dma_wait3A_1040] : memref<10000x128xf32, #tpu.memory_space<vmem_shared>> -> memref<10000x128xf32, #tpu.memory_space<vmem_shared>>
      tpu.wait_indirect_dma semaphore(%run_scoped3A_1029 : memref<!tpu.dma_semaphore, #tpu.memory_space<semaphore_mem>>) src(%arg10 : memref<100x128xf32, #tpu.memory_space<vmem>>) dst(%dma_wait3A_1041 : memref<10000x128xf32, #tpu.memory_space<vmem_shared>>)
      tpu.yield
    }) : () -> ()
    %dma_start3A_725 = arith.constant 9 : i32
    %dma_start3A_726 = arith.constant 0 : i32
    %dma_start3A_727 = tpu.memref_slice %arg6[%dma_start3A_725, %dma_start3A_726] : memref<10x100xi32, #tpu.memory_space<vmem>> -> memref<1x100xi32, #tpu.memory_space<vmem>>
    %dma_start3A_728 = tpu.memref_squeeze %dma_start3A_727 : memref<1x100xi32, #tpu.memory_space<vmem>> -> memref<100xi32, #tpu.memory_space<vmem>>
    %dma_start3A_729 = arith.constant 0 : i32
    %dma_start3A_730 = arith.constant 0 : i32
    %dma_start3A_731 = tpu.memref_slice %arg2[%dma_start3A_729, %dma_start3A_730] : memref<10000x128xf32, #tpu.memory_space<hbm>> -> memref<10000x128xf32, #tpu.memory_space<hbm>>
    tpu.enqueue_indirect_dma source(%dma_start3A_731 : memref<10000x128xf32, #tpu.memory_space<hbm>>) target(%arg10 : memref<100x128xf32, #tpu.memory_space<vmem>>) offsets(%dma_start3A_728 : memref<100xi32, #tpu.memory_space<vmem>>) semaphore(%arg13 : memref<!tpu.dma_semaphore, #tpu.memory_space<semaphore_mem>>)
    %dma_wait3A_732 = arith.constant 7 : i32
    %dma_wait3A_733 = arith.constant 0 : i32
    %dma_wait3A_734 = tpu.memref_slice %arg6[%dma_wait3A_732, %dma_wait3A_733] : memref<10x100xi32, #tpu.memory_space<vmem>> -> memref<1x100xi32, #tpu.memory_space<vmem>>
    %dma_wait3A_735 = tpu.memref_squeeze %dma_wait3A_734 : memref<1x100xi32, #tpu.memory_space<vmem>> -> memref<100xi32, #tpu.memory_space<vmem>>
    %dma_wait3A_736 = arith.constant 0 : i32
    %dma_wait3A_737 = arith.constant 0 : i32
    %dma_wait3A_738 = tpu.memref_slice %arg2[%dma_wait3A_736, %dma_wait3A_737] : memref<10000x128xf32, #tpu.memory_space<hbm>> -> memref<10000x128xf32, #tpu.memory_space<hbm>>
    tpu.wait_indirect_dma semaphore(%arg14 : memref<!tpu.dma_semaphore, #tpu.memory_space<semaphore_mem>>) src(%dma_wait3A_738 : memref<10000x128xf32, #tpu.memory_space<hbm>>) dst(%arg11 : memref<100x128xf32, #tpu.memory_space<vmem>>)
    %run_scoped3A_739 = arith.constant 7 : i32
    "tpu.region"() ({
      %run_scoped3A_1029 = tpu.sem_alloc : memref<!tpu.dma_semaphore, #tpu.memory_space<semaphore_mem>>
      %dma_start3A_1030 = arith.constant 0 : i32
      %dma_start3A_1031 = tpu.memref_slice %arg7[%run_scoped3A_739, %dma_start3A_1030] : memref<10x100xi32, #tpu.memory_space<vmem>> -> memref<1x100xi32, #tpu.memory_space<vmem>>
      %dma_start3A_1032 = tpu.memref_squeeze %dma_start3A_1031 : memref<1x100xi32, #tpu.memory_space<vmem>> -> memref<100xi32, #tpu.memory_space<vmem>>
      %dma_start3A_1033 = arith.constant 0 : i32
      %dma_start3A_1034 = arith.constant 0 : i32
      %dma_start3A_1035 = tpu.memref_slice %arg18[%dma_start3A_1033, %dma_start3A_1034] : memref<10000x128xf32, #tpu.memory_space<vmem_shared>> -> memref<10000x128xf32, #tpu.memory_space<vmem_shared>>
      tpu.enqueue_indirect_dma source(%arg11 : memref<100x128xf32, #tpu.memory_space<vmem>>) target(%dma_start3A_1035 : memref<10000x128xf32, #tpu.memory_space<vmem_shared>>) offsets(%dma_start3A_1032 : memref<100xi32, #tpu.memory_space<vmem>>) semaphore(%run_scoped3A_1029 : memref<!tpu.dma_semaphore, #tpu.memory_space<semaphore_mem>>) {add = true}
      %dma_wait3A_1036 = arith.constant 0 : i32
      %dma_wait3A_1037 = tpu.memref_slice %arg7[%run_scoped3A_739, %dma_wait3A_1036] : memref<10x100xi32, #tpu.memory_space<vmem>> -> memref<1x100xi32, #tpu.memory_space<vmem>>
      %dma_wait3A_1038 = tpu.memref_squeeze %dma_wait3A_1037 : memref<1x100xi32, #tpu.memory_space<vmem>> -> memref<100xi32, #tpu.memory_space<vmem>>
      %dma_wait3A_1039 = arith.constant 0 : i32
      %dma_wait3A_1040 = arith.constant 0 : i32
      %dma_wait3A_1041 = tpu.memref_slice %arg18[%dma_wait3A_1039, %dma_wait3A_1040] : memref<10000x128xf32, #tpu.memory_space<vmem_shared>> -> memref<10000x128xf32, #tpu.memory_space<vmem_shared>>
      tpu.wait_indirect_dma semaphore(%run_scoped3A_1029 : memref<!tpu.dma_semaphore, #tpu.memory_space<semaphore_mem>>) src(%arg11 : memref<100x128xf32, #tpu.memory_space<vmem>>) dst(%dma_wait3A_1041 : memref<10000x128xf32, #tpu.memory_space<vmem_shared>>)
      tpu.yield
    }) : () -> ()
    %dma_start3A_740 = arith.constant 1 : i32
    %dma_start3A_741 = arith.constant 0 : i32
    %dma_start3A_742 = tpu.memref_slice %arg8[%dma_start3A_740, %dma_start3A_741] : memref<10x100xi32, #tpu.memory_space<vmem>> -> memref<1x100xi32, #tpu.memory_space<vmem>>
    %dma_start3A_743 = tpu.memref_squeeze %dma_start3A_742 : memref<1x100xi32, #tpu.memory_space<vmem>> -> memref<100xi32, #tpu.memory_space<vmem>>
    %dma_start3A_744 = arith.constant 0 : i32
    %dma_start3A_745 = arith.constant 0 : i32
    %dma_start3A_746 = tpu.memref_slice %arg2[%dma_start3A_744, %dma_start3A_745] : memref<10000x128xf32, #tpu.memory_space<hbm>> -> memref<10000x128xf32, #tpu.memory_space<hbm>>
    tpu.enqueue_indirect_dma source(%dma_start3A_746 : memref<10000x128xf32, #tpu.memory_space<hbm>>) target(%arg11 : memref<100x128xf32, #tpu.memory_space<vmem>>) offsets(%dma_start3A_743 : memref<100xi32, #tpu.memory_space<vmem>>) semaphore(%arg14 : memref<!tpu.dma_semaphore, #tpu.memory_space<semaphore_mem>>)
    %dma_wait3A_747 = arith.constant 8 : i32
    %dma_wait3A_748 = arith.constant 0 : i32
    %dma_wait3A_749 = tpu.memref_slice %arg6[%dma_wait3A_747, %dma_wait3A_748] : memref<10x100xi32, #tpu.memory_space<vmem>> -> memref<1x100xi32, #tpu.memory_space<vmem>>
    %dma_wait3A_750 = tpu.memref_squeeze %dma_wait3A_749 : memref<1x100xi32, #tpu.memory_space<vmem>> -> memref<100xi32, #tpu.memory_space<vmem>>
    %dma_wait3A_751 = arith.constant 0 : i32
    %dma_wait3A_752 = arith.constant 0 : i32
    %dma_wait3A_753 = tpu.memref_slice %arg2[%dma_wait3A_751, %dma_wait3A_752] : memref<10000x128xf32, #tpu.memory_space<hbm>> -> memref<10000x128xf32, #tpu.memory_space<hbm>>
    tpu.wait_indirect_dma semaphore(%arg15 : memref<!tpu.dma_semaphore, #tpu.memory_space<semaphore_mem>>) src(%dma_wait3A_753 : memref<10000x128xf32, #tpu.memory_space<hbm>>) dst(%arg12 : memref<100x128xf32, #tpu.memory_space<vmem>>)
    %run_scoped3A_754 = arith.constant 8 : i32
    "tpu.region"() ({
      %run_scoped3A_1029 = tpu.sem_alloc : memref<!tpu.dma_semaphore, #tpu.memory_space<semaphore_mem>>
      %dma_start3A_1030 = arith.constant 0 : i32
      %dma_start3A_1031 = tpu.memref_slice %arg7[%run_scoped3A_754, %dma_start3A_1030] : memref<10x100xi32, #tpu.memory_space<vmem>> -> memref<1x100xi32, #tpu.memory_space<vmem>>
      %dma_start3A_1032 = tpu.memref_squeeze %dma_start3A_1031 : memref<1x100xi32, #tpu.memory_space<vmem>> -> memref<100xi32, #tpu.memory_space<vmem>>
      %dma_start3A_1033 = arith.constant 0 : i32
      %dma_start3A_1034 = arith.constant 0 : i32
      %dma_start3A_1035 = tpu.memref_slice %arg18[%dma_start3A_1033, %dma_start3A_1034] : memref<10000x128xf32, #tpu.memory_space<vmem_shared>> -> memref<10000x128xf32, #tpu.memory_space<vmem_shared>>
      tpu.enqueue_indirect_dma source(%arg12 : memref<100x128xf32, #tpu.memory_space<vmem>>) target(%dma_start3A_1035 : memref<10000x128xf32, #tpu.memory_space<vmem_shared>>) offsets(%dma_start3A_1032 : memref<100xi32, #tpu.memory_space<vmem>>) semaphore(%run_scoped3A_1029 : memref<!tpu.dma_semaphore, #tpu.memory_space<semaphore_mem>>) {add = true}
      %dma_wait3A_1036 = arith.constant 0 : i32
      %dma_wait3A_1037 = tpu.memref_slice %arg7[%run_scoped3A_754, %dma_wait3A_1036] : memref<10x100xi32, #tpu.memory_space<vmem>> -> memref<1x100xi32, #tpu.memory_space<vmem>>
      %dma_wait3A_1038 = tpu.memref_squeeze %dma_wait3A_1037 : memref<1x100xi32, #tpu.memory_space<vmem>> -> memref<100xi32, #tpu.memory_space<vmem>>
      %dma_wait3A_1039 = arith.constant 0 : i32
      %dma_wait3A_1040 = arith.constant 0 : i32
      %dma_wait3A_1041 = tpu.memref_slice %arg18[%dma_wait3A_1039, %dma_wait3A_1040] : memref<10000x128xf32, #tpu.memory_space<vmem_shared>> -> memref<10000x128xf32, #tpu.memory_space<vmem_shared>>
      tpu.wait_indirect_dma semaphore(%run_scoped3A_1029 : memref<!tpu.dma_semaphore, #tpu.memory_space<semaphore_mem>>) src(%arg12 : memref<100x128xf32, #tpu.memory_space<vmem>>) dst(%dma_wait3A_1041 : memref<10000x128xf32, #tpu.memory_space<vmem_shared>>)
      tpu.yield
    }) : () -> ()
    %dma_start3A_755 = arith.constant 2 : i32
    %dma_start3A_756 = arith.constant 0 : i32
    %dma_start3A_757 = tpu.memref_slice %arg8[%dma_start3A_755, %dma_start3A_756] : memref<10x100xi32, #tpu.memory_space<vmem>> -> memref<1x100xi32, #tpu.memory_space<vmem>>
    %dma_start3A_758 = tpu.memref_squeeze %dma_start3A_757 : memref<1x100xi32, #tpu.memory_space<vmem>> -> memref<100xi32, #tpu.memory_space<vmem>>
    %dma_start3A_759 = arith.constant 0 : i32
    %dma_start3A_760 = arith.constant 0 : i32
    %dma_start3A_761 = tpu.memref_slice %arg2[%dma_start3A_759, %dma_start3A_760] : memref<10000x128xf32, #tpu.memory_space<hbm>> -> memref<10000x128xf32, #tpu.memory_space<hbm>>
    tpu.enqueue_indirect_dma source(%dma_start3A_761 : memref<10000x128xf32, #tpu.memory_space<hbm>>) target(%arg12 : memref<100x128xf32, #tpu.memory_space<vmem>>) offsets(%dma_start3A_758 : memref<100xi32, #tpu.memory_space<vmem>>) semaphore(%arg15 : memref<!tpu.dma_semaphore, #tpu.memory_space<semaphore_mem>>)
    %dma_wait3A_762 = arith.constant 9 : i32
    %dma_wait3A_763 = arith.constant 0 : i32
    %dma_wait3A_764 = tpu.memref_slice %arg6[%dma_wait3A_762, %dma_wait3A_763] : memref<10x100xi32, #tpu.memory_space<vmem>> -> memref<1x100xi32, #tpu.memory_space<vmem>>
    %dma_wait3A_765 = tpu.memref_squeeze %dma_wait3A_764 : memref<1x100xi32, #tpu.memory_space<vmem>> -> memref<100xi32, #tpu.memory_space<vmem>>
    %dma_wait3A_766 = arith.constant 0 : i32
    %dma_wait3A_767 = arith.constant 0 : i32
    %dma_wait3A_768 = tpu.memref_slice %arg2[%dma_wait3A_766, %dma_wait3A_767] : memref<10000x128xf32, #tpu.memory_space<hbm>> -> memref<10000x128xf32, #tpu.memory_space<hbm>>
    tpu.wait_indirect_dma semaphore(%arg13 : memref<!tpu.dma_semaphore, #tpu.memory_space<semaphore_mem>>) src(%dma_wait3A_768 : memref<10000x128xf32, #tpu.memory_space<hbm>>) dst(%arg10 : memref<100x128xf32, #tpu.memory_space<vmem>>)
    %run_scoped3A_769 = arith.constant 9 : i32
    "tpu.region"() ({
      %run_scoped3A_1029 = tpu.sem_alloc : memref<!tpu.dma_semaphore, #tpu.memory_space<semaphore_mem>>
      %dma_start3A_1030 = arith.constant 0 : i32
      %dma_start3A_1031 = tpu.memref_slice %arg7[%run_scoped3A_769, %dma_start3A_1030] : memref<10x100xi32, #tpu.memory_space<vmem>> -> memref<1x100xi32, #tpu.memory_space<vmem>>
      %dma_start3A_1032 = tpu.memref_squeeze %dma_start3A_1031 : memref<1x100xi32, #tpu.memory_space<vmem>> -> memref<100xi32, #tpu.memory_space<vmem>>
      %dma_start3A_1033 = arith.constant 0 : i32
      %dma_start3A_1034 = arith.constant 0 : i32
      %dma_start3A_1035 = tpu.memref_slice %arg18[%dma_start3A_1033, %dma_start3A_1034] : memref<10000x128xf32, #tpu.memory_space<vmem_shared>> -> memref<10000x128xf32, #tpu.memory_space<vmem_shared>>
      tpu.enqueue_indirect_dma source(%arg10 : memref<100x128xf32, #tpu.memory_space<vmem>>) target(%dma_start3A_1035 : memref<10000x128xf32, #tpu.memory_space<vmem_shared>>) offsets(%dma_start3A_1032 : memref<100xi32, #tpu.memory_space<vmem>>) semaphore(%run_scoped3A_1029 : memref<!tpu.dma_semaphore, #tpu.memory_space<semaphore_mem>>) {add = true}
      %dma_wait3A_1036 = arith.constant 0 : i32
      %dma_wait3A_1037 = tpu.memref_slice %arg7[%run_scoped3A_769, %dma_wait3A_1036] : memref<10x100xi32, #tpu.memory_space<vmem>> -> memref<1x100xi32, #tpu.memory_space<vmem>>
      %dma_wait3A_1038 = tpu.memref_squeeze %dma_wait3A_1037 : memref<1x100xi32, #tpu.memory_space<vmem>> -> memref<100xi32, #tpu.memory_space<vmem>>
      %dma_wait3A_1039 = arith.constant 0 : i32
      %dma_wait3A_1040 = arith.constant 0 : i32
      %dma_wait3A_1041 = tpu.memref_slice %arg18[%dma_wait3A_1039, %dma_wait3A_1040] : memref<10000x128xf32, #tpu.memory_space<vmem_shared>> -> memref<10000x128xf32, #tpu.memory_space<vmem_shared>>
      tpu.wait_indirect_dma semaphore(%run_scoped3A_1029 : memref<!tpu.dma_semaphore, #tpu.memory_space<semaphore_mem>>) src(%arg10 : memref<100x128xf32, #tpu.memory_space<vmem>>) dst(%dma_wait3A_1041 : memref<10000x128xf32, #tpu.memory_space<vmem_shared>>)
      tpu.yield
    }) : () -> ()
    %dma_start3A_770 = arith.constant 0 : i32
    %dma_start3A_771 = arith.constant 0 : i32
    %dma_start3A_772 = tpu.memref_slice %arg8[%dma_start3A_770, %dma_start3A_771] : memref<10x100xi32, #tpu.memory_space<vmem>> -> memref<1x100xi32, #tpu.memory_space<vmem>>
    %dma_start3A_773 = tpu.memref_squeeze %dma_start3A_772 : memref<1x100xi32, #tpu.memory_space<vmem>> -> memref<100xi32, #tpu.memory_space<vmem>>
    %dma_start3A_774 = arith.constant 0 : i32
    %dma_start3A_775 = arith.constant 0 : i32
    %dma_start3A_776 = tpu.memref_slice %arg2[%dma_start3A_774, %dma_start3A_775] : memref<10000x128xf32, #tpu.memory_space<hbm>> -> memref<10000x128xf32, #tpu.memory_space<hbm>>
    tpu.enqueue_indirect_dma source(%dma_start3A_776 : memref<10000x128xf32, #tpu.memory_space<hbm>>) target(%arg10 : memref<100x128xf32, #tpu.memory_space<vmem>>) offsets(%dma_start3A_773 : memref<100xi32, #tpu.memory_space<vmem>>) semaphore(%arg13 : memref<!tpu.dma_semaphore, #tpu.memory_space<semaphore_mem>>)
    %dma_start3A_777 = arith.constant 8 : i32
    %dma_start3A_778 = arith.constant 0 : i32
    %dma_start3A_779 = arith.constant 0 : i32
    %dma_start3A_780 = tpu.memref_slice %arg3[%add3A, %dma_start3A_777, %dma_start3A_778, %dma_start3A_779] : memref<32x10x10x100xi32, #tpu.memory_space<hbm>> -> memref<1x1x10x100xi32, #tpu.memory_space<hbm>>
    %dma_start3A_781 = tpu.memref_squeeze %dma_start3A_780 : memref<1x1x10x100xi32, #tpu.memory_space<hbm>> -> memref<10x100xi32, #tpu.memory_space<hbm>>
    %dma_start3A_782 = arith.constant 0 : i32
    %dma_start3A_783 = arith.constant 0 : i32
    %dma_start3A_784 = tpu.memref_slice %arg3[%add3A, %dma_start3A_777, %dma_start3A_782, %dma_start3A_783] : memref<32x10x10x100xi32, #tpu.memory_space<hbm>> -> memref<1x1x10x100xi32, #tpu.memory_space<hbm>>
    %dma_start3A_785 = tpu.memref_squeeze %dma_start3A_784 : memref<1x1x10x100xi32, #tpu.memory_space<hbm>> -> memref<10x100xi32, #tpu.memory_space<hbm>>
    tpu.enqueue_dma source(%dma_start3A_785 : memref<10x100xi32, #tpu.memory_space<hbm>>) target(%arg6 : memref<10x100xi32, #tpu.memory_space<vmem>>) target_semaphore(%arg16 : memref<!tpu.dma_semaphore, #tpu.memory_space<semaphore_mem>>)
    %dma_start3A_786 = arith.constant 8 : i32
    %dma_start3A_787 = arith.constant 0 : i32
    %dma_start3A_788 = arith.constant 0 : i32
    %dma_start3A_789 = tpu.memref_slice %arg4[%add3A, %dma_start3A_786, %dma_start3A_787, %dma_start3A_788] : memref<32x10x10x100xi32, #tpu.memory_space<hbm>> -> memref<1x1x10x100xi32, #tpu.memory_space<hbm>>
    %dma_start3A_790 = tpu.memref_squeeze %dma_start3A_789 : memref<1x1x10x100xi32, #tpu.memory_space<hbm>> -> memref<10x100xi32, #tpu.memory_space<hbm>>
    %dma_start3A_791 = arith.constant 0 : i32
    %dma_start3A_792 = arith.constant 0 : i32
    %dma_start3A_793 = tpu.memref_slice %arg4[%add3A, %dma_start3A_786, %dma_start3A_791, %dma_start3A_792] : memref<32x10x10x100xi32, #tpu.memory_space<hbm>> -> memref<1x1x10x100xi32, #tpu.memory_space<hbm>>
    %dma_start3A_794 = tpu.memref_squeeze %dma_start3A_793 : memref<1x1x10x100xi32, #tpu.memory_space<hbm>> -> memref<10x100xi32, #tpu.memory_space<hbm>>
    tpu.enqueue_dma source(%dma_start3A_794 : memref<10x100xi32, #tpu.memory_space<hbm>>) target(%arg7 : memref<10x100xi32, #tpu.memory_space<vmem>>) target_semaphore(%arg17 : memref<!tpu.dma_semaphore, #tpu.memory_space<semaphore_mem>>)
    %scan3A_795 = arith.constant 0 : i32
    %scan3A_796 = arith.constant 2 : i32
    %scan3A_797 = arith.addi %scan3A_795, %scan3A_796 : i32
    %scan3A_798 = arith.constant 1 : i32
    scf.for %scan3A_1029 = %scan3A_795 to %scan3A_797 step %scan3A_798  : i32 {
      %mul3A_1030 = arith.constant 1 : i32
      %mul3A_1031 = arith.muli %scan3A_1029, %mul3A_1030 : i32
      %add3A_1032 = arith.constant 0 : i32
      %add3A_1033 = arith.addi %add3A_1032, %mul3A_1031 : i32
      %mul3A_1034 = arith.constant 3 : i32
      %mul3A_1035 = arith.muli %add3A_1033, %mul3A_1034 : i32
      %add3A_1036 = arith.constant 0 : i32
      %add3A_1037 = arith.addi %mul3A_1035, %add3A_1036 : i32
      %dma_wait3A_1038 = arith.constant 0 : i32
      %dma_wait3A_1039 = tpu.memref_slice %arg8[%add3A_1037, %dma_wait3A_1038] : memref<10x100xi32, #tpu.memory_space<vmem>> -> memref<1x100xi32, #tpu.memory_space<vmem>>
      %dma_wait3A_1040 = tpu.memref_squeeze %dma_wait3A_1039 : memref<1x100xi32, #tpu.memory_space<vmem>> -> memref<100xi32, #tpu.memory_space<vmem>>
      %dma_wait3A_1041 = arith.constant 0 : i32
      %dma_wait3A_1042 = arith.constant 0 : i32
      %dma_wait3A_1043 = tpu.memref_slice %arg2[%dma_wait3A_1041, %dma_wait3A_1042] : memref<10000x128xf32, #tpu.memory_space<hbm>> -> memref<10000x128xf32, #tpu.memory_space<hbm>>
      tpu.wait_indirect_dma semaphore(%arg13 : memref<!tpu.dma_semaphore, #tpu.memory_space<semaphore_mem>>) src(%dma_wait3A_1043 : memref<10000x128xf32, #tpu.memory_space<hbm>>) dst(%arg10 : memref<100x128xf32, #tpu.memory_space<vmem>>)
      %add3A_1044 = arith.constant 0 : i32
      %add3A_1045 = arith.addi %mul3A_1035, %add3A_1044 : i32
      "tpu.region"() ({
        %run_scoped3A_1096 = tpu.sem_alloc : memref<!tpu.dma_semaphore, #tpu.memory_space<semaphore_mem>>
        %dma_start3A_1097 = arith.constant 0 : i32
        %dma_start3A_1098 = tpu.memref_slice %arg9[%add3A_1045, %dma_start3A_1097] : memref<10x100xi32, #tpu.memory_space<vmem>> -> memref<1x100xi32, #tpu.memory_space<vmem>>
        %dma_start3A_1099 = tpu.memref_squeeze %dma_start3A_1098 : memref<1x100xi32, #tpu.memory_space<vmem>> -> memref<100xi32, #tpu.memory_space<vmem>>
        %dma_start3A_1100 = arith.constant 0 : i32
        %dma_start3A_1101 = arith.constant 0 : i32
        %dma_start3A_1102 = tpu.memref_slice %arg18[%dma_start3A_1100, %dma_start3A_1101] : memref<10000x128xf32, #tpu.memory_space<vmem_shared>> -> memref<10000x128xf32, #tpu.memory_space<vmem_shared>>
        tpu.enqueue_indirect_dma source(%arg10 : memref<100x128xf32, #tpu.memory_space<vmem>>) target(%dma_start3A_1102 : memref<10000x128xf32, #tpu.memory_space<vmem_shared>>) offsets(%dma_start3A_1099 : memref<100xi32, #tpu.memory_space<vmem>>) semaphore(%run_scoped3A_1096 : memref<!tpu.dma_semaphore, #tpu.memory_space<semaphore_mem>>) {add = true}
        %dma_wait3A_1103 = arith.constant 0 : i32
        %dma_wait3A_1104 = tpu.memref_slice %arg9[%add3A_1045, %dma_wait3A_1103] : memref<10x100xi32, #tpu.memory_space<vmem>> -> memref<1x100xi32, #tpu.memory_space<vmem>>
        %dma_wait3A_1105 = tpu.memref_squeeze %dma_wait3A_1104 : memref<1x100xi32, #tpu.memory_space<vmem>> -> memref<100xi32, #tpu.memory_space<vmem>>
        %dma_wait3A_1106 = arith.constant 0 : i32
        %dma_wait3A_1107 = arith.constant 0 : i32
        %dma_wait3A_1108 = tpu.memref_slice %arg18[%dma_wait3A_1106, %dma_wait3A_1107] : memref<10000x128xf32, #tpu.memory_space<vmem_shared>> -> memref<10000x128xf32, #tpu.memory_space<vmem_shared>>
        tpu.wait_indirect_dma semaphore(%run_scoped3A_1096 : memref<!tpu.dma_semaphore, #tpu.memory_space<semaphore_mem>>) src(%arg10 : memref<100x128xf32, #tpu.memory_space<vmem>>) dst(%dma_wait3A_1108 : memref<10000x128xf32, #tpu.memory_space<vmem_shared>>)
        tpu.yield
      }) : () -> ()
      %add3A_1046 = arith.constant 0 : i32
      %add3A_1047 = arith.addi %mul3A_1035, %add3A_1046 : i32
      %add3A_1048 = arith.constant 3 : i32
      %add3A_1049 = arith.addi %add3A_1047, %add3A_1048 : i32
      %dma_start3A_1050 = arith.constant 0 : i32
      %dma_start3A_1051 = tpu.memref_slice %arg8[%add3A_1049, %dma_start3A_1050] : memref<10x100xi32, #tpu.memory_space<vmem>> -> memref<1x100xi32, #tpu.memory_space<vmem>>
      %dma_start3A_1052 = tpu.memref_squeeze %dma_start3A_1051 : memref<1x100xi32, #tpu.memory_space<vmem>> -> memref<100xi32, #tpu.memory_space<vmem>>
      %dma_start3A_1053 = arith.constant 0 : i32
      %dma_start3A_1054 = arith.constant 0 : i32
      %dma_start3A_1055 = tpu.memref_slice %arg2[%dma_start3A_1053, %dma_start3A_1054] : memref<10000x128xf32, #tpu.memory_space<hbm>> -> memref<10000x128xf32, #tpu.memory_space<hbm>>
      tpu.enqueue_indirect_dma source(%dma_start3A_1055 : memref<10000x128xf32, #tpu.memory_space<hbm>>) target(%arg10 : memref<100x128xf32, #tpu.memory_space<vmem>>) offsets(%dma_start3A_1052 : memref<100xi32, #tpu.memory_space<vmem>>) semaphore(%arg13 : memref<!tpu.dma_semaphore, #tpu.memory_space<semaphore_mem>>)
      %add3A_1056 = arith.constant 1 : i32
      %add3A_1057 = arith.addi %mul3A_1035, %add3A_1056 : i32
      %dma_wait3A_1058 = arith.constant 0 : i32
      %dma_wait3A_1059 = tpu.memref_slice %arg8[%add3A_1057, %dma_wait3A_1058] : memref<10x100xi32, #tpu.memory_space<vmem>> -> memref<1x100xi32, #tpu.memory_space<vmem>>
      %dma_wait3A_1060 = tpu.memref_squeeze %dma_wait3A_1059 : memref<1x100xi32, #tpu.memory_space<vmem>> -> memref<100xi32, #tpu.memory_space<vmem>>
      %dma_wait3A_1061 = arith.constant 0 : i32
      %dma_wait3A_1062 = arith.constant 0 : i32
      %dma_wait3A_1063 = tpu.memref_slice %arg2[%dma_wait3A_1061, %dma_wait3A_1062] : memref<10000x128xf32, #tpu.memory_space<hbm>> -> memref<10000x128xf32, #tpu.memory_space<hbm>>
      tpu.wait_indirect_dma semaphore(%arg14 : memref<!tpu.dma_semaphore, #tpu.memory_space<semaphore_mem>>) src(%dma_wait3A_1063 : memref<10000x128xf32, #tpu.memory_space<hbm>>) dst(%arg11 : memref<100x128xf32, #tpu.memory_space<vmem>>)
      %add3A_1064 = arith.constant 1 : i32
      %add3A_1065 = arith.addi %mul3A_1035, %add3A_1064 : i32
      "tpu.region"() ({
        %run_scoped3A_1096 = tpu.sem_alloc : memref<!tpu.dma_semaphore, #tpu.memory_space<semaphore_mem>>
        %dma_start3A_1097 = arith.constant 0 : i32
        %dma_start3A_1098 = tpu.memref_slice %arg9[%add3A_1065, %dma_start3A_1097] : memref<10x100xi32, #tpu.memory_space<vmem>> -> memref<1x100xi32, #tpu.memory_space<vmem>>
        %dma_start3A_1099 = tpu.memref_squeeze %dma_start3A_1098 : memref<1x100xi32, #tpu.memory_space<vmem>> -> memref<100xi32, #tpu.memory_space<vmem>>
        %dma_start3A_1100 = arith.constant 0 : i32
        %dma_start3A_1101 = arith.constant 0 : i32
        %dma_start3A_1102 = tpu.memref_slice %arg18[%dma_start3A_1100, %dma_start3A_1101] : memref<10000x128xf32, #tpu.memory_space<vmem_shared>> -> memref<10000x128xf32, #tpu.memory_space<vmem_shared>>
        tpu.enqueue_indirect_dma source(%arg11 : memref<100x128xf32, #tpu.memory_space<vmem>>) target(%dma_start3A_1102 : memref<10000x128xf32, #tpu.memory_space<vmem_shared>>) offsets(%dma_start3A_1099 : memref<100xi32, #tpu.memory_space<vmem>>) semaphore(%run_scoped3A_1096 : memref<!tpu.dma_semaphore, #tpu.memory_space<semaphore_mem>>) {add = true}
        %dma_wait3A_1103 = arith.constant 0 : i32
        %dma_wait3A_1104 = tpu.memref_slice %arg9[%add3A_1065, %dma_wait3A_1103] : memref<10x100xi32, #tpu.memory_space<vmem>> -> memref<1x100xi32, #tpu.memory_space<vmem>>
        %dma_wait3A_1105 = tpu.memref_squeeze %dma_wait3A_1104 : memref<1x100xi32, #tpu.memory_space<vmem>> -> memref<100xi32, #tpu.memory_space<vmem>>
        %dma_wait3A_1106 = arith.constant 0 : i32
        %dma_wait3A_1107 = arith.constant 0 : i32
        %dma_wait3A_1108 = tpu.memref_slice %arg18[%dma_wait3A_1106, %dma_wait3A_1107] : memref<10000x128xf32, #tpu.memory_space<vmem_shared>> -> memref<10000x128xf32, #tpu.memory_space<vmem_shared>>
        tpu.wait_indirect_dma semaphore(%run_scoped3A_1096 : memref<!tpu.dma_semaphore, #tpu.memory_space<semaphore_mem>>) src(%arg11 : memref<100x128xf32, #tpu.memory_space<vmem>>) dst(%dma_wait3A_1108 : memref<10000x128xf32, #tpu.memory_space<vmem_shared>>)
        tpu.yield
      }) : () -> ()
      %add3A_1066 = arith.constant 1 : i32
      %add3A_1067 = arith.addi %mul3A_1035, %add3A_1066 : i32
      %add3A_1068 = arith.constant 3 : i32
      %add3A_1069 = arith.addi %add3A_1067, %add3A_1068 : i32
      %dma_start3A_1070 = arith.constant 0 : i32
      %dma_start3A_1071 = tpu.memref_slice %arg8[%add3A_1069, %dma_start3A_1070] : memref<10x100xi32, #tpu.memory_space<vmem>> -> memref<1x100xi32, #tpu.memory_space<vmem>>
      %dma_start3A_1072 = tpu.memref_squeeze %dma_start3A_1071 : memref<1x100xi32, #tpu.memory_space<vmem>> -> memref<100xi32, #tpu.memory_space<vmem>>
      %dma_start3A_1073 = arith.constant 0 : i32
      %dma_start3A_1074 = arith.constant 0 : i32
      %dma_start3A_1075 = tpu.memref_slice %arg2[%dma_start3A_1073, %dma_start3A_1074] : memref<10000x128xf32, #tpu.memory_space<hbm>> -> memref<10000x128xf32, #tpu.memory_space<hbm>>
      tpu.enqueue_indirect_dma source(%dma_start3A_1075 : memref<10000x128xf32, #tpu.memory_space<hbm>>) target(%arg11 : memref<100x128xf32, #tpu.memory_space<vmem>>) offsets(%dma_start3A_1072 : memref<100xi32, #tpu.memory_space<vmem>>) semaphore(%arg14 : memref<!tpu.dma_semaphore, #tpu.memory_space<semaphore_mem>>)
      %add3A_1076 = arith.constant 2 : i32
      %add3A_1077 = arith.addi %mul3A_1035, %add3A_1076 : i32
      %dma_wait3A_1078 = arith.constant 0 : i32
      %dma_wait3A_1079 = tpu.memref_slice %arg8[%add3A_1077, %dma_wait3A_1078] : memref<10x100xi32, #tpu.memory_space<vmem>> -> memref<1x100xi32, #tpu.memory_space<vmem>>
      %dma_wait3A_1080 = tpu.memref_squeeze %dma_wait3A_1079 : memref<1x100xi32, #tpu.memory_space<vmem>> -> memref<100xi32, #tpu.memory_space<vmem>>
      %dma_wait3A_1081 = arith.constant 0 : i32
      %dma_wait3A_1082 = arith.constant 0 : i32
      %dma_wait3A_1083 = tpu.memref_slice %arg2[%dma_wait3A_1081, %dma_wait3A_1082] : memref<10000x128xf32, #tpu.memory_space<hbm>> -> memref<10000x128xf32, #tpu.memory_space<hbm>>
      tpu.wait_indirect_dma semaphore(%arg15 : memref<!tpu.dma_semaphore, #tpu.memory_space<semaphore_mem>>) src(%dma_wait3A_1083 : memref<10000x128xf32, #tpu.memory_space<hbm>>) dst(%arg12 : memref<100x128xf32, #tpu.memory_space<vmem>>)
      %add3A_1084 = arith.constant 2 : i32
      %add3A_1085 = arith.addi %mul3A_1035, %add3A_1084 : i32
      "tpu.region"() ({
        %run_scoped3A_1096 = tpu.sem_alloc : memref<!tpu.dma_semaphore, #tpu.memory_space<semaphore_mem>>
        %dma_start3A_1097 = arith.constant 0 : i32
        %dma_start3A_1098 = tpu.memref_slice %arg9[%add3A_1085, %dma_start3A_1097] : memref<10x100xi32, #tpu.memory_space<vmem>> -> memref<1x100xi32, #tpu.memory_space<vmem>>
        %dma_start3A_1099 = tpu.memref_squeeze %dma_start3A_1098 : memref<1x100xi32, #tpu.memory_space<vmem>> -> memref<100xi32, #tpu.memory_space<vmem>>
        %dma_start3A_1100 = arith.constant 0 : i32
        %dma_start3A_1101 = arith.constant 0 : i32
        %dma_start3A_1102 = tpu.memref_slice %arg18[%dma_start3A_1100, %dma_start3A_1101] : memref<10000x128xf32, #tpu.memory_space<vmem_shared>> -> memref<10000x128xf32, #tpu.memory_space<vmem_shared>>
        tpu.enqueue_indirect_dma source(%arg12 : memref<100x128xf32, #tpu.memory_space<vmem>>) target(%dma_start3A_1102 : memref<10000x128xf32, #tpu.memory_space<vmem_shared>>) offsets(%dma_start3A_1099 : memref<100xi32, #tpu.memory_space<vmem>>) semaphore(%run_scoped3A_1096 : memref<!tpu.dma_semaphore, #tpu.memory_space<semaphore_mem>>) {add = true}
        %dma_wait3A_1103 = arith.constant 0 : i32
        %dma_wait3A_1104 = tpu.memref_slice %arg9[%add3A_1085, %dma_wait3A_1103] : memref<10x100xi32, #tpu.memory_space<vmem>> -> memref<1x100xi32, #tpu.memory_space<vmem>>
        %dma_wait3A_1105 = tpu.memref_squeeze %dma_wait3A_1104 : memref<1x100xi32, #tpu.memory_space<vmem>> -> memref<100xi32, #tpu.memory_space<vmem>>
        %dma_wait3A_1106 = arith.constant 0 : i32
        %dma_wait3A_1107 = arith.constant 0 : i32
        %dma_wait3A_1108 = tpu.memref_slice %arg18[%dma_wait3A_1106, %dma_wait3A_1107] : memref<10000x128xf32, #tpu.memory_space<vmem_shared>> -> memref<10000x128xf32, #tpu.memory_space<vmem_shared>>
        tpu.wait_indirect_dma semaphore(%run_scoped3A_1096 : memref<!tpu.dma_semaphore, #tpu.memory_space<semaphore_mem>>) src(%arg12 : memref<100x128xf32, #tpu.memory_space<vmem>>) dst(%dma_wait3A_1108 : memref<10000x128xf32, #tpu.memory_space<vmem_shared>>)
        tpu.yield
      }) : () -> ()
      %add3A_1086 = arith.constant 2 : i32
      %add3A_1087 = arith.addi %mul3A_1035, %add3A_1086 : i32
      %add3A_1088 = arith.constant 3 : i32
      %add3A_1089 = arith.addi %add3A_1087, %add3A_1088 : i32
      %dma_start3A_1090 = arith.constant 0 : i32
      %dma_start3A_1091 = tpu.memref_slice %arg8[%add3A_1089, %dma_start3A_1090] : memref<10x100xi32, #tpu.memory_space<vmem>> -> memref<1x100xi32, #tpu.memory_space<vmem>>
      %dma_start3A_1092 = tpu.memref_squeeze %dma_start3A_1091 : memref<1x100xi32, #tpu.memory_space<vmem>> -> memref<100xi32, #tpu.memory_space<vmem>>
      %dma_start3A_1093 = arith.constant 0 : i32
      %dma_start3A_1094 = arith.constant 0 : i32
      %dma_start3A_1095 = tpu.memref_slice %arg2[%dma_start3A_1093, %dma_start3A_1094] : memref<10000x128xf32, #tpu.memory_space<hbm>> -> memref<10000x128xf32, #tpu.memory_space<hbm>>
      tpu.enqueue_indirect_dma source(%dma_start3A_1095 : memref<10000x128xf32, #tpu.memory_space<hbm>>) target(%arg12 : memref<100x128xf32, #tpu.memory_space<vmem>>) offsets(%dma_start3A_1092 : memref<100xi32, #tpu.memory_space<vmem>>) semaphore(%arg15 : memref<!tpu.dma_semaphore, #tpu.memory_space<semaphore_mem>>)
    }
    %scan3A_799 = arith.constant 2 : i32
    %dma_wait3A_800 = arith.constant 8 : i32
    %dma_wait3A_801 = arith.constant 0 : i32
    %dma_wait3A_802 = arith.constant 0 : i32
    %dma_wait3A_803 = tpu.memref_slice %arg3[%add3A, %dma_wait3A_800, %dma_wait3A_801, %dma_wait3A_802] : memref<32x10x10x100xi32, #tpu.memory_space<hbm>> -> memref<1x1x10x100xi32, #tpu.memory_space<hbm>>
    %dma_wait3A_804 = tpu.memref_squeeze %dma_wait3A_803 : memref<1x1x10x100xi32, #tpu.memory_space<hbm>> -> memref<10x100xi32, #tpu.memory_space<hbm>>
    %dma_wait3A_805 = arith.constant 0 : i32
    %dma_wait3A_806 = arith.constant 0 : i32
    %dma_wait3A_807 = tpu.memref_slice %arg3[%add3A, %dma_wait3A_800, %dma_wait3A_805, %dma_wait3A_806] : memref<32x10x10x100xi32, #tpu.memory_space<hbm>> -> memref<1x1x10x100xi32, #tpu.memory_space<hbm>>
    %dma_wait3A_808 = tpu.memref_squeeze %dma_wait3A_807 : memref<1x1x10x100xi32, #tpu.memory_space<hbm>> -> memref<10x100xi32, #tpu.memory_space<hbm>>
    tpu.wait_dma2 semaphore(%arg16 : memref<!tpu.dma_semaphore, #tpu.memory_space<semaphore_mem>>) src(%dma_wait3A_808 : memref<10x100xi32, #tpu.memory_space<hbm>>) dst(%arg6 : memref<10x100xi32, #tpu.memory_space<vmem>>)
    %dma_wait3A_809 = arith.constant 8 : i32
    %dma_wait3A_810 = arith.constant 0 : i32
    %dma_wait3A_811 = arith.constant 0 : i32
    %dma_wait3A_812 = tpu.memref_slice %arg4[%add3A, %dma_wait3A_809, %dma_wait3A_810, %dma_wait3A_811] : memref<32x10x10x100xi32, #tpu.memory_space<hbm>> -> memref<1x1x10x100xi32, #tpu.memory_space<hbm>>
    %dma_wait3A_813 = tpu.memref_squeeze %dma_wait3A_812 : memref<1x1x10x100xi32, #tpu.memory_space<hbm>> -> memref<10x100xi32, #tpu.memory_space<hbm>>
    %dma_wait3A_814 = arith.constant 0 : i32
    %dma_wait3A_815 = arith.constant 0 : i32
    %dma_wait3A_816 = tpu.memref_slice %arg4[%add3A, %dma_wait3A_809, %dma_wait3A_814, %dma_wait3A_815] : memref<32x10x10x100xi32, #tpu.memory_space<hbm>> -> memref<1x1x10x100xi32, #tpu.memory_space<hbm>>
    %dma_wait3A_817 = tpu.memref_squeeze %dma_wait3A_816 : memref<1x1x10x100xi32, #tpu.memory_space<hbm>> -> memref<10x100xi32, #tpu.memory_space<hbm>>
    tpu.wait_dma2 semaphore(%arg17 : memref<!tpu.dma_semaphore, #tpu.memory_space<semaphore_mem>>) src(%dma_wait3A_817 : memref<10x100xi32, #tpu.memory_space<hbm>>) dst(%arg7 : memref<10x100xi32, #tpu.memory_space<vmem>>)
    %dma_wait3A_818 = arith.constant 6 : i32
    %dma_wait3A_819 = arith.constant 0 : i32
    %dma_wait3A_820 = tpu.memref_slice %arg8[%dma_wait3A_818, %dma_wait3A_819] : memref<10x100xi32, #tpu.memory_space<vmem>> -> memref<1x100xi32, #tpu.memory_space<vmem>>
    %dma_wait3A_821 = tpu.memref_squeeze %dma_wait3A_820 : memref<1x100xi32, #tpu.memory_space<vmem>> -> memref<100xi32, #tpu.memory_space<vmem>>
    %dma_wait3A_822 = arith.constant 0 : i32
    %dma_wait3A_823 = arith.constant 0 : i32
    %dma_wait3A_824 = tpu.memref_slice %arg2[%dma_wait3A_822, %dma_wait3A_823] : memref<10000x128xf32, #tpu.memory_space<hbm>> -> memref<10000x128xf32, #tpu.memory_space<hbm>>
    tpu.wait_indirect_dma semaphore(%arg13 : memref<!tpu.dma_semaphore, #tpu.memory_space<semaphore_mem>>) src(%dma_wait3A_824 : memref<10000x128xf32, #tpu.memory_space<hbm>>) dst(%arg10 : memref<100x128xf32, #tpu.memory_space<vmem>>)
    %run_scoped3A_825 = arith.constant 6 : i32
    "tpu.region"() ({
      %run_scoped3A_1029 = tpu.sem_alloc : memref<!tpu.dma_semaphore, #tpu.memory_space<semaphore_mem>>
      %dma_start3A_1030 = arith.constant 0 : i32
      %dma_start3A_1031 = tpu.memref_slice %arg9[%run_scoped3A_825, %dma_start3A_1030] : memref<10x100xi32, #tpu.memory_space<vmem>> -> memref<1x100xi32, #tpu.memory_space<vmem>>
      %dma_start3A_1032 = tpu.memref_squeeze %dma_start3A_1031 : memref<1x100xi32, #tpu.memory_space<vmem>> -> memref<100xi32, #tpu.memory_space<vmem>>
      %dma_start3A_1033 = arith.constant 0 : i32
      %dma_start3A_1034 = arith.constant 0 : i32
      %dma_start3A_1035 = tpu.memref_slice %arg18[%dma_start3A_1033, %dma_start3A_1034] : memref<10000x128xf32, #tpu.memory_space<vmem_shared>> -> memref<10000x128xf32, #tpu.memory_space<vmem_shared>>
      tpu.enqueue_indirect_dma source(%arg10 : memref<100x128xf32, #tpu.memory_space<vmem>>) target(%dma_start3A_1035 : memref<10000x128xf32, #tpu.memory_space<vmem_shared>>) offsets(%dma_start3A_1032 : memref<100xi32, #tpu.memory_space<vmem>>) semaphore(%run_scoped3A_1029 : memref<!tpu.dma_semaphore, #tpu.memory_space<semaphore_mem>>) {add = true}
      %dma_wait3A_1036 = arith.constant 0 : i32
      %dma_wait3A_1037 = tpu.memref_slice %arg9[%run_scoped3A_825, %dma_wait3A_1036] : memref<10x100xi32, #tpu.memory_space<vmem>> -> memref<1x100xi32, #tpu.memory_space<vmem>>
      %dma_wait3A_1038 = tpu.memref_squeeze %dma_wait3A_1037 : memref<1x100xi32, #tpu.memory_space<vmem>> -> memref<100xi32, #tpu.memory_space<vmem>>
      %dma_wait3A_1039 = arith.constant 0 : i32
      %dma_wait3A_1040 = arith.constant 0 : i32
      %dma_wait3A_1041 = tpu.memref_slice %arg18[%dma_wait3A_1039, %dma_wait3A_1040] : memref<10000x128xf32, #tpu.memory_space<vmem_shared>> -> memref<10000x128xf32, #tpu.memory_space<vmem_shared>>
      tpu.wait_indirect_dma semaphore(%run_scoped3A_1029 : memref<!tpu.dma_semaphore, #tpu.memory_space<semaphore_mem>>) src(%arg10 : memref<100x128xf32, #tpu.memory_space<vmem>>) dst(%dma_wait3A_1041 : memref<10000x128xf32, #tpu.memory_space<vmem_shared>>)
      tpu.yield
    }) : () -> ()
    %dma_start3A_826 = arith.constant 9 : i32
    %dma_start3A_827 = arith.constant 0 : i32
    %dma_start3A_828 = tpu.memref_slice %arg8[%dma_start3A_826, %dma_start3A_827] : memref<10x100xi32, #tpu.memory_space<vmem>> -> memref<1x100xi32, #tpu.memory_space<vmem>>
    %dma_start3A_829 = tpu.memref_squeeze %dma_start3A_828 : memref<1x100xi32, #tpu.memory_space<vmem>> -> memref<100xi32, #tpu.memory_space<vmem>>
    %dma_start3A_830 = arith.constant 0 : i32
    %dma_start3A_831 = arith.constant 0 : i32
    %dma_start3A_832 = tpu.memref_slice %arg2[%dma_start3A_830, %dma_start3A_831] : memref<10000x128xf32, #tpu.memory_space<hbm>> -> memref<10000x128xf32, #tpu.memory_space<hbm>>
    tpu.enqueue_indirect_dma source(%dma_start3A_832 : memref<10000x128xf32, #tpu.memory_space<hbm>>) target(%arg10 : memref<100x128xf32, #tpu.memory_space<vmem>>) offsets(%dma_start3A_829 : memref<100xi32, #tpu.memory_space<vmem>>) semaphore(%arg13 : memref<!tpu.dma_semaphore, #tpu.memory_space<semaphore_mem>>)
    %dma_wait3A_833 = arith.constant 7 : i32
    %dma_wait3A_834 = arith.constant 0 : i32
    %dma_wait3A_835 = tpu.memref_slice %arg8[%dma_wait3A_833, %dma_wait3A_834] : memref<10x100xi32, #tpu.memory_space<vmem>> -> memref<1x100xi32, #tpu.memory_space<vmem>>
    %dma_wait3A_836 = tpu.memref_squeeze %dma_wait3A_835 : memref<1x100xi32, #tpu.memory_space<vmem>> -> memref<100xi32, #tpu.memory_space<vmem>>
    %dma_wait3A_837 = arith.constant 0 : i32
    %dma_wait3A_838 = arith.constant 0 : i32
    %dma_wait3A_839 = tpu.memref_slice %arg2[%dma_wait3A_837, %dma_wait3A_838] : memref<10000x128xf32, #tpu.memory_space<hbm>> -> memref<10000x128xf32, #tpu.memory_space<hbm>>
    tpu.wait_indirect_dma semaphore(%arg14 : memref<!tpu.dma_semaphore, #tpu.memory_space<semaphore_mem>>) src(%dma_wait3A_839 : memref<10000x128xf32, #tpu.memory_space<hbm>>) dst(%arg11 : memref<100x128xf32, #tpu.memory_space<vmem>>)
    %run_scoped3A_840 = arith.constant 7 : i32
    "tpu.region"() ({
      %run_scoped3A_1029 = tpu.sem_alloc : memref<!tpu.dma_semaphore, #tpu.memory_space<semaphore_mem>>
      %dma_start3A_1030 = arith.constant 0 : i32
      %dma_start3A_1031 = tpu.memref_slice %arg9[%run_scoped3A_840, %dma_start3A_1030] : memref<10x100xi32, #tpu.memory_space<vmem>> -> memref<1x100xi32, #tpu.memory_space<vmem>>
      %dma_start3A_1032 = tpu.memref_squeeze %dma_start3A_1031 : memref<1x100xi32, #tpu.memory_space<vmem>> -> memref<100xi32, #tpu.memory_space<vmem>>
      %dma_start3A_1033 = arith.constant 0 : i32
      %dma_start3A_1034 = arith.constant 0 : i32
      %dma_start3A_1035 = tpu.memref_slice %arg18[%dma_start3A_1033, %dma_start3A_1034] : memref<10000x128xf32, #tpu.memory_space<vmem_shared>> -> memref<10000x128xf32, #tpu.memory_space<vmem_shared>>
      tpu.enqueue_indirect_dma source(%arg11 : memref<100x128xf32, #tpu.memory_space<vmem>>) target(%dma_start3A_1035 : memref<10000x128xf32, #tpu.memory_space<vmem_shared>>) offsets(%dma_start3A_1032 : memref<100xi32, #tpu.memory_space<vmem>>) semaphore(%run_scoped3A_1029 : memref<!tpu.dma_semaphore, #tpu.memory_space<semaphore_mem>>) {add = true}
      %dma_wait3A_1036 = arith.constant 0 : i32
      %dma_wait3A_1037 = tpu.memref_slice %arg9[%run_scoped3A_840, %dma_wait3A_1036] : memref<10x100xi32, #tpu.memory_space<vmem>> -> memref<1x100xi32, #tpu.memory_space<vmem>>
      %dma_wait3A_1038 = tpu.memref_squeeze %dma_wait3A_1037 : memref<1x100xi32, #tpu.memory_space<vmem>> -> memref<100xi32, #tpu.memory_space<vmem>>
      %dma_wait3A_1039 = arith.constant 0 : i32
      %dma_wait3A_1040 = arith.constant 0 : i32
      %dma_wait3A_1041 = tpu.memref_slice %arg18[%dma_wait3A_1039, %dma_wait3A_1040] : memref<10000x128xf32, #tpu.memory_space<vmem_shared>> -> memref<10000x128xf32, #tpu.memory_space<vmem_shared>>
      tpu.wait_indirect_dma semaphore(%run_scoped3A_1029 : memref<!tpu.dma_semaphore, #tpu.memory_space<semaphore_mem>>) src(%arg11 : memref<100x128xf32, #tpu.memory_space<vmem>>) dst(%dma_wait3A_1041 : memref<10000x128xf32, #tpu.memory_space<vmem_shared>>)
      tpu.yield
    }) : () -> ()
    %dma_start3A_841 = arith.constant 1 : i32
    %dma_start3A_842 = arith.constant 0 : i32
    %dma_start3A_843 = tpu.memref_slice %arg6[%dma_start3A_841, %dma_start3A_842] : memref<10x100xi32, #tpu.memory_space<vmem>> -> memref<1x100xi32, #tpu.memory_space<vmem>>
    %dma_start3A_844 = tpu.memref_squeeze %dma_start3A_843 : memref<1x100xi32, #tpu.memory_space<vmem>> -> memref<100xi32, #tpu.memory_space<vmem>>
    %dma_start3A_845 = arith.constant 0 : i32
    %dma_start3A_846 = arith.constant 0 : i32
    %dma_start3A_847 = tpu.memref_slice %arg2[%dma_start3A_845, %dma_start3A_846] : memref<10000x128xf32, #tpu.memory_space<hbm>> -> memref<10000x128xf32, #tpu.memory_space<hbm>>
    tpu.enqueue_indirect_dma source(%dma_start3A_847 : memref<10000x128xf32, #tpu.memory_space<hbm>>) target(%arg11 : memref<100x128xf32, #tpu.memory_space<vmem>>) offsets(%dma_start3A_844 : memref<100xi32, #tpu.memory_space<vmem>>) semaphore(%arg14 : memref<!tpu.dma_semaphore, #tpu.memory_space<semaphore_mem>>)
    %dma_wait3A_848 = arith.constant 8 : i32
    %dma_wait3A_849 = arith.constant 0 : i32
    %dma_wait3A_850 = tpu.memref_slice %arg8[%dma_wait3A_848, %dma_wait3A_849] : memref<10x100xi32, #tpu.memory_space<vmem>> -> memref<1x100xi32, #tpu.memory_space<vmem>>
    %dma_wait3A_851 = tpu.memref_squeeze %dma_wait3A_850 : memref<1x100xi32, #tpu.memory_space<vmem>> -> memref<100xi32, #tpu.memory_space<vmem>>
    %dma_wait3A_852 = arith.constant 0 : i32
    %dma_wait3A_853 = arith.constant 0 : i32
    %dma_wait3A_854 = tpu.memref_slice %arg2[%dma_wait3A_852, %dma_wait3A_853] : memref<10000x128xf32, #tpu.memory_space<hbm>> -> memref<10000x128xf32, #tpu.memory_space<hbm>>
    tpu.wait_indirect_dma semaphore(%arg15 : memref<!tpu.dma_semaphore, #tpu.memory_space<semaphore_mem>>) src(%dma_wait3A_854 : memref<10000x128xf32, #tpu.memory_space<hbm>>) dst(%arg12 : memref<100x128xf32, #tpu.memory_space<vmem>>)
    %run_scoped3A_855 = arith.constant 8 : i32
    "tpu.region"() ({
      %run_scoped3A_1029 = tpu.sem_alloc : memref<!tpu.dma_semaphore, #tpu.memory_space<semaphore_mem>>
      %dma_start3A_1030 = arith.constant 0 : i32
      %dma_start3A_1031 = tpu.memref_slice %arg9[%run_scoped3A_855, %dma_start3A_1030] : memref<10x100xi32, #tpu.memory_space<vmem>> -> memref<1x100xi32, #tpu.memory_space<vmem>>
      %dma_start3A_1032 = tpu.memref_squeeze %dma_start3A_1031 : memref<1x100xi32, #tpu.memory_space<vmem>> -> memref<100xi32, #tpu.memory_space<vmem>>
      %dma_start3A_1033 = arith.constant 0 : i32
      %dma_start3A_1034 = arith.constant 0 : i32
      %dma_start3A_1035 = tpu.memref_slice %arg18[%dma_start3A_1033, %dma_start3A_1034] : memref<10000x128xf32, #tpu.memory_space<vmem_shared>> -> memref<10000x128xf32, #tpu.memory_space<vmem_shared>>
      tpu.enqueue_indirect_dma source(%arg12 : memref<100x128xf32, #tpu.memory_space<vmem>>) target(%dma_start3A_1035 : memref<10000x128xf32, #tpu.memory_space<vmem_shared>>) offsets(%dma_start3A_1032 : memref<100xi32, #tpu.memory_space<vmem>>) semaphore(%run_scoped3A_1029 : memref<!tpu.dma_semaphore, #tpu.memory_space<semaphore_mem>>) {add = true}
      %dma_wait3A_1036 = arith.constant 0 : i32
      %dma_wait3A_1037 = tpu.memref_slice %arg9[%run_scoped3A_855, %dma_wait3A_1036] : memref<10x100xi32, #tpu.memory_space<vmem>> -> memref<1x100xi32, #tpu.memory_space<vmem>>
      %dma_wait3A_1038 = tpu.memref_squeeze %dma_wait3A_1037 : memref<1x100xi32, #tpu.memory_space<vmem>> -> memref<100xi32, #tpu.memory_space<vmem>>
      %dma_wait3A_1039 = arith.constant 0 : i32
      %dma_wait3A_1040 = arith.constant 0 : i32
      %dma_wait3A_1041 = tpu.memref_slice %arg18[%dma_wait3A_1039, %dma_wait3A_1040] : memref<10000x128xf32, #tpu.memory_space<vmem_shared>> -> memref<10000x128xf32, #tpu.memory_space<vmem_shared>>
      tpu.wait_indirect_dma semaphore(%run_scoped3A_1029 : memref<!tpu.dma_semaphore, #tpu.memory_space<semaphore_mem>>) src(%arg12 : memref<100x128xf32, #tpu.memory_space<vmem>>) dst(%dma_wait3A_1041 : memref<10000x128xf32, #tpu.memory_space<vmem_shared>>)
      tpu.yield
    }) : () -> ()
    %dma_start3A_856 = arith.constant 2 : i32
    %dma_start3A_857 = arith.constant 0 : i32
    %dma_start3A_858 = tpu.memref_slice %arg6[%dma_start3A_856, %dma_start3A_857] : memref<10x100xi32, #tpu.memory_space<vmem>> -> memref<1x100xi32, #tpu.memory_space<vmem>>
    %dma_start3A_859 = tpu.memref_squeeze %dma_start3A_858 : memref<1x100xi32, #tpu.memory_space<vmem>> -> memref<100xi32, #tpu.memory_space<vmem>>
    %dma_start3A_860 = arith.constant 0 : i32
    %dma_start3A_861 = arith.constant 0 : i32
    %dma_start3A_862 = tpu.memref_slice %arg2[%dma_start3A_860, %dma_start3A_861] : memref<10000x128xf32, #tpu.memory_space<hbm>> -> memref<10000x128xf32, #tpu.memory_space<hbm>>
    tpu.enqueue_indirect_dma source(%dma_start3A_862 : memref<10000x128xf32, #tpu.memory_space<hbm>>) target(%arg12 : memref<100x128xf32, #tpu.memory_space<vmem>>) offsets(%dma_start3A_859 : memref<100xi32, #tpu.memory_space<vmem>>) semaphore(%arg15 : memref<!tpu.dma_semaphore, #tpu.memory_space<semaphore_mem>>)
    %dma_wait3A_863 = arith.constant 9 : i32
    %dma_wait3A_864 = arith.constant 0 : i32
    %dma_wait3A_865 = tpu.memref_slice %arg8[%dma_wait3A_863, %dma_wait3A_864] : memref<10x100xi32, #tpu.memory_space<vmem>> -> memref<1x100xi32, #tpu.memory_space<vmem>>
    %dma_wait3A_866 = tpu.memref_squeeze %dma_wait3A_865 : memref<1x100xi32, #tpu.memory_space<vmem>> -> memref<100xi32, #tpu.memory_space<vmem>>
    %dma_wait3A_867 = arith.constant 0 : i32
    %dma_wait3A_868 = arith.constant 0 : i32
    %dma_wait3A_869 = tpu.memref_slice %arg2[%dma_wait3A_867, %dma_wait3A_868] : memref<10000x128xf32, #tpu.memory_space<hbm>> -> memref<10000x128xf32, #tpu.memory_space<hbm>>
    tpu.wait_indirect_dma semaphore(%arg13 : memref<!tpu.dma_semaphore, #tpu.memory_space<semaphore_mem>>) src(%dma_wait3A_869 : memref<10000x128xf32, #tpu.memory_space<hbm>>) dst(%arg10 : memref<100x128xf32, #tpu.memory_space<vmem>>)
    %run_scoped3A_870 = arith.constant 9 : i32
    "tpu.region"() ({
      %run_scoped3A_1029 = tpu.sem_alloc : memref<!tpu.dma_semaphore, #tpu.memory_space<semaphore_mem>>
      %dma_start3A_1030 = arith.constant 0 : i32
      %dma_start3A_1031 = tpu.memref_slice %arg9[%run_scoped3A_870, %dma_start3A_1030] : memref<10x100xi32, #tpu.memory_space<vmem>> -> memref<1x100xi32, #tpu.memory_space<vmem>>
      %dma_start3A_1032 = tpu.memref_squeeze %dma_start3A_1031 : memref<1x100xi32, #tpu.memory_space<vmem>> -> memref<100xi32, #tpu.memory_space<vmem>>
      %dma_start3A_1033 = arith.constant 0 : i32
      %dma_start3A_1034 = arith.constant 0 : i32
      %dma_start3A_1035 = tpu.memref_slice %arg18[%dma_start3A_1033, %dma_start3A_1034] : memref<10000x128xf32, #tpu.memory_space<vmem_shared>> -> memref<10000x128xf32, #tpu.memory_space<vmem_shared>>
      tpu.enqueue_indirect_dma source(%arg10 : memref<100x128xf32, #tpu.memory_space<vmem>>) target(%dma_start3A_1035 : memref<10000x128xf32, #tpu.memory_space<vmem_shared>>) offsets(%dma_start3A_1032 : memref<100xi32, #tpu.memory_space<vmem>>) semaphore(%run_scoped3A_1029 : memref<!tpu.dma_semaphore, #tpu.memory_space<semaphore_mem>>) {add = true}
      %dma_wait3A_1036 = arith.constant 0 : i32
      %dma_wait3A_1037 = tpu.memref_slice %arg9[%run_scoped3A_870, %dma_wait3A_1036] : memref<10x100xi32, #tpu.memory_space<vmem>> -> memref<1x100xi32, #tpu.memory_space<vmem>>
      %dma_wait3A_1038 = tpu.memref_squeeze %dma_wait3A_1037 : memref<1x100xi32, #tpu.memory_space<vmem>> -> memref<100xi32, #tpu.memory_space<vmem>>
      %dma_wait3A_1039 = arith.constant 0 : i32
      %dma_wait3A_1040 = arith.constant 0 : i32
      %dma_wait3A_1041 = tpu.memref_slice %arg18[%dma_wait3A_1039, %dma_wait3A_1040] : memref<10000x128xf32, #tpu.memory_space<vmem_shared>> -> memref<10000x128xf32, #tpu.memory_space<vmem_shared>>
      tpu.wait_indirect_dma semaphore(%run_scoped3A_1029 : memref<!tpu.dma_semaphore, #tpu.memory_space<semaphore_mem>>) src(%arg10 : memref<100x128xf32, #tpu.memory_space<vmem>>) dst(%dma_wait3A_1041 : memref<10000x128xf32, #tpu.memory_space<vmem_shared>>)
      tpu.yield
    }) : () -> ()
    %dma_start3A_871 = arith.constant 0 : i32
    %dma_start3A_872 = arith.constant 0 : i32
    %dma_start3A_873 = tpu.memref_slice %arg6[%dma_start3A_871, %dma_start3A_872] : memref<10x100xi32, #tpu.memory_space<vmem>> -> memref<1x100xi32, #tpu.memory_space<vmem>>
    %dma_start3A_874 = tpu.memref_squeeze %dma_start3A_873 : memref<1x100xi32, #tpu.memory_space<vmem>> -> memref<100xi32, #tpu.memory_space<vmem>>
    %dma_start3A_875 = arith.constant 0 : i32
    %dma_start3A_876 = arith.constant 0 : i32
    %dma_start3A_877 = tpu.memref_slice %arg2[%dma_start3A_875, %dma_start3A_876] : memref<10000x128xf32, #tpu.memory_space<hbm>> -> memref<10000x128xf32, #tpu.memory_space<hbm>>
    tpu.enqueue_indirect_dma source(%dma_start3A_877 : memref<10000x128xf32, #tpu.memory_space<hbm>>) target(%arg10 : memref<100x128xf32, #tpu.memory_space<vmem>>) offsets(%dma_start3A_874 : memref<100xi32, #tpu.memory_space<vmem>>) semaphore(%arg13 : memref<!tpu.dma_semaphore, #tpu.memory_space<semaphore_mem>>)
    %dma_start3A_878 = arith.constant 9 : i32
    %dma_start3A_879 = arith.constant 0 : i32
    %dma_start3A_880 = arith.constant 0 : i32
    %dma_start3A_881 = tpu.memref_slice %arg3[%add3A, %dma_start3A_878, %dma_start3A_879, %dma_start3A_880] : memref<32x10x10x100xi32, #tpu.memory_space<hbm>> -> memref<1x1x10x100xi32, #tpu.memory_space<hbm>>
    %dma_start3A_882 = tpu.memref_squeeze %dma_start3A_881 : memref<1x1x10x100xi32, #tpu.memory_space<hbm>> -> memref<10x100xi32, #tpu.memory_space<hbm>>
    %dma_start3A_883 = arith.constant 0 : i32
    %dma_start3A_884 = arith.constant 0 : i32
    %dma_start3A_885 = tpu.memref_slice %arg3[%add3A, %dma_start3A_878, %dma_start3A_883, %dma_start3A_884] : memref<32x10x10x100xi32, #tpu.memory_space<hbm>> -> memref<1x1x10x100xi32, #tpu.memory_space<hbm>>
    %dma_start3A_886 = tpu.memref_squeeze %dma_start3A_885 : memref<1x1x10x100xi32, #tpu.memory_space<hbm>> -> memref<10x100xi32, #tpu.memory_space<hbm>>
    tpu.enqueue_dma source(%dma_start3A_886 : memref<10x100xi32, #tpu.memory_space<hbm>>) target(%arg8 : memref<10x100xi32, #tpu.memory_space<vmem>>) target_semaphore(%arg16 : memref<!tpu.dma_semaphore, #tpu.memory_space<semaphore_mem>>)
    %dma_start3A_887 = arith.constant 9 : i32
    %dma_start3A_888 = arith.constant 0 : i32
    %dma_start3A_889 = arith.constant 0 : i32
    %dma_start3A_890 = tpu.memref_slice %arg4[%add3A, %dma_start3A_887, %dma_start3A_888, %dma_start3A_889] : memref<32x10x10x100xi32, #tpu.memory_space<hbm>> -> memref<1x1x10x100xi32, #tpu.memory_space<hbm>>
    %dma_start3A_891 = tpu.memref_squeeze %dma_start3A_890 : memref<1x1x10x100xi32, #tpu.memory_space<hbm>> -> memref<10x100xi32, #tpu.memory_space<hbm>>
    %dma_start3A_892 = arith.constant 0 : i32
    %dma_start3A_893 = arith.constant 0 : i32
    %dma_start3A_894 = tpu.memref_slice %arg4[%add3A, %dma_start3A_887, %dma_start3A_892, %dma_start3A_893] : memref<32x10x10x100xi32, #tpu.memory_space<hbm>> -> memref<1x1x10x100xi32, #tpu.memory_space<hbm>>
    %dma_start3A_895 = tpu.memref_squeeze %dma_start3A_894 : memref<1x1x10x100xi32, #tpu.memory_space<hbm>> -> memref<10x100xi32, #tpu.memory_space<hbm>>
    tpu.enqueue_dma source(%dma_start3A_895 : memref<10x100xi32, #tpu.memory_space<hbm>>) target(%arg9 : memref<10x100xi32, #tpu.memory_space<vmem>>) target_semaphore(%arg17 : memref<!tpu.dma_semaphore, #tpu.memory_space<semaphore_mem>>)
    %scan3A_896 = arith.constant 0 : i32
    %scan3A_897 = arith.constant 2 : i32
    %scan3A_898 = arith.addi %scan3A_896, %scan3A_897 : i32
    %scan3A_899 = arith.constant 1 : i32
    scf.for %scan3A_1029 = %scan3A_896 to %scan3A_898 step %scan3A_899  : i32 {
      %mul3A_1030 = arith.constant 1 : i32
      %mul3A_1031 = arith.muli %scan3A_1029, %mul3A_1030 : i32
      %add3A_1032 = arith.constant 0 : i32
      %add3A_1033 = arith.addi %add3A_1032, %mul3A_1031 : i32
      %mul3A_1034 = arith.constant 3 : i32
      %mul3A_1035 = arith.muli %add3A_1033, %mul3A_1034 : i32
      %add3A_1036 = arith.constant 0 : i32
      %add3A_1037 = arith.addi %mul3A_1035, %add3A_1036 : i32
      %dma_wait3A_1038 = arith.constant 0 : i32
      %dma_wait3A_1039 = tpu.memref_slice %arg6[%add3A_1037, %dma_wait3A_1038] : memref<10x100xi32, #tpu.memory_space<vmem>> -> memref<1x100xi32, #tpu.memory_space<vmem>>
      %dma_wait3A_1040 = tpu.memref_squeeze %dma_wait3A_1039 : memref<1x100xi32, #tpu.memory_space<vmem>> -> memref<100xi32, #tpu.memory_space<vmem>>
      %dma_wait3A_1041 = arith.constant 0 : i32
      %dma_wait3A_1042 = arith.constant 0 : i32
      %dma_wait3A_1043 = tpu.memref_slice %arg2[%dma_wait3A_1041, %dma_wait3A_1042] : memref<10000x128xf32, #tpu.memory_space<hbm>> -> memref<10000x128xf32, #tpu.memory_space<hbm>>
      tpu.wait_indirect_dma semaphore(%arg13 : memref<!tpu.dma_semaphore, #tpu.memory_space<semaphore_mem>>) src(%dma_wait3A_1043 : memref<10000x128xf32, #tpu.memory_space<hbm>>) dst(%arg10 : memref<100x128xf32, #tpu.memory_space<vmem>>)
      %add3A_1044 = arith.constant 0 : i32
      %add3A_1045 = arith.addi %mul3A_1035, %add3A_1044 : i32
      "tpu.region"() ({
        %run_scoped3A_1096 = tpu.sem_alloc : memref<!tpu.dma_semaphore, #tpu.memory_space<semaphore_mem>>
        %dma_start3A_1097 = arith.constant 0 : i32
        %dma_start3A_1098 = tpu.memref_slice %arg7[%add3A_1045, %dma_start3A_1097] : memref<10x100xi32, #tpu.memory_space<vmem>> -> memref<1x100xi32, #tpu.memory_space<vmem>>
        %dma_start3A_1099 = tpu.memref_squeeze %dma_start3A_1098 : memref<1x100xi32, #tpu.memory_space<vmem>> -> memref<100xi32, #tpu.memory_space<vmem>>
        %dma_start3A_1100 = arith.constant 0 : i32
        %dma_start3A_1101 = arith.constant 0 : i32
        %dma_start3A_1102 = tpu.memref_slice %arg18[%dma_start3A_1100, %dma_start3A_1101] : memref<10000x128xf32, #tpu.memory_space<vmem_shared>> -> memref<10000x128xf32, #tpu.memory_space<vmem_shared>>
        tpu.enqueue_indirect_dma source(%arg10 : memref<100x128xf32, #tpu.memory_space<vmem>>) target(%dma_start3A_1102 : memref<10000x128xf32, #tpu.memory_space<vmem_shared>>) offsets(%dma_start3A_1099 : memref<100xi32, #tpu.memory_space<vmem>>) semaphore(%run_scoped3A_1096 : memref<!tpu.dma_semaphore, #tpu.memory_space<semaphore_mem>>) {add = true}
        %dma_wait3A_1103 = arith.constant 0 : i32
        %dma_wait3A_1104 = tpu.memref_slice %arg7[%add3A_1045, %dma_wait3A_1103] : memref<10x100xi32, #tpu.memory_space<vmem>> -> memref<1x100xi32, #tpu.memory_space<vmem>>
        %dma_wait3A_1105 = tpu.memref_squeeze %dma_wait3A_1104 : memref<1x100xi32, #tpu.memory_space<vmem>> -> memref<100xi32, #tpu.memory_space<vmem>>
        %dma_wait3A_1106 = arith.constant 0 : i32
        %dma_wait3A_1107 = arith.constant 0 : i32
        %dma_wait3A_1108 = tpu.memref_slice %arg18[%dma_wait3A_1106, %dma_wait3A_1107] : memref<10000x128xf32, #tpu.memory_space<vmem_shared>> -> memref<10000x128xf32, #tpu.memory_space<vmem_shared>>
        tpu.wait_indirect_dma semaphore(%run_scoped3A_1096 : memref<!tpu.dma_semaphore, #tpu.memory_space<semaphore_mem>>) src(%arg10 : memref<100x128xf32, #tpu.memory_space<vmem>>) dst(%dma_wait3A_1108 : memref<10000x128xf32, #tpu.memory_space<vmem_shared>>)
        tpu.yield
      }) : () -> ()
      %add3A_1046 = arith.constant 0 : i32
      %add3A_1047 = arith.addi %mul3A_1035, %add3A_1046 : i32
      %add3A_1048 = arith.constant 3 : i32
      %add3A_1049 = arith.addi %add3A_1047, %add3A_1048 : i32
      %dma_start3A_1050 = arith.constant 0 : i32
      %dma_start3A_1051 = tpu.memref_slice %arg6[%add3A_1049, %dma_start3A_1050] : memref<10x100xi32, #tpu.memory_space<vmem>> -> memref<1x100xi32, #tpu.memory_space<vmem>>
      %dma_start3A_1052 = tpu.memref_squeeze %dma_start3A_1051 : memref<1x100xi32, #tpu.memory_space<vmem>> -> memref<100xi32, #tpu.memory_space<vmem>>
      %dma_start3A_1053 = arith.constant 0 : i32
      %dma_start3A_1054 = arith.constant 0 : i32
      %dma_start3A_1055 = tpu.memref_slice %arg2[%dma_start3A_1053, %dma_start3A_1054] : memref<10000x128xf32, #tpu.memory_space<hbm>> -> memref<10000x128xf32, #tpu.memory_space<hbm>>
      tpu.enqueue_indirect_dma source(%dma_start3A_1055 : memref<10000x128xf32, #tpu.memory_space<hbm>>) target(%arg10 : memref<100x128xf32, #tpu.memory_space<vmem>>) offsets(%dma_start3A_1052 : memref<100xi32, #tpu.memory_space<vmem>>) semaphore(%arg13 : memref<!tpu.dma_semaphore, #tpu.memory_space<semaphore_mem>>)
      %add3A_1056 = arith.constant 1 : i32
      %add3A_1057 = arith.addi %mul3A_1035, %add3A_1056 : i32
      %dma_wait3A_1058 = arith.constant 0 : i32
      %dma_wait3A_1059 = tpu.memref_slice %arg6[%add3A_1057, %dma_wait3A_1058] : memref<10x100xi32, #tpu.memory_space<vmem>> -> memref<1x100xi32, #tpu.memory_space<vmem>>
      %dma_wait3A_1060 = tpu.memref_squeeze %dma_wait3A_1059 : memref<1x100xi32, #tpu.memory_space<vmem>> -> memref<100xi32, #tpu.memory_space<vmem>>
      %dma_wait3A_1061 = arith.constant 0 : i32
      %dma_wait3A_1062 = arith.constant 0 : i32
      %dma_wait3A_1063 = tpu.memref_slice %arg2[%dma_wait3A_1061, %dma_wait3A_1062] : memref<10000x128xf32, #tpu.memory_space<hbm>> -> memref<10000x128xf32, #tpu.memory_space<hbm>>
      tpu.wait_indirect_dma semaphore(%arg14 : memref<!tpu.dma_semaphore, #tpu.memory_space<semaphore_mem>>) src(%dma_wait3A_1063 : memref<10000x128xf32, #tpu.memory_space<hbm>>) dst(%arg11 : memref<100x128xf32, #tpu.memory_space<vmem>>)
      %add3A_1064 = arith.constant 1 : i32
      %add3A_1065 = arith.addi %mul3A_1035, %add3A_1064 : i32
      "tpu.region"() ({
        %run_scoped3A_1096 = tpu.sem_alloc : memref<!tpu.dma_semaphore, #tpu.memory_space<semaphore_mem>>
        %dma_start3A_1097 = arith.constant 0 : i32
        %dma_start3A_1098 = tpu.memref_slice %arg7[%add3A_1065, %dma_start3A_1097] : memref<10x100xi32, #tpu.memory_space<vmem>> -> memref<1x100xi32, #tpu.memory_space<vmem>>
        %dma_start3A_1099 = tpu.memref_squeeze %dma_start3A_1098 : memref<1x100xi32, #tpu.memory_space<vmem>> -> memref<100xi32, #tpu.memory_space<vmem>>
        %dma_start3A_1100 = arith.constant 0 : i32
        %dma_start3A_1101 = arith.constant 0 : i32
        %dma_start3A_1102 = tpu.memref_slice %arg18[%dma_start3A_1100, %dma_start3A_1101] : memref<10000x128xf32, #tpu.memory_space<vmem_shared>> -> memref<10000x128xf32, #tpu.memory_space<vmem_shared>>
        tpu.enqueue_indirect_dma source(%arg11 : memref<100x128xf32, #tpu.memory_space<vmem>>) target(%dma_start3A_1102 : memref<10000x128xf32, #tpu.memory_space<vmem_shared>>) offsets(%dma_start3A_1099 : memref<100xi32, #tpu.memory_space<vmem>>) semaphore(%run_scoped3A_1096 : memref<!tpu.dma_semaphore, #tpu.memory_space<semaphore_mem>>) {add = true}
        %dma_wait3A_1103 = arith.constant 0 : i32
        %dma_wait3A_1104 = tpu.memref_slice %arg7[%add3A_1065, %dma_wait3A_1103] : memref<10x100xi32, #tpu.memory_space<vmem>> -> memref<1x100xi32, #tpu.memory_space<vmem>>
        %dma_wait3A_1105 = tpu.memref_squeeze %dma_wait3A_1104 : memref<1x100xi32, #tpu.memory_space<vmem>> -> memref<100xi32, #tpu.memory_space<vmem>>
        %dma_wait3A_1106 = arith.constant 0 : i32
        %dma_wait3A_1107 = arith.constant 0 : i32
        %dma_wait3A_1108 = tpu.memref_slice %arg18[%dma_wait3A_1106, %dma_wait3A_1107] : memref<10000x128xf32, #tpu.memory_space<vmem_shared>> -> memref<10000x128xf32, #tpu.memory_space<vmem_shared>>
        tpu.wait_indirect_dma semaphore(%run_scoped3A_1096 : memref<!tpu.dma_semaphore, #tpu.memory_space<semaphore_mem>>) src(%arg11 : memref<100x128xf32, #tpu.memory_space<vmem>>) dst(%dma_wait3A_1108 : memref<10000x128xf32, #tpu.memory_space<vmem_shared>>)
        tpu.yield
      }) : () -> ()
      %add3A_1066 = arith.constant 1 : i32
      %add3A_1067 = arith.addi %mul3A_1035, %add3A_1066 : i32
      %add3A_1068 = arith.constant 3 : i32
      %add3A_1069 = arith.addi %add3A_1067, %add3A_1068 : i32
      %dma_start3A_1070 = arith.constant 0 : i32
      %dma_start3A_1071 = tpu.memref_slice %arg6[%add3A_1069, %dma_start3A_1070] : memref<10x100xi32, #tpu.memory_space<vmem>> -> memref<1x100xi32, #tpu.memory_space<vmem>>
      %dma_start3A_1072 = tpu.memref_squeeze %dma_start3A_1071 : memref<1x100xi32, #tpu.memory_space<vmem>> -> memref<100xi32, #tpu.memory_space<vmem>>
      %dma_start3A_1073 = arith.constant 0 : i32
      %dma_start3A_1074 = arith.constant 0 : i32
      %dma_start3A_1075 = tpu.memref_slice %arg2[%dma_start3A_1073, %dma_start3A_1074] : memref<10000x128xf32, #tpu.memory_space<hbm>> -> memref<10000x128xf32, #tpu.memory_space<hbm>>
      tpu.enqueue_indirect_dma source(%dma_start3A_1075 : memref<10000x128xf32, #tpu.memory_space<hbm>>) target(%arg11 : memref<100x128xf32, #tpu.memory_space<vmem>>) offsets(%dma_start3A_1072 : memref<100xi32, #tpu.memory_space<vmem>>) semaphore(%arg14 : memref<!tpu.dma_semaphore, #tpu.memory_space<semaphore_mem>>)
      %add3A_1076 = arith.constant 2 : i32
      %add3A_1077 = arith.addi %mul3A_1035, %add3A_1076 : i32
      %dma_wait3A_1078 = arith.constant 0 : i32
      %dma_wait3A_1079 = tpu.memref_slice %arg6[%add3A_1077, %dma_wait3A_1078] : memref<10x100xi32, #tpu.memory_space<vmem>> -> memref<1x100xi32, #tpu.memory_space<vmem>>
      %dma_wait3A_1080 = tpu.memref_squeeze %dma_wait3A_1079 : memref<1x100xi32, #tpu.memory_space<vmem>> -> memref<100xi32, #tpu.memory_space<vmem>>
      %dma_wait3A_1081 = arith.constant 0 : i32
      %dma_wait3A_1082 = arith.constant 0 : i32
      %dma_wait3A_1083 = tpu.memref_slice %arg2[%dma_wait3A_1081, %dma_wait3A_1082] : memref<10000x128xf32, #tpu.memory_space<hbm>> -> memref<10000x128xf32, #tpu.memory_space<hbm>>
      tpu.wait_indirect_dma semaphore(%arg15 : memref<!tpu.dma_semaphore, #tpu.memory_space<semaphore_mem>>) src(%dma_wait3A_1083 : memref<10000x128xf32, #tpu.memory_space<hbm>>) dst(%arg12 : memref<100x128xf32, #tpu.memory_space<vmem>>)
      %add3A_1084 = arith.constant 2 : i32
      %add3A_1085 = arith.addi %mul3A_1035, %add3A_1084 : i32
      "tpu.region"() ({
        %run_scoped3A_1096 = tpu.sem_alloc : memref<!tpu.dma_semaphore, #tpu.memory_space<semaphore_mem>>
        %dma_start3A_1097 = arith.constant 0 : i32
        %dma_start3A_1098 = tpu.memref_slice %arg7[%add3A_1085, %dma_start3A_1097] : memref<10x100xi32, #tpu.memory_space<vmem>> -> memref<1x100xi32, #tpu.memory_space<vmem>>
        %dma_start3A_1099 = tpu.memref_squeeze %dma_start3A_1098 : memref<1x100xi32, #tpu.memory_space<vmem>> -> memref<100xi32, #tpu.memory_space<vmem>>
        %dma_start3A_1100 = arith.constant 0 : i32
        %dma_start3A_1101 = arith.constant 0 : i32
        %dma_start3A_1102 = tpu.memref_slice %arg18[%dma_start3A_1100, %dma_start3A_1101] : memref<10000x128xf32, #tpu.memory_space<vmem_shared>> -> memref<10000x128xf32, #tpu.memory_space<vmem_shared>>
        tpu.enqueue_indirect_dma source(%arg12 : memref<100x128xf32, #tpu.memory_space<vmem>>) target(%dma_start3A_1102 : memref<10000x128xf32, #tpu.memory_space<vmem_shared>>) offsets(%dma_start3A_1099 : memref<100xi32, #tpu.memory_space<vmem>>) semaphore(%run_scoped3A_1096 : memref<!tpu.dma_semaphore, #tpu.memory_space<semaphore_mem>>) {add = true}
        %dma_wait3A_1103 = arith.constant 0 : i32
        %dma_wait3A_1104 = tpu.memref_slice %arg7[%add3A_1085, %dma_wait3A_1103] : memref<10x100xi32, #tpu.memory_space<vmem>> -> memref<1x100xi32, #tpu.memory_space<vmem>>
        %dma_wait3A_1105 = tpu.memref_squeeze %dma_wait3A_1104 : memref<1x100xi32, #tpu.memory_space<vmem>> -> memref<100xi32, #tpu.memory_space<vmem>>
        %dma_wait3A_1106 = arith.constant 0 : i32
        %dma_wait3A_1107 = arith.constant 0 : i32
        %dma_wait3A_1108 = tpu.memref_slice %arg18[%dma_wait3A_1106, %dma_wait3A_1107] : memref<10000x128xf32, #tpu.memory_space<vmem_shared>> -> memref<10000x128xf32, #tpu.memory_space<vmem_shared>>
        tpu.wait_indirect_dma semaphore(%run_scoped3A_1096 : memref<!tpu.dma_semaphore, #tpu.memory_space<semaphore_mem>>) src(%arg12 : memref<100x128xf32, #tpu.memory_space<vmem>>) dst(%dma_wait3A_1108 : memref<10000x128xf32, #tpu.memory_space<vmem_shared>>)
        tpu.yield
      }) : () -> ()
      %add3A_1086 = arith.constant 2 : i32
      %add3A_1087 = arith.addi %mul3A_1035, %add3A_1086 : i32
      %add3A_1088 = arith.constant 3 : i32
      %add3A_1089 = arith.addi %add3A_1087, %add3A_1088 : i32
      %dma_start3A_1090 = arith.constant 0 : i32
      %dma_start3A_1091 = tpu.memref_slice %arg6[%add3A_1089, %dma_start3A_1090] : memref<10x100xi32, #tpu.memory_space<vmem>> -> memref<1x100xi32, #tpu.memory_space<vmem>>
      %dma_start3A_1092 = tpu.memref_squeeze %dma_start3A_1091 : memref<1x100xi32, #tpu.memory_space<vmem>> -> memref<100xi32, #tpu.memory_space<vmem>>
      %dma_start3A_1093 = arith.constant 0 : i32
      %dma_start3A_1094 = arith.constant 0 : i32
      %dma_start3A_1095 = tpu.memref_slice %arg2[%dma_start3A_1093, %dma_start3A_1094] : memref<10000x128xf32, #tpu.memory_space<hbm>> -> memref<10000x128xf32, #tpu.memory_space<hbm>>
      tpu.enqueue_indirect_dma source(%dma_start3A_1095 : memref<10000x128xf32, #tpu.memory_space<hbm>>) target(%arg12 : memref<100x128xf32, #tpu.memory_space<vmem>>) offsets(%dma_start3A_1092 : memref<100xi32, #tpu.memory_space<vmem>>) semaphore(%arg15 : memref<!tpu.dma_semaphore, #tpu.memory_space<semaphore_mem>>)
    }
    %scan3A_900 = arith.constant 2 : i32
    %dma_wait3A_901 = arith.constant 9 : i32
    %dma_wait3A_902 = arith.constant 0 : i32
    %dma_wait3A_903 = arith.constant 0 : i32
    %dma_wait3A_904 = tpu.memref_slice %arg3[%add3A, %dma_wait3A_901, %dma_wait3A_902, %dma_wait3A_903] : memref<32x10x10x100xi32, #tpu.memory_space<hbm>> -> memref<1x1x10x100xi32, #tpu.memory_space<hbm>>
    %dma_wait3A_905 = tpu.memref_squeeze %dma_wait3A_904 : memref<1x1x10x100xi32, #tpu.memory_space<hbm>> -> memref<10x100xi32, #tpu.memory_space<hbm>>
    %dma_wait3A_906 = arith.constant 0 : i32
    %dma_wait3A_907 = arith.constant 0 : i32
    %dma_wait3A_908 = tpu.memref_slice %arg3[%add3A, %dma_wait3A_901, %dma_wait3A_906, %dma_wait3A_907] : memref<32x10x10x100xi32, #tpu.memory_space<hbm>> -> memref<1x1x10x100xi32, #tpu.memory_space<hbm>>
    %dma_wait3A_909 = tpu.memref_squeeze %dma_wait3A_908 : memref<1x1x10x100xi32, #tpu.memory_space<hbm>> -> memref<10x100xi32, #tpu.memory_space<hbm>>
    tpu.wait_dma2 semaphore(%arg16 : memref<!tpu.dma_semaphore, #tpu.memory_space<semaphore_mem>>) src(%dma_wait3A_909 : memref<10x100xi32, #tpu.memory_space<hbm>>) dst(%arg8 : memref<10x100xi32, #tpu.memory_space<vmem>>)
    %dma_wait3A_910 = arith.constant 9 : i32
    %dma_wait3A_911 = arith.constant 0 : i32
    %dma_wait3A_912 = arith.constant 0 : i32
    %dma_wait3A_913 = tpu.memref_slice %arg4[%add3A, %dma_wait3A_910, %dma_wait3A_911, %dma_wait3A_912] : memref<32x10x10x100xi32, #tpu.memory_space<hbm>> -> memref<1x1x10x100xi32, #tpu.memory_space<hbm>>
    %dma_wait3A_914 = tpu.memref_squeeze %dma_wait3A_913 : memref<1x1x10x100xi32, #tpu.memory_space<hbm>> -> memref<10x100xi32, #tpu.memory_space<hbm>>
    %dma_wait3A_915 = arith.constant 0 : i32
    %dma_wait3A_916 = arith.constant 0 : i32
    %dma_wait3A_917 = tpu.memref_slice %arg4[%add3A, %dma_wait3A_910, %dma_wait3A_915, %dma_wait3A_916] : memref<32x10x10x100xi32, #tpu.memory_space<hbm>> -> memref<1x1x10x100xi32, #tpu.memory_space<hbm>>
    %dma_wait3A_918 = tpu.memref_squeeze %dma_wait3A_917 : memref<1x1x10x100xi32, #tpu.memory_space<hbm>> -> memref<10x100xi32, #tpu.memory_space<hbm>>
    tpu.wait_dma2 semaphore(%arg17 : memref<!tpu.dma_semaphore, #tpu.memory_space<semaphore_mem>>) src(%dma_wait3A_918 : memref<10x100xi32, #tpu.memory_space<hbm>>) dst(%arg9 : memref<10x100xi32, #tpu.memory_space<vmem>>)
    %dma_wait3A_919 = arith.constant 6 : i32
    %dma_wait3A_920 = arith.constant 0 : i32
    %dma_wait3A_921 = tpu.memref_slice %arg6[%dma_wait3A_919, %dma_wait3A_920] : memref<10x100xi32, #tpu.memory_space<vmem>> -> memref<1x100xi32, #tpu.memory_space<vmem>>
    %dma_wait3A_922 = tpu.memref_squeeze %dma_wait3A_921 : memref<1x100xi32, #tpu.memory_space<vmem>> -> memref<100xi32, #tpu.memory_space<vmem>>
    %dma_wait3A_923 = arith.constant 0 : i32
    %dma_wait3A_924 = arith.constant 0 : i32
    %dma_wait3A_925 = tpu.memref_slice %arg2[%dma_wait3A_923, %dma_wait3A_924] : memref<10000x128xf32, #tpu.memory_space<hbm>> -> memref<10000x128xf32, #tpu.memory_space<hbm>>
    tpu.wait_indirect_dma semaphore(%arg13 : memref<!tpu.dma_semaphore, #tpu.memory_space<semaphore_mem>>) src(%dma_wait3A_925 : memref<10000x128xf32, #tpu.memory_space<hbm>>) dst(%arg10 : memref<100x128xf32, #tpu.memory_space<vmem>>)
    %run_scoped3A_926 = arith.constant 6 : i32
    "tpu.region"() ({
      %run_scoped3A_1029 = tpu.sem_alloc : memref<!tpu.dma_semaphore, #tpu.memory_space<semaphore_mem>>
      %dma_start3A_1030 = arith.constant 0 : i32
      %dma_start3A_1031 = tpu.memref_slice %arg7[%run_scoped3A_926, %dma_start3A_1030] : memref<10x100xi32, #tpu.memory_space<vmem>> -> memref<1x100xi32, #tpu.memory_space<vmem>>
      %dma_start3A_1032 = tpu.memref_squeeze %dma_start3A_1031 : memref<1x100xi32, #tpu.memory_space<vmem>> -> memref<100xi32, #tpu.memory_space<vmem>>
      %dma_start3A_1033 = arith.constant 0 : i32
      %dma_start3A_1034 = arith.constant 0 : i32
      %dma_start3A_1035 = tpu.memref_slice %arg18[%dma_start3A_1033, %dma_start3A_1034] : memref<10000x128xf32, #tpu.memory_space<vmem_shared>> -> memref<10000x128xf32, #tpu.memory_space<vmem_shared>>
      tpu.enqueue_indirect_dma source(%arg10 : memref<100x128xf32, #tpu.memory_space<vmem>>) target(%dma_start3A_1035 : memref<10000x128xf32, #tpu.memory_space<vmem_shared>>) offsets(%dma_start3A_1032 : memref<100xi32, #tpu.memory_space<vmem>>) semaphore(%run_scoped3A_1029 : memref<!tpu.dma_semaphore, #tpu.memory_space<semaphore_mem>>) {add = true}
      %dma_wait3A_1036 = arith.constant 0 : i32
      %dma_wait3A_1037 = tpu.memref_slice %arg7[%run_scoped3A_926, %dma_wait3A_1036] : memref<10x100xi32, #tpu.memory_space<vmem>> -> memref<1x100xi32, #tpu.memory_space<vmem>>
      %dma_wait3A_1038 = tpu.memref_squeeze %dma_wait3A_1037 : memref<1x100xi32, #tpu.memory_space<vmem>> -> memref<100xi32, #tpu.memory_space<vmem>>
      %dma_wait3A_1039 = arith.constant 0 : i32
      %dma_wait3A_1040 = arith.constant 0 : i32
      %dma_wait3A_1041 = tpu.memref_slice %arg18[%dma_wait3A_1039, %dma_wait3A_1040] : memref<10000x128xf32, #tpu.memory_space<vmem_shared>> -> memref<10000x128xf32, #tpu.memory_space<vmem_shared>>
      tpu.wait_indirect_dma semaphore(%run_scoped3A_1029 : memref<!tpu.dma_semaphore, #tpu.memory_space<semaphore_mem>>) src(%arg10 : memref<100x128xf32, #tpu.memory_space<vmem>>) dst(%dma_wait3A_1041 : memref<10000x128xf32, #tpu.memory_space<vmem_shared>>)
      tpu.yield
    }) : () -> ()
    %dma_start3A_927 = arith.constant 9 : i32
    %dma_start3A_928 = arith.constant 0 : i32
    %dma_start3A_929 = tpu.memref_slice %arg6[%dma_start3A_927, %dma_start3A_928] : memref<10x100xi32, #tpu.memory_space<vmem>> -> memref<1x100xi32, #tpu.memory_space<vmem>>
    %dma_start3A_930 = tpu.memref_squeeze %dma_start3A_929 : memref<1x100xi32, #tpu.memory_space<vmem>> -> memref<100xi32, #tpu.memory_space<vmem>>
    %dma_start3A_931 = arith.constant 0 : i32
    %dma_start3A_932 = arith.constant 0 : i32
    %dma_start3A_933 = tpu.memref_slice %arg2[%dma_start3A_931, %dma_start3A_932] : memref<10000x128xf32, #tpu.memory_space<hbm>> -> memref<10000x128xf32, #tpu.memory_space<hbm>>
    tpu.enqueue_indirect_dma source(%dma_start3A_933 : memref<10000x128xf32, #tpu.memory_space<hbm>>) target(%arg10 : memref<100x128xf32, #tpu.memory_space<vmem>>) offsets(%dma_start3A_930 : memref<100xi32, #tpu.memory_space<vmem>>) semaphore(%arg13 : memref<!tpu.dma_semaphore, #tpu.memory_space<semaphore_mem>>)
    %dma_wait3A_934 = arith.constant 7 : i32
    %dma_wait3A_935 = arith.constant 0 : i32
    %dma_wait3A_936 = tpu.memref_slice %arg6[%dma_wait3A_934, %dma_wait3A_935] : memref<10x100xi32, #tpu.memory_space<vmem>> -> memref<1x100xi32, #tpu.memory_space<vmem>>
    %dma_wait3A_937 = tpu.memref_squeeze %dma_wait3A_936 : memref<1x100xi32, #tpu.memory_space<vmem>> -> memref<100xi32, #tpu.memory_space<vmem>>
    %dma_wait3A_938 = arith.constant 0 : i32
    %dma_wait3A_939 = arith.constant 0 : i32
    %dma_wait3A_940 = tpu.memref_slice %arg2[%dma_wait3A_938, %dma_wait3A_939] : memref<10000x128xf32, #tpu.memory_space<hbm>> -> memref<10000x128xf32, #tpu.memory_space<hbm>>
    tpu.wait_indirect_dma semaphore(%arg14 : memref<!tpu.dma_semaphore, #tpu.memory_space<semaphore_mem>>) src(%dma_wait3A_940 : memref<10000x128xf32, #tpu.memory_space<hbm>>) dst(%arg11 : memref<100x128xf32, #tpu.memory_space<vmem>>)
    %run_scoped3A_941 = arith.constant 7 : i32
    "tpu.region"() ({
      %run_scoped3A_1029 = tpu.sem_alloc : memref<!tpu.dma_semaphore, #tpu.memory_space<semaphore_mem>>
      %dma_start3A_1030 = arith.constant 0 : i32
      %dma_start3A_1031 = tpu.memref_slice %arg7[%run_scoped3A_941, %dma_start3A_1030] : memref<10x100xi32, #tpu.memory_space<vmem>> -> memref<1x100xi32, #tpu.memory_space<vmem>>
      %dma_start3A_1032 = tpu.memref_squeeze %dma_start3A_1031 : memref<1x100xi32, #tpu.memory_space<vmem>> -> memref<100xi32, #tpu.memory_space<vmem>>
      %dma_start3A_1033 = arith.constant 0 : i32
      %dma_start3A_1034 = arith.constant 0 : i32
      %dma_start3A_1035 = tpu.memref_slice %arg18[%dma_start3A_1033, %dma_start3A_1034] : memref<10000x128xf32, #tpu.memory_space<vmem_shared>> -> memref<10000x128xf32, #tpu.memory_space<vmem_shared>>
      tpu.enqueue_indirect_dma source(%arg11 : memref<100x128xf32, #tpu.memory_space<vmem>>) target(%dma_start3A_1035 : memref<10000x128xf32, #tpu.memory_space<vmem_shared>>) offsets(%dma_start3A_1032 : memref<100xi32, #tpu.memory_space<vmem>>) semaphore(%run_scoped3A_1029 : memref<!tpu.dma_semaphore, #tpu.memory_space<semaphore_mem>>) {add = true}
      %dma_wait3A_1036 = arith.constant 0 : i32
      %dma_wait3A_1037 = tpu.memref_slice %arg7[%run_scoped3A_941, %dma_wait3A_1036] : memref<10x100xi32, #tpu.memory_space<vmem>> -> memref<1x100xi32, #tpu.memory_space<vmem>>
      %dma_wait3A_1038 = tpu.memref_squeeze %dma_wait3A_1037 : memref<1x100xi32, #tpu.memory_space<vmem>> -> memref<100xi32, #tpu.memory_space<vmem>>
      %dma_wait3A_1039 = arith.constant 0 : i32
      %dma_wait3A_1040 = arith.constant 0 : i32
      %dma_wait3A_1041 = tpu.memref_slice %arg18[%dma_wait3A_1039, %dma_wait3A_1040] : memref<10000x128xf32, #tpu.memory_space<vmem_shared>> -> memref<10000x128xf32, #tpu.memory_space<vmem_shared>>
      tpu.wait_indirect_dma semaphore(%run_scoped3A_1029 : memref<!tpu.dma_semaphore, #tpu.memory_space<semaphore_mem>>) src(%arg11 : memref<100x128xf32, #tpu.memory_space<vmem>>) dst(%dma_wait3A_1041 : memref<10000x128xf32, #tpu.memory_space<vmem_shared>>)
      tpu.yield
    }) : () -> ()
    %dma_start3A_942 = arith.constant 1 : i32
    %dma_start3A_943 = arith.constant 0 : i32
    %dma_start3A_944 = tpu.memref_slice %arg8[%dma_start3A_942, %dma_start3A_943] : memref<10x100xi32, #tpu.memory_space<vmem>> -> memref<1x100xi32, #tpu.memory_space<vmem>>
    %dma_start3A_945 = tpu.memref_squeeze %dma_start3A_944 : memref<1x100xi32, #tpu.memory_space<vmem>> -> memref<100xi32, #tpu.memory_space<vmem>>
    %dma_start3A_946 = arith.constant 0 : i32
    %dma_start3A_947 = arith.constant 0 : i32
    %dma_start3A_948 = tpu.memref_slice %arg2[%dma_start3A_946, %dma_start3A_947] : memref<10000x128xf32, #tpu.memory_space<hbm>> -> memref<10000x128xf32, #tpu.memory_space<hbm>>
    tpu.enqueue_indirect_dma source(%dma_start3A_948 : memref<10000x128xf32, #tpu.memory_space<hbm>>) target(%arg11 : memref<100x128xf32, #tpu.memory_space<vmem>>) offsets(%dma_start3A_945 : memref<100xi32, #tpu.memory_space<vmem>>) semaphore(%arg14 : memref<!tpu.dma_semaphore, #tpu.memory_space<semaphore_mem>>)
    %dma_wait3A_949 = arith.constant 8 : i32
    %dma_wait3A_950 = arith.constant 0 : i32
    %dma_wait3A_951 = tpu.memref_slice %arg6[%dma_wait3A_949, %dma_wait3A_950] : memref<10x100xi32, #tpu.memory_space<vmem>> -> memref<1x100xi32, #tpu.memory_space<vmem>>
    %dma_wait3A_952 = tpu.memref_squeeze %dma_wait3A_951 : memref<1x100xi32, #tpu.memory_space<vmem>> -> memref<100xi32, #tpu.memory_space<vmem>>
    %dma_wait3A_953 = arith.constant 0 : i32
    %dma_wait3A_954 = arith.constant 0 : i32
    %dma_wait3A_955 = tpu.memref_slice %arg2[%dma_wait3A_953, %dma_wait3A_954] : memref<10000x128xf32, #tpu.memory_space<hbm>> -> memref<10000x128xf32, #tpu.memory_space<hbm>>
    tpu.wait_indirect_dma semaphore(%arg15 : memref<!tpu.dma_semaphore, #tpu.memory_space<semaphore_mem>>) src(%dma_wait3A_955 : memref<10000x128xf32, #tpu.memory_space<hbm>>) dst(%arg12 : memref<100x128xf32, #tpu.memory_space<vmem>>)
    %run_scoped3A_956 = arith.constant 8 : i32
    "tpu.region"() ({
      %run_scoped3A_1029 = tpu.sem_alloc : memref<!tpu.dma_semaphore, #tpu.memory_space<semaphore_mem>>
      %dma_start3A_1030 = arith.constant 0 : i32
      %dma_start3A_1031 = tpu.memref_slice %arg7[%run_scoped3A_956, %dma_start3A_1030] : memref<10x100xi32, #tpu.memory_space<vmem>> -> memref<1x100xi32, #tpu.memory_space<vmem>>
      %dma_start3A_1032 = tpu.memref_squeeze %dma_start3A_1031 : memref<1x100xi32, #tpu.memory_space<vmem>> -> memref<100xi32, #tpu.memory_space<vmem>>
      %dma_start3A_1033 = arith.constant 0 : i32
      %dma_start3A_1034 = arith.constant 0 : i32
      %dma_start3A_1035 = tpu.memref_slice %arg18[%dma_start3A_1033, %dma_start3A_1034] : memref<10000x128xf32, #tpu.memory_space<vmem_shared>> -> memref<10000x128xf32, #tpu.memory_space<vmem_shared>>
      tpu.enqueue_indirect_dma source(%arg12 : memref<100x128xf32, #tpu.memory_space<vmem>>) target(%dma_start3A_1035 : memref<10000x128xf32, #tpu.memory_space<vmem_shared>>) offsets(%dma_start3A_1032 : memref<100xi32, #tpu.memory_space<vmem>>) semaphore(%run_scoped3A_1029 : memref<!tpu.dma_semaphore, #tpu.memory_space<semaphore_mem>>) {add = true}
      %dma_wait3A_1036 = arith.constant 0 : i32
      %dma_wait3A_1037 = tpu.memref_slice %arg7[%run_scoped3A_956, %dma_wait3A_1036] : memref<10x100xi32, #tpu.memory_space<vmem>> -> memref<1x100xi32, #tpu.memory_space<vmem>>
      %dma_wait3A_1038 = tpu.memref_squeeze %dma_wait3A_1037 : memref<1x100xi32, #tpu.memory_space<vmem>> -> memref<100xi32, #tpu.memory_space<vmem>>
      %dma_wait3A_1039 = arith.constant 0 : i32
      %dma_wait3A_1040 = arith.constant 0 : i32
      %dma_wait3A_1041 = tpu.memref_slice %arg18[%dma_wait3A_1039, %dma_wait3A_1040] : memref<10000x128xf32, #tpu.memory_space<vmem_shared>> -> memref<10000x128xf32, #tpu.memory_space<vmem_shared>>
      tpu.wait_indirect_dma semaphore(%run_scoped3A_1029 : memref<!tpu.dma_semaphore, #tpu.memory_space<semaphore_mem>>) src(%arg12 : memref<100x128xf32, #tpu.memory_space<vmem>>) dst(%dma_wait3A_1041 : memref<10000x128xf32, #tpu.memory_space<vmem_shared>>)
      tpu.yield
    }) : () -> ()
    %dma_start3A_957 = arith.constant 2 : i32
    %dma_start3A_958 = arith.constant 0 : i32
    %dma_start3A_959 = tpu.memref_slice %arg8[%dma_start3A_957, %dma_start3A_958] : memref<10x100xi32, #tpu.memory_space<vmem>> -> memref<1x100xi32, #tpu.memory_space<vmem>>
    %dma_start3A_960 = tpu.memref_squeeze %dma_start3A_959 : memref<1x100xi32, #tpu.memory_space<vmem>> -> memref<100xi32, #tpu.memory_space<vmem>>
    %dma_start3A_961 = arith.constant 0 : i32
    %dma_start3A_962 = arith.constant 0 : i32
    %dma_start3A_963 = tpu.memref_slice %arg2[%dma_start3A_961, %dma_start3A_962] : memref<10000x128xf32, #tpu.memory_space<hbm>> -> memref<10000x128xf32, #tpu.memory_space<hbm>>
    tpu.enqueue_indirect_dma source(%dma_start3A_963 : memref<10000x128xf32, #tpu.memory_space<hbm>>) target(%arg12 : memref<100x128xf32, #tpu.memory_space<vmem>>) offsets(%dma_start3A_960 : memref<100xi32, #tpu.memory_space<vmem>>) semaphore(%arg15 : memref<!tpu.dma_semaphore, #tpu.memory_space<semaphore_mem>>)
    %dma_wait3A_964 = arith.constant 9 : i32
    %dma_wait3A_965 = arith.constant 0 : i32
    %dma_wait3A_966 = tpu.memref_slice %arg6[%dma_wait3A_964, %dma_wait3A_965] : memref<10x100xi32, #tpu.memory_space<vmem>> -> memref<1x100xi32, #tpu.memory_space<vmem>>
    %dma_wait3A_967 = tpu.memref_squeeze %dma_wait3A_966 : memref<1x100xi32, #tpu.memory_space<vmem>> -> memref<100xi32, #tpu.memory_space<vmem>>
    %dma_wait3A_968 = arith.constant 0 : i32
    %dma_wait3A_969 = arith.constant 0 : i32
    %dma_wait3A_970 = tpu.memref_slice %arg2[%dma_wait3A_968, %dma_wait3A_969] : memref<10000x128xf32, #tpu.memory_space<hbm>> -> memref<10000x128xf32, #tpu.memory_space<hbm>>
    tpu.wait_indirect_dma semaphore(%arg13 : memref<!tpu.dma_semaphore, #tpu.memory_space<semaphore_mem>>) src(%dma_wait3A_970 : memref<10000x128xf32, #tpu.memory_space<hbm>>) dst(%arg10 : memref<100x128xf32, #tpu.memory_space<vmem>>)
    %run_scoped3A_971 = arith.constant 9 : i32
    "tpu.region"() ({
      %run_scoped3A_1029 = tpu.sem_alloc : memref<!tpu.dma_semaphore, #tpu.memory_space<semaphore_mem>>
      %dma_start3A_1030 = arith.constant 0 : i32
      %dma_start3A_1031 = tpu.memref_slice %arg7[%run_scoped3A_971, %dma_start3A_1030] : memref<10x100xi32, #tpu.memory_space<vmem>> -> memref<1x100xi32, #tpu.memory_space<vmem>>
      %dma_start3A_1032 = tpu.memref_squeeze %dma_start3A_1031 : memref<1x100xi32, #tpu.memory_space<vmem>> -> memref<100xi32, #tpu.memory_space<vmem>>
      %dma_start3A_1033 = arith.constant 0 : i32
      %dma_start3A_1034 = arith.constant 0 : i32
      %dma_start3A_1035 = tpu.memref_slice %arg18[%dma_start3A_1033, %dma_start3A_1034] : memref<10000x128xf32, #tpu.memory_space<vmem_shared>> -> memref<10000x128xf32, #tpu.memory_space<vmem_shared>>
      tpu.enqueue_indirect_dma source(%arg10 : memref<100x128xf32, #tpu.memory_space<vmem>>) target(%dma_start3A_1035 : memref<10000x128xf32, #tpu.memory_space<vmem_shared>>) offsets(%dma_start3A_1032 : memref<100xi32, #tpu.memory_space<vmem>>) semaphore(%run_scoped3A_1029 : memref<!tpu.dma_semaphore, #tpu.memory_space<semaphore_mem>>) {add = true}
      %dma_wait3A_1036 = arith.constant 0 : i32
      %dma_wait3A_1037 = tpu.memref_slice %arg7[%run_scoped3A_971, %dma_wait3A_1036] : memref<10x100xi32, #tpu.memory_space<vmem>> -> memref<1x100xi32, #tpu.memory_space<vmem>>
      %dma_wait3A_1038 = tpu.memref_squeeze %dma_wait3A_1037 : memref<1x100xi32, #tpu.memory_space<vmem>> -> memref<100xi32, #tpu.memory_space<vmem>>
      %dma_wait3A_1039 = arith.constant 0 : i32
      %dma_wait3A_1040 = arith.constant 0 : i32
      %dma_wait3A_1041 = tpu.memref_slice %arg18[%dma_wait3A_1039, %dma_wait3A_1040] : memref<10000x128xf32, #tpu.memory_space<vmem_shared>> -> memref<10000x128xf32, #tpu.memory_space<vmem_shared>>
      tpu.wait_indirect_dma semaphore(%run_scoped3A_1029 : memref<!tpu.dma_semaphore, #tpu.memory_space<semaphore_mem>>) src(%arg10 : memref<100x128xf32, #tpu.memory_space<vmem>>) dst(%dma_wait3A_1041 : memref<10000x128xf32, #tpu.memory_space<vmem_shared>>)
      tpu.yield
    }) : () -> ()
    %dma_start3A_972 = arith.constant 0 : i32
    %dma_start3A_973 = arith.constant 0 : i32
    %dma_start3A_974 = tpu.memref_slice %arg8[%dma_start3A_972, %dma_start3A_973] : memref<10x100xi32, #tpu.memory_space<vmem>> -> memref<1x100xi32, #tpu.memory_space<vmem>>
    %dma_start3A_975 = tpu.memref_squeeze %dma_start3A_974 : memref<1x100xi32, #tpu.memory_space<vmem>> -> memref<100xi32, #tpu.memory_space<vmem>>
    %dma_start3A_976 = arith.constant 0 : i32
    %dma_start3A_977 = arith.constant 0 : i32
    %dma_start3A_978 = tpu.memref_slice %arg2[%dma_start3A_976, %dma_start3A_977] : memref<10000x128xf32, #tpu.memory_space<hbm>> -> memref<10000x128xf32, #tpu.memory_space<hbm>>
    tpu.enqueue_indirect_dma source(%dma_start3A_978 : memref<10000x128xf32, #tpu.memory_space<hbm>>) target(%arg10 : memref<100x128xf32, #tpu.memory_space<vmem>>) offsets(%dma_start3A_975 : memref<100xi32, #tpu.memory_space<vmem>>) semaphore(%arg13 : memref<!tpu.dma_semaphore, #tpu.memory_space<semaphore_mem>>)
    %scan3A_979 = arith.constant 0 : i32
    %scan3A_980 = arith.constant 2 : i32
    %scan3A_981 = arith.addi %scan3A_979, %scan3A_980 : i32
    %scan3A_982 = arith.constant 1 : i32
    scf.for %scan3A_1029 = %scan3A_979 to %scan3A_981 step %scan3A_982  : i32 {
      %mul3A_1030 = arith.constant 1 : i32
      %mul3A_1031 = arith.muli %scan3A_1029, %mul3A_1030 : i32
      %add3A_1032 = arith.constant 0 : i32
      %add3A_1033 = arith.addi %add3A_1032, %mul3A_1031 : i32
      %mul3A_1034 = arith.constant 3 : i32
      %mul3A_1035 = arith.muli %add3A_1033, %mul3A_1034 : i32
      %add3A_1036 = arith.constant 0 : i32
      %add3A_1037 = arith.addi %mul3A_1035, %add3A_1036 : i32
      %dma_wait3A_1038 = arith.constant 0 : i32
      %dma_wait3A_1039 = tpu.memref_slice %arg8[%add3A_1037, %dma_wait3A_1038] : memref<10x100xi32, #tpu.memory_space<vmem>> -> memref<1x100xi32, #tpu.memory_space<vmem>>
      %dma_wait3A_1040 = tpu.memref_squeeze %dma_wait3A_1039 : memref<1x100xi32, #tpu.memory_space<vmem>> -> memref<100xi32, #tpu.memory_space<vmem>>
      %dma_wait3A_1041 = arith.constant 0 : i32
      %dma_wait3A_1042 = arith.constant 0 : i32
      %dma_wait3A_1043 = tpu.memref_slice %arg2[%dma_wait3A_1041, %dma_wait3A_1042] : memref<10000x128xf32, #tpu.memory_space<hbm>> -> memref<10000x128xf32, #tpu.memory_space<hbm>>
      tpu.wait_indirect_dma semaphore(%arg13 : memref<!tpu.dma_semaphore, #tpu.memory_space<semaphore_mem>>) src(%dma_wait3A_1043 : memref<10000x128xf32, #tpu.memory_space<hbm>>) dst(%arg10 : memref<100x128xf32, #tpu.memory_space<vmem>>)
      %add3A_1044 = arith.constant 0 : i32
      %add3A_1045 = arith.addi %mul3A_1035, %add3A_1044 : i32
      "tpu.region"() ({
        %run_scoped3A_1096 = tpu.sem_alloc : memref<!tpu.dma_semaphore, #tpu.memory_space<semaphore_mem>>
        %dma_start3A_1097 = arith.constant 0 : i32
        %dma_start3A_1098 = tpu.memref_slice %arg9[%add3A_1045, %dma_start3A_1097] : memref<10x100xi32, #tpu.memory_space<vmem>> -> memref<1x100xi32, #tpu.memory_space<vmem>>
        %dma_start3A_1099 = tpu.memref_squeeze %dma_start3A_1098 : memref<1x100xi32, #tpu.memory_space<vmem>> -> memref<100xi32, #tpu.memory_space<vmem>>
        %dma_start3A_1100 = arith.constant 0 : i32
        %dma_start3A_1101 = arith.constant 0 : i32
        %dma_start3A_1102 = tpu.memref_slice %arg18[%dma_start3A_1100, %dma_start3A_1101] : memref<10000x128xf32, #tpu.memory_space<vmem_shared>> -> memref<10000x128xf32, #tpu.memory_space<vmem_shared>>
        tpu.enqueue_indirect_dma source(%arg10 : memref<100x128xf32, #tpu.memory_space<vmem>>) target(%dma_start3A_1102 : memref<10000x128xf32, #tpu.memory_space<vmem_shared>>) offsets(%dma_start3A_1099 : memref<100xi32, #tpu.memory_space<vmem>>) semaphore(%run_scoped3A_1096 : memref<!tpu.dma_semaphore, #tpu.memory_space<semaphore_mem>>) {add = true}
        %dma_wait3A_1103 = arith.constant 0 : i32
        %dma_wait3A_1104 = tpu.memref_slice %arg9[%add3A_1045, %dma_wait3A_1103] : memref<10x100xi32, #tpu.memory_space<vmem>> -> memref<1x100xi32, #tpu.memory_space<vmem>>
        %dma_wait3A_1105 = tpu.memref_squeeze %dma_wait3A_1104 : memref<1x100xi32, #tpu.memory_space<vmem>> -> memref<100xi32, #tpu.memory_space<vmem>>
        %dma_wait3A_1106 = arith.constant 0 : i32
        %dma_wait3A_1107 = arith.constant 0 : i32
        %dma_wait3A_1108 = tpu.memref_slice %arg18[%dma_wait3A_1106, %dma_wait3A_1107] : memref<10000x128xf32, #tpu.memory_space<vmem_shared>> -> memref<10000x128xf32, #tpu.memory_space<vmem_shared>>
        tpu.wait_indirect_dma semaphore(%run_scoped3A_1096 : memref<!tpu.dma_semaphore, #tpu.memory_space<semaphore_mem>>) src(%arg10 : memref<100x128xf32, #tpu.memory_space<vmem>>) dst(%dma_wait3A_1108 : memref<10000x128xf32, #tpu.memory_space<vmem_shared>>)
        tpu.yield
      }) : () -> ()
      %add3A_1046 = arith.constant 0 : i32
      %add3A_1047 = arith.addi %mul3A_1035, %add3A_1046 : i32
      %add3A_1048 = arith.constant 3 : i32
      %add3A_1049 = arith.addi %add3A_1047, %add3A_1048 : i32
      %dma_start3A_1050 = arith.constant 0 : i32
      %dma_start3A_1051 = tpu.memref_slice %arg8[%add3A_1049, %dma_start3A_1050] : memref<10x100xi32, #tpu.memory_space<vmem>> -> memref<1x100xi32, #tpu.memory_space<vmem>>
      %dma_start3A_1052 = tpu.memref_squeeze %dma_start3A_1051 : memref<1x100xi32, #tpu.memory_space<vmem>> -> memref<100xi32, #tpu.memory_space<vmem>>
      %dma_start3A_1053 = arith.constant 0 : i32
      %dma_start3A_1054 = arith.constant 0 : i32
      %dma_start3A_1055 = tpu.memref_slice %arg2[%dma_start3A_1053, %dma_start3A_1054] : memref<10000x128xf32, #tpu.memory_space<hbm>> -> memref<10000x128xf32, #tpu.memory_space<hbm>>
      tpu.enqueue_indirect_dma source(%dma_start3A_1055 : memref<10000x128xf32, #tpu.memory_space<hbm>>) target(%arg10 : memref<100x128xf32, #tpu.memory_space<vmem>>) offsets(%dma_start3A_1052 : memref<100xi32, #tpu.memory_space<vmem>>) semaphore(%arg13 : memref<!tpu.dma_semaphore, #tpu.memory_space<semaphore_mem>>)
      %add3A_1056 = arith.constant 1 : i32
      %add3A_1057 = arith.addi %mul3A_1035, %add3A_1056 : i32
      %dma_wait3A_1058 = arith.constant 0 : i32
      %dma_wait3A_1059 = tpu.memref_slice %arg8[%add3A_1057, %dma_wait3A_1058] : memref<10x100xi32, #tpu.memory_space<vmem>> -> memref<1x100xi32, #tpu.memory_space<vmem>>
      %dma_wait3A_1060 = tpu.memref_squeeze %dma_wait3A_1059 : memref<1x100xi32, #tpu.memory_space<vmem>> -> memref<100xi32, #tpu.memory_space<vmem>>
      %dma_wait3A_1061 = arith.constant 0 : i32
      %dma_wait3A_1062 = arith.constant 0 : i32
      %dma_wait3A_1063 = tpu.memref_slice %arg2[%dma_wait3A_1061, %dma_wait3A_1062] : memref<10000x128xf32, #tpu.memory_space<hbm>> -> memref<10000x128xf32, #tpu.memory_space<hbm>>
      tpu.wait_indirect_dma semaphore(%arg14 : memref<!tpu.dma_semaphore, #tpu.memory_space<semaphore_mem>>) src(%dma_wait3A_1063 : memref<10000x128xf32, #tpu.memory_space<hbm>>) dst(%arg11 : memref<100x128xf32, #tpu.memory_space<vmem>>)
      %add3A_1064 = arith.constant 1 : i32
      %add3A_1065 = arith.addi %mul3A_1035, %add3A_1064 : i32
      "tpu.region"() ({
        %run_scoped3A_1096 = tpu.sem_alloc : memref<!tpu.dma_semaphore, #tpu.memory_space<semaphore_mem>>
        %dma_start3A_1097 = arith.constant 0 : i32
        %dma_start3A_1098 = tpu.memref_slice %arg9[%add3A_1065, %dma_start3A_1097] : memref<10x100xi32, #tpu.memory_space<vmem>> -> memref<1x100xi32, #tpu.memory_space<vmem>>
        %dma_start3A_1099 = tpu.memref_squeeze %dma_start3A_1098 : memref<1x100xi32, #tpu.memory_space<vmem>> -> memref<100xi32, #tpu.memory_space<vmem>>
        %dma_start3A_1100 = arith.constant 0 : i32
        %dma_start3A_1101 = arith.constant 0 : i32
        %dma_start3A_1102 = tpu.memref_slice %arg18[%dma_start3A_1100, %dma_start3A_1101] : memref<10000x128xf32, #tpu.memory_space<vmem_shared>> -> memref<10000x128xf32, #tpu.memory_space<vmem_shared>>
        tpu.enqueue_indirect_dma source(%arg11 : memref<100x128xf32, #tpu.memory_space<vmem>>) target(%dma_start3A_1102 : memref<10000x128xf32, #tpu.memory_space<vmem_shared>>) offsets(%dma_start3A_1099 : memref<100xi32, #tpu.memory_space<vmem>>) semaphore(%run_scoped3A_1096 : memref<!tpu.dma_semaphore, #tpu.memory_space<semaphore_mem>>) {add = true}
        %dma_wait3A_1103 = arith.constant 0 : i32
        %dma_wait3A_1104 = tpu.memref_slice %arg9[%add3A_1065, %dma_wait3A_1103] : memref<10x100xi32, #tpu.memory_space<vmem>> -> memref<1x100xi32, #tpu.memory_space<vmem>>
        %dma_wait3A_1105 = tpu.memref_squeeze %dma_wait3A_1104 : memref<1x100xi32, #tpu.memory_space<vmem>> -> memref<100xi32, #tpu.memory_space<vmem>>
        %dma_wait3A_1106 = arith.constant 0 : i32
        %dma_wait3A_1107 = arith.constant 0 : i32
        %dma_wait3A_1108 = tpu.memref_slice %arg18[%dma_wait3A_1106, %dma_wait3A_1107] : memref<10000x128xf32, #tpu.memory_space<vmem_shared>> -> memref<10000x128xf32, #tpu.memory_space<vmem_shared>>
        tpu.wait_indirect_dma semaphore(%run_scoped3A_1096 : memref<!tpu.dma_semaphore, #tpu.memory_space<semaphore_mem>>) src(%arg11 : memref<100x128xf32, #tpu.memory_space<vmem>>) dst(%dma_wait3A_1108 : memref<10000x128xf32, #tpu.memory_space<vmem_shared>>)
        tpu.yield
      }) : () -> ()
      %add3A_1066 = arith.constant 1 : i32
      %add3A_1067 = arith.addi %mul3A_1035, %add3A_1066 : i32
      %add3A_1068 = arith.constant 3 : i32
      %add3A_1069 = arith.addi %add3A_1067, %add3A_1068 : i32
      %dma_start3A_1070 = arith.constant 0 : i32
      %dma_start3A_1071 = tpu.memref_slice %arg8[%add3A_1069, %dma_start3A_1070] : memref<10x100xi32, #tpu.memory_space<vmem>> -> memref<1x100xi32, #tpu.memory_space<vmem>>
      %dma_start3A_1072 = tpu.memref_squeeze %dma_start3A_1071 : memref<1x100xi32, #tpu.memory_space<vmem>> -> memref<100xi32, #tpu.memory_space<vmem>>
      %dma_start3A_1073 = arith.constant 0 : i32
      %dma_start3A_1074 = arith.constant 0 : i32
      %dma_start3A_1075 = tpu.memref_slice %arg2[%dma_start3A_1073, %dma_start3A_1074] : memref<10000x128xf32, #tpu.memory_space<hbm>> -> memref<10000x128xf32, #tpu.memory_space<hbm>>
      tpu.enqueue_indirect_dma source(%dma_start3A_1075 : memref<10000x128xf32, #tpu.memory_space<hbm>>) target(%arg11 : memref<100x128xf32, #tpu.memory_space<vmem>>) offsets(%dma_start3A_1072 : memref<100xi32, #tpu.memory_space<vmem>>) semaphore(%arg14 : memref<!tpu.dma_semaphore, #tpu.memory_space<semaphore_mem>>)
      %add3A_1076 = arith.constant 2 : i32
      %add3A_1077 = arith.addi %mul3A_1035, %add3A_1076 : i32
      %dma_wait3A_1078 = arith.constant 0 : i32
      %dma_wait3A_1079 = tpu.memref_slice %arg8[%add3A_1077, %dma_wait3A_1078] : memref<10x100xi32, #tpu.memory_space<vmem>> -> memref<1x100xi32, #tpu.memory_space<vmem>>
      %dma_wait3A_1080 = tpu.memref_squeeze %dma_wait3A_1079 : memref<1x100xi32, #tpu.memory_space<vmem>> -> memref<100xi32, #tpu.memory_space<vmem>>
      %dma_wait3A_1081 = arith.constant 0 : i32
      %dma_wait3A_1082 = arith.constant 0 : i32
      %dma_wait3A_1083 = tpu.memref_slice %arg2[%dma_wait3A_1081, %dma_wait3A_1082] : memref<10000x128xf32, #tpu.memory_space<hbm>> -> memref<10000x128xf32, #tpu.memory_space<hbm>>
      tpu.wait_indirect_dma semaphore(%arg15 : memref<!tpu.dma_semaphore, #tpu.memory_space<semaphore_mem>>) src(%dma_wait3A_1083 : memref<10000x128xf32, #tpu.memory_space<hbm>>) dst(%arg12 : memref<100x128xf32, #tpu.memory_space<vmem>>)
      %add3A_1084 = arith.constant 2 : i32
      %add3A_1085 = arith.addi %mul3A_1035, %add3A_1084 : i32
      "tpu.region"() ({
        %run_scoped3A_1096 = tpu.sem_alloc : memref<!tpu.dma_semaphore, #tpu.memory_space<semaphore_mem>>
        %dma_start3A_1097 = arith.constant 0 : i32
        %dma_start3A_1098 = tpu.memref_slice %arg9[%add3A_1085, %dma_start3A_1097] : memref<10x100xi32, #tpu.memory_space<vmem>> -> memref<1x100xi32, #tpu.memory_space<vmem>>
        %dma_start3A_1099 = tpu.memref_squeeze %dma_start3A_1098 : memref<1x100xi32, #tpu.memory_space<vmem>> -> memref<100xi32, #tpu.memory_space<vmem>>
        %dma_start3A_1100 = arith.constant 0 : i32
        %dma_start3A_1101 = arith.constant 0 : i32
        %dma_start3A_1102 = tpu.memref_slice %arg18[%dma_start3A_1100, %dma_start3A_1101] : memref<10000x128xf32, #tpu.memory_space<vmem_shared>> -> memref<10000x128xf32, #tpu.memory_space<vmem_shared>>
        tpu.enqueue_indirect_dma source(%arg12 : memref<100x128xf32, #tpu.memory_space<vmem>>) target(%dma_start3A_1102 : memref<10000x128xf32, #tpu.memory_space<vmem_shared>>) offsets(%dma_start3A_1099 : memref<100xi32, #tpu.memory_space<vmem>>) semaphore(%run_scoped3A_1096 : memref<!tpu.dma_semaphore, #tpu.memory_space<semaphore_mem>>) {add = true}
        %dma_wait3A_1103 = arith.constant 0 : i32
        %dma_wait3A_1104 = tpu.memref_slice %arg9[%add3A_1085, %dma_wait3A_1103] : memref<10x100xi32, #tpu.memory_space<vmem>> -> memref<1x100xi32, #tpu.memory_space<vmem>>
        %dma_wait3A_1105 = tpu.memref_squeeze %dma_wait3A_1104 : memref<1x100xi32, #tpu.memory_space<vmem>> -> memref<100xi32, #tpu.memory_space<vmem>>
        %dma_wait3A_1106 = arith.constant 0 : i32
        %dma_wait3A_1107 = arith.constant 0 : i32
        %dma_wait3A_1108 = tpu.memref_slice %arg18[%dma_wait3A_1106, %dma_wait3A_1107] : memref<10000x128xf32, #tpu.memory_space<vmem_shared>> -> memref<10000x128xf32, #tpu.memory_space<vmem_shared>>
        tpu.wait_indirect_dma semaphore(%run_scoped3A_1096 : memref<!tpu.dma_semaphore, #tpu.memory_space<semaphore_mem>>) src(%arg12 : memref<100x128xf32, #tpu.memory_space<vmem>>) dst(%dma_wait3A_1108 : memref<10000x128xf32, #tpu.memory_space<vmem_shared>>)
        tpu.yield
      }) : () -> ()
      %add3A_1086 = arith.constant 2 : i32
      %add3A_1087 = arith.addi %mul3A_1035, %add3A_1086 : i32
      %add3A_1088 = arith.constant 3 : i32
      %add3A_1089 = arith.addi %add3A_1087, %add3A_1088 : i32
      %dma_start3A_1090 = arith.constant 0 : i32
      %dma_start3A_1091 = tpu.memref_slice %arg8[%add3A_1089, %dma_start3A_1090] : memref<10x100xi32, #tpu.memory_space<vmem>> -> memref<1x100xi32, #tpu.memory_space<vmem>>
      %dma_start3A_1092 = tpu.memref_squeeze %dma_start3A_1091 : memref<1x100xi32, #tpu.memory_space<vmem>> -> memref<100xi32, #tpu.memory_space<vmem>>
      %dma_start3A_1093 = arith.constant 0 : i32
      %dma_start3A_1094 = arith.constant 0 : i32
      %dma_start3A_1095 = tpu.memref_slice %arg2[%dma_start3A_1093, %dma_start3A_1094] : memref<10000x128xf32, #tpu.memory_space<hbm>> -> memref<10000x128xf32, #tpu.memory_space<hbm>>
      tpu.enqueue_indirect_dma source(%dma_start3A_1095 : memref<10000x128xf32, #tpu.memory_space<hbm>>) target(%arg12 : memref<100x128xf32, #tpu.memory_space<vmem>>) offsets(%dma_start3A_1092 : memref<100xi32, #tpu.memory_space<vmem>>) semaphore(%arg15 : memref<!tpu.dma_semaphore, #tpu.memory_space<semaphore_mem>>)
    }
    %scan3A_983 = arith.constant 2 : i32
    %dma_wait3A_984 = arith.constant 6 : i32
    %dma_wait3A_985 = arith.constant 0 : i32
    %dma_wait3A_986 = tpu.memref_slice %arg8[%dma_wait3A_984, %dma_wait3A_985] : memref<10x100xi32, #tpu.memory_space<vmem>> -> memref<1x100xi32, #tpu.memory_space<vmem>>
    %dma_wait3A_987 = tpu.memref_squeeze %dma_wait3A_986 : memref<1x100xi32, #tpu.memory_space<vmem>> -> memref<100xi32, #tpu.memory_space<vmem>>
    %dma_wait3A_988 = arith.constant 0 : i32
    %dma_wait3A_989 = arith.constant 0 : i32
    %dma_wait3A_990 = tpu.memref_slice %arg2[%dma_wait3A_988, %dma_wait3A_989] : memref<10000x128xf32, #tpu.memory_space<hbm>> -> memref<10000x128xf32, #tpu.memory_space<hbm>>
    tpu.wait_indirect_dma semaphore(%arg13 : memref<!tpu.dma_semaphore, #tpu.memory_space<semaphore_mem>>) src(%dma_wait3A_990 : memref<10000x128xf32, #tpu.memory_space<hbm>>) dst(%arg10 : memref<100x128xf32, #tpu.memory_space<vmem>>)
    %run_scoped3A_991 = arith.constant 6 : i32
    "tpu.region"() ({
      %run_scoped3A_1029 = tpu.sem_alloc : memref<!tpu.dma_semaphore, #tpu.memory_space<semaphore_mem>>
      %dma_start3A_1030 = arith.constant 0 : i32
      %dma_start3A_1031 = tpu.memref_slice %arg9[%run_scoped3A_991, %dma_start3A_1030] : memref<10x100xi32, #tpu.memory_space<vmem>> -> memref<1x100xi32, #tpu.memory_space<vmem>>
      %dma_start3A_1032 = tpu.memref_squeeze %dma_start3A_1031 : memref<1x100xi32, #tpu.memory_space<vmem>> -> memref<100xi32, #tpu.memory_space<vmem>>
      %dma_start3A_1033 = arith.constant 0 : i32
      %dma_start3A_1034 = arith.constant 0 : i32
      %dma_start3A_1035 = tpu.memref_slice %arg18[%dma_start3A_1033, %dma_start3A_1034] : memref<10000x128xf32, #tpu.memory_space<vmem_shared>> -> memref<10000x128xf32, #tpu.memory_space<vmem_shared>>
      tpu.enqueue_indirect_dma source(%arg10 : memref<100x128xf32, #tpu.memory_space<vmem>>) target(%dma_start3A_1035 : memref<10000x128xf32, #tpu.memory_space<vmem_shared>>) offsets(%dma_start3A_1032 : memref<100xi32, #tpu.memory_space<vmem>>) semaphore(%run_scoped3A_1029 : memref<!tpu.dma_semaphore, #tpu.memory_space<semaphore_mem>>) {add = true}
      %dma_wait3A_1036 = arith.constant 0 : i32
      %dma_wait3A_1037 = tpu.memref_slice %arg9[%run_scoped3A_991, %dma_wait3A_1036] : memref<10x100xi32, #tpu.memory_space<vmem>> -> memref<1x100xi32, #tpu.memory_space<vmem>>
      %dma_wait3A_1038 = tpu.memref_squeeze %dma_wait3A_1037 : memref<1x100xi32, #tpu.memory_space<vmem>> -> memref<100xi32, #tpu.memory_space<vmem>>
      %dma_wait3A_1039 = arith.constant 0 : i32
      %dma_wait3A_1040 = arith.constant 0 : i32
      %dma_wait3A_1041 = tpu.memref_slice %arg18[%dma_wait3A_1039, %dma_wait3A_1040] : memref<10000x128xf32, #tpu.memory_space<vmem_shared>> -> memref<10000x128xf32, #tpu.memory_space<vmem_shared>>
      tpu.wait_indirect_dma semaphore(%run_scoped3A_1029 : memref<!tpu.dma_semaphore, #tpu.memory_space<semaphore_mem>>) src(%arg10 : memref<100x128xf32, #tpu.memory_space<vmem>>) dst(%dma_wait3A_1041 : memref<10000x128xf32, #tpu.memory_space<vmem_shared>>)
      tpu.yield
    }) : () -> ()
    %dma_start3A_992 = arith.constant 9 : i32
    %dma_start3A_993 = arith.constant 0 : i32
    %dma_start3A_994 = tpu.memref_slice %arg8[%dma_start3A_992, %dma_start3A_993] : memref<10x100xi32, #tpu.memory_space<vmem>> -> memref<1x100xi32, #tpu.memory_space<vmem>>
    %dma_start3A_995 = tpu.memref_squeeze %dma_start3A_994 : memref<1x100xi32, #tpu.memory_space<vmem>> -> memref<100xi32, #tpu.memory_space<vmem>>
    %dma_start3A_996 = arith.constant 0 : i32
    %dma_start3A_997 = arith.constant 0 : i32
    %dma_start3A_998 = tpu.memref_slice %arg2[%dma_start3A_996, %dma_start3A_997] : memref<10000x128xf32, #tpu.memory_space<hbm>> -> memref<10000x128xf32, #tpu.memory_space<hbm>>
    tpu.enqueue_indirect_dma source(%dma_start3A_998 : memref<10000x128xf32, #tpu.memory_space<hbm>>) target(%arg10 : memref<100x128xf32, #tpu.memory_space<vmem>>) offsets(%dma_start3A_995 : memref<100xi32, #tpu.memory_space<vmem>>) semaphore(%arg13 : memref<!tpu.dma_semaphore, #tpu.memory_space<semaphore_mem>>)
    %dma_wait3A_999 = arith.constant 7 : i32
    %dma_wait3A_1000 = arith.constant 0 : i32
    %dma_wait3A_1001 = tpu.memref_slice %arg8[%dma_wait3A_999, %dma_wait3A_1000] : memref<10x100xi32, #tpu.memory_space<vmem>> -> memref<1x100xi32, #tpu.memory_space<vmem>>
    %dma_wait3A_1002 = tpu.memref_squeeze %dma_wait3A_1001 : memref<1x100xi32, #tpu.memory_space<vmem>> -> memref<100xi32, #tpu.memory_space<vmem>>
    %dma_wait3A_1003 = arith.constant 0 : i32
    %dma_wait3A_1004 = arith.constant 0 : i32
    %dma_wait3A_1005 = tpu.memref_slice %arg2[%dma_wait3A_1003, %dma_wait3A_1004] : memref<10000x128xf32, #tpu.memory_space<hbm>> -> memref<10000x128xf32, #tpu.memory_space<hbm>>
    tpu.wait_indirect_dma semaphore(%arg14 : memref<!tpu.dma_semaphore, #tpu.memory_space<semaphore_mem>>) src(%dma_wait3A_1005 : memref<10000x128xf32, #tpu.memory_space<hbm>>) dst(%arg11 : memref<100x128xf32, #tpu.memory_space<vmem>>)
    %run_scoped3A_1006 = arith.constant 7 : i32
    "tpu.region"() ({
      %run_scoped3A_1029 = tpu.sem_alloc : memref<!tpu.dma_semaphore, #tpu.memory_space<semaphore_mem>>
      %dma_start3A_1030 = arith.constant 0 : i32
      %dma_start3A_1031 = tpu.memref_slice %arg9[%run_scoped3A_1006, %dma_start3A_1030] : memref<10x100xi32, #tpu.memory_space<vmem>> -> memref<1x100xi32, #tpu.memory_space<vmem>>
      %dma_start3A_1032 = tpu.memref_squeeze %dma_start3A_1031 : memref<1x100xi32, #tpu.memory_space<vmem>> -> memref<100xi32, #tpu.memory_space<vmem>>
      %dma_start3A_1033 = arith.constant 0 : i32
      %dma_start3A_1034 = arith.constant 0 : i32
      %dma_start3A_1035 = tpu.memref_slice %arg18[%dma_start3A_1033, %dma_start3A_1034] : memref<10000x128xf32, #tpu.memory_space<vmem_shared>> -> memref<10000x128xf32, #tpu.memory_space<vmem_shared>>
      tpu.enqueue_indirect_dma source(%arg11 : memref<100x128xf32, #tpu.memory_space<vmem>>) target(%dma_start3A_1035 : memref<10000x128xf32, #tpu.memory_space<vmem_shared>>) offsets(%dma_start3A_1032 : memref<100xi32, #tpu.memory_space<vmem>>) semaphore(%run_scoped3A_1029 : memref<!tpu.dma_semaphore, #tpu.memory_space<semaphore_mem>>) {add = true}
      %dma_wait3A_1036 = arith.constant 0 : i32
      %dma_wait3A_1037 = tpu.memref_slice %arg9[%run_scoped3A_1006, %dma_wait3A_1036] : memref<10x100xi32, #tpu.memory_space<vmem>> -> memref<1x100xi32, #tpu.memory_space<vmem>>
      %dma_wait3A_1038 = tpu.memref_squeeze %dma_wait3A_1037 : memref<1x100xi32, #tpu.memory_space<vmem>> -> memref<100xi32, #tpu.memory_space<vmem>>
      %dma_wait3A_1039 = arith.constant 0 : i32
      %dma_wait3A_1040 = arith.constant 0 : i32
      %dma_wait3A_1041 = tpu.memref_slice %arg18[%dma_wait3A_1039, %dma_wait3A_1040] : memref<10000x128xf32, #tpu.memory_space<vmem_shared>> -> memref<10000x128xf32, #tpu.memory_space<vmem_shared>>
      tpu.wait_indirect_dma semaphore(%run_scoped3A_1029 : memref<!tpu.dma_semaphore, #tpu.memory_space<semaphore_mem>>) src(%arg11 : memref<100x128xf32, #tpu.memory_space<vmem>>) dst(%dma_wait3A_1041 : memref<10000x128xf32, #tpu.memory_space<vmem_shared>>)
      tpu.yield
    }) : () -> ()
    %dma_wait3A_1007 = arith.constant 8 : i32
    %dma_wait3A_1008 = arith.constant 0 : i32
    %dma_wait3A_1009 = tpu.memref_slice %arg8[%dma_wait3A_1007, %dma_wait3A_1008] : memref<10x100xi32, #tpu.memory_space<vmem>> -> memref<1x100xi32, #tpu.memory_space<vmem>>
    %dma_wait3A_1010 = tpu.memref_squeeze %dma_wait3A_1009 : memref<1x100xi32, #tpu.memory_space<vmem>> -> memref<100xi32, #tpu.memory_space<vmem>>
    %dma_wait3A_1011 = arith.constant 0 : i32
    %dma_wait3A_1012 = arith.constant 0 : i32
    %dma_wait3A_1013 = tpu.memref_slice %arg2[%dma_wait3A_1011, %dma_wait3A_1012] : memref<10000x128xf32, #tpu.memory_space<hbm>> -> memref<10000x128xf32, #tpu.memory_space<hbm>>
    tpu.wait_indirect_dma semaphore(%arg15 : memref<!tpu.dma_semaphore, #tpu.memory_space<semaphore_mem>>) src(%dma_wait3A_1013 : memref<10000x128xf32, #tpu.memory_space<hbm>>) dst(%arg12 : memref<100x128xf32, #tpu.memory_space<vmem>>)
    %run_scoped3A_1014 = arith.constant 8 : i32
    "tpu.region"() ({
      %run_scoped3A_1029 = tpu.sem_alloc : memref<!tpu.dma_semaphore, #tpu.memory_space<semaphore_mem>>
      %dma_start3A_1030 = arith.constant 0 : i32
      %dma_start3A_1031 = tpu.memref_slice %arg9[%run_scoped3A_1014, %dma_start3A_1030] : memref<10x100xi32, #tpu.memory_space<vmem>> -> memref<1x100xi32, #tpu.memory_space<vmem>>
      %dma_start3A_1032 = tpu.memref_squeeze %dma_start3A_1031 : memref<1x100xi32, #tpu.memory_space<vmem>> -> memref<100xi32, #tpu.memory_space<vmem>>
      %dma_start3A_1033 = arith.constant 0 : i32
      %dma_start3A_1034 = arith.constant 0 : i32
      %dma_start3A_1035 = tpu.memref_slice %arg18[%dma_start3A_1033, %dma_start3A_1034] : memref<10000x128xf32, #tpu.memory_space<vmem_shared>> -> memref<10000x128xf32, #tpu.memory_space<vmem_shared>>
      tpu.enqueue_indirect_dma source(%arg12 : memref<100x128xf32, #tpu.memory_space<vmem>>) target(%dma_start3A_1035 : memref<10000x128xf32, #tpu.memory_space<vmem_shared>>) offsets(%dma_start3A_1032 : memref<100xi32, #tpu.memory_space<vmem>>) semaphore(%run_scoped3A_1029 : memref<!tpu.dma_semaphore, #tpu.memory_space<semaphore_mem>>) {add = true}
      %dma_wait3A_1036 = arith.constant 0 : i32
      %dma_wait3A_1037 = tpu.memref_slice %arg9[%run_scoped3A_1014, %dma_wait3A_1036] : memref<10x100xi32, #tpu.memory_space<vmem>> -> memref<1x100xi32, #tpu.memory_space<vmem>>
      %dma_wait3A_1038 = tpu.memref_squeeze %dma_wait3A_1037 : memref<1x100xi32, #tpu.memory_space<vmem>> -> memref<100xi32, #tpu.memory_space<vmem>>
      %dma_wait3A_1039 = arith.constant 0 : i32
      %dma_wait3A_1040 = arith.constant 0 : i32
      %dma_wait3A_1041 = tpu.memref_slice %arg18[%dma_wait3A_1039, %dma_wait3A_1040] : memref<10000x128xf32, #tpu.memory_space<vmem_shared>> -> memref<10000x128xf32, #tpu.memory_space<vmem_shared>>
      tpu.wait_indirect_dma semaphore(%run_scoped3A_1029 : memref<!tpu.dma_semaphore, #tpu.memory_space<semaphore_mem>>) src(%arg12 : memref<100x128xf32, #tpu.memory_space<vmem>>) dst(%dma_wait3A_1041 : memref<10000x128xf32, #tpu.memory_space<vmem_shared>>)
      tpu.yield
    }) : () -> ()
    %dma_wait3A_1015 = arith.constant 9 : i32
    %dma_wait3A_1016 = arith.constant 0 : i32
    %dma_wait3A_1017 = tpu.memref_slice %arg8[%dma_wait3A_1015, %dma_wait3A_1016] : memref<10x100xi32, #tpu.memory_space<vmem>> -> memref<1x100xi32, #tpu.memory_space<vmem>>
    %dma_wait3A_1018 = tpu.memref_squeeze %dma_wait3A_1017 : memref<1x100xi32, #tpu.memory_space<vmem>> -> memref<100xi32, #tpu.memory_space<vmem>>
    %dma_wait3A_1019 = arith.constant 0 : i32
    %dma_wait3A_1020 = arith.constant 0 : i32
    %dma_wait3A_1021 = tpu.memref_slice %arg2[%dma_wait3A_1019, %dma_wait3A_1020] : memref<10000x128xf32, #tpu.memory_space<hbm>> -> memref<10000x128xf32, #tpu.memory_space<hbm>>
    tpu.wait_indirect_dma semaphore(%arg13 : memref<!tpu.dma_semaphore, #tpu.memory_space<semaphore_mem>>) src(%dma_wait3A_1021 : memref<10000x128xf32, #tpu.memory_space<hbm>>) dst(%arg10 : memref<100x128xf32, #tpu.memory_space<vmem>>)
    %run_scoped3A_1022 = arith.constant 9 : i32
    "tpu.region"() ({
      %run_scoped3A_1029 = tpu.sem_alloc : memref<!tpu.dma_semaphore, #tpu.memory_space<semaphore_mem>>
      %dma_start3A_1030 = arith.constant 0 : i32
      %dma_start3A_1031 = tpu.memref_slice %arg9[%run_scoped3A_1022, %dma_start3A_1030] : memref<10x100xi32, #tpu.memory_space<vmem>> -> memref<1x100xi32, #tpu.memory_space<vmem>>
      %dma_start3A_1032 = tpu.memref_squeeze %dma_start3A_1031 : memref<1x100xi32, #tpu.memory_space<vmem>> -> memref<100xi32, #tpu.memory_space<vmem>>
      %dma_start3A_1033 = arith.constant 0 : i32
      %dma_start3A_1034 = arith.constant 0 : i32
      %dma_start3A_1035 = tpu.memref_slice %arg18[%dma_start3A_1033, %dma_start3A_1034] : memref<10000x128xf32, #tpu.memory_space<vmem_shared>> -> memref<10000x128xf32, #tpu.memory_space<vmem_shared>>
      tpu.enqueue_indirect_dma source(%arg10 : memref<100x128xf32, #tpu.memory_space<vmem>>) target(%dma_start3A_1035 : memref<10000x128xf32, #tpu.memory_space<vmem_shared>>) offsets(%dma_start3A_1032 : memref<100xi32, #tpu.memory_space<vmem>>) semaphore(%run_scoped3A_1029 : memref<!tpu.dma_semaphore, #tpu.memory_space<semaphore_mem>>) {add = true}
      %dma_wait3A_1036 = arith.constant 0 : i32
      %dma_wait3A_1037 = tpu.memref_slice %arg9[%run_scoped3A_1022, %dma_wait3A_1036] : memref<10x100xi32, #tpu.memory_space<vmem>> -> memref<1x100xi32, #tpu.memory_space<vmem>>
      %dma_wait3A_1038 = tpu.memref_squeeze %dma_wait3A_1037 : memref<1x100xi32, #tpu.memory_space<vmem>> -> memref<100xi32, #tpu.memory_space<vmem>>
      %dma_wait3A_1039 = arith.constant 0 : i32
      %dma_wait3A_1040 = arith.constant 0 : i32
      %dma_wait3A_1041 = tpu.memref_slice %arg18[%dma_wait3A_1039, %dma_wait3A_1040] : memref<10000x128xf32, #tpu.memory_space<vmem_shared>> -> memref<10000x128xf32, #tpu.memory_space<vmem_shared>>
      tpu.wait_indirect_dma semaphore(%run_scoped3A_1029 : memref<!tpu.dma_semaphore, #tpu.memory_space<semaphore_mem>>) src(%arg10 : memref<100x128xf32, #tpu.memory_space<vmem>>) dst(%dma_wait3A_1041 : memref<10000x128xf32, #tpu.memory_space<vmem_shared>>)
      tpu.yield
    }) : () -> ()
    %barrier3A_1023 = arith.constant 0 : index
    tpu.barrier barrier_id(%barrier3A_1023)
    %scan3A_1024 = arith.constant 0 : i32
    %scan3A_1025 = arith.constant 8 : i32
    %scan3A_1026 = arith.addi %scan3A_1024, %scan3A_1025 : i32
    %scan3A_1027 = arith.constant 1 : i32
    scf.for %scan3A_1029 = %scan3A_1024 to %scan3A_1026 step %scan3A_1027  : i32 {
      %mul3A_1030 = arith.constant 1 : i32
      %mul3A_1031 = arith.muli %scan3A_1029, %mul3A_1030 : i32
      %add3A_1032 = arith.constant 0 : i32
      %add3A_1033 = arith.addi %add3A_1032, %mul3A_1031 : i32
      %mul3A_1034 = arith.constant 16 : i32
      %mul3A_1035 = arith.muli %add3A_1033, %mul3A_1034 : i32
      %add3A_1036 = arith.addi %arg1, %mul3A_1035 : i32
      %lt3A = arith.constant 125 : i32
      %lt3A_1037 = arith.cmpi slt, %add3A_1036, %lt3A : i32
      %convert_element_type3A = arith.extui %lt3A_1037 : i1 to i32
      %cond3A = arith.constant 0 : i32
      %cond3A_1038 = arith.cmpi ne, %convert_element_type3A, %cond3A : i32
      scf.if %cond3A_1038 {
        %mul3A_1039 = arith.constant 80 : i32
        %mul3A_1040 = arith.muli %add3A_1036, %mul3A_1039 : i32
        "tpu.region"() ({
          %run_scoped3A_1041 = tpu.sem_alloc : memref<!tpu.dma_semaphore, #tpu.memory_space<semaphore_mem>>
          %dma_start3A_1042 = arith.constant 0 : i32
          %dma_start3A_1043 = arith.constant 0 : i32
          %dma_start3A_1044 = tpu.memref_slice %arg10[%dma_start3A_1042, %dma_start3A_1043] : memref<100x128xf32, #tpu.memory_space<vmem>> -> memref<80x128xf32, #tpu.memory_space<vmem>>
          %dma_start3A_1045 = arith.constant 0 : i32
          %dma_start3A_1046 = tpu.memref_slice %arg18[%mul3A_1040, %dma_start3A_1045] : memref<10000x128xf32, #tpu.memory_space<vmem_shared>> -> memref<80x128xf32, #tpu.memory_space<vmem_shared>>
          %dma_start3A_1047 = arith.constant 0 : i32
          %dma_start3A_1048 = arith.constant 0 : i32
          %dma_start3A_1049 = tpu.memref_slice %arg10[%dma_start3A_1047, %dma_start3A_1048] : memref<100x128xf32, #tpu.memory_space<vmem>> -> memref<80x128xf32, #tpu.memory_space<vmem>>
          %dma_start3A_1050 = arith.constant 0 : i32
          %dma_start3A_1051 = tpu.memref_slice %arg18[%mul3A_1040, %dma_start3A_1050] : memref<10000x128xf32, #tpu.memory_space<vmem_shared>> -> memref<80x128xf32, #tpu.memory_space<vmem_shared>>
          tpu.enqueue_dma source(%dma_start3A_1051 : memref<80x128xf32, #tpu.memory_space<vmem_shared>>) target(%dma_start3A_1049 : memref<80x128xf32, #tpu.memory_space<vmem>>) target_semaphore(%run_scoped3A_1041 : memref<!tpu.dma_semaphore, #tpu.memory_space<semaphore_mem>>)
          %dma_wait3A_1052 = arith.constant 0 : i32
          %dma_wait3A_1053 = arith.constant 0 : i32
          %dma_wait3A_1054 = tpu.memref_slice %arg10[%dma_wait3A_1052, %dma_wait3A_1053] : memref<100x128xf32, #tpu.memory_space<vmem>> -> memref<80x128xf32, #tpu.memory_space<vmem>>
          %dma_wait3A_1055 = arith.constant 0 : i32
          %dma_wait3A_1056 = tpu.memref_slice %arg18[%mul3A_1040, %dma_wait3A_1055] : memref<10000x128xf32, #tpu.memory_space<vmem_shared>> -> memref<80x128xf32, #tpu.memory_space<vmem_shared>>
          %dma_wait3A_1057 = arith.constant 0 : i32
          %dma_wait3A_1058 = arith.constant 0 : i32
          %dma_wait3A_1059 = tpu.memref_slice %arg10[%dma_wait3A_1057, %dma_wait3A_1058] : memref<100x128xf32, #tpu.memory_space<vmem>> -> memref<80x128xf32, #tpu.memory_space<vmem>>
          %dma_wait3A_1060 = arith.constant 0 : i32
          %dma_wait3A_1061 = tpu.memref_slice %arg18[%mul3A_1040, %dma_wait3A_1060] : memref<10000x128xf32, #tpu.memory_space<vmem_shared>> -> memref<80x128xf32, #tpu.memory_space<vmem_shared>>
          tpu.wait_dma2 semaphore(%run_scoped3A_1041 : memref<!tpu.dma_semaphore, #tpu.memory_space<semaphore_mem>>) src(%dma_wait3A_1061 : memref<80x128xf32, #tpu.memory_space<vmem_shared>>) dst(%dma_wait3A_1059 : memref<80x128xf32, #tpu.memory_space<vmem>>)
          tpu.yield
        }) : () -> ()
        "tpu.region"() ({
          %run_scoped3A_1041 = tpu.sem_alloc : memref<!tpu.dma_semaphore, #tpu.memory_space<semaphore_mem>>
          %dma_start3A_1042 = arith.constant 0 : i32
          %dma_start3A_1043 = arith.constant 0 : i32
          %dma_start3A_1044 = tpu.memref_slice %arg10[%dma_start3A_1042, %dma_start3A_1043] : memref<100x128xf32, #tpu.memory_space<vmem>> -> memref<80x128xf32, #tpu.memory_space<vmem>>
          %dma_start3A_1045 = arith.constant 0 : i32
          %dma_start3A_1046 = tpu.memref_slice %arg5[%arg0, %mul3A_1040, %dma_start3A_1045] : memref<2x10000x128xf32, #tpu.memory_space<hbm>> -> memref<1x80x128xf32, #tpu.memory_space<hbm>>
          %dma_start3A_1047 = tpu.memref_squeeze %dma_start3A_1046 : memref<1x80x128xf32, #tpu.memory_space<hbm>> -> memref<80x128xf32, #tpu.memory_space<hbm>>
          %dma_start3A_1048 = arith.constant 0 : i32
          %dma_start3A_1049 = tpu.memref_slice %arg5[%arg0, %mul3A_1040, %dma_start3A_1048] : memref<2x10000x128xf32, #tpu.memory_space<hbm>> -> memref<1x80x128xf32, #tpu.memory_space<hbm>>
          %dma_start3A_1050 = tpu.memref_squeeze %dma_start3A_1049 : memref<1x80x128xf32, #tpu.memory_space<hbm>> -> memref<80x128xf32, #tpu.memory_space<hbm>>
          %dma_start3A_1051 = arith.constant 0 : i32
          %dma_start3A_1052 = arith.constant 0 : i32
          %dma_start3A_1053 = tpu.memref_slice %arg10[%dma_start3A_1051, %dma_start3A_1052] : memref<100x128xf32, #tpu.memory_space<vmem>> -> memref<80x128xf32, #tpu.memory_space<vmem>>
          tpu.enqueue_dma source(%dma_start3A_1053 : memref<80x128xf32, #tpu.memory_space<vmem>>) target(%dma_start3A_1050 : memref<80x128xf32, #tpu.memory_space<hbm>>) target_semaphore(%run_scoped3A_1041 : memref<!tpu.dma_semaphore, #tpu.memory_space<semaphore_mem>>)
          %dma_wait3A_1054 = arith.constant 0 : i32
          %dma_wait3A_1055 = arith.constant 0 : i32
          %dma_wait3A_1056 = tpu.memref_slice %arg10[%dma_wait3A_1054, %dma_wait3A_1055] : memref<100x128xf32, #tpu.memory_space<vmem>> -> memref<80x128xf32, #tpu.memory_space<vmem>>
          %dma_wait3A_1057 = arith.constant 0 : i32
          %dma_wait3A_1058 = tpu.memref_slice %arg5[%arg0, %mul3A_1040, %dma_wait3A_1057] : memref<2x10000x128xf32, #tpu.memory_space<hbm>> -> memref<1x80x128xf32, #tpu.memory_space<hbm>>
          %dma_wait3A_1059 = tpu.memref_squeeze %dma_wait3A_1058 : memref<1x80x128xf32, #tpu.memory_space<hbm>> -> memref<80x128xf32, #tpu.memory_space<hbm>>
          %dma_wait3A_1060 = arith.constant 0 : i32
          %dma_wait3A_1061 = tpu.memref_slice %arg5[%arg0, %mul3A_1040, %dma_wait3A_1060] : memref<2x10000x128xf32, #tpu.memory_space<hbm>> -> memref<1x80x128xf32, #tpu.memory_space<hbm>>
          %dma_wait3A_1062 = tpu.memref_squeeze %dma_wait3A_1061 : memref<1x80x128xf32, #tpu.memory_space<hbm>> -> memref<80x128xf32, #tpu.memory_space<hbm>>
          %dma_wait3A_1063 = arith.constant 0 : i32
          %dma_wait3A_1064 = arith.constant 0 : i32
          %dma_wait3A_1065 = tpu.memref_slice %arg10[%dma_wait3A_1063, %dma_wait3A_1064] : memref<100x128xf32, #tpu.memory_space<vmem>> -> memref<80x128xf32, #tpu.memory_space<vmem>>
          tpu.wait_dma2 semaphore(%run_scoped3A_1041 : memref<!tpu.dma_semaphore, #tpu.memory_space<semaphore_mem>>) src(%dma_wait3A_1065 : memref<80x128xf32, #tpu.memory_space<vmem>>) dst(%dma_wait3A_1062 : memref<80x128xf32, #tpu.memory_space<hbm>>)
          tpu.yield
        }) : () -> ()
      } else {
      }
    }
    %scan3A_1028 = arith.constant 8 : i32
    return
  }
}

module attributes {stable_mosaic.version = 14 : i64} {
  func.func @body(%arg0: i32, %arg1: memref<1000x128xf32, #tpu.memory_space<vmem>>, %arg2: memref<2x1000x128xf32, #tpu.memory_space<vmem>>, %arg3: memref<128x128xf32, #tpu.memory_space<vmem>>, %arg4: memref<128x128xf32, #tpu.memory_space<vmem>>, %arg5: memref<1x128xf32, #tpu.memory_space<vmem>>, %arg6: memref<1000x128xf32, #tpu.memory_space<vmem>>) attributes {dimension_semantics = [#tpu.dimension_semantics<arbitrary>], iteration_bounds = array<i64: 10>, scalar_prefetch = 0 : i64, scratch_operands = 0 : i64, tpu.core_type = #tpu.core_type<tc>, window_params = [{transform_indices = @transform_0, window_bounds = array<i64: 1000, 128>}, {transform_indices = @transform_1, window_bounds = array<i64: 2, 1000, 128>}, {pipeline_mode = #tpu.pipeline_mode<synchronous>, transform_indices = @transform_2, window_bounds = array<i64: 128, 128>}, {pipeline_mode = #tpu.pipeline_mode<synchronous>, transform_indices = @transform_3, window_bounds = array<i64: 128, 128>}, {pipeline_mode = #tpu.pipeline_mode<synchronous>, transform_indices = @transform_4, window_bounds = array<i64: 1, 128>}, {transform_indices = @transform_5, window_bounds = array<i64: 1000, 128>}]} {
    %get3A = arith.constant 0 : index
    %get3A_0 = arith.constant 0 : index
    %get3A_1 = arith.constant 0 : index
    %get3A_2 = vector.load %arg2[%get3A, %get3A_0, %get3A_1] : memref<2x1000x128xf32, #tpu.memory_space<vmem>>, vector<1x1000x128xf32>
    %get3A_3 = vector.shape_cast %get3A_2 : vector<1x1000x128xf32> to vector<1000x128xf32>
    %get3A_4 = arith.constant 1 : index
    %get3A_5 = arith.constant 0 : index
    %get3A_6 = arith.constant 0 : index
    %get3A_7 = vector.load %arg2[%get3A_4, %get3A_5, %get3A_6] : memref<2x1000x128xf32, #tpu.memory_space<vmem>>, vector<1x1000x128xf32>
    %get3A_8 = vector.shape_cast %get3A_7 : vector<1x1000x128xf32> to vector<1000x128xf32>
    %add3A = arith.addf %get3A_3, %get3A_8 : vector<1000x128xf32>
    %get3A_9 = arith.constant 0 : index
    %get3A_10 = arith.constant 0 : index
    %get3A_11 = vector.load %arg1[%get3A_9, %get3A_10] : memref<1000x128xf32, #tpu.memory_space<vmem>>, vector<1000x128xf32>
    %get3A_12 = arith.constant 0 : index
    %get3A_13 = arith.constant 0 : index
    %get3A_14 = vector.load %arg3[%get3A_12, %get3A_13] : memref<128x128xf32, #tpu.memory_space<vmem>>, vector<128x128xf32>
    %dot_general3A = arith.constant dense<0.000000e+00> : vector<1000x128xf32>
    %dot_general3A_15 = tpu.matmul %get3A_11, %get3A_14, %dot_general3A {dimension_numbers = #tpu.dot_dimension_numbers<[1], [0], [0], [1], [0, 0, 1, 1], [], []>, transpose_lhs_hint = false} : vector<1000x128xf32>, vector<128x128xf32>, vector<1000x128xf32> -> vector<1000x128xf32>
    %get3A_16 = arith.constant 0 : index
    %get3A_17 = arith.constant 0 : index
    %get3A_18 = vector.load %arg4[%get3A_16, %get3A_17] : memref<128x128xf32, #tpu.memory_space<vmem>>, vector<128x128xf32>
    %dot_general3A_19 = arith.constant dense<0.000000e+00> : vector<1000x128xf32>
    %dot_general3A_20 = tpu.matmul %add3A, %get3A_18, %dot_general3A_19 {dimension_numbers = #tpu.dot_dimension_numbers<[1], [0], [0], [1], [0, 0, 1, 1], [], []>, transpose_lhs_hint = false} : vector<1000x128xf32>, vector<128x128xf32>, vector<1000x128xf32> -> vector<1000x128xf32>
    %add3A_21 = arith.addf %dot_general3A_15, %dot_general3A_20 : vector<1000x128xf32>
    %get3A_22 = arith.constant 0 : index
    %get3A_23 = arith.constant 0 : index
    %get3A_24 = vector.load %arg5[%get3A_22, %get3A_23] : memref<1x128xf32, #tpu.memory_space<vmem>>, vector<1x128xf32>
    %add3A_25 = vector.broadcast %get3A_24 : vector<1x128xf32> to vector<1000x128xf32>
    %add3A_26 = arith.addf %add3A_21, %add3A_25 : vector<1000x128xf32>
    %swap3A = arith.constant 0 : index
    %swap3A_27 = arith.constant 0 : index
    %swap3A_28 = vector.load %arg6[%swap3A, %swap3A_27] : memref<1000x128xf32, #tpu.memory_space<vmem>>, vector<1000x128xf32>
    tpu.vector_store %arg6[%swap3A, %swap3A_27], %add3A_26 {strides = array<i32>} : memref<1000x128xf32, #tpu.memory_space<vmem>>, vector<1000x128xf32>,
    return
  }
  func.func @transform_0(%arg0: i32) -> (i32, i32) {
    %c0_i32 = arith.constant 0 : i32
    %c0_i32_0 = arith.constant 0 : i32
    return %arg0, %c0_i32 : i32, i32
  }
  func.func @transform_1(%arg0: i32) -> (i32, i32, i32) {
    %c0_i32 = arith.constant 0 : i32
    %c0_i32_0 = arith.constant 0 : i32
    %c0_i32_1 = arith.constant 0 : i32
    return %c0_i32, %arg0, %c0_i32_0 : i32, i32, i32
  }
  func.func @transform_2(%arg0: i32) -> (i32, i32) {
    %c0_i32 = arith.constant 0 : i32
    %c0_i32_0 = arith.constant 0 : i32
    %c0_i32_1 = arith.constant 0 : i32
    return %c0_i32, %c0_i32_0 : i32, i32
  }
  func.func @transform_3(%arg0: i32) -> (i32, i32) {
    %c0_i32 = arith.constant 0 : i32
    %c0_i32_0 = arith.constant 0 : i32
    %c0_i32_1 = arith.constant 0 : i32
    return %c0_i32, %c0_i32_0 : i32, i32
  }
  func.func @transform_4(%arg0: i32) -> (i32, i32) {
    %c0_i32 = arith.constant 0 : i32
    %c0_i32_0 = arith.constant 0 : i32
    %c0_i32_1 = arith.constant 0 : i32
    return %c0_i32, %c0_i32_0 : i32, i32
  }
  func.func @transform_5(%arg0: i32) -> (i32, i32) {
    %c0_i32 = arith.constant 0 : i32
    %c0_i32_0 = arith.constant 0 : i32
    return %arg0, %c0_i32 : i32, i32
  }
}

</mosaic_0001>

<sc_bundles>
// kernel: kernel.4.cloned.1.call-start
scs
__scs_entry_jumppad:
0x0: {  	(pc) =	sbr.rel $0x88, $3  }
0x1: {  	(tag) =	ssettag $0x0;
	lr =	simm.s32 $0x1  }
0x2: {  	[smem:$0x3F9B] =	sst lr;
	_ =	strace $0xD0000000  }
0x3: {  	_ = 	snop  }
0x4: {  	_ = 	snop  }
0x5: {  	_ = 	snop  }
0x6: {  	_ = 	snop  }
0x7: {  	_ = 	snop  }
__scs_overlays_trampoline_lowered:
0x8: {  	[smem:$0x3FAA] =	sst s0  }
0x9: {  	[smem:$0x3FAB] =	sst s1  }
0xa: {  	[smem:$0x3FAC] =	sst s2  }
0xb: {  	[smem:$0x3FAD] =	sst s3  }
0xc: {  	[smem:$0x3FAE] =	sst s4  }
0xd: {  	[smem:$0x3FAF] =	sst s5  }
0xe: {  	[smem:$0x3FB0] =	sst s6  }
0xf: {  	[smem:$0x3FB1] =	sst s7  }
0x10: {  	[smem:$0x3FB2] =	sst s8  }
0x11: {  	[smem:$0x3FB3] =	sst s9;
	s0 =	simm.s32 @!p0 $0x0  }
0x12: {  	s1 =	sld [smem:$0x3F99];
	s0 =	simm.s32 @p0 $0x1  }
0x13: {  	[smem:$0x3FB4] =	sst s0;
	s0 =	simm.s32 @!p1 $0x0  }
0x14: {  	s2 =	sld [smem:$0x3F98];
	s0 =	simm.s32 @p1 $0x1  }
0x15: {  	[smem:$0x3FB5] =	sst s0;
	s0 =	simm.s32 @!p2 $0x0  }
0x16: {  	s3 =	sld [smem:$0x3FDB];
	s0 =	simm.s32 @p2 $0x1  }
0x17: {  	s4 =	simm.s32 $0x1BF5;
	[smem:$0x3FB7] =	sst s0  }
0x18: {  	s0 =	sld [smem:$0x3F9A];
	_ =	swait.ge [sflag:s4], $0x0  }
0x19: {  	s7 =	sld [smem:$0x3F9B]  }
0x1a: {  	s8 =	sadd.s32 $0xFFFFE003, lr  }
0x1b: {  	s9 =	sadd.s32 $0xFFFFFEF7, lr;
	s5 =	simm.s32 $0xFFFFFFFF;
	p2 =	slt.u32 s8, $0xFFFFF086  }
0x1c: {  	p1 =	slt.u32 s9, $0xF7A;
	s5 =	simm.s32 @!p2 $0x0  }
0x1d: {  	s5 =	simm.s32 @p1 $0x1;
	p0 =	seq.s32 s7, s2  }
0x1e: {  	s7 =	smul.u32 @!p0 $0xF7A, s2;
	p2 =	seq.s32 @!p0 s5, $0x0  }
0x1f: {  	s9 =	smul.u32 $0xF7A, s1;
	s8 =	simm.s32 @!p0 $0x1BF5;
	p2 =	por !p2, p0  }
0x20: {  	[sflag:s8] =	ssyncset.s32 @!p0 $0xFFFFF086;
	s6 =	sadd.s32 @!p0 s3, s7;
	s7 =	simm.s32 @!p0 $0x108  }
0x21: {  	s3 =	sadd.s32 s3, s9;
	s6 =	sadd.s32 @!p0 $0x88, s6;
	s7 =	simm.s32 @p2 $0x1082  }
0x22: {  	[simem:s7], [sflag:s8] =	dma.local @!p0 [hbm:s6], $0xF7A  }
0x23: {  	s9 =	sor.u32 $0xD0000000, s2;
	s6 =	simm.s32 $0x108;
	_ =	swait.ge @!p0 [sflag:s8], $0x0  }
0x24: {  	s3 =	sadd.s32 $0x88, s3;
	s6 =	simm.s32 @!p1 $0x1082;
	[sflag:s4] =	ssyncset.s32 $0xFFFFF086  }
0x25: {  	[simem:s6], [sflag:s4] =	dma.local [hbm:s3], $0xF7A  }
0x26: {  	[smem:$0x3F9B] =	sst s1;
	(tag) =	ssettag s2;
	_ =	strace s9  }
0x27: {  	s1 =	sld [smem:$0x3FAB]  }
0x28: {  	s2 =	sld [smem:$0x3FAC]  }
0x29: {  	s4 =	sld [smem:$0x3FAE]  }
0x2a: {  	p0 =	seq.s32 s5, $0x0;
	s5 =	sld [smem:$0x3FAF]  }
0x2b: {  	s6 =	sld [smem:$0x3FB0]  }
0x2c: {  	s7 =	sld [smem:$0x3FB1]  }
0x2d: {  	s3 =	simm.s32 $0x108;
	s8 =	sld [smem:$0x3FB2]  }
0x2e: {  	s3 =	simm.s32 @!p0 $0x1082;
	s9 =	sld [smem:$0x3FB3]  }
0x2f: {  	lr =	sadd.s32 s0, s3;
	s0 =	sld [smem:$0x3FAA]  }
0x30: {  	s3 =	sld [smem:$0x3FAD]  }
0x31: {  	[smem:$0x3FB6] =	sst s10  }
0x32: {  	s10 =	sld [smem:$0x3FB4];
	_ =	sdelay $0x3  }
0x33: {  	p0 =	seq.s32 s10, $0x1;
	s10 =	sld [smem:$0x3FB6];
	_ =	sdelay $0x3  }
0x34: {  	[smem:$0x3FB6] =	sst s10  }
0x35: {  	s10 =	sld [smem:$0x3FB5];
	_ =	sdelay $0x3  }
0x36: {  	p1 =	seq.s32 s10, $0x1;
	s10 =	sld [smem:$0x3FB6];
	_ =	sdelay $0x3  }
0x37: {  	[smem:$0x3FB6] =	sst s10  }
0x38: {  	s10 =	sld [smem:$0x3FB7]  }
0x39: {  	_ = 	snop;
	(pc) =	sbr.ind lr, $3  }
0x3a: {  	_ = 	snop  }
0x3b: {  	_ = 	snop  }
0x3c: {  	p2 =	seq.s32 s10, $0x1;
	s10 =	sld [smem:$0x3FB6]  }
0x3d: {  	_ =	shalt  }
0x3e: {  	_ =	shalt  }
0x3f: {  	_ =	shalt  }
0x40: {  	_ =	shalt  }
0x41: {  	_ =	shalt  }
0x42: {  	_ =	shalt  }
0x43: {  	_ =	shalt  }
0x44: {  	_ =	shalt  }
0x45: {  	_ =	shalt  }
0x46: {  	_ =	shalt  }
0x47: {  	_ =	shalt  }
0x48: {  	_ =	shalt  }
0x49: {  	_ =	shalt  }
0x4a: {  	_ =	shalt  }
0x4b: {  	_ =	shalt  }
0x4c: {  	_ =	shalt  }
0x4d: {  	_ =	shalt  }
0x4e: {  	_ =	shalt  }
0x4f: {  	_ =	shalt  }
0x50: {  	_ =	shalt  }
0x51: {  	_ =	shalt  }
0x52: {  	_ =	shalt  }
0x53: {  	_ =	shalt  }
0x54: {  	_ =	shalt  }
0x55: {  	_ =	shalt  }
0x56: {  	_ =	shalt  }
0x57: {  	_ =	shalt  }
0x58: {  	_ =	shalt  }
0x59: {  	_ =	shalt  }
0x5a: {  	_ =	shalt  }
0x5b: {  	_ =	shalt  }
0x5c: {  	_ =	shalt  }
0x5d: {  	_ =	shalt  }
0x5e: {  	_ =	shalt  }
0x5f: {  	_ =	shalt  }
0x60: {  	_ =	shalt  }
0x61: {  	_ =	shalt  }
0x62: {  	_ =	shalt  }
0x63: {  	_ =	shalt  }
0x64: {  	_ =	shalt  }
0x65: {  	_ =	shalt  }
0x66: {  	_ =	shalt  }
0x67: {  	_ =	shalt  }
0x68: {  	_ =	shalt  }
0x69: {  	_ =	shalt  }
0x6a: {  	_ =	shalt  }
0x6b: {  	_ =	shalt  }
0x6c: {  	_ =	shalt  }
0x6d: {  	_ =	shalt  }
0x6e: {  	_ =	shalt  }
0x6f: {  	_ =	shalt  }
0x70: {  	_ =	shalt  }
0x71: {  	_ =	shalt  }
0x72: {  	_ =	shalt  }
0x73: {  	_ =	shalt  }
0x74: {  	_ =	shalt  }
0x75: {  	_ =	shalt  }
0x76: {  	_ =	shalt  }
0x77: {  	_ =	shalt  }
0x78: {  	_ =	shalt  }
0x79: {  	_ =	shalt  }
0x7a: {  	_ =	shalt  }
0x7b: {  	_ =	shalt  }
0x7c: {  	_ =	shalt  }
0x7d: {  	_ =	shalt  }
0x7e: {  	_ =	shalt  }
0x7f: {  	_ =	shalt  }
0x80: {  	_ =	shalt  }
0x81: {  	_ =	shalt  }
0x82: {  	_ =	shalt  }
0x83: {  	_ =	shalt  }
0x84: {  	_ =	shalt  }
0x85: {  	_ =	shalt  }
0x86: {  	_ =	shalt  }
0x87: {  	_ =	shalt  }
.Lfunc_end0:
.L_simem_size_0:
called_computation_lowered:
.L_overlay_start_0:
0x88: {  	s2 =	sld [smem:$0x3FD9]  }
0x89: {  	s3 =	sld [smem:$0x3FFE];
	_ =	sdelay $0x1  }
0x8a: {  	s1 =	srdreg.scid  }
0x8b: {  	s0 =	sand.u32 $0x1, s1  }
0x8c: {  	s17 =	sshll.u32 s0, $0xA;
	s2 =	sadd.s32 s3, s2  }
0x8d: {  	s2 =	sadd.s32 s2, s17  }
0x8e: {  	[smem:$0x3FC2] =	sst s2  }
0x8f: {  	_ = 	snop  }
0x90: {  	s2 =	sld [smem:$0x3FC9]  }
0x91: {  	s18 =	sld [smem:$0x3FD0];
	(tm) =	ssettm $0x1  }
0x92: {  	s4 =	sld [smem:$0x3FFB];
	_ =	sdelay $0x3  }
0x93: {  	_ =	strace s4  }
0x94: {  	s4 =	sld [smem:$0x3FFC];
	_ =	sdelay $0x3  }
0x95: {  	_ =	strace s4  }
0x96: {  	s4 =	sld [smem:$0x3FFD];
	_ =	sdelay $0x3  }
0x97: {  	_ =	strace s4  }
0x98: {  	_ =	strace $0x8FFFFFFF  }
0x99: {  	s19 =	sld [smem:$0x3FDB];
	_ =	sdelay $0x1  }
0x9a: {  	s5 =	simm.s32 $_scs_section_size  }
0x9b: {  	s6 =	simm.s32 $_size__tile_overlayer_lowered;
	s7 =	simm.s32 $_tile_overlayer_lowered  }
0x9c: {  	s22 =	simm.s32 $0x1BFF;
	s21 =	sshll.u32 s7, $0x1;
	s4 =	sadd.s32 s5, s19  }
0x9d: {  	s8 =	simm.s32 $0x0;
	s20 =	sshll.u32 s6, $0x1;
	s6 =	sadd.s32 s21, s4  }
0x9e: {  	[timem:s8], [sflag:s22] =	dma.local [hbm:s6], s20  }
0x9f: {  	_ =	swait.ge [sflag:s22], s20  }
0xa0: {  	s5 =	ssub.s32 $0x0, s20;
	[sflag:s22] =	ssyncset.done $0x0  }
0xa1: {  	[sflag:s22] =	ssyncadd.s32 s5;
	_ =	sdelay $0x1  }
0xa2: {  	s23 =	simm.s32 $0x1B8B  }
0xa3: {  	_ =	swait.ge [sflag:s23], $0x1  }
0xa4: {  	[sflag:s23] =	ssyncset.done $0x0  }
0xa5: {  	s25 =	simm.s32 $0x1B8E;
	s24 =	sld [smem:$0x3FFE];
	[sflag:s23] =	ssyncadd.s32 $0xFFFFFFFF  }
0xa6: {  	s26 =	simm.s32 $execute0_lowered;
	[smem:$0x3FD2] =	sst s25  }
0xa7: {  	s6 =	sshll.u32 s26, $0x1;
	_ =	strace $0x80000046;
	[dreg:$0x1] =	wrdreg $0xFFFFFFFF  }
0xa8: {  	s28 =	simm.s32 $_size_execute0_lowered;
	s4 =	sadd.s32 s4, s6;
	[dreg:$0x0] =	wrdreg $0x0  }
0xa9: {  	s6 =	sshll.u32 s28, $0x1;
	[dreg:$0x2] =	wrdreg s4  }
0xaa: {  	[dreg:$0x3] =	wrdreg s6  }
0xab: {  	[dreg:$0x4] =	wrdreg $0xC0  }
0xac: {  	_ =	task [dreg:s8], $0x5FFFF  }
0xad: {  	[dreg:$0x1] =	wrdreg $0xFFFFFFFF  }
0xae: {  	[dreg:$0x0] =	wrdreg $0x60  }
0xaf: {  	[dreg:$0x2] =	wrdreg s2  }
0xb0: {  	[dreg:$0x3] =	wrdreg s18  }
0xb1: {  	[dreg:$0x4] =	wrdreg s24  }
0xb2: {  	[dreg:$0x5] =	wrdreg $0xBC000  }
0xb3: {  	[dreg:$0x6] =	wrdreg $0x9  }
0xb4: {  	_ =	task.clear_ibuf [dreg:s8], $0x7FFFF;
	_ =	strace $0x90000046  }
0xb5: {  	s29 =	simm.s32 $0x9;
	_ =	strace $0x80000048  }
0xb6: {  	_ =	swait.ge [sflag:s29], $0x1  }
0xb7: {  	[sflag:s29] =	ssyncadd.s32 $0xFFFFFFFF  }
0xb8: {  	_ =	strace $0x90000048  }
0xb9: {  	_ =	sfence  }
0xba: {  	s30 =	sld [smem:$0x0];
	_ =	sdelay $0x2  }
0xbb: {  	s31 =	sshll.u32 s1, $0xD;
	s1 =	sshrl.u32 s1, $0x2  }
0xbc: {  	s3 =	sand.u32 $0x4000, s31;
	s1 =	sadd.s32 s1, s30  }
0xbd: {  	s0 =	sor.u32 s3, s0;
	s1 =	sshll.u32 s1, $0x11  }
0xbe: {  	s0 =	sor.u32 s1, s0  }
0xbf: {  	s0 =	sadd.s32 $0x8F2B, s0  }
0xc0: {  	[sflag:s0] =	ssyncadd.remote.s32 $0x1  }
0xc1: {  	_ =	sfence.sel $0xFFFF  }
0xc2: {  	[dreg:$0x0] =	wrdreg $0xFFFFFFFF;
	(pc) =	sbr.abs _section_cstart, $3  }
0xc3: {  	[dreg:$0x1] =	wrdreg $0xFFFFFFFF  }
0xc4: {  	_ =	task.clear_ibuf [dreg:s8], $0x2FFFF;
	_ =	strace $0x9FFFFFFF  }
0xc5: {  	(tm) =	ssettm $0x7FFFFFFF  }
tec
execute0_lowered:
.L_overlay_start_1:
0x0: {  	(tag) =	ssettag $0x1  }
0x1: {  	s0 =	srdreg.scid;
	s2 =	rddreg [dreg:$0x1]  }
0x2: {  	s4 =	rddreg [dreg:$0x2];
	s1 =	sand.u32 $0x1, s0  }
0x3: {  	s18 =	stileid.u32;
	s29 =	rddreg [dreg:$0x0];
	s0 =	sshll.u32 s1, $0x4  }
0x4: {  	s28 =	rddreg [dreg:$0x3];
	s0 =	sor.u32 s18, s0  }
0x5: {  	s31 =	simm.s32 $0x3;
	s7 =	sadd.s32 $0xE00, s4;
	s0 =	smul.u32 $0x5000, s0  }
0x6: {  	s25 =	sor.u32 $0x10, s18;
	s4 =	sadd.s32 $0x14E00, s4;
	p1 =	sgt.u32 s18, $0xC  }
0x7: {  	s3 =	ssub.s32 $0x2, s1;
	s1 =	smul.u32 $0x138800, s1;
	s6 =	sshrl.u32 s0, $0x3  }
0x8: {  	s5 =	sshrl.u32 s3, $0x1;
	s26 =	sor.u32 $0x100, s6;
	s30 =	sadd.s32 s2, s6  }
0x9: {  	s0 =	ssub.s32 s3, s5;
	[dreg:$0x5] =	wrdreg s30;
	s8 =	sadd.s32 s2, s26  }
0xa: {  	s9 =	sadd.s32 $0x200, s6;
	s3 =	sadd.s32 s7, s26;
	[dreg:$0x6] =	wrdreg s8  }
0xb: {  	s11 =	sadd.s32 $0x300, s6;
	s10 =	sadd.s32 s2, s9;
	[dreg:$0x7] =	wrdreg s3  }
0xc: {  	s13 =	sadd.s32 $0x400, s6;
	s5 =	sadd.s32 s7, s9;
	[dreg:$0x8] =	wrdreg s10  }
0xd: {  	s15 =	sadd.s32 $0x500, s6;
	s12 =	sadd.s32 s2, s11;
	[dreg:$0x9] =	wrdreg s5  }
0xe: {  	s17 =	sadd.s32 $0x600, s6;
	s14 =	sadd.s32 s2, s13;
	[dreg:$0xa] =	wrdreg s12  }
0xf: {  	s20 =	sadd.s32 $0x700, s6;
	s16 =	sadd.s32 s2, s15;
	[dreg:$0xc] =	wrdreg s14  }
0x10: {  	s22 =	sadd.s32 $0x800, s6;
	s19 =	sadd.s32 s2, s17;
	[dreg:$0xe] =	wrdreg s16  }
0x11: {  	s0 =	smax.u32 s0, $0x1;
	s21 =	sadd.s32 s2, s20;
	[dreg:$0x10] =	wrdreg s19  }
0x12: {  	s23 =	sadd.s32 s2, s22;
	s26 =	smul.u32 $0x2800, s18;
	[dreg:$0x12] =	wrdreg s21  }
0x13: {  	s24 =	sadd.s32 s7, s22;
	s9 =	smul.u32 $0x2800, s25;
	[dreg:$0x14] =	wrdreg s23  }
0x14: {  	s3 =	sadd.s32 s7, s11;
	s5 =	sadd.s32 s7, s13;
	[dreg:$0x15] =	wrdreg s24  }
0x15: {  	s8 =	sadd.s32 s7, s6;
	s6 =	sadd.s32 $0x900, s6;
	s10 =	sor.u32 $0x30, s18  }
0x16: {  	s13 =	sor.u32 $0x60, s18;
	s21 =	simm.s32 $0x0;
	[dreg:$0xb] =	wrdreg s3  }
0x17: {  	[dreg:$0xd] =	wrdreg s5;
	s3 =	sadd.s32 s7, s15;
	s5 =	sadd.s32 s7, s17  }
0x18: {  	[dreg:$0x16] =	wrdreg s8;
	s8 =	sor.u32 $0x20, s18;
	s2 =	sadd.s32 s2, s6  }
0x19: {  	s12 =	smul.u32 $0x2800, s10;
	s6 =	sadd.s32 s7, s6;
	[smem:$0x7FF] =	sst s21  }
0x1a: {  	s9 =	sadd.s32 s1, s9;
	s15 =	sor.u32 $0x70, s18;
	[dreg:$0xf] =	wrdreg s3  }
0x1b: {  	s16 =	smul.u32 $0x2800, s13;
	[dreg:$0x11] =	wrdreg s5;
	s3 =	sadd.s32 s7, s20  }
0x1c: {  	s11 =	smul.u32 $0x2800, s8;
	[dreg:$0x17] =	wrdreg s2;
	s2 =	sor.u32 $0x40, s18  }
0x1d: {  	[dreg:$0x18] =	wrdreg s6;
	s6 =	sor.u32 $0x50, s18;
	s17 =	smul.u32 $0x2800, s15  }
0x1e: {  	s5 =	sadd.s32 s1, s26;
	s9 =	sshrl.u32 s9, $0x3;
	s30 =	smul.u32 $0x2800, s2  }
0x1f: {  	p0 =	sgt.u32 s15, $0x7C;
	[dreg:$0x13] =	wrdreg s3;
	s14 =	smul.u32 $0x2800, s6  }
0x20: {  	s12 =	sadd.s32 s1, s12;
	s16 =	sadd.s32 s1, s16;
	s3 =	smul.u32 $0xA000, s25  }
0x21: {  	s5 =	sshrl.u32 s5, $0x3;
	s19 =	sadd.s32 s4, s9;
	s9 =	smul.u32 $0xA000, s8  }
0x22: {  	s2 =	smul.u32 $0xA000, s2;
	s11 =	sadd.s32 s1, s11;
	s5 =	sadd.s32 s4, s5  }
0x23: {  	[dreg:$0x1a] =	wrdreg s19;
	s22 =	sshrl.u32 s12, $0x3;
	s26 =	sshrl.u32 s16, $0x3  }
0x24: {  	s12 =	smul.u32 $0xA000, s10;
	s7 =	sadd.s32 s1, s30;
	s14 =	sadd.s32 s1, s14  }
0x25: {  	s1 =	sadd.s32 s1, s17;
	[dreg:$0x19] =	wrdreg s5;
	s20 =	sshrl.u32 s11, $0x3  }
0x26: {  	s23 =	sadd.s32 s4, s22;
	s30 =	sadd.s32 s4, s26;
	s17 =	smul.u32 $0xA000, s6  }
0x27: {  	s16 =	sshrl.u32 s9, $0x2;
	s2 =	sshrl.u32 s2, $0x2;
	s22 =	smul.u32 $0xA000, s15  }
0x28: {  	s7 =	sshrl.u32 s7, $0x3;
	s5 =	sadd.s32 s4, s20;
	[dreg:$0x1c] =	wrdreg s23  }
0x29: {  	s25 =	sshrl.u32 s14, $0x3;
	[dreg:$0x1f] =	wrdreg s30;
	s1 =	sshrl.u32 s1, $0x3  }
0x2a: {  	s14 =	sshrl.u32 s3, $0x2;
	s19 =	sshrl.u32 s12, $0x2;
	s20 =	smul.u32 $0xA000, s13  }
0x2b: {  	s23 =	sadd.s32 s2, s28;
	s12 =	simm.s32 $0x2;
	s13 =	simm.s32 $0x4  }
0x2c: {  	[dreg:$0x1b] =	wrdreg s5;
	s24 =	sadd.s32 s4, s7;
	s5 =	sadd.s32 s4, s25  }
0x2d: {  	s7 =	smul.u32 $0xA000, s18;
	s1 =	sadd.s32 s4, s1;
	[dreg:$0x1d] =	wrdreg s24  }
0x2e: {  	s26 =	sshrl.u32 s22, $0x2;
	s22 =	simm.s32 $0x8800;
	[dreg:$0x1e] =	wrdreg s5  }
0x2f: {  	[smem:$0x7F4] =	sst s1;
	s24 =	sshrl.u32 s17, $0x2;
	s25 =	sshrl.u32 s20, $0x2  }
0x30: {  	s30 =	sadd.s32 s26, s28;
	_ =	strace $0x80000047;
	[smem:$0x7F5] =	sst s0  }
0x31: {  	s17 =	simm.s32 $0x64;
	s11 =	sshrl.u32 s7, $0x2;
	[smem:$0x7FA] =	sst s23  }
0x32: {  	s1 =	simm.s32 $0x7;
	[smem:$0x7FD] =	sst s30;
	s0 =	sadd.s32 s11, s28  }
0x33: {  	s23 =	simm.s32 $0x1;
	[smem:$0x7F6] =	sst s0;
	s0 =	sadd.s32 s14, s28  }
0x34: {  	s11 =	simm.s32 $0x2000;
	[smem:$0x7F7] =	sst s0;
	s0 =	sadd.s32 s16, s28  }
0x35: {  	s14 =	simm.s32 $0x5;
	[smem:$0x7F8] =	sst s0;
	s0 =	sadd.s32 s19, s28  }
0x36: {  	s19 =	simm.s32 $0x5400;
	[smem:$0x7F9] =	sst s0;
	s0 =	sadd.s32 s24, s28  }
0x37: {  	s24 =	simm.s32 $0x6;
	[smem:$0x7FB] =	sst s0;
	s0 =	sadd.s32 s25, s28  }
0x38: {  	v0 =	vimm.f32 $0.0e+00;
	s25 =	simm.s32 $0x800;
	[smem:$0x7FC] =	sst s0;
	s0 =	simm.s32 $0x0  }
.LBB2_1:
0x39: {  	[smem:$0x7F3] =	sst s0  }
0x3a: {  	s3 =	rddreg [dreg:$0x5]  }
0x3b: {  	[tilespmem:s21], [sflag:$0x4] =	stream.linear.gather [hbm4b:s3+s21], $0x500, $0x38;
	[tilespmem:$0x1F480] =	vst v63  }
0x3c: {  	s30 =	rddreg [dreg:$0x16];
	s4 =	simm.s32 $0x200;
	s3 =	simm.s32 $0x0  }
0x3d: {  	[tilespmem:s25], [sflag:$0x5] =	stream.linear.gather [hbm4b:s30+s21], $0x500, $0x38;
	[tilespmem:$0x1F480] =	vst v63  }
.LBB2_2:
0x3e: {  	p2 =	sne.s32 s4, $0x9E00;
	[tilespmem:s3+$0x2070] =	vst v0  }
0x3f: {  	[tilespmem:s3+$0x2000] =	vst v0  }
0x40: {  	[tilespmem:s3+$0x2010] =	vst v0  }
.Ltmp0:
0x41: {  	[tilespmem:s3+$0x2020] =	vst v0;
	(pc) =	sbr.rel @p2 .LBB2_2-.Ltmp0, $4  }
0x42: {  	[tilespmem:s3+$0x2030] =	vst v0  }
0x43: {  	[tilespmem:s3+$0x2040] =	vst v0  }
0x44: {  	[tilespmem:s3+$0x2050] =	vst v0  }
0x45: {  	[tilespmem:s3+$0x2060] =	vst v0;
	s3 =	sshra.s32 s4, $0x2;
	s4 =	sadd.s32 $0x200, s4  }
0x46: {  	[tilespmem:s3+$0x2070] =	vst v0  }
0x47: {  	[tilespmem:s3+$0x2000] =	vst v0  }
0x48: {  	[tilespmem:s3+$0x2010] =	vst v0  }
0x49: {  	[tilespmem:s3+$0x2020] =	vst v0  }
0x4a: {  	[tilespmem:s3+$0x2030] =	vst v0  }
0x4b: {  	[tilespmem:s3+$0x2040] =	vst v0;
	s0 =	sld [smem:$0x7F6]  }
0x4c: {  	[tilespmem:s3+$0x2050] =	vst v0  }
0x4d: {  	[tilespmem:s3+$0x2060] =	vst v0;
	s30 =	sld [smem:$0x7F7]  }
0x4e: {  	[spmem:s0] =	stream.linear.scatter [tilespmem:s11], [sflag:$0x2], $0x2800, $0x38;
	[tilespmem:$0x1F480] =	vst v63  }
0x4f: {  	s2 =	sld [smem:$0x7F8]  }
0x50: {  	[spmem:s30] =	stream.linear.scatter [tilespmem:s11], [sflag:$0x2], $0x2800, $0x38;
	[tilespmem:$0x1F480] =	vst v63  }
0x51: {  	s3 =	sld [smem:$0x7F9]  }
0x52: {  	[spmem:s2] =	stream.linear.scatter [tilespmem:s11], [sflag:$0x2], $0x2800, $0x38;
	[tilespmem:$0x1F480] =	vst v63  }
0x53: {  	s4 =	sld [smem:$0x7FA]  }
0x54: {  	[spmem:s3] =	stream.linear.scatter [tilespmem:s11], [sflag:$0x2], $0x2800, $0x38;
	[tilespmem:$0x1F480] =	vst v63  }
0x55: {  	s5 =	sld [smem:$0x7FB]  }
0x56: {  	[spmem:s4] =	stream.linear.scatter [tilespmem:s11], [sflag:$0x2], $0x2800, $0x38;
	[tilespmem:$0x1F480] =	vst v63  }
0x57: {  	s6 =	sld [smem:$0x7FC]  }
0x58: {  	[spmem:s5] =	stream.linear.scatter [tilespmem:s11], [sflag:$0x2], $0x2800, $0x38;
	[tilespmem:$0x1F480] =	vst v63  }
0x59: {  	s3 =	sld [smem:$0x7FD]  }
0x5a: {  	[spmem:s6] =	stream.linear.scatter [tilespmem:s11], [sflag:$0x2], $0x2800, $0x38;
	[tilespmem:$0x1F480] =	vst v63  }
0x5b: {  	s0 =	simm.s32 @!p0 $0x2000  }
0x5c: {  	[spmem:s3] =	stream.linear.scatter @!p0 [tilespmem:s0], [sflag:$0x2], $0x2800, $0x38;
	[tilespmem:$0x1F480] =	vst v63  }
0x5d: {  	_ =	swait.ge [sflag:s12], $0x2800  }
0x5e: {  	[sflag:s12] =	ssyncset.done $0x0  }
0x5f: {  	[sflag:s12] =	ssyncadd.s32 $0xFFFFD800  }
0x60: {  	_ =	swait.ge [sflag:s12], $0x2800  }
0x61: {  	[sflag:s12] =	ssyncset.done $0x0  }
0x62: {  	[sflag:s12] =	ssyncadd.s32 $0xFFFFD800  }
0x63: {  	_ =	swait.ge [sflag:s12], $0x2800  }
0x64: {  	[sflag:s12] =	ssyncset.done $0x0  }
0x65: {  	[sflag:s12] =	ssyncadd.s32 $0xFFFFD800  }
0x66: {  	_ =	swait.ge [sflag:s12], $0x2800  }
0x67: {  	[sflag:s12] =	ssyncset.done $0x0  }
0x68: {  	[sflag:s12] =	ssyncadd.s32 $0xFFFFD800  }
0x69: {  	_ =	swait.ge [sflag:s12], $0x2800  }
0x6a: {  	[sflag:s12] =	ssyncset.done $0x0  }
0x6b: {  	[sflag:s12] =	ssyncadd.s32 $0xFFFFD800  }
0x6c: {  	_ =	swait.ge [sflag:s12], $0x2800  }
0x6d: {  	[sflag:s12] =	ssyncset.done $0x0  }
0x6e: {  	[sflag:s12] =	ssyncadd.s32 $0xFFFFD800  }
0x6f: {  	_ =	swait.ge [sflag:s12], $0x2800  }
0x70: {  	[sflag:s12] =	ssyncset.done $0x0  }
0x71: {  	s3 =	simm.s32 @!p1 $0x2;
	[sflag:s12] =	ssyncadd.s32 $0xFFFFD800  }
0x72: {  	_ =	swait.ge @!p1 [sflag:s3], $0x2800  }
0x73: {  	[sflag:s3] =	ssyncset.done @!p1 $0x0  }
0x74: {  	[sflag:s3] =	ssyncadd.s32 @!p1 $0xFFFFD800  }
0x75: {  	[bflag:$0x0] =	sbarrier.arrive $0xFFFF  }
0x76: {  	_ =	swait.ge [sflag:s13], $0x500  }
0x77: {  	[sflag:s13] =	ssyncset.done $0x0  }
0x78: {  	[sflag:s13] =	ssyncadd.s32 $0xFFFFFB00  }
0x79: {  	_ =	swait.ge [sflag:s14], $0x500  }
0x7a: {  	[sflag:s14] =	ssyncset.done $0x0  }
0x7b: {  	s8 =	simm.s32 $0x1000;
	s7 =	rddreg [dreg:$0x6];
	[sflag:s14] =	ssyncadd.s32 $0xFFFFFB00  }
0x7c: {  	[tilespmem:s8], [sflag:$0x4] =	stream.linear.gather [hbm4b:s7+s21], $0x500, $0x38;
	[tilespmem:$0x1F480] =	vst v63  }
0x7d: {  	s10 =	simm.s32 $0x1800;
	s9 =	rddreg [dreg:$0x7]  }
0x7e: {  	[tilespmem:s10], [sflag:$0x5] =	stream.linear.gather [hbm4b:s9+s21], $0x500, $0x38;
	[tilespmem:$0x1F480] =	vst v63  }
0x7f: {  	_ = 	snop  }
0x80: {  	[tilespmem:s11], [sflag:$0x1] =	stream.indirect.gather [hbm4b:s29+s17], $0x80, s21, s17, $0xb8;
	[tilespmem:$0x1F480] =	vst v63  }
0x81: {  	s15 =	simm.s32 $0x80  }
0x82: {  	[tilespmem:s19], [sflag:$0x2] =	stream.indirect.gather [hbm4b:s29+s17], $0x80, s15, s17, $0xb8;
	[tilespmem:$0x1F480] =	vst v63  }
0x83: {  	s16 =	simm.s32 $0x100  }
0x84: {  	[tilespmem:s22], [sflag:$0x3] =	stream.indirect.gather [hbm4b:s29+s17], $0x80, s16, s17, $0xb8;
	[tilespmem:$0x1F480] =	vst v63  }
0x85: {  	_ =	swait.ge [sflag:s23], $0x3200  }
0x86: {  	[sflag:s23] =	ssyncset.done $0x0  }
0x87: {  	[sflag:s23] =	ssyncadd.s32 $0xFFFFCE00  }
0x88: {  	[spmem:s28] =	stream.indirect.scatter.add.f32 [tilespmem:s11], [sflag:$0x6], $0x80, s25, s17, $0xb8;
	[tilespmem:$0x1F480] =	vst v63  }
0x89: {  	_ =	swait.ge [sflag:s24], $0x3200  }
0x8a: {  	[sflag:s24] =	ssyncset.done $0x0  }
0x8b: {  	s18 =	simm.s32 $0x180;
	[sflag:s24] =	ssyncadd.s32 $0xFFFFCE00  }
0x8c: {  	[tilespmem:s11], [sflag:$0x1] =	stream.indirect.gather [hbm4b:s29+s17], $0x80, s18, s17, $0xb8;
	[tilespmem:$0x1F480] =	vst v63  }
0x8d: {  	_ =	swait.ge [sflag:s12], $0x3200  }
0x8e: {  	[sflag:s12] =	ssyncset.done $0x0  }
0x8f: {  	s20 =	simm.s32 $0x880;
	[sflag:s12] =	ssyncadd.s32 $0xFFFFCE00  }
0x90: {  	[spmem:s28] =	stream.indirect.scatter.add.f32 [tilespmem:s19], [sflag:$0x6], $0x80, s20, s17, $0xb8;
	[tilespmem:$0x1F480] =	vst v63  }
0x91: {  	_ =	swait.ge [sflag:s24], $0x3200  }
0x92: {  	[sflag:s24] =	ssyncset.done $0x0  }
0x93: {  	s26 =	simm.s32 $0x200;
	[sflag:s24] =	ssyncadd.s32 $0xFFFFCE00  }
0x94: {  	[tilespmem:s19], [sflag:$0x2] =	stream.indirect.gather [hbm4b:s29+s17], $0x80, s26, s17, $0xb8;
	[tilespmem:$0x1F480] =	vst v63  }
0x95: {  	_ =	swait.ge [sflag:s31], $0x3200  }
0x96: {  	[sflag:s31] =	ssyncset.done $0x0  }
0x97: {  	s30 =	simm.s32 $0x900;
	[sflag:s31] =	ssyncadd.s32 $0xFFFFCE00  }
0x98: {  	[spmem:s28] =	stream.indirect.scatter.add.f32 [tilespmem:s22], [sflag:$0x6], $0x80, s30, s17, $0xb8;
	[tilespmem:$0x1F480] =	vst v63  }
0x99: {  	_ =	swait.ge [sflag:s24], $0x3200  }
0x9a: {  	[sflag:s24] =	ssyncset.done $0x0  }
0x9b: {  	s3 =	simm.s32 $0x280;
	[sflag:s24] =	ssyncadd.s32 $0xFFFFCE00  }
0x9c: {  	[tilespmem:s22], [sflag:$0x3] =	stream.indirect.gather [hbm4b:s29+s17], $0x80, s3, s17, $0xb8;
	[tilespmem:$0x1F480] =	vst v63  }
0x9d: {  	_ =	swait.ge [sflag:s23], $0x3200  }
0x9e: {  	[sflag:s23] =	ssyncset.done $0x0  }
0x9f: {  	s6 =	simm.s32 $0x980;
	[sflag:s23] =	ssyncadd.s32 $0xFFFFCE00  }
0xa0: {  	[spmem:s28] =	stream.indirect.scatter.add.f32 [tilespmem:s11], [sflag:$0x6], $0x80, s6, s17, $0xb8;
	[tilespmem:$0x1F480] =	vst v63  }
0xa1: {  	_ =	swait.ge [sflag:s24], $0x3200  }
0xa2: {  	[sflag:s24] =	ssyncset.done $0x0  }
0xa3: {  	s7 =	simm.s32 $0x300;
	[sflag:s24] =	ssyncadd.s32 $0xFFFFCE00  }
0xa4: {  	[tilespmem:s11], [sflag:$0x1] =	stream.indirect.gather [hbm4b:s29+s17], $0x80, s7, s17, $0xb8;
	[tilespmem:$0x1F480] =	vst v63  }
0xa5: {  	_ =	swait.ge [sflag:s12], $0x3200  }
0xa6: {  	[sflag:s12] =	ssyncset.done $0x0  }
0xa7: {  	s8 =	simm.s32 $0xA00;
	[sflag:s12] =	ssyncadd.s32 $0xFFFFCE00  }
0xa8: {  	[spmem:s28] =	stream.indirect.scatter.add.f32 [tilespmem:s19], [sflag:$0x6], $0x80, s8, s17, $0xb8;
	[tilespmem:$0x1F480] =	vst v63  }
0xa9: {  	_ =	swait.ge [sflag:s24], $0x3200  }
0xaa: {  	[sflag:s24] =	ssyncset.done $0x0  }
0xab: {  	s9 =	simm.s32 $0x380;
	[sflag:s24] =	ssyncadd.s32 $0xFFFFCE00  }
0xac: {  	[tilespmem:s19], [sflag:$0x2] =	stream.indirect.gather [hbm4b:s29+s17], $0x80, s9, s17, $0xb8;
	[tilespmem:$0x1F480] =	vst v63  }
0xad: {  	_ =	swait.ge [sflag:s31], $0x3200  }
0xae: {  	[sflag:s31] =	ssyncset.done $0x0  }
0xaf: {  	s10 =	simm.s32 $0xA80;
	[sflag:s31] =	ssyncadd.s32 $0xFFFFCE00  }
0xb0: {  	[spmem:s28] =	stream.indirect.scatter.add.f32 [tilespmem:s22], [sflag:$0x6], $0x80, s10, s17, $0xb8;
	[tilespmem:$0x1F480] =	vst v63  }
0xb1: {  	_ =	swait.ge [sflag:s24], $0x3200  }
0xb2: {  	[sflag:s24] =	ssyncset.done $0x0  }
0xb3: {  	s15 =	simm.s32 $0x400;
	[sflag:s24] =	ssyncadd.s32 $0xFFFFCE00  }
0xb4: {  	[tilespmem:s22], [sflag:$0x3] =	stream.indirect.gather [hbm4b:s29+s17], $0x80, s15, s17, $0xb8;
	[tilespmem:$0x1F480] =	vst v63  }
0xb5: {  	_ =	swait.ge [sflag:s13], $0x500  }
0xb6: {  	[sflag:s13] =	ssyncset.done $0x0  }
0xb7: {  	[sflag:s13] =	ssyncadd.s32 $0xFFFFFB00  }
0xb8: {  	_ =	swait.ge [sflag:s14], $0x500  }
0xb9: {  	[sflag:s14] =	ssyncset.done $0x0  }
0xba: {  	[sflag:s14] =	ssyncadd.s32 $0xFFFFFB00  }
0xbb: {  	_ =	swait.ge [sflag:s23], $0x3200  }
0xbc: {  	[sflag:s23] =	ssyncset.done $0x0  }
0xbd: {  	s16 =	simm.s32 $0xB00;
	[sflag:s23] =	ssyncadd.s32 $0xFFFFCE00  }
0xbe: {  	[spmem:s28] =	stream.indirect.scatter.add.f32 [tilespmem:s11], [sflag:$0x6], $0x80, s16, s17, $0xb8;
	[tilespmem:$0x1F480] =	vst v63  }
0xbf: {  	_ =	swait.ge [sflag:s24], $0x3200  }
0xc0: {  	[sflag:s24] =	ssyncset.done $0x0  }
0xc1: {  	s18 =	simm.s32 $0x480;
	[sflag:s24] =	ssyncadd.s32 $0xFFFFCE00  }
0xc2: {  	[tilespmem:s11], [sflag:$0x1] =	stream.indirect.gather [hbm4b:s29+s17], $0x80, s18, s17, $0xb8;
	[tilespmem:$0x1F480] =	vst v63  }
0xc3: {  	_ =	swait.ge [sflag:s12], $0x3200  }
0xc4: {  	[sflag:s12] =	ssyncset.done $0x0  }
0xc5: {  	s20 =	simm.s32 $0xB80;
	[sflag:s12] =	ssyncadd.s32 $0xFFFFCE00  }
0xc6: {  	[spmem:s28] =	stream.indirect.scatter.add.f32 [tilespmem:s19], [sflag:$0x6], $0x80, s20, s17, $0xb8;
	[tilespmem:$0x1F480] =	vst v63  }
0xc7: {  	_ =	swait.ge [sflag:s24], $0x3200  }
0xc8: {  	[sflag:s24] =	ssyncset.done $0x0  }
0xc9: {  	s26 =	simm.s32 $0x1080;
	[sflag:s24] =	ssyncadd.s32 $0xFFFFCE00  }
0xca: {  	[tilespmem:s19], [sflag:$0x2] =	stream.indirect.gather [hbm4b:s29+s17], $0x80, s26, s17, $0xb8;
	[tilespmem:$0x1F480] =	vst v63  }
0xcb: {  	_ =	swait.ge [sflag:s31], $0x3200  }
0xcc: {  	[sflag:s31] =	ssyncset.done $0x0  }
0xcd: {  	s30 =	simm.s32 $0xC00;
	[sflag:s31] =	ssyncadd.s32 $0xFFFFCE00  }
0xce: {  	[spmem:s28] =	stream.indirect.scatter.add.f32 [tilespmem:s22], [sflag:$0x6], $0x80, s30, s17, $0xb8;
	[tilespmem:$0x1F480] =	vst v63  }
0xcf: {  	_ =	swait.ge [sflag:s24], $0x3200  }
0xd0: {  	[sflag:s24] =	ssyncset.done $0x0  }
0xd1: {  	s3 =	simm.s32 $0x1100;
	[sflag:s24] =	ssyncadd.s32 $0xFFFFCE00  }
0xd2: {  	[tilespmem:s22], [sflag:$0x3] =	stream.indirect.gather [hbm4b:s29+s17], $0x80, s3, s17, $0xb8;
	[tilespmem:$0x1F480] =	vst v63  }
0xd3: {  	_ =	swait.ge [sflag:s23], $0x3200  }
0xd4: {  	[sflag:s23] =	ssyncset.done $0x0  }
0xd5: {  	s6 =	simm.s32 $0xC80;
	[sflag:s23] =	ssyncadd.s32 $0xFFFFCE00  }
0xd6: {  	[spmem:s28] =	stream.indirect.scatter.add.f32 [tilespmem:s11], [sflag:$0x6], $0x80, s6, s17, $0xb8;
	[tilespmem:$0x1F480] =	vst v63  }
0xd7: {  	_ =	swait.ge [sflag:s24], $0x3200  }
0xd8: {  	[sflag:s24] =	ssyncset.done $0x0  }
0xd9: {  	s2 =	simm.s32 $0x1000;
	[sflag:s24] =	ssyncadd.s32 $0xFFFFCE00  }
0xda: {  	[tilespmem:s11], [sflag:$0x1] =	stream.indirect.gather [hbm4b:s29+s17], $0x80, s2, s17, $0xb8;
	[tilespmem:$0x1F480] =	vst v63  }
0xdb: {  	s7 =	rddreg [dreg:$0x8]  }
0xdc: {  	[tilespmem:s21], [sflag:$0x4] =	stream.linear.gather [hbm4b:s7+s21], $0x500, $0x38;
	[tilespmem:$0x1F480] =	vst v63  }
0xdd: {  	s8 =	rddreg [dreg:$0x9]  }
0xde: {  	[tilespmem:s25], [sflag:$0x5] =	stream.linear.gather [hbm4b:s8+s21], $0x500, $0x38;
	[tilespmem:$0x1F480] =	vst v63  }
0xdf: {  	_ =	swait.ge [sflag:s23], $0x3200  }
0xe0: {  	[sflag:s23] =	ssyncset.done $0x0  }
0xe1: {  	s0 =	simm.s32 $0x1800;
	[sflag:s23] =	ssyncadd.s32 $0xFFFFCE00  }
0xe2: {  	[spmem:s28] =	stream.indirect.scatter.add.f32 [tilespmem:s11], [sflag:$0x6], $0x80, s0, s17, $0xb8;
	[tilespmem:$0x1F480] =	vst v63  }
0xe3: {  	_ =	swait.ge [sflag:s24], $0x3200  }
0xe4: {  	[sflag:s24] =	ssyncset.done $0x0  }
0xe5: {  	s9 =	simm.s32 $0x1180;
	[sflag:s24] =	ssyncadd.s32 $0xFFFFCE00  }
0xe6: {  	[tilespmem:s11], [sflag:$0x1] =	stream.indirect.gather [hbm4b:s29+s17], $0x80, s9, s17, $0xb8;
	[tilespmem:$0x1F480] =	vst v63  }
0xe7: {  	_ =	swait.ge [sflag:s12], $0x3200  }
0xe8: {  	[sflag:s12] =	ssyncset.done $0x0  }
0xe9: {  	s10 =	simm.s32 $0x1880;
	[sflag:s12] =	ssyncadd.s32 $0xFFFFCE00  }
0xea: {  	[spmem:s28] =	stream.indirect.scatter.add.f32 [tilespmem:s19], [sflag:$0x6], $0x80, s10, s17, $0xb8;
	[tilespmem:$0x1F480] =	vst v63  }
0xeb: {  	_ =	swait.ge [sflag:s24], $0x3200  }
0xec: {  	[sflag:s24] =	ssyncset.done $0x0  }
0xed: {  	s15 =	simm.s32 $0x1200;
	[sflag:s24] =	ssyncadd.s32 $0xFFFFCE00  }
0xee: {  	[tilespmem:s19], [sflag:$0x2] =	stream.indirect.gather [hbm4b:s29+s17], $0x80, s15, s17, $0xb8;
	[tilespmem:$0x1F480] =	vst v63  }
0xef: {  	_ =	swait.ge [sflag:s31], $0x3200  }
0xf0: {  	[sflag:s31] =	ssyncset.done $0x0  }
0xf1: {  	s16 =	simm.s32 $0x1900;
	[sflag:s31] =	ssyncadd.s32 $0xFFFFCE00  }
0xf2: {  	[spmem:s28] =	stream.indirect.scatter.add.f32 [tilespmem:s22], [sflag:$0x6], $0x80, s16, s17, $0xb8;
	[tilespmem:$0x1F480] =	vst v63  }
0xf3: {  	_ =	swait.ge [sflag:s24], $0x3200  }
0xf4: {  	[sflag:s24] =	ssyncset.done $0x0  }
0xf5: {  	s18 =	simm.s32 $0x1280;
	[sflag:s24] =	ssyncadd.s32 $0xFFFFCE00  }
0xf6: {  	[tilespmem:s22], [sflag:$0x3] =	stream.indirect.gather [hbm4b:s29+s17], $0x80, s18, s17, $0xb8;
	[tilespmem:$0x1F480] =	vst v63  }
0xf7: {  	_ =	swait.ge [sflag:s23], $0x3200  }
0xf8: {  	[sflag:s23] =	ssyncset.done $0x0  }
0xf9: {  	s20 =	simm.s32 $0x1980;
	[sflag:s23] =	ssyncadd.s32 $0xFFFFCE00  }
0xfa: {  	[spmem:s28] =	stream.indirect.scatter.add.f32 [tilespmem:s11], [sflag:$0x6], $0x80, s20, s17, $0xb8;
	[tilespmem:$0x1F480] =	vst v63  }
0xfb: {  	_ =	swait.ge [sflag:s24], $0x3200  }
0xfc: {  	[sflag:s24] =	ssyncset.done $0x0  }
0xfd: {  	s26 =	simm.s32 $0x1300;
	[sflag:s24] =	ssyncadd.s32 $0xFFFFCE00  }
0xfe: {  	[tilespmem:s11], [sflag:$0x1] =	stream.indirect.gather [hbm4b:s29+s17], $0x80, s26, s17, $0xb8;
	[tilespmem:$0x1F480] =	vst v63  }
0xff: {  	_ =	swait.ge [sflag:s12], $0x3200  }
0x100: {  	[sflag:s12] =	ssyncset.done $0x0  }
0x101: {  	s30 =	simm.s32 $0x1A00;
	[sflag:s12] =	ssyncadd.s32 $0xFFFFCE00  }
0x102: {  	[spmem:s28] =	stream.indirect.scatter.add.f32 [tilespmem:s19], [sflag:$0x6], $0x80, s30, s17, $0xb8;
	[tilespmem:$0x1F480] =	vst v63  }
0x103: {  	_ =	swait.ge [sflag:s24], $0x3200  }
0x104: {  	[sflag:s24] =	ssyncset.done $0x0  }
0x105: {  	s6 =	simm.s32 $0x1380;
	[sflag:s24] =	ssyncadd.s32 $0xFFFFCE00  }
0x106: {  	[tilespmem:s19], [sflag:$0x2] =	stream.indirect.gather [hbm4b:s29+s17], $0x80, s6, s17, $0xb8;
	[tilespmem:$0x1F480] =	vst v63  }
0x107: {  	_ =	swait.ge [sflag:s31], $0x3200  }
0x108: {  	[sflag:s31] =	ssyncset.done $0x0  }
0x109: {  	s7 =	simm.s32 $0x1A80;
	[sflag:s31] =	ssyncadd.s32 $0xFFFFCE00  }
0x10a: {  	[spmem:s28] =	stream.indirect.scatter.add.f32 [tilespmem:s22], [sflag:$0x6], $0x80, s7, s17, $0xb8;
	[tilespmem:$0x1F480] =	vst v63  }
0x10b: {  	_ =	swait.ge [sflag:s24], $0x3200  }
0x10c: {  	[sflag:s24] =	ssyncset.done $0x0  }
0x10d: {  	s8 =	simm.s32 $0x1400;
	[sflag:s24] =	ssyncadd.s32 $0xFFFFCE00  }
0x10e: {  	[tilespmem:s22], [sflag:$0x3] =	stream.indirect.gather [hbm4b:s29+s17], $0x80, s8, s17, $0xb8;
	[tilespmem:$0x1F480] =	vst v63  }
0x10f: {  	_ =	swait.ge [sflag:s13], $0x500  }
0x110: {  	[sflag:s13] =	ssyncset.done $0x0  }
0x111: {  	[sflag:s13] =	ssyncadd.s32 $0xFFFFFB00  }
0x112: {  	_ =	swait.ge [sflag:s14], $0x500  }
0x113: {  	[sflag:s14] =	ssyncset.done $0x0  }
0x114: {  	[sflag:s14] =	ssyncadd.s32 $0xFFFFFB00  }
0x115: {  	_ =	swait.ge [sflag:s23], $0x3200  }
0x116: {  	[sflag:s23] =	ssyncset.done $0x0  }
0x117: {  	s9 =	simm.s32 $0x1B00;
	[sflag:s23] =	ssyncadd.s32 $0xFFFFCE00  }
0x118: {  	[spmem:s28] =	stream.indirect.scatter.add.f32 [tilespmem:s11], [sflag:$0x6], $0x80, s9, s17, $0xb8;
	[tilespmem:$0x1F480] =	vst v63  }
0x119: {  	_ =	swait.ge [sflag:s24], $0x3200  }
0x11a: {  	[sflag:s24] =	ssyncset.done $0x0  }
0x11b: {  	s10 =	simm.s32 $0x1480;
	[sflag:s24] =	ssyncadd.s32 $0xFFFFCE00  }
0x11c: {  	[tilespmem:s11], [sflag:$0x1] =	stream.indirect.gather [hbm4b:s29+s17], $0x80, s10, s17, $0xb8;
	[tilespmem:$0x1F480] =	vst v63  }
0x11d: {  	_ =	swait.ge [sflag:s12], $0x3200  }
0x11e: {  	[sflag:s12] =	ssyncset.done $0x0  }
0x11f: {  	s15 =	simm.s32 $0x1B80;
	[sflag:s12] =	ssyncadd.s32 $0xFFFFCE00  }
0x120: {  	[spmem:s28] =	stream.indirect.scatter.add.f32 [tilespmem:s19], [sflag:$0x6], $0x80, s15, s17, $0xb8;
	[tilespmem:$0x1F480] =	vst v63  }
0x121: {  	_ =	swait.ge [sflag:s24], $0x3200  }
0x122: {  	[sflag:s24] =	ssyncset.done $0x0  }
0x123: {  	s5 =	simm.s32 $0x80;
	[sflag:s24] =	ssyncadd.s32 $0xFFFFCE00  }
0x124: {  	[tilespmem:s19], [sflag:$0x2] =	stream.indirect.gather [hbm4b:s29+s17], $0x80, s5, s17, $0xb8;
	[tilespmem:$0x1F480] =	vst v63  }
0x125: {  	_ =	swait.ge [sflag:s31], $0x3200  }
0x126: {  	[sflag:s31] =	ssyncset.done $0x0  }
0x127: {  	s16 =	simm.s32 $0x1C00;
	[sflag:s31] =	ssyncadd.s32 $0xFFFFCE00  }
0x128: {  	[spmem:s28] =	stream.indirect.scatter.add.f32 [tilespmem:s22], [sflag:$0x6], $0x80, s16, s17, $0xb8;
	[tilespmem:$0x1F480] =	vst v63  }
0x129: {  	_ =	swait.ge [sflag:s24], $0x3200  }
0x12a: {  	[sflag:s24] =	ssyncset.done $0x0  }
0x12b: {  	s4 =	simm.s32 $0x100;
	[sflag:s24] =	ssyncadd.s32 $0xFFFFCE00  }
0x12c: {  	[tilespmem:s22], [sflag:$0x3] =	stream.indirect.gather [hbm4b:s29+s17], $0x80, s4, s17, $0xb8;
	[tilespmem:$0x1F480] =	vst v63  }
0x12d: {  	_ =	swait.ge [sflag:s23], $0x3200  }
0x12e: {  	[sflag:s23] =	ssyncset.done $0x0  }
0x12f: {  	s18 =	simm.s32 $0x1C80;
	[sflag:s23] =	ssyncadd.s32 $0xFFFFCE00  }
0x130: {  	[spmem:s28] =	stream.indirect.scatter.add.f32 [tilespmem:s11], [sflag:$0x6], $0x80, s18, s17, $0xb8;
	[tilespmem:$0x1F480] =	vst v63  }
0x131: {  	_ =	swait.ge [sflag:s24], $0x3200  }
0x132: {  	[sflag:s24] =	ssyncset.done $0x0  }
0x133: {  	[sflag:s24] =	ssyncadd.s32 $0xFFFFCE00  }
0x134: {  	[tilespmem:s11], [sflag:$0x1] =	stream.indirect.gather [hbm4b:s29+s17], $0x80, s21, s17, $0xb8;
	[tilespmem:$0x1F480] =	vst v63  }
0x135: {  	s2 =	simm.s32 $0x1000;
	s20 =	rddreg [dreg:$0xa]  }
0x136: {  	[tilespmem:s2], [sflag:$0x4] =	stream.linear.gather [hbm4b:s20+s21], $0x500, $0x38;
	[tilespmem:$0x1F480] =	vst v63  }
0x137: {  	s26 =	rddreg [dreg:$0xb]  }
0x138: {  	[tilespmem:s0], [sflag:$0x5] =	stream.linear.gather [hbm4b:s26+s21], $0x500, $0x38;
	[tilespmem:$0x1F480] =	vst v63  }
0x139: {  	_ =	swait.ge [sflag:s23], $0x3200  }
0x13a: {  	[sflag:s23] =	ssyncset.done $0x0  }
0x13b: {  	[sflag:s23] =	ssyncadd.s32 $0xFFFFCE00  }
0x13c: {  	[spmem:s28] =	stream.indirect.scatter.add.f32 [tilespmem:s11], [sflag:$0x6], $0x80, s25, s17, $0xb8;
	[tilespmem:$0x1F480] =	vst v63  }
0x13d: {  	_ =	swait.ge [sflag:s24], $0x3200  }
0x13e: {  	[sflag:s24] =	ssyncset.done $0x0  }
0x13f: {  	s30 =	simm.s32 $0x180;
	[sflag:s24] =	ssyncadd.s32 $0xFFFFCE00  }
0x140: {  	[tilespmem:s11], [sflag:$0x1] =	stream.indirect.gather [hbm4b:s29+s17], $0x80, s30, s17, $0xb8;
	[tilespmem:$0x1F480] =	vst v63  }
0x141: {  	_ =	swait.ge [sflag:s12], $0x3200  }
0x142: {  	[sflag:s12] =	ssyncset.done $0x0  }
0x143: {  	s10 =	simm.s32 $0x880;
	[sflag:s12] =	ssyncadd.s32 $0xFFFFCE00  }
0x144: {  	[spmem:s28] =	stream.indirect.scatter.add.f32 [tilespmem:s19], [sflag:$0x6], $0x80, s10, s17, $0xb8;
	[tilespmem:$0x1F480] =	vst v63  }
0x145: {  	_ =	swait.ge [sflag:s24], $0x3200  }
0x146: {  	[sflag:s24] =	ssyncset.done $0x0  }
0x147: {  	s9 =	simm.s32 $0x200;
	[sflag:s24] =	ssyncadd.s32 $0xFFFFCE00  }
0x148: {  	[tilespmem:s19], [sflag:$0x2] =	stream.indirect.gather [hbm4b:s29+s17], $0x80, s9, s17, $0xb8;
	[tilespmem:$0x1F480] =	vst v63  }
0x149: {  	_ =	swait.ge [sflag:s31], $0x3200  }
0x14a: {  	[sflag:s31] =	ssyncset.done $0x0  }
0x14b: {  	s18 =	simm.s32 $0x900;
	[sflag:s31] =	ssyncadd.s32 $0xFFFFCE00  }
0x14c: {  	[spmem:s28] =	stream.indirect.scatter.add.f32 [tilespmem:s22], [sflag:$0x6], $0x80, s18, s17, $0xb8;
	[tilespmem:$0x1F480] =	vst v63  }
0x14d: {  	_ =	swait.ge [sflag:s24], $0x3200  }
0x14e: {  	[sflag:s24] =	ssyncset.done $0x0  }
0x14f: {  	s20 =	simm.s32 $0x280;
	[sflag:s24] =	ssyncadd.s32 $0xFFFFCE00  }
0x150: {  	[tilespmem:s22], [sflag:$0x3] =	stream.indirect.gather [hbm4b:s29+s17], $0x80, s20, s17, $0xb8;
	[tilespmem:$0x1F480] =	vst v63  }
0x151: {  	_ =	swait.ge [sflag:s23], $0x3200  }
0x152: {  	[sflag:s23] =	ssyncset.done $0x0  }
0x153: {  	s30 =	simm.s32 $0x980;
	[sflag:s23] =	ssyncadd.s32 $0xFFFFCE00  }
0x154: {  	[spmem:s28] =	stream.indirect.scatter.add.f32 [tilespmem:s11], [sflag:$0x6], $0x80, s30, s17, $0xb8;
	[tilespmem:$0x1F480] =	vst v63  }
0x155: {  	_ =	swait.ge [sflag:s24], $0x3200  }
0x156: {  	[sflag:s24] =	ssyncset.done $0x0  }
0x157: {  	s6 =	simm.s32 $0x300;
	[sflag:s24] =	ssyncadd.s32 $0xFFFFCE00  }
0x158: {  	[tilespmem:s11], [sflag:$0x1] =	stream.indirect.gather [hbm4b:s29+s17], $0x80, s6, s17, $0xb8;
	[tilespmem:$0x1F480] =	vst v63  }
0x159: {  	_ =	swait.ge [sflag:s12], $0x3200  }
0x15a: {  	[sflag:s12] =	ssyncset.done $0x0  }
0x15b: {  	s7 =	simm.s32 $0xA00;
	[sflag:s12] =	ssyncadd.s32 $0xFFFFCE00  }
0x15c: {  	[spmem:s28] =	stream.indirect.scatter.add.f32 [tilespmem:s19], [sflag:$0x6], $0x80, s7, s17, $0xb8;
	[tilespmem:$0x1F480] =	vst v63  }
0x15d: {  	_ =	swait.ge [sflag:s24], $0x3200  }
0x15e: {  	[sflag:s24] =	ssyncset.done $0x0  }
0x15f: {  	s8 =	simm.s32 $0x380;
	[sflag:s24] =	ssyncadd.s32 $0xFFFFCE00  }
0x160: {  	[tilespmem:s19], [sflag:$0x2] =	stream.indirect.gather [hbm4b:s29+s17], $0x80, s8, s17, $0xb8;
	[tilespmem:$0x1F480] =	vst v63  }
0x161: {  	_ =	swait.ge [sflag:s31], $0x3200  }
0x162: {  	[sflag:s31] =	ssyncset.done $0x0  }
0x163: {  	s5 =	simm.s32 $0xA80;
	[sflag:s31] =	ssyncadd.s32 $0xFFFFCE00  }
0x164: {  	[spmem:s28] =	stream.indirect.scatter.add.f32 [tilespmem:s22], [sflag:$0x6], $0x80, s5, s17, $0xb8;
	[tilespmem:$0x1F480] =	vst v63  }
0x165: {  	_ =	swait.ge [sflag:s24], $0x3200  }
0x166: {  	[sflag:s24] =	ssyncset.done $0x0  }
0x167: {  	s26 =	simm.s32 $0x400;
	[sflag:s24] =	ssyncadd.s32 $0xFFFFCE00  }
0x168: {  	[tilespmem:s22], [sflag:$0x3] =	stream.indirect.gather [hbm4b:s29+s17], $0x80, s26, s17, $0xb8;
	[tilespmem:$0x1F480] =	vst v63  }
0x169: {  	_ =	swait.ge [sflag:s13], $0x500  }
0x16a: {  	[sflag:s13] =	ssyncset.done $0x0  }
0x16b: {  	[sflag:s13] =	ssyncadd.s32 $0xFFFFFB00  }
0x16c: {  	_ =	swait.ge [sflag:s14], $0x500  }
0x16d: {  	[sflag:s14] =	ssyncset.done $0x0  }
0x16e: {  	[sflag:s14] =	ssyncadd.s32 $0xFFFFFB00  }
0x16f: {  	_ =	swait.ge [sflag:s23], $0x3200  }
0x170: {  	[sflag:s23] =	ssyncset.done $0x0  }
0x171: {  	s25 =	simm.s32 $0xB00;
	[sflag:s23] =	ssyncadd.s32 $0xFFFFCE00  }
0x172: {  	[spmem:s28] =	stream.indirect.scatter.add.f32 [tilespmem:s11], [sflag:$0x6], $0x80, s25, s17, $0xb8;
	[tilespmem:$0x1F480] =	vst v63  }
0x173: {  	_ =	swait.ge [sflag:s24], $0x3200  }
0x174: {  	[sflag:s24] =	ssyncset.done $0x0  }
0x175: {  	s16 =	simm.s32 $0x480;
	[sflag:s24] =	ssyncadd.s32 $0xFFFFCE00  }
0x176: {  	[tilespmem:s11], [sflag:$0x1] =	stream.indirect.gather [hbm4b:s29+s17], $0x80, s16, s17, $0xb8;
	[tilespmem:$0x1F480] =	vst v63  }
0x177: {  	_ =	swait.ge [sflag:s12], $0x3200  }
0x178: {  	[sflag:s12] =	ssyncset.done $0x0  }
0x179: {  	s4 =	simm.s32 $0xB80;
	[sflag:s12] =	ssyncadd.s32 $0xFFFFCE00  }
0x17a: {  	[spmem:s28] =	stream.indirect.scatter.add.f32 [tilespmem:s19], [sflag:$0x6], $0x80, s4, s17, $0xb8;
	[tilespmem:$0x1F480] =	vst v63  }
0x17b: {  	_ =	swait.ge [sflag:s24], $0x3200  }
0x17c: {  	[sflag:s24] =	ssyncset.done $0x0  }
0x17d: {  	s4 =	simm.s32 $0x1080;
	[sflag:s24] =	ssyncadd.s32 $0xFFFFCE00  }
0x17e: {  	[tilespmem:s19], [sflag:$0x2] =	stream.indirect.gather [hbm4b:s29+s17], $0x80, s4, s17, $0xb8;
	[tilespmem:$0x1F480] =	vst v63  }
0x17f: {  	_ =	swait.ge [sflag:s31], $0x3200  }
0x180: {  	[sflag:s31] =	ssyncset.done $0x0  }
0x181: {  	s3 =	simm.s32 $0xC00;
	[sflag:s31] =	ssyncadd.s32 $0xFFFFCE00  }
0x182: {  	[spmem:s28] =	stream.indirect.scatter.add.f32 [tilespmem:s22], [sflag:$0x6], $0x80, s3, s17, $0xb8;
	[tilespmem:$0x1F480] =	vst v63  }
0x183: {  	_ =	swait.ge [sflag:s24], $0x3200  }
0x184: {  	[sflag:s24] =	ssyncset.done $0x0  }
0x185: {  	s3 =	simm.s32 $0x1100;
	[sflag:s24] =	ssyncadd.s32 $0xFFFFCE00  }
0x186: {  	[tilespmem:s22], [sflag:$0x3] =	stream.indirect.gather [hbm4b:s29+s17], $0x80, s3, s17, $0xb8;
	[tilespmem:$0x1F480] =	vst v63  }
0x187: {  	_ =	swait.ge [sflag:s23], $0x3200  }
0x188: {  	[sflag:s23] =	ssyncset.done $0x0  }
0x189: {  	s3 =	simm.s32 $0xC80;
	[sflag:s23] =	ssyncadd.s32 $0xFFFFCE00  }
0x18a: {  	[spmem:s28] =	stream.indirect.scatter.add.f32 [tilespmem:s11], [sflag:$0x6], $0x80, s3, s17, $0xb8;
	[tilespmem:$0x1F480] =	vst v63  }
0x18b: {  	_ =	swait.ge [sflag:s24], $0x3200  }
0x18c: {  	[sflag:s24] =	ssyncset.done $0x0  }
0x18d: {  	s2 =	simm.s32 $0x1000;
	[sflag:s24] =	ssyncadd.s32 $0xFFFFCE00  }
0x18e: {  	[tilespmem:s11], [sflag:$0x1] =	stream.indirect.gather [hbm4b:s29+s17], $0x80, s2, s17, $0xb8;
	[tilespmem:$0x1F480] =	vst v63  }
0x18f: {  	s3 =	rddreg [dreg:$0xc]  }
0x190: {  	[tilespmem:s21], [sflag:$0x4] =	stream.linear.gather [hbm4b:s3+s21], $0x500, $0x38;
	[tilespmem:$0x1F480] =	vst v63  }
0x191: {  	s15 =	simm.s32 $0x800;
	s3 =	rddreg [dreg:$0xd]  }
0x192: {  	[tilespmem:s15], [sflag:$0x5] =	stream.linear.gather [hbm4b:s3+s21], $0x500, $0x38;
	[tilespmem:$0x1F480] =	vst v63  }
0x193: {  	_ =	swait.ge [sflag:s23], $0x3200  }
0x194: {  	[sflag:s23] =	ssyncset.done $0x0  }
0x195: {  	s0 =	simm.s32 $0x1800;
	[sflag:s23] =	ssyncadd.s32 $0xFFFFCE00  }
0x196: {  	[spmem:s28] =	stream.indirect.scatter.add.f32 [tilespmem:s11], [sflag:$0x6], $0x80, s0, s17, $0xb8;
	[tilespmem:$0x1F480] =	vst v63  }
0x197: {  	_ =	swait.ge [sflag:s24], $0x3200  }
0x198: {  	[sflag:s24] =	ssyncset.done $0x0  }
0x199: {  	s3 =	simm.s32 $0x1180;
	[sflag:s24] =	ssyncadd.s32 $0xFFFFCE00  }
0x19a: {  	[tilespmem:s11], [sflag:$0x1] =	stream.indirect.gather [hbm4b:s29+s17], $0x80, s3, s17, $0xb8;
	[tilespmem:$0x1F480] =	vst v63  }
0x19b: {  	_ =	swait.ge [sflag:s12], $0x3200  }
0x19c: {  	[sflag:s12] =	ssyncset.done $0x0  }
0x19d: {  	s3 =	simm.s32 $0x1880;
	[sflag:s12] =	ssyncadd.s32 $0xFFFFCE00  }
0x19e: {  	[spmem:s28] =	stream.indirect.scatter.add.f32 [tilespmem:s19], [sflag:$0x6], $0x80, s3, s17, $0xb8;
	[tilespmem:$0x1F480] =	vst v63  }
0x19f: {  	_ =	swait.ge [sflag:s24], $0x3200  }
0x1a0: {  	[sflag:s24] =	ssyncset.done $0x0  }
0x1a1: {  	s3 =	simm.s32 $0x1200;
	[sflag:s24] =	ssyncadd.s32 $0xFFFFCE00  }
0x1a2: {  	[tilespmem:s19], [sflag:$0x2] =	stream.indirect.gather [hbm4b:s29+s17], $0x80, s3, s17, $0xb8;
	[tilespmem:$0x1F480] =	vst v63  }
0x1a3: {  	_ =	swait.ge [sflag:s31], $0x3200  }
0x1a4: {  	[sflag:s31] =	ssyncset.done $0x0  }
0x1a5: {  	s3 =	simm.s32 $0x1900;
	[sflag:s31] =	ssyncadd.s32 $0xFFFFCE00  }
0x1a6: {  	[spmem:s28] =	stream.indirect.scatter.add.f32 [tilespmem:s22], [sflag:$0x6], $0x80, s3, s17, $0xb8;
	[tilespmem:$0x1F480] =	vst v63  }
0x1a7: {  	_ =	swait.ge [sflag:s24], $0x3200  }
0x1a8: {  	[sflag:s24] =	ssyncset.done $0x0  }
0x1a9: {  	s3 =	simm.s32 $0x1280;
	[sflag:s24] =	ssyncadd.s32 $0xFFFFCE00  }
0x1aa: {  	[tilespmem:s22], [sflag:$0x3] =	stream.indirect.gather [hbm4b:s29+s17], $0x80, s3, s17, $0xb8;
	[tilespmem:$0x1F480] =	vst v63  }
0x1ab: {  	_ =	swait.ge [sflag:s23], $0x3200  }
0x1ac: {  	[sflag:s23] =	ssyncset.done $0x0  }
0x1ad: {  	s3 =	simm.s32 $0x1980;
	[sflag:s23] =	ssyncadd.s32 $0xFFFFCE00  }
0x1ae: {  	[spmem:s28] =	stream.indirect.scatter.add.f32 [tilespmem:s11], [sflag:$0x6], $0x80, s3, s17, $0xb8;
	[tilespmem:$0x1F480] =	vst v63  }
0x1af: {  	_ =	swait.ge [sflag:s24], $0x3200  }
0x1b0: {  	[sflag:s24] =	ssyncset.done $0x0  }
0x1b1: {  	s3 =	simm.s32 $0x1300;
	[sflag:s24] =	ssyncadd.s32 $0xFFFFCE00  }
0x1b2: {  	[tilespmem:s11], [sflag:$0x1] =	stream.indirect.gather [hbm4b:s29+s17], $0x80, s3, s17, $0xb8;
	[tilespmem:$0x1F480] =	vst v63  }
0x1b3: {  	_ =	swait.ge [sflag:s12], $0x3200  }
0x1b4: {  	[sflag:s12] =	ssyncset.done $0x0  }
0x1b5: {  	s3 =	simm.s32 $0x1A00;
	[sflag:s12] =	ssyncadd.s32 $0xFFFFCE00  }
0x1b6: {  	[spmem:s28] =	stream.indirect.scatter.add.f32 [tilespmem:s19], [sflag:$0x6], $0x80, s3, s17, $0xb8;
	[tilespmem:$0x1F480] =	vst v63  }
0x1b7: {  	_ =	swait.ge [sflag:s24], $0x3200  }
0x1b8: {  	[sflag:s24] =	ssyncset.done $0x0  }
0x1b9: {  	s3 =	simm.s32 $0x1380;
	[sflag:s24] =	ssyncadd.s32 $0xFFFFCE00  }
0x1ba: {  	[tilespmem:s19], [sflag:$0x2] =	stream.indirect.gather [hbm4b:s29+s17], $0x80, s3, s17, $0xb8;
	[tilespmem:$0x1F480] =	vst v63  }
0x1bb: {  	_ =	swait.ge [sflag:s31], $0x3200  }
0x1bc: {  	[sflag:s31] =	ssyncset.done $0x0  }
0x1bd: {  	s3 =	simm.s32 $0x1A80;
	[sflag:s31] =	ssyncadd.s32 $0xFFFFCE00  }
0x1be: {  	[spmem:s28] =	stream.indirect.scatter.add.f32 [tilespmem:s22], [sflag:$0x6], $0x80, s3, s17, $0xb8;
	[tilespmem:$0x1F480] =	vst v63  }
0x1bf: {  	_ =	swait.ge [sflag:s24], $0x3200  }
0x1c0: {  	[sflag:s24] =	ssyncset.done $0x0  }
0x1c1: {  	s3 =	simm.s32 $0x1400;
	[sflag:s24] =	ssyncadd.s32 $0xFFFFCE00  }
0x1c2: {  	[tilespmem:s22], [sflag:$0x3] =	stream.indirect.gather [hbm4b:s29+s17], $0x80, s3, s17, $0xb8;
	[tilespmem:$0x1F480] =	vst v63  }
0x1c3: {  	_ =	swait.ge [sflag:s13], $0x500  }
0x1c4: {  	[sflag:s13] =	ssyncset.done $0x0  }
0x1c5: {  	[sflag:s13] =	ssyncadd.s32 $0xFFFFFB00  }
0x1c6: {  	_ =	swait.ge [sflag:s14], $0x500  }
0x1c7: {  	[sflag:s14] =	ssyncset.done $0x0  }
0x1c8: {  	[sflag:s14] =	ssyncadd.s32 $0xFFFFFB00  }
0x1c9: {  	_ =	swait.ge [sflag:s23], $0x3200  }
0x1ca: {  	[sflag:s23] =	ssyncset.done $0x0  }
0x1cb: {  	s3 =	simm.s32 $0x1B00;
	[sflag:s23] =	ssyncadd.s32 $0xFFFFCE00  }
0x1cc: {  	[spmem:s28] =	stream.indirect.scatter.add.f32 [tilespmem:s11], [sflag:$0x6], $0x80, s3, s17, $0xb8;
	[tilespmem:$0x1F480] =	vst v63  }
0x1cd: {  	_ =	swait.ge [sflag:s24], $0x3200  }
0x1ce: {  	[sflag:s24] =	ssyncset.done $0x0  }
0x1cf: {  	s3 =	simm.s32 $0x1480;
	[sflag:s24] =	ssyncadd.s32 $0xFFFFCE00  }
0x1d0: {  	[tilespmem:s11], [sflag:$0x1] =	stream.indirect.gather [hbm4b:s29+s17], $0x80, s3, s17, $0xb8;
	[tilespmem:$0x1F480] =	vst v63  }
0x1d1: {  	_ =	swait.ge [sflag:s12], $0x3200  }
0x1d2: {  	[sflag:s12] =	ssyncset.done $0x0  }
0x1d3: {  	s3 =	simm.s32 $0x1B80;
	[sflag:s12] =	ssyncadd.s32 $0xFFFFCE00  }
0x1d4: {  	[spmem:s28] =	stream.indirect.scatter.add.f32 [tilespmem:s19], [sflag:$0x6], $0x80, s3, s17, $0xb8;
	[tilespmem:$0x1F480] =	vst v63  }
0x1d5: {  	_ =	swait.ge [sflag:s24], $0x3200  }
0x1d6: {  	[sflag:s24] =	ssyncset.done $0x0  }
0x1d7: {  	s3 =	simm.s32 $0x80;
	[sflag:s24] =	ssyncadd.s32 $0xFFFFCE00  }
0x1d8: {  	[tilespmem:s19], [sflag:$0x2] =	stream.indirect.gather [hbm4b:s29+s17], $0x80, s3, s17, $0xb8;
	[tilespmem:$0x1F480] =	vst v63  }
0x1d9: {  	_ =	swait.ge [sflag:s31], $0x3200  }
0x1da: {  	[sflag:s31] =	ssyncset.done $0x0  }
0x1db: {  	s3 =	simm.s32 $0x1C00;
	[sflag:s31] =	ssyncadd.s32 $0xFFFFCE00  }
0x1dc: {  	[spmem:s28] =	stream.indirect.scatter.add.f32 [tilespmem:s22], [sflag:$0x6], $0x80, s3, s17, $0xb8;
	[tilespmem:$0x1F480] =	vst v63  }
0x1dd: {  	_ =	swait.ge [sflag:s24], $0x3200  }
0x1de: {  	[sflag:s24] =	ssyncset.done $0x0  }
0x1df: {  	s3 =	simm.s32 $0x100;
	[sflag:s24] =	ssyncadd.s32 $0xFFFFCE00  }
0x1e0: {  	[tilespmem:s22], [sflag:$0x3] =	stream.indirect.gather [hbm4b:s29+s17], $0x80, s3, s17, $0xb8;
	[tilespmem:$0x1F480] =	vst v63  }
0x1e1: {  	_ =	swait.ge [sflag:s23], $0x3200  }
0x1e2: {  	[sflag:s23] =	ssyncset.done $0x0  }
0x1e3: {  	s3 =	simm.s32 $0x1C80;
	[sflag:s23] =	ssyncadd.s32 $0xFFFFCE00  }
0x1e4: {  	[spmem:s28] =	stream.indirect.scatter.add.f32 [tilespmem:s11], [sflag:$0x6], $0x80, s3, s17, $0xb8;
	[tilespmem:$0x1F480] =	vst v63  }
0x1e5: {  	_ =	swait.ge [sflag:s24], $0x3200  }
0x1e6: {  	[sflag:s24] =	ssyncset.done $0x0  }
0x1e7: {  	[sflag:s24] =	ssyncadd.s32 $0xFFFFCE00  }
0x1e8: {  	[tilespmem:s11], [sflag:$0x1] =	stream.indirect.gather [hbm4b:s29+s17], $0x80, s21, s17, $0xb8;
	[tilespmem:$0x1F480] =	vst v63  }
0x1e9: {  	s2 =	simm.s32 $0x1000;
	s0 =	rddreg [dreg:$0xe]  }
0x1ea: {  	[tilespmem:s2], [sflag:$0x4] =	stream.linear.gather [hbm4b:s0+s21], $0x500, $0x38;
	[tilespmem:$0x1F480] =	vst v63  }
0x1eb: {  	s3 =	rddreg [dreg:$0xf];
	s2 =	simm.s32 $0x1800  }
0x1ec: {  	[tilespmem:s2], [sflag:$0x5] =	stream.linear.gather [hbm4b:s3+s21], $0x500, $0x38;
	[tilespmem:$0x1F480] =	vst v63  }
0x1ed: {  	_ =	swait.ge [sflag:s23], $0x3200  }
0x1ee: {  	[sflag:s23] =	ssyncset.done $0x0  }
0x1ef: {  	[sflag:s23] =	ssyncadd.s32 $0xFFFFCE00  }
0x1f0: {  	[spmem:s28] =	stream.indirect.scatter.add.f32 [tilespmem:s11], [sflag:$0x6], $0x80, s15, s17, $0xb8;
	[tilespmem:$0x1F480] =	vst v63  }
0x1f1: {  	_ =	swait.ge [sflag:s24], $0x3200  }
0x1f2: {  	[sflag:s24] =	ssyncset.done $0x0  }
0x1f3: {  	s15 =	simm.s32 $0x180;
	[sflag:s24] =	ssyncadd.s32 $0xFFFFCE00  }
0x1f4: {  	[tilespmem:s11], [sflag:$0x1] =	stream.indirect.gather [hbm4b:s29+s17], $0x80, s15, s17, $0xb8;
	[tilespmem:$0x1F480] =	vst v63  }
0x1f5: {  	_ =	swait.ge [sflag:s12], $0x3200  }
0x1f6: {  	[sflag:s12] =	ssyncset.done $0x0  }
0x1f7: {  	[sflag:s12] =	ssyncadd.s32 $0xFFFFCE00  }
0x1f8: {  	[spmem:s28] =	stream.indirect.scatter.add.f32 [tilespmem:s19], [sflag:$0x6], $0x80, s10, s17, $0xb8;
	[tilespmem:$0x1F480] =	vst v63  }
0x1f9: {  	_ =	swait.ge [sflag:s24], $0x3200  }
0x1fa: {  	[sflag:s24] =	ssyncset.done $0x0  }
0x1fb: {  	[sflag:s24] =	ssyncadd.s32 $0xFFFFCE00  }
0x1fc: {  	[tilespmem:s19], [sflag:$0x2] =	stream.indirect.gather [hbm4b:s29+s17], $0x80, s9, s17, $0xb8;
	[tilespmem:$0x1F480] =	vst v63  }
0x1fd: {  	_ =	swait.ge [sflag:s31], $0x3200  }
0x1fe: {  	[sflag:s31] =	ssyncset.done $0x0  }
0x1ff: {  	[sflag:s31] =	ssyncadd.s32 $0xFFFFCE00  }
0x200: {  	[spmem:s28] =	stream.indirect.scatter.add.f32 [tilespmem:s22], [sflag:$0x6], $0x80, s18, s17, $0xb8;
	[tilespmem:$0x1F480] =	vst v63  }
0x201: {  	_ =	swait.ge [sflag:s24], $0x3200  }
0x202: {  	[sflag:s24] =	ssyncset.done $0x0  }
0x203: {  	[sflag:s24] =	ssyncadd.s32 $0xFFFFCE00  }
0x204: {  	[tilespmem:s22], [sflag:$0x3] =	stream.indirect.gather [hbm4b:s29+s17], $0x80, s20, s17, $0xb8;
	[tilespmem:$0x1F480] =	vst v63  }
0x205: {  	_ =	swait.ge [sflag:s23], $0x3200  }
0x206: {  	[sflag:s23] =	ssyncset.done $0x0  }
0x207: {  	[sflag:s23] =	ssyncadd.s32 $0xFFFFCE00  }
0x208: {  	[spmem:s28] =	stream.indirect.scatter.add.f32 [tilespmem:s11], [sflag:$0x6], $0x80, s30, s17, $0xb8;
	[tilespmem:$0x1F480] =	vst v63  }
0x209: {  	_ =	swait.ge [sflag:s24], $0x3200  }
0x20a: {  	[sflag:s24] =	ssyncset.done $0x0  }
0x20b: {  	[sflag:s24] =	ssyncadd.s32 $0xFFFFCE00  }
0x20c: {  	[tilespmem:s11], [sflag:$0x1] =	stream.indirect.gather [hbm4b:s29+s17], $0x80, s6, s17, $0xb8;
	[tilespmem:$0x1F480] =	vst v63  }
0x20d: {  	_ =	swait.ge [sflag:s12], $0x3200  }
0x20e: {  	[sflag:s12] =	ssyncset.done $0x0  }
0x20f: {  	[sflag:s12] =	ssyncadd.s32 $0xFFFFCE00  }
0x210: {  	[spmem:s28] =	stream.indirect.scatter.add.f32 [tilespmem:s19], [sflag:$0x6], $0x80, s7, s17, $0xb8;
	[tilespmem:$0x1F480] =	vst v63  }
0x211: {  	_ =	swait.ge [sflag:s24], $0x3200  }
0x212: {  	[sflag:s24] =	ssyncset.done $0x0  }
0x213: {  	[sflag:s24] =	ssyncadd.s32 $0xFFFFCE00  }
0x214: {  	[tilespmem:s19], [sflag:$0x2] =	stream.indirect.gather [hbm4b:s29+s17], $0x80, s8, s17, $0xb8;
	[tilespmem:$0x1F480] =	vst v63  }
0x215: {  	_ =	swait.ge [sflag:s31], $0x3200  }
0x216: {  	[sflag:s31] =	ssyncset.done $0x0  }
0x217: {  	[sflag:s31] =	ssyncadd.s32 $0xFFFFCE00  }
0x218: {  	[spmem:s28] =	stream.indirect.scatter.add.f32 [tilespmem:s22], [sflag:$0x6], $0x80, s5, s17, $0xb8;
	[tilespmem:$0x1F480] =	vst v63  }
0x219: {  	_ =	swait.ge [sflag:s24], $0x3200  }
0x21a: {  	[sflag:s24] =	ssyncset.done $0x0  }
0x21b: {  	[sflag:s24] =	ssyncadd.s32 $0xFFFFCE00  }
0x21c: {  	[tilespmem:s22], [sflag:$0x3] =	stream.indirect.gather [hbm4b:s29+s17], $0x80, s26, s17, $0xb8;
	[tilespmem:$0x1F480] =	vst v63  }
0x21d: {  	_ =	swait.ge [sflag:s13], $0x500  }
0x21e: {  	[sflag:s13] =	ssyncset.done $0x0  }
0x21f: {  	[sflag:s13] =	ssyncadd.s32 $0xFFFFFB00  }
0x220: {  	_ =	swait.ge [sflag:s14], $0x500  }
0x221: {  	[sflag:s14] =	ssyncset.done $0x0  }
0x222: {  	[sflag:s14] =	ssyncadd.s32 $0xFFFFFB00  }
0x223: {  	_ =	swait.ge [sflag:s23], $0x3200  }
0x224: {  	[sflag:s23] =	ssyncset.done $0x0  }
0x225: {  	[sflag:s23] =	ssyncadd.s32 $0xFFFFCE00  }
0x226: {  	[spmem:s28] =	stream.indirect.scatter.add.f32 [tilespmem:s11], [sflag:$0x6], $0x80, s25, s17, $0xb8;
	[tilespmem:$0x1F480] =	vst v63  }
0x227: {  	_ =	swait.ge [sflag:s24], $0x3200  }
0x228: {  	[sflag:s24] =	ssyncset.done $0x0  }
0x229: {  	[sflag:s24] =	ssyncadd.s32 $0xFFFFCE00  }
0x22a: {  	[tilespmem:s11], [sflag:$0x1] =	stream.indirect.gather [hbm4b:s29+s17], $0x80, s16, s17, $0xb8;
	[tilespmem:$0x1F480] =	vst v63  }
0x22b: {  	_ =	swait.ge [sflag:s12], $0x3200  }
0x22c: {  	[sflag:s12] =	ssyncset.done $0x0  }
0x22d: {  	s16 =	simm.s32 $0xB80;
	[sflag:s12] =	ssyncadd.s32 $0xFFFFCE00  }
0x22e: {  	[spmem:s28] =	stream.indirect.scatter.add.f32 [tilespmem:s19], [sflag:$0x6], $0x80, s16, s17, $0xb8;
	[tilespmem:$0x1F480] =	vst v63  }
0x22f: {  	_ =	swait.ge [sflag:s24], $0x3200  }
0x230: {  	[sflag:s24] =	ssyncset.done $0x0  }
0x231: {  	[sflag:s24] =	ssyncadd.s32 $0xFFFFCE00  }
0x232: {  	[tilespmem:s19], [sflag:$0x2] =	stream.indirect.gather [hbm4b:s29+s17], $0x80, s4, s17, $0xb8;
	[tilespmem:$0x1F480] =	vst v63  }
0x233: {  	_ =	swait.ge [sflag:s31], $0x3200  }
0x234: {  	[sflag:s31] =	ssyncset.done $0x0  }
0x235: {  	s5 =	simm.s32 $0xC00;
	[sflag:s31] =	ssyncadd.s32 $0xFFFFCE00  }
0x236: {  	[spmem:s28] =	stream.indirect.scatter.add.f32 [tilespmem:s22], [sflag:$0x6], $0x80, s5, s17, $0xb8;
	[tilespmem:$0x1F480] =	vst v63  }
0x237: {  	_ =	swait.ge [sflag:s24], $0x3200  }
0x238: {  	[sflag:s24] =	ssyncset.done $0x0  }
0x239: {  	s6 =	simm.s32 $0x1100;
	[sflag:s24] =	ssyncadd.s32 $0xFFFFCE00  }
0x23a: {  	[tilespmem:s22], [sflag:$0x3] =	stream.indirect.gather [hbm4b:s29+s17], $0x80, s6, s17, $0xb8;
	[tilespmem:$0x1F480] =	vst v63  }
0x23b: {  	_ =	swait.ge [sflag:s23], $0x3200  }
0x23c: {  	[sflag:s23] =	ssyncset.done $0x0  }
0x23d: {  	s16 =	simm.s32 $0xC80;
	[sflag:s23] =	ssyncadd.s32 $0xFFFFCE00  }
0x23e: {  	[spmem:s28] =	stream.indirect.scatter.add.f32 [tilespmem:s11], [sflag:$0x6], $0x80, s16, s17, $0xb8;
	[tilespmem:$0x1F480] =	vst v63  }
0x23f: {  	_ =	swait.ge [sflag:s24], $0x3200  }
0x240: {  	[sflag:s24] =	ssyncset.done $0x0  }
0x241: {  	s0 =	simm.s32 $0x1000;
	[sflag:s24] =	ssyncadd.s32 $0xFFFFCE00  }
0x242: {  	[tilespmem:s11], [sflag:$0x1] =	stream.indirect.gather [hbm4b:s29+s17], $0x80, s0, s17, $0xb8;
	[tilespmem:$0x1F480] =	vst v63  }
0x243: {  	s0 =	rddreg [dreg:$0x10]  }
0x244: {  	[tilespmem:s21], [sflag:$0x4] =	stream.linear.gather [hbm4b:s0+s21], $0x500, $0x38;
	[tilespmem:$0x1F480] =	vst v63  }
0x245: {  	s25 =	simm.s32 $0x800;
	s5 =	rddreg [dreg:$0x11]  }
0x246: {  	[tilespmem:s25], [sflag:$0x5] =	stream.linear.gather [hbm4b:s5+s21], $0x500, $0x38;
	[tilespmem:$0x1F480] =	vst v63  }
0x247: {  	_ =	swait.ge [sflag:s23], $0x3200  }
0x248: {  	[sflag:s23] =	ssyncset.done $0x0  }
0x249: {  	[sflag:s23] =	ssyncadd.s32 $0xFFFFCE00  }
0x24a: {  	[spmem:s28] =	stream.indirect.scatter.add.f32 [tilespmem:s11], [sflag:$0x6], $0x80, s2, s17, $0xb8;
	[tilespmem:$0x1F480] =	vst v63  }
0x24b: {  	_ =	swait.ge [sflag:s24], $0x3200  }
0x24c: {  	[sflag:s24] =	ssyncset.done $0x0  }
0x24d: {  	s6 =	simm.s32 $0x1180;
	[sflag:s24] =	ssyncadd.s32 $0xFFFFCE00  }
0x24e: {  	[tilespmem:s11], [sflag:$0x1] =	stream.indirect.gather [hbm4b:s29+s17], $0x80, s6, s17, $0xb8;
	[tilespmem:$0x1F480] =	vst v63  }
0x24f: {  	_ =	swait.ge [sflag:s12], $0x3200  }
0x250: {  	[sflag:s12] =	ssyncset.done $0x0  }
0x251: {  	s16 =	simm.s32 $0x1880;
	[sflag:s12] =	ssyncadd.s32 $0xFFFFCE00  }
0x252: {  	[spmem:s28] =	stream.indirect.scatter.add.f32 [tilespmem:s19], [sflag:$0x6], $0x80, s16, s17, $0xb8;
	[tilespmem:$0x1F480] =	vst v63  }
0x253: {  	_ =	swait.ge [sflag:s24], $0x3200  }
0x254: {  	[sflag:s24] =	ssyncset.done $0x0  }
0x255: {  	s3 =	simm.s32 $0x1200;
	[sflag:s24] =	ssyncadd.s32 $0xFFFFCE00  }
0x256: {  	[tilespmem:s19], [sflag:$0x2] =	stream.indirect.gather [hbm4b:s29+s17], $0x80, s3, s17, $0xb8;
	[tilespmem:$0x1F480] =	vst v63  }
0x257: {  	_ =	swait.ge [sflag:s31], $0x3200  }
0x258: {  	[sflag:s31] =	ssyncset.done $0x0  }
0x259: {  	s5 =	simm.s32 $0x1900;
	[sflag:s31] =	ssyncadd.s32 $0xFFFFCE00  }
0x25a: {  	[spmem:s28] =	stream.indirect.scatter.add.f32 [tilespmem:s22], [sflag:$0x6], $0x80, s5, s17, $0xb8;
	[tilespmem:$0x1F480] =	vst v63  }
0x25b: {  	_ =	swait.ge [sflag:s24], $0x3200  }
0x25c: {  	[sflag:s24] =	ssyncset.done $0x0  }
0x25d: {  	s6 =	simm.s32 $0x1280;
	[sflag:s24] =	ssyncadd.s32 $0xFFFFCE00  }
0x25e: {  	[tilespmem:s22], [sflag:$0x3] =	stream.indirect.gather [hbm4b:s29+s17], $0x80, s6, s17, $0xb8;
	[tilespmem:$0x1F480] =	vst v63  }
0x25f: {  	_ =	swait.ge [sflag:s23], $0x3200  }
0x260: {  	[sflag:s23] =	ssyncset.done $0x0  }
0x261: {  	s16 =	simm.s32 $0x1980;
	[sflag:s23] =	ssyncadd.s32 $0xFFFFCE00  }
0x262: {  	[spmem:s28] =	stream.indirect.scatter.add.f32 [tilespmem:s11], [sflag:$0x6], $0x80, s16, s17, $0xb8;
	[tilespmem:$0x1F480] =	vst v63  }
0x263: {  	_ =	swait.ge [sflag:s24], $0x3200  }
0x264: {  	[sflag:s24] =	ssyncset.done $0x0  }
0x265: {  	s3 =	simm.s32 $0x1300;
	[sflag:s24] =	ssyncadd.s32 $0xFFFFCE00  }
0x266: {  	[tilespmem:s11], [sflag:$0x1] =	stream.indirect.gather [hbm4b:s29+s17], $0x80, s3, s17, $0xb8;
	[tilespmem:$0x1F480] =	vst v63  }
0x267: {  	_ =	swait.ge [sflag:s12], $0x3200  }
0x268: {  	[sflag:s12] =	ssyncset.done $0x0  }
0x269: {  	s5 =	simm.s32 $0x1A00;
	[sflag:s12] =	ssyncadd.s32 $0xFFFFCE00  }
0x26a: {  	[spmem:s28] =	stream.indirect.scatter.add.f32 [tilespmem:s19], [sflag:$0x6], $0x80, s5, s17, $0xb8;
	[tilespmem:$0x1F480] =	vst v63  }
0x26b: {  	_ =	swait.ge [sflag:s24], $0x3200  }
0x26c: {  	[sflag:s24] =	ssyncset.done $0x0  }
0x26d: {  	s6 =	simm.s32 $0x1380;
	[sflag:s24] =	ssyncadd.s32 $0xFFFFCE00  }
0x26e: {  	[tilespmem:s19], [sflag:$0x2] =	stream.indirect.gather [hbm4b:s29+s17], $0x80, s6, s17, $0xb8;
	[tilespmem:$0x1F480] =	vst v63  }
0x26f: {  	_ =	swait.ge [sflag:s31], $0x3200  }
0x270: {  	[sflag:s31] =	ssyncset.done $0x0  }
0x271: {  	s16 =	simm.s32 $0x1A80;
	[sflag:s31] =	ssyncadd.s32 $0xFFFFCE00  }
0x272: {  	[spmem:s28] =	stream.indirect.scatter.add.f32 [tilespmem:s22], [sflag:$0x6], $0x80, s16, s17, $0xb8;
	[tilespmem:$0x1F480] =	vst v63  }
0x273: {  	_ =	swait.ge [sflag:s24], $0x3200  }
0x274: {  	[sflag:s24] =	ssyncset.done $0x0  }
0x275: {  	s3 =	simm.s32 $0x1400;
	[sflag:s24] =	ssyncadd.s32 $0xFFFFCE00  }
0x276: {  	[tilespmem:s22], [sflag:$0x3] =	stream.indirect.gather [hbm4b:s29+s17], $0x80, s3, s17, $0xb8;
	[tilespmem:$0x1F480] =	vst v63  }
0x277: {  	_ =	swait.ge [sflag:s13], $0x500  }
0x278: {  	[sflag:s13] =	ssyncset.done $0x0  }
0x279: {  	[sflag:s13] =	ssyncadd.s32 $0xFFFFFB00  }
0x27a: {  	_ =	swait.ge [sflag:s14], $0x500  }
0x27b: {  	[sflag:s14] =	ssyncset.done $0x0  }
0x27c: {  	[sflag:s14] =	ssyncadd.s32 $0xFFFFFB00  }
0x27d: {  	_ =	swait.ge [sflag:s23], $0x3200  }
0x27e: {  	[sflag:s23] =	ssyncset.done $0x0  }
0x27f: {  	s5 =	simm.s32 $0x1B00;
	[sflag:s23] =	ssyncadd.s32 $0xFFFFCE00  }
0x280: {  	[spmem:s28] =	stream.indirect.scatter.add.f32 [tilespmem:s11], [sflag:$0x6], $0x80, s5, s17, $0xb8;
	[tilespmem:$0x1F480] =	vst v63  }
0x281: {  	_ =	swait.ge [sflag:s24], $0x3200  }
0x282: {  	[sflag:s24] =	ssyncset.done $0x0  }
0x283: {  	s6 =	simm.s32 $0x1480;
	[sflag:s24] =	ssyncadd.s32 $0xFFFFCE00  }
0x284: {  	[tilespmem:s11], [sflag:$0x1] =	stream.indirect.gather [hbm4b:s29+s17], $0x80, s6, s17, $0xb8;
	[tilespmem:$0x1F480] =	vst v63  }
0x285: {  	_ =	swait.ge [sflag:s12], $0x3200  }
0x286: {  	[sflag:s12] =	ssyncset.done $0x0  }
0x287: {  	s16 =	simm.s32 $0x1B80;
	[sflag:s12] =	ssyncadd.s32 $0xFFFFCE00  }
0x288: {  	[spmem:s28] =	stream.indirect.scatter.add.f32 [tilespmem:s19], [sflag:$0x6], $0x80, s16, s17, $0xb8;
	[tilespmem:$0x1F480] =	vst v63  }
0x289: {  	_ =	swait.ge [sflag:s24], $0x3200  }
0x28a: {  	[sflag:s24] =	ssyncset.done $0x0  }
0x28b: {  	s0 =	simm.s32 $0x80;
	[sflag:s24] =	ssyncadd.s32 $0xFFFFCE00  }
0x28c: {  	[tilespmem:s19], [sflag:$0x2] =	stream.indirect.gather [hbm4b:s29+s17], $0x80, s0, s17, $0xb8;
	[tilespmem:$0x1F480] =	vst v63  }
0x28d: {  	_ =	swait.ge [sflag:s31], $0x3200  }
0x28e: {  	[sflag:s31] =	ssyncset.done $0x0  }
0x28f: {  	s3 =	simm.s32 $0x1C00;
	[sflag:s31] =	ssyncadd.s32 $0xFFFFCE00  }
0x290: {  	[spmem:s28] =	stream.indirect.scatter.add.f32 [tilespmem:s22], [sflag:$0x6], $0x80, s3, s17, $0xb8;
	[tilespmem:$0x1F480] =	vst v63  }
0x291: {  	_ =	swait.ge [sflag:s24], $0x3200  }
0x292: {  	[sflag:s24] =	ssyncset.done $0x0  }
0x293: {  	s5 =	simm.s32 $0x100;
	[sflag:s24] =	ssyncadd.s32 $0xFFFFCE00  }
0x294: {  	[tilespmem:s22], [sflag:$0x3] =	stream.indirect.gather [hbm4b:s29+s17], $0x80, s5, s17, $0xb8;
	[tilespmem:$0x1F480] =	vst v63  }
0x295: {  	_ =	swait.ge [sflag:s23], $0x3200  }
0x296: {  	[sflag:s23] =	ssyncset.done $0x0  }
0x297: {  	s16 =	simm.s32 $0x1C80;
	[sflag:s23] =	ssyncadd.s32 $0xFFFFCE00  }
0x298: {  	[spmem:s28] =	stream.indirect.scatter.add.f32 [tilespmem:s11], [sflag:$0x6], $0x80, s16, s17, $0xb8;
	[tilespmem:$0x1F480] =	vst v63  }
0x299: {  	_ =	swait.ge [sflag:s24], $0x3200  }
0x29a: {  	[sflag:s24] =	ssyncset.done $0x0  }
0x29b: {  	[sflag:s24] =	ssyncadd.s32 $0xFFFFCE00  }
0x29c: {  	[tilespmem:s11], [sflag:$0x1] =	stream.indirect.gather [hbm4b:s29+s17], $0x80, s21, s17, $0xb8;
	[tilespmem:$0x1F480] =	vst v63  }
0x29d: {  	s4 =	simm.s32 $0x1000;
	s0 =	rddreg [dreg:$0x12]  }
0x29e: {  	[tilespmem:s4], [sflag:$0x4] =	stream.linear.gather [hbm4b:s0+s21], $0x500, $0x38;
	[tilespmem:$0x1F480] =	vst v63  }
0x29f: {  	s2 =	simm.s32 $0x1800;
	s16 =	rddreg [dreg:$0x13]  }
0x2a0: {  	[tilespmem:s2], [sflag:$0x5] =	stream.linear.gather [hbm4b:s16+s21], $0x500, $0x38;
	[tilespmem:$0x1F480] =	vst v63  }
0x2a1: {  	_ =	swait.ge [sflag:s23], $0x3200  }
0x2a2: {  	[sflag:s23] =	ssyncset.done $0x0  }
0x2a3: {  	[sflag:s23] =	ssyncadd.s32 $0xFFFFCE00  }
0x2a4: {  	[spmem:s28] =	stream.indirect.scatter.add.f32 [tilespmem:s11], [sflag:$0x6], $0x80, s25, s17, $0xb8;
	[tilespmem:$0x1F480] =	vst v63  }
0x2a5: {  	_ =	swait.ge [sflag:s24], $0x3200  }
0x2a6: {  	[sflag:s24] =	ssyncset.done $0x0  }
0x2a7: {  	s15 =	simm.s32 $0x180;
	[sflag:s24] =	ssyncadd.s32 $0xFFFFCE00  }
0x2a8: {  	[tilespmem:s11], [sflag:$0x1] =	stream.indirect.gather [hbm4b:s29+s17], $0x80, s15, s17, $0xb8;
	[tilespmem:$0x1F480] =	vst v63  }
0x2a9: {  	_ =	swait.ge [sflag:s12], $0x3200  }
0x2aa: {  	[sflag:s12] =	ssyncset.done $0x0  }
0x2ab: {  	s10 =	simm.s32 $0x880;
	[sflag:s12] =	ssyncadd.s32 $0xFFFFCE00  }
0x2ac: {  	[spmem:s28] =	stream.indirect.scatter.add.f32 [tilespmem:s19], [sflag:$0x6], $0x80, s10, s17, $0xb8;
	[tilespmem:$0x1F480] =	vst v63  }
0x2ad: {  	_ =	swait.ge [sflag:s24], $0x3200  }
0x2ae: {  	[sflag:s24] =	ssyncset.done $0x0  }
0x2af: {  	s9 =	simm.s32 $0x200;
	[sflag:s24] =	ssyncadd.s32 $0xFFFFCE00  }
0x2b0: {  	[tilespmem:s19], [sflag:$0x2] =	stream.indirect.gather [hbm4b:s29+s17], $0x80, s9, s17, $0xb8;
	[tilespmem:$0x1F480] =	vst v63  }
0x2b1: {  	_ =	swait.ge [sflag:s31], $0x3200  }
0x2b2: {  	[sflag:s31] =	ssyncset.done $0x0  }
0x2b3: {  	s18 =	simm.s32 $0x900;
	[sflag:s31] =	ssyncadd.s32 $0xFFFFCE00  }
0x2b4: {  	[spmem:s28] =	stream.indirect.scatter.add.f32 [tilespmem:s22], [sflag:$0x6], $0x80, s18, s17, $0xb8;
	[tilespmem:$0x1F480] =	vst v63  }
0x2b5: {  	_ =	swait.ge [sflag:s24], $0x3200  }
0x2b6: {  	[sflag:s24] =	ssyncset.done $0x0  }
0x2b7: {  	s20 =	simm.s32 $0x280;
	[sflag:s24] =	ssyncadd.s32 $0xFFFFCE00  }
0x2b8: {  	[tilespmem:s22], [sflag:$0x3] =	stream.indirect.gather [hbm4b:s29+s17], $0x80, s20, s17, $0xb8;
	[tilespmem:$0x1F480] =	vst v63  }
0x2b9: {  	_ =	swait.ge [sflag:s23], $0x3200  }
0x2ba: {  	[sflag:s23] =	ssyncset.done $0x0  }
0x2bb: {  	s30 =	simm.s32 $0x980;
	[sflag:s23] =	ssyncadd.s32 $0xFFFFCE00  }
0x2bc: {  	[spmem:s28] =	stream.indirect.scatter.add.f32 [tilespmem:s11], [sflag:$0x6], $0x80, s30, s17, $0xb8;
	[tilespmem:$0x1F480] =	vst v63  }
0x2bd: {  	_ =	swait.ge [sflag:s24], $0x3200  }
0x2be: {  	[sflag:s24] =	ssyncset.done $0x0  }
0x2bf: {  	s30 =	simm.s32 $0x300;
	[sflag:s24] =	ssyncadd.s32 $0xFFFFCE00  }
0x2c0: {  	[tilespmem:s11], [sflag:$0x1] =	stream.indirect.gather [hbm4b:s29+s17], $0x80, s30, s17, $0xb8;
	[tilespmem:$0x1F480] =	vst v63  }
0x2c1: {  	_ =	swait.ge [sflag:s12], $0x3200  }
0x2c2: {  	[sflag:s12] =	ssyncset.done $0x0  }
0x2c3: {  	s7 =	simm.s32 $0xA00;
	[sflag:s12] =	ssyncadd.s32 $0xFFFFCE00  }
0x2c4: {  	[spmem:s28] =	stream.indirect.scatter.add.f32 [tilespmem:s19], [sflag:$0x6], $0x80, s7, s17, $0xb8;
	[tilespmem:$0x1F480] =	vst v63  }
0x2c5: {  	_ =	swait.ge [sflag:s24], $0x3200  }
0x2c6: {  	[sflag:s24] =	ssyncset.done $0x0  }
0x2c7: {  	s8 =	simm.s32 $0x380;
	[sflag:s24] =	ssyncadd.s32 $0xFFFFCE00  }
0x2c8: {  	[tilespmem:s19], [sflag:$0x2] =	stream.indirect.gather [hbm4b:s29+s17], $0x80, s8, s17, $0xb8;
	[tilespmem:$0x1F480] =	vst v63  }
0x2c9: {  	_ =	swait.ge [sflag:s31], $0x3200  }
0x2ca: {  	[sflag:s31] =	ssyncset.done $0x0  }
0x2cb: {  	s0 =	simm.s32 $0xA80;
	[sflag:s31] =	ssyncadd.s32 $0xFFFFCE00  }
0x2cc: {  	[spmem:s28] =	stream.indirect.scatter.add.f32 [tilespmem:s22], [sflag:$0x6], $0x80, s0, s17, $0xb8;
	[tilespmem:$0x1F480] =	vst v63  }
0x2cd: {  	_ =	swait.ge [sflag:s24], $0x3200  }
0x2ce: {  	[sflag:s24] =	ssyncset.done $0x0  }
0x2cf: {  	s26 =	simm.s32 $0x400;
	[sflag:s24] =	ssyncadd.s32 $0xFFFFCE00  }
0x2d0: {  	[tilespmem:s22], [sflag:$0x3] =	stream.indirect.gather [hbm4b:s29+s17], $0x80, s26, s17, $0xb8;
	[tilespmem:$0x1F480] =	vst v63  }
0x2d1: {  	_ =	swait.ge [sflag:s13], $0x500  }
0x2d2: {  	[sflag:s13] =	ssyncset.done $0x0  }
0x2d3: {  	[sflag:s13] =	ssyncadd.s32 $0xFFFFFB00  }
0x2d4: {  	_ =	swait.ge [sflag:s14], $0x500  }
0x2d5: {  	[sflag:s14] =	ssyncset.done $0x0  }
0x2d6: {  	[sflag:s14] =	ssyncadd.s32 $0xFFFFFB00  }
0x2d7: {  	_ =	swait.ge [sflag:s23], $0x3200  }
0x2d8: {  	[sflag:s23] =	ssyncset.done $0x0  }
0x2d9: {  	s7 =	simm.s32 $0xB00;
	[sflag:s23] =	ssyncadd.s32 $0xFFFFCE00  }
0x2da: {  	[spmem:s28] =	stream.indirect.scatter.add.f32 [tilespmem:s11], [sflag:$0x6], $0x80, s7, s17, $0xb8;
	[tilespmem:$0x1F480] =	vst v63  }
0x2db: {  	_ =	swait.ge [sflag:s24], $0x3200  }
0x2dc: {  	[sflag:s24] =	ssyncset.done $0x0  }
0x2dd: {  	s8 =	simm.s32 $0x480;
	[sflag:s24] =	ssyncadd.s32 $0xFFFFCE00  }
0x2de: {  	[tilespmem:s11], [sflag:$0x1] =	stream.indirect.gather [hbm4b:s29+s17], $0x80, s8, s17, $0xb8;
	[tilespmem:$0x1F480] =	vst v63  }
0x2df: {  	_ =	swait.ge [sflag:s12], $0x3200  }
0x2e0: {  	[sflag:s12] =	ssyncset.done $0x0  }
0x2e1: {  	s9 =	simm.s32 $0xB80;
	[sflag:s12] =	ssyncadd.s32 $0xFFFFCE00  }
0x2e2: {  	[spmem:s28] =	stream.indirect.scatter.add.f32 [tilespmem:s19], [sflag:$0x6], $0x80, s9, s17, $0xb8;
	[tilespmem:$0x1F480] =	vst v63  }
0x2e3: {  	_ =	swait.ge [sflag:s24], $0x3200  }
0x2e4: {  	[sflag:s24] =	ssyncset.done $0x0  }
0x2e5: {  	s10 =	simm.s32 $0x1080;
	[sflag:s24] =	ssyncadd.s32 $0xFFFFCE00  }
0x2e6: {  	[tilespmem:s19], [sflag:$0x2] =	stream.indirect.gather [hbm4b:s29+s17], $0x80, s10, s17, $0xb8;
	[tilespmem:$0x1F480] =	vst v63  }
0x2e7: {  	_ =	swait.ge [sflag:s31], $0x3200  }
0x2e8: {  	[sflag:s31] =	ssyncset.done $0x0  }
0x2e9: {  	s15 =	simm.s32 $0xC00;
	[sflag:s31] =	ssyncadd.s32 $0xFFFFCE00  }
0x2ea: {  	[spmem:s28] =	stream.indirect.scatter.add.f32 [tilespmem:s22], [sflag:$0x6], $0x80, s15, s17, $0xb8;
	[tilespmem:$0x1F480] =	vst v63  }
0x2eb: {  	_ =	swait.ge [sflag:s24], $0x3200  }
0x2ec: {  	[sflag:s24] =	ssyncset.done $0x0  }
0x2ed: {  	s16 =	simm.s32 $0x1100;
	[sflag:s24] =	ssyncadd.s32 $0xFFFFCE00  }
0x2ee: {  	[tilespmem:s22], [sflag:$0x3] =	stream.indirect.gather [hbm4b:s29+s17], $0x80, s16, s17, $0xb8;
	[tilespmem:$0x1F480] =	vst v63  }
0x2ef: {  	_ =	swait.ge [sflag:s23], $0x3200  }
0x2f0: {  	[sflag:s23] =	ssyncset.done $0x0  }
0x2f1: {  	s18 =	simm.s32 $0xC80;
	[sflag:s23] =	ssyncadd.s32 $0xFFFFCE00  }
0x2f2: {  	[spmem:s28] =	stream.indirect.scatter.add.f32 [tilespmem:s11], [sflag:$0x6], $0x80, s18, s17, $0xb8;
	[tilespmem:$0x1F480] =	vst v63  }
0x2f3: {  	_ =	swait.ge [sflag:s24], $0x3200  }
0x2f4: {  	[sflag:s24] =	ssyncset.done $0x0  }
0x2f5: {  	[sflag:s24] =	ssyncadd.s32 $0xFFFFCE00  }
0x2f6: {  	[tilespmem:s11], [sflag:$0x1] =	stream.indirect.gather [hbm4b:s29+s17], $0x80, s4, s17, $0xb8;
	[tilespmem:$0x1F480] =	vst v63  }
0x2f7: {  	s20 =	rddreg [dreg:$0x14]  }
0x2f8: {  	[tilespmem:s21], [sflag:$0x4] =	stream.linear.gather [hbm4b:s20+s21], $0x500, $0x38;
	[tilespmem:$0x1F480] =	vst v63  }
0x2f9: {  	s26 =	rddreg [dreg:$0x15]  }
0x2fa: {  	[tilespmem:s25], [sflag:$0x5] =	stream.linear.gather [hbm4b:s26+s21], $0x500, $0x38;
	[tilespmem:$0x1F480] =	vst v63  }
0x2fb: {  	_ =	swait.ge [sflag:s23], $0x3200  }
0x2fc: {  	[sflag:s23] =	ssyncset.done $0x0  }
0x2fd: {  	[sflag:s23] =	ssyncadd.s32 $0xFFFFCE00  }
0x2fe: {  	[spmem:s28] =	stream.indirect.scatter.add.f32 [tilespmem:s11], [sflag:$0x6], $0x80, s2, s17, $0xb8;
	[tilespmem:$0x1F480] =	vst v63  }
0x2ff: {  	_ =	swait.ge [sflag:s24], $0x3200  }
0x300: {  	[sflag:s24] =	ssyncset.done $0x0  }
0x301: {  	s30 =	simm.s32 $0x1180;
	[sflag:s24] =	ssyncadd.s32 $0xFFFFCE00  }
0x302: {  	[tilespmem:s11], [sflag:$0x1] =	stream.indirect.gather [hbm4b:s29+s17], $0x80, s30, s17, $0xb8;
	[tilespmem:$0x1F480] =	vst v63  }
0x303: {  	_ =	swait.ge [sflag:s12], $0x3200  }
0x304: {  	[sflag:s12] =	ssyncset.done $0x0  }
0x305: {  	s0 =	simm.s32 $0x1880;
	[sflag:s12] =	ssyncadd.s32 $0xFFFFCE00  }
0x306: {  	[spmem:s28] =	stream.indirect.scatter.add.f32 [tilespmem:s19], [sflag:$0x6], $0x80, s0, s17, $0xb8;
	[tilespmem:$0x1F480] =	vst v63  }
0x307: {  	_ =	swait.ge [sflag:s24], $0x3200  }
0x308: {  	[sflag:s24] =	ssyncset.done $0x0  }
0x309: {  	s7 =	simm.s32 $0x1200;
	[sflag:s24] =	ssyncadd.s32 $0xFFFFCE00  }
0x30a: {  	[tilespmem:s19], [sflag:$0x2] =	stream.indirect.gather [hbm4b:s29+s17], $0x80, s7, s17, $0xb8;
	[tilespmem:$0x1F480] =	vst v63  }
0x30b: {  	_ =	swait.ge [sflag:s31], $0x3200  }
0x30c: {  	[sflag:s31] =	ssyncset.done $0x0  }
0x30d: {  	s8 =	simm.s32 $0x1900;
	[sflag:s31] =	ssyncadd.s32 $0xFFFFCE00  }
0x30e: {  	[spmem:s28] =	stream.indirect.scatter.add.f32 [tilespmem:s22], [sflag:$0x6], $0x80, s8, s17, $0xb8;
	[tilespmem:$0x1F480] =	vst v63  }
0x30f: {  	_ =	swait.ge [sflag:s24], $0x3200  }
0x310: {  	[sflag:s24] =	ssyncset.done $0x0  }
0x311: {  	s9 =	simm.s32 $0x1280;
	[sflag:s24] =	ssyncadd.s32 $0xFFFFCE00  }
0x312: {  	[tilespmem:s22], [sflag:$0x3] =	stream.indirect.gather [hbm4b:s29+s17], $0x80, s9, s17, $0xb8;
	[tilespmem:$0x1F480] =	vst v63  }
0x313: {  	_ =	swait.ge [sflag:s23], $0x3200  }
0x314: {  	[sflag:s23] =	ssyncset.done $0x0  }
0x315: {  	s10 =	simm.s32 $0x1980;
	[sflag:s23] =	ssyncadd.s32 $0xFFFFCE00  }
0x316: {  	[spmem:s28] =	stream.indirect.scatter.add.f32 [tilespmem:s11], [sflag:$0x6], $0x80, s10, s17, $0xb8;
	[tilespmem:$0x1F480] =	vst v63  }
0x317: {  	_ =	swait.ge [sflag:s24], $0x3200  }
0x318: {  	[sflag:s24] =	ssyncset.done $0x0  }
0x319: {  	s15 =	simm.s32 $0x1300;
	[sflag:s24] =	ssyncadd.s32 $0xFFFFCE00  }
0x31a: {  	[tilespmem:s11], [sflag:$0x1] =	stream.indirect.gather [hbm4b:s29+s17], $0x80, s15, s17, $0xb8;
	[tilespmem:$0x1F480] =	vst v63  }
0x31b: {  	_ =	swait.ge [sflag:s12], $0x3200  }
0x31c: {  	[sflag:s12] =	ssyncset.done $0x0  }
0x31d: {  	s16 =	simm.s32 $0x1A00;
	[sflag:s12] =	ssyncadd.s32 $0xFFFFCE00  }
0x31e: {  	[spmem:s28] =	stream.indirect.scatter.add.f32 [tilespmem:s19], [sflag:$0x6], $0x80, s16, s17, $0xb8;
	[tilespmem:$0x1F480] =	vst v63  }
0x31f: {  	_ =	swait.ge [sflag:s24], $0x3200  }
0x320: {  	[sflag:s24] =	ssyncset.done $0x0  }
0x321: {  	s18 =	simm.s32 $0x1380;
	[sflag:s24] =	ssyncadd.s32 $0xFFFFCE00  }
0x322: {  	[tilespmem:s19], [sflag:$0x2] =	stream.indirect.gather [hbm4b:s29+s17], $0x80, s18, s17, $0xb8;
	[tilespmem:$0x1F480] =	vst v63  }
0x323: {  	_ =	swait.ge [sflag:s31], $0x3200  }
0x324: {  	[sflag:s31] =	ssyncset.done $0x0  }
0x325: {  	s20 =	simm.s32 $0x1A80;
	[sflag:s31] =	ssyncadd.s32 $0xFFFFCE00  }
0x326: {  	[spmem:s28] =	stream.indirect.scatter.add.f32 [tilespmem:s22], [sflag:$0x6], $0x80, s20, s17, $0xb8;
	[tilespmem:$0x1F480] =	vst v63  }
0x327: {  	_ =	swait.ge [sflag:s24], $0x3200  }
0x328: {  	[sflag:s24] =	ssyncset.done $0x0  }
0x329: {  	s0 =	simm.s32 $0x1400;
	[sflag:s24] =	ssyncadd.s32 $0xFFFFCE00  }
0x32a: {  	[tilespmem:s22], [sflag:$0x3] =	stream.indirect.gather [hbm4b:s29+s17], $0x80, s0, s17, $0xb8;
	[tilespmem:$0x1F480] =	vst v63  }
0x32b: {  	_ =	swait.ge [sflag:s13], $0x500  }
0x32c: {  	[sflag:s13] =	ssyncset.done $0x0  }
0x32d: {  	[sflag:s13] =	ssyncadd.s32 $0xFFFFFB00  }
0x32e: {  	_ =	swait.ge [sflag:s14], $0x500  }
0x32f: {  	[sflag:s14] =	ssyncset.done $0x0  }
0x330: {  	[sflag:s14] =	ssyncadd.s32 $0xFFFFFB00  }
0x331: {  	_ =	swait.ge [sflag:s23], $0x3200  }
0x332: {  	[sflag:s23] =	ssyncset.done $0x0  }
0x333: {  	s0 =	simm.s32 $0x1B00;
	[sflag:s23] =	ssyncadd.s32 $0xFFFFCE00  }
0x334: {  	[spmem:s28] =	stream.indirect.scatter.add.f32 [tilespmem:s11], [sflag:$0x6], $0x80, s0, s17, $0xb8;
	[tilespmem:$0x1F480] =	vst v63  }
0x335: {  	_ =	swait.ge [sflag:s24], $0x3200  }
0x336: {  	[sflag:s24] =	ssyncset.done $0x0  }
0x337: {  	s7 =	simm.s32 $0x1480;
	[sflag:s24] =	ssyncadd.s32 $0xFFFFCE00  }
0x338: {  	[tilespmem:s11], [sflag:$0x1] =	stream.indirect.gather [hbm4b:s29+s17], $0x80, s7, s17, $0xb8;
	[tilespmem:$0x1F480] =	vst v63  }
0x339: {  	_ =	swait.ge [sflag:s12], $0x3200  }
0x33a: {  	[sflag:s12] =	ssyncset.done $0x0  }
0x33b: {  	s8 =	simm.s32 $0x1B80;
	[sflag:s12] =	ssyncadd.s32 $0xFFFFCE00  }
0x33c: {  	[spmem:s28] =	stream.indirect.scatter.add.f32 [tilespmem:s19], [sflag:$0x6], $0x80, s8, s17, $0xb8;
	[tilespmem:$0x1F480] =	vst v63  }
0x33d: {  	_ =	swait.ge [sflag:s24], $0x3200  }
0x33e: {  	[sflag:s24] =	ssyncset.done $0x0  }
0x33f: {  	s6 =	simm.s32 $0x80;
	[sflag:s24] =	ssyncadd.s32 $0xFFFFCE00  }
0x340: {  	[tilespmem:s19], [sflag:$0x2] =	stream.indirect.gather [hbm4b:s29+s17], $0x80, s6, s17, $0xb8;
	[tilespmem:$0x1F480] =	vst v63  }
0x341: {  	_ =	swait.ge [sflag:s31], $0x3200  }
0x342: {  	[sflag:s31] =	ssyncset.done $0x0  }
0x343: {  	s6 =	simm.s32 $0x1C00;
	[sflag:s31] =	ssyncadd.s32 $0xFFFFCE00  }
0x344: {  	[spmem:s28] =	stream.indirect.scatter.add.f32 [tilespmem:s22], [sflag:$0x6], $0x80, s6, s17, $0xb8;
	[tilespmem:$0x1F480] =	vst v63  }
0x345: {  	_ =	swait.ge [sflag:s24], $0x3200  }
0x346: {  	[sflag:s24] =	ssyncset.done $0x0  }
0x347: {  	s5 =	simm.s32 $0x100;
	[sflag:s24] =	ssyncadd.s32 $0xFFFFCE00  }
0x348: {  	[tilespmem:s22], [sflag:$0x3] =	stream.indirect.gather [hbm4b:s29+s17], $0x80, s5, s17, $0xb8;
	[tilespmem:$0x1F480] =	vst v63  }
0x349: {  	_ =	swait.ge [sflag:s23], $0x3200  }
0x34a: {  	[sflag:s23] =	ssyncset.done $0x0  }
0x34b: {  	s5 =	simm.s32 $0x1C80;
	[sflag:s23] =	ssyncadd.s32 $0xFFFFCE00  }
0x34c: {  	[spmem:s28] =	stream.indirect.scatter.add.f32 [tilespmem:s11], [sflag:$0x6], $0x80, s5, s17, $0xb8;
	[tilespmem:$0x1F480] =	vst v63  }
0x34d: {  	_ =	swait.ge [sflag:s24], $0x3200  }
0x34e: {  	[sflag:s24] =	ssyncset.done $0x0  }
0x34f: {  	[sflag:s24] =	ssyncadd.s32 $0xFFFFCE00  }
0x350: {  	[tilespmem:s11], [sflag:$0x1] =	stream.indirect.gather [hbm4b:s29+s17], $0x80, s21, s17, $0xb8;
	[tilespmem:$0x1F480] =	vst v63  }
0x351: {  	s3 =	rddreg [dreg:$0x17]  }
0x352: {  	[tilespmem:s4], [sflag:$0x4] =	stream.linear.gather [hbm4b:s3+s21], $0x500, $0x38;
	[tilespmem:$0x1F480] =	vst v63  }
0x353: {  	s3 =	rddreg [dreg:$0x18]  }
0x354: {  	[tilespmem:s2], [sflag:$0x5] =	stream.linear.gather [hbm4b:s3+s21], $0x500, $0x38;
	[tilespmem:$0x1F480] =	vst v63  }
0x355: {  	_ =	swait.ge [sflag:s23], $0x3200  }
0x356: {  	[sflag:s23] =	ssyncset.done $0x0  }
0x357: {  	[sflag:s23] =	ssyncadd.s32 $0xFFFFCE00  }
0x358: {  	[spmem:s28] =	stream.indirect.scatter.add.f32 [tilespmem:s11], [sflag:$0x6], $0x80, s25, s17, $0xb8;
	[tilespmem:$0x1F480] =	vst v63  }
0x359: {  	_ =	swait.ge [sflag:s24], $0x3200  }
0x35a: {  	[sflag:s24] =	ssyncset.done $0x0  }
0x35b: {  	s3 =	simm.s32 $0x180;
	[sflag:s24] =	ssyncadd.s32 $0xFFFFCE00  }
0x35c: {  	[tilespmem:s11], [sflag:$0x1] =	stream.indirect.gather [hbm4b:s29+s17], $0x80, s3, s17, $0xb8;
	[tilespmem:$0x1F480] =	vst v63  }
0x35d: {  	_ =	swait.ge [sflag:s12], $0x3200  }
0x35e: {  	[sflag:s12] =	ssyncset.done $0x0  }
0x35f: {  	s3 =	simm.s32 $0x880;
	[sflag:s12] =	ssyncadd.s32 $0xFFFFCE00  }
0x360: {  	[spmem:s28] =	stream.indirect.scatter.add.f32 [tilespmem:s19], [sflag:$0x6], $0x80, s3, s17, $0xb8;
	[tilespmem:$0x1F480] =	vst v63  }
0x361: {  	_ =	swait.ge [sflag:s24], $0x3200  }
0x362: {  	[sflag:s24] =	ssyncset.done $0x0  }
0x363: {  	s3 =	simm.s32 $0x200;
	[sflag:s24] =	ssyncadd.s32 $0xFFFFCE00  }
0x364: {  	[tilespmem:s19], [sflag:$0x2] =	stream.indirect.gather [hbm4b:s29+s17], $0x80, s3, s17, $0xb8;
	[tilespmem:$0x1F480] =	vst v63  }
0x365: {  	_ =	swait.ge [sflag:s31], $0x3200  }
0x366: {  	[sflag:s31] =	ssyncset.done $0x0  }
0x367: {  	s3 =	simm.s32 $0x900;
	[sflag:s31] =	ssyncadd.s32 $0xFFFFCE00  }
0x368: {  	[spmem:s28] =	stream.indirect.scatter.add.f32 [tilespmem:s22], [sflag:$0x6], $0x80, s3, s17, $0xb8;
	[tilespmem:$0x1F480] =	vst v63  }
0x369: {  	_ =	swait.ge [sflag:s24], $0x3200  }
0x36a: {  	[sflag:s24] =	ssyncset.done $0x0  }
0x36b: {  	s3 =	simm.s32 $0x280;
	[sflag:s24] =	ssyncadd.s32 $0xFFFFCE00  }
0x36c: {  	[tilespmem:s22], [sflag:$0x3] =	stream.indirect.gather [hbm4b:s29+s17], $0x80, s3, s17, $0xb8;
	[tilespmem:$0x1F480] =	vst v63  }
0x36d: {  	_ =	swait.ge [sflag:s23], $0x3200  }
0x36e: {  	[sflag:s23] =	ssyncset.done $0x0  }
0x36f: {  	s3 =	simm.s32 $0x980;
	[sflag:s23] =	ssyncadd.s32 $0xFFFFCE00  }
0x370: {  	[spmem:s28] =	stream.indirect.scatter.add.f32 [tilespmem:s11], [sflag:$0x6], $0x80, s3, s17, $0xb8;
	[tilespmem:$0x1F480] =	vst v63  }
0x371: {  	_ =	swait.ge [sflag:s24], $0x3200  }
0x372: {  	[sflag:s24] =	ssyncset.done $0x0  }
0x373: {  	s3 =	simm.s32 $0x300;
	[sflag:s24] =	ssyncadd.s32 $0xFFFFCE00  }
0x374: {  	[tilespmem:s11], [sflag:$0x1] =	stream.indirect.gather [hbm4b:s29+s17], $0x80, s3, s17, $0xb8;
	[tilespmem:$0x1F480] =	vst v63  }
0x375: {  	_ =	swait.ge [sflag:s12], $0x3200  }
0x376: {  	[sflag:s12] =	ssyncset.done $0x0  }
0x377: {  	s3 =	simm.s32 $0xA00;
	[sflag:s12] =	ssyncadd.s32 $0xFFFFCE00  }
0x378: {  	[spmem:s28] =	stream.indirect.scatter.add.f32 [tilespmem:s19], [sflag:$0x6], $0x80, s3, s17, $0xb8;
	[tilespmem:$0x1F480] =	vst v63  }
0x379: {  	_ =	swait.ge [sflag:s24], $0x3200  }
0x37a: {  	[sflag:s24] =	ssyncset.done $0x0  }
0x37b: {  	s3 =	simm.s32 $0x380;
	[sflag:s24] =	ssyncadd.s32 $0xFFFFCE00  }
0x37c: {  	[tilespmem:s19], [sflag:$0x2] =	stream.indirect.gather [hbm4b:s29+s17], $0x80, s3, s17, $0xb8;
	[tilespmem:$0x1F480] =	vst v63  }
0x37d: {  	_ =	swait.ge [sflag:s31], $0x3200  }
0x37e: {  	[sflag:s31] =	ssyncset.done $0x0  }
0x37f: {  	s3 =	simm.s32 $0xA80;
	[sflag:s31] =	ssyncadd.s32 $0xFFFFCE00  }
0x380: {  	[spmem:s28] =	stream.indirect.scatter.add.f32 [tilespmem:s22], [sflag:$0x6], $0x80, s3, s17, $0xb8;
	[tilespmem:$0x1F480] =	vst v63  }
0x381: {  	_ =	swait.ge [sflag:s24], $0x3200  }
0x382: {  	[sflag:s24] =	ssyncset.done $0x0  }
0x383: {  	s3 =	simm.s32 $0x400;
	[sflag:s24] =	ssyncadd.s32 $0xFFFFCE00  }
0x384: {  	[tilespmem:s22], [sflag:$0x3] =	stream.indirect.gather [hbm4b:s29+s17], $0x80, s3, s17, $0xb8;
	[tilespmem:$0x1F480] =	vst v63  }
0x385: {  	_ =	swait.ge [sflag:s13], $0x500  }
0x386: {  	[sflag:s13] =	ssyncset.done $0x0  }
0x387: {  	[sflag:s13] =	ssyncadd.s32 $0xFFFFFB00  }
0x388: {  	_ =	swait.ge [sflag:s14], $0x500  }
0x389: {  	[sflag:s14] =	ssyncset.done $0x0  }
0x38a: {  	[sflag:s14] =	ssyncadd.s32 $0xFFFFFB00  }
0x38b: {  	_ =	swait.ge [sflag:s23], $0x3200  }
0x38c: {  	[sflag:s23] =	ssyncset.done $0x0  }
0x38d: {  	s3 =	simm.s32 $0xB00;
	[sflag:s23] =	ssyncadd.s32 $0xFFFFCE00  }
0x38e: {  	[spmem:s28] =	stream.indirect.scatter.add.f32 [tilespmem:s11], [sflag:$0x6], $0x80, s3, s17, $0xb8;
	[tilespmem:$0x1F480] =	vst v63  }
0x38f: {  	_ =	swait.ge [sflag:s24], $0x3200  }
0x390: {  	[sflag:s24] =	ssyncset.done $0x0  }
0x391: {  	s3 =	simm.s32 $0x480;
	[sflag:s24] =	ssyncadd.s32 $0xFFFFCE00  }
0x392: {  	[tilespmem:s11], [sflag:$0x1] =	stream.indirect.gather [hbm4b:s29+s17], $0x80, s3, s17, $0xb8;
	[tilespmem:$0x1F480] =	vst v63  }
0x393: {  	_ =	swait.ge [sflag:s12], $0x3200  }
0x394: {  	[sflag:s12] =	ssyncset.done $0x0  }
0x395: {  	s3 =	simm.s32 $0xB80;
	[sflag:s12] =	ssyncadd.s32 $0xFFFFCE00  }
0x396: {  	[spmem:s28] =	stream.indirect.scatter.add.f32 [tilespmem:s19], [sflag:$0x6], $0x80, s3, s17, $0xb8;
	[tilespmem:$0x1F480] =	vst v63  }
0x397: {  	_ =	swait.ge [sflag:s24], $0x3200  }
0x398: {  	[sflag:s24] =	ssyncset.done $0x0  }
0x399: {  	s3 =	simm.s32 $0x1080;
	[sflag:s24] =	ssyncadd.s32 $0xFFFFCE00  }
0x39a: {  	[tilespmem:s19], [sflag:$0x2] =	stream.indirect.gather [hbm4b:s29+s17], $0x80, s3, s17, $0xb8;
	[tilespmem:$0x1F480] =	vst v63  }
0x39b: {  	_ =	swait.ge [sflag:s31], $0x3200  }
0x39c: {  	[sflag:s31] =	ssyncset.done $0x0  }
0x39d: {  	s3 =	simm.s32 $0xC00;
	[sflag:s31] =	ssyncadd.s32 $0xFFFFCE00  }
0x39e: {  	[spmem:s28] =	stream.indirect.scatter.add.f32 [tilespmem:s22], [sflag:$0x6], $0x80, s3, s17, $0xb8;
	[tilespmem:$0x1F480] =	vst v63  }
0x39f: {  	_ =	swait.ge [sflag:s24], $0x3200  }
0x3a0: {  	[sflag:s24] =	ssyncset.done $0x0  }
0x3a1: {  	s3 =	simm.s32 $0x1100;
	[sflag:s24] =	ssyncadd.s32 $0xFFFFCE00  }
0x3a2: {  	[tilespmem:s22], [sflag:$0x3] =	stream.indirect.gather [hbm4b:s29+s17], $0x80, s3, s17, $0xb8;
	[tilespmem:$0x1F480] =	vst v63  }
0x3a3: {  	_ =	swait.ge [sflag:s23], $0x3200  }
0x3a4: {  	[sflag:s23] =	ssyncset.done $0x0  }
0x3a5: {  	s3 =	simm.s32 $0xC80;
	[sflag:s23] =	ssyncadd.s32 $0xFFFFCE00  }
0x3a6: {  	[spmem:s28] =	stream.indirect.scatter.add.f32 [tilespmem:s11], [sflag:$0x6], $0x80, s3, s17, $0xb8;
	[tilespmem:$0x1F480] =	vst v63  }
0x3a7: {  	_ =	swait.ge [sflag:s24], $0x3200  }
0x3a8: {  	[sflag:s24] =	ssyncset.done $0x0  }
0x3a9: {  	[sflag:s24] =	ssyncadd.s32 $0xFFFFCE00  }
0x3aa: {  	[tilespmem:s11], [sflag:$0x1] =	stream.indirect.gather [hbm4b:s29+s17], $0x80, s4, s17, $0xb8;
	[tilespmem:$0x1F480] =	vst v63  }
0x3ab: {  	_ =	swait.ge [sflag:s23], $0x3200  }
0x3ac: {  	[sflag:s23] =	ssyncset.done $0x0  }
0x3ad: {  	[sflag:s23] =	ssyncadd.s32 $0xFFFFCE00  }
0x3ae: {  	[spmem:s28] =	stream.indirect.scatter.add.f32 [tilespmem:s11], [sflag:$0x6], $0x80, s2, s17, $0xb8;
	[tilespmem:$0x1F480] =	vst v63  }
0x3af: {  	_ =	swait.ge [sflag:s24], $0x3200  }
0x3b0: {  	[sflag:s24] =	ssyncset.done $0x0  }
0x3b1: {  	s26 =	simm.s32 $0x1180;
	[sflag:s24] =	ssyncadd.s32 $0xFFFFCE00  }
0x3b2: {  	[tilespmem:s11], [sflag:$0x1] =	stream.indirect.gather [hbm4b:s29+s17], $0x80, s26, s17, $0xb8;
	[tilespmem:$0x1F480] =	vst v63  }
0x3b3: {  	_ =	swait.ge [sflag:s12], $0x3200  }
0x3b4: {  	[sflag:s12] =	ssyncset.done $0x0  }
0x3b5: {  	s30 =	simm.s32 $0x1880;
	[sflag:s12] =	ssyncadd.s32 $0xFFFFCE00  }
0x3b6: {  	[spmem:s28] =	stream.indirect.scatter.add.f32 [tilespmem:s19], [sflag:$0x6], $0x80, s30, s17, $0xb8;
	[tilespmem:$0x1F480] =	vst v63  }
0x3b7: {  	_ =	swait.ge [sflag:s24], $0x3200  }
0x3b8: {  	[sflag:s24] =	ssyncset.done $0x0  }
0x3b9: {  	s3 =	simm.s32 $0x1200;
	[sflag:s24] =	ssyncadd.s32 $0xFFFFCE00  }
0x3ba: {  	[tilespmem:s19], [sflag:$0x2] =	stream.indirect.gather [hbm4b:s29+s17], $0x80, s3, s17, $0xb8;
	[tilespmem:$0x1F480] =	vst v63  }
0x3bb: {  	_ =	swait.ge [sflag:s31], $0x3200  }
0x3bc: {  	[sflag:s31] =	ssyncset.done $0x0  }
0x3bd: {  	s4 =	simm.s32 $0x1900;
	[sflag:s31] =	ssyncadd.s32 $0xFFFFCE00  }
0x3be: {  	[spmem:s28] =	stream.indirect.scatter.add.f32 [tilespmem:s22], [sflag:$0x6], $0x80, s4, s17, $0xb8;
	[tilespmem:$0x1F480] =	vst v63  }
0x3bf: {  	_ =	swait.ge [sflag:s24], $0x3200  }
0x3c0: {  	[sflag:s24] =	ssyncset.done $0x0  }
0x3c1: {  	s26 =	simm.s32 $0x1280;
	[sflag:s24] =	ssyncadd.s32 $0xFFFFCE00  }
0x3c2: {  	[tilespmem:s22], [sflag:$0x3] =	stream.indirect.gather [hbm4b:s29+s17], $0x80, s26, s17, $0xb8;
	[tilespmem:$0x1F480] =	vst v63  }
0x3c3: {  	_ =	swait.ge [sflag:s23], $0x3200  }
0x3c4: {  	[sflag:s23] =	ssyncset.done $0x0  }
0x3c5: {  	s9 =	simm.s32 $0x1980;
	[sflag:s23] =	ssyncadd.s32 $0xFFFFCE00  }
0x3c6: {  	[spmem:s28] =	stream.indirect.scatter.add.f32 [tilespmem:s11], [sflag:$0x6], $0x80, s9, s17, $0xb8;
	[tilespmem:$0x1F480] =	vst v63  }
0x3c7: {  	_ =	swait.ge [sflag:s24], $0x3200  }
0x3c8: {  	[sflag:s24] =	ssyncset.done $0x0  }
0x3c9: {  	s10 =	simm.s32 $0x1300;
	[sflag:s24] =	ssyncadd.s32 $0xFFFFCE00  }
0x3ca: {  	[tilespmem:s11], [sflag:$0x1] =	stream.indirect.gather [hbm4b:s29+s17], $0x80, s10, s17, $0xb8;
	[tilespmem:$0x1F480] =	vst v63  }
0x3cb: {  	_ =	swait.ge [sflag:s12], $0x3200  }
0x3cc: {  	[sflag:s12] =	ssyncset.done $0x0  }
0x3cd: {  	s15 =	simm.s32 $0x1A00;
	[sflag:s12] =	ssyncadd.s32 $0xFFFFCE00  }
0x3ce: {  	[spmem:s28] =	stream.indirect.scatter.add.f32 [tilespmem:s19], [sflag:$0x6], $0x80, s15, s17, $0xb8;
	[tilespmem:$0x1F480] =	vst v63  }
0x3cf: {  	_ =	swait.ge [sflag:s24], $0x3200  }
0x3d0: {  	[sflag:s24] =	ssyncset.done $0x0  }
0x3d1: {  	s16 =	simm.s32 $0x1380;
	[sflag:s24] =	ssyncadd.s32 $0xFFFFCE00  }
0x3d2: {  	[tilespmem:s19], [sflag:$0x2] =	stream.indirect.gather [hbm4b:s29+s17], $0x80, s16, s17, $0xb8;
	[tilespmem:$0x1F480] =	vst v63  }
0x3d3: {  	_ =	swait.ge [sflag:s31], $0x3200  }
0x3d4: {  	[sflag:s31] =	ssyncset.done $0x0  }
0x3d5: {  	s18 =	simm.s32 $0x1A80;
	[sflag:s31] =	ssyncadd.s32 $0xFFFFCE00  }
0x3d6: {  	[spmem:s28] =	stream.indirect.scatter.add.f32 [tilespmem:s22], [sflag:$0x6], $0x80, s18, s17, $0xb8;
	[tilespmem:$0x1F480] =	vst v63  }
0x3d7: {  	_ =	swait.ge [sflag:s24], $0x3200  }
0x3d8: {  	[sflag:s24] =	ssyncset.done $0x0  }
0x3d9: {  	s20 =	simm.s32 $0x1400;
	[sflag:s24] =	ssyncadd.s32 $0xFFFFCE00  }
0x3da: {  	[tilespmem:s22], [sflag:$0x3] =	stream.indirect.gather [hbm4b:s29+s17], $0x80, s20, s17, $0xb8;
	[tilespmem:$0x1F480] =	vst v63  }
0x3db: {  	_ =	swait.ge [sflag:s23], $0x3200  }
0x3dc: {  	[sflag:s23] =	ssyncset.done $0x0  }
0x3dd: {  	[sflag:s23] =	ssyncadd.s32 $0xFFFFCE00  }
0x3de: {  	[spmem:s28] =	stream.indirect.scatter.add.f32 [tilespmem:s11], [sflag:$0x6], $0x80, s0, s17, $0xb8;
	[tilespmem:$0x1F480] =	vst v63  }
0x3df: {  	_ =	swait.ge [sflag:s24], $0x3200  }
0x3e0: {  	[sflag:s24] =	ssyncset.done $0x0  }
0x3e1: {  	s7 =	simm.s32 $0x1480;
	[sflag:s24] =	ssyncadd.s32 $0xFFFFCE00  }
0x3e2: {  	[tilespmem:s11], [sflag:$0x1] =	stream.indirect.gather [hbm4b:s29+s17], $0x80, s7, s17, $0xb8;
	[tilespmem:$0x1F480] =	vst v63  }
0x3e3: {  	_ =	swait.ge [sflag:s12], $0x3200  }
0x3e4: {  	[sflag:s12] =	ssyncset.done $0x0  }
0x3e5: {  	s8 =	simm.s32 $0x1B80;
	[sflag:s12] =	ssyncadd.s32 $0xFFFFCE00  }
0x3e6: {  	[spmem:s28] =	stream.indirect.scatter.add.f32 [tilespmem:s19], [sflag:$0x6], $0x80, s8, s17, $0xb8;
	[tilespmem:$0x1F480] =	vst v63  }
0x3e7: {  	_ =	swait.ge [sflag:s24], $0x3200  }
0x3e8: {  	[sflag:s24] =	ssyncset.done $0x0  }
0x3e9: {  	[sflag:s24] =	ssyncadd.s32 $0xFFFFCE00  }
0x3ea: {  	_ =	swait.ge [sflag:s31], $0x3200  }
0x3eb: {  	[sflag:s31] =	ssyncset.done $0x0  }
0x3ec: {  	s6 =	simm.s32 $0x1C00;
	[sflag:s31] =	ssyncadd.s32 $0xFFFFCE00  }
0x3ed: {  	[spmem:s28] =	stream.indirect.scatter.add.f32 [tilespmem:s22], [sflag:$0x6], $0x80, s6, s17, $0xb8;
	[tilespmem:$0x1F480] =	vst v63  }
0x3ee: {  	_ =	swait.ge [sflag:s24], $0x3200  }
0x3ef: {  	[sflag:s24] =	ssyncset.done $0x0  }
0x3f0: {  	[sflag:s24] =	ssyncadd.s32 $0xFFFFCE00  }
0x3f1: {  	_ =	swait.ge [sflag:s23], $0x3200  }
0x3f2: {  	[sflag:s23] =	ssyncset.done $0x0  }
0x3f3: {  	s5 =	simm.s32 $0x1C80;
	[sflag:s23] =	ssyncadd.s32 $0xFFFFCE00  }
0x3f4: {  	[spmem:s28] =	stream.indirect.scatter.add.f32 [tilespmem:s11], [sflag:$0x6], $0x80, s5, s17, $0xb8;
	[tilespmem:$0x1F480] =	vst v63  }
0x3f5: {  	_ =	swait.ge [sflag:s24], $0x3200  }
0x3f6: {  	[sflag:s24] =	ssyncset.done $0x0  }
0x3f7: {  	[sflag:s24] =	ssyncadd.s32 $0xFFFFCE00  }
0x3f8: {  	[bflag:$0x0] =	sbarrier.arrive $0xFFFF  }
0x3f9: {  	s30 =	sld [smem:$0x7F6];
	_ =	sdelay $0x2  }
0x3fa: {  	[tilespmem:s11], [sflag:$0x7] =	stream.linear.gather [spmem:s30], $0x2800, $0x38;
	[tilespmem:$0x1F480] =	vst v63  }
0x3fb: {  	_ =	swait.ge [sflag:s1], $0x2800  }
0x3fc: {  	[sflag:s1] =	ssyncset.done $0x0  }
0x3fd: {  	s2 =	rddreg [dreg:$0x19];
	[sflag:s1] =	ssyncadd.s32 $0xFFFFD800  }
0x3fe: {  	[hbm4b:s2+s21] =	stream.linear.scatter [tilespmem:s11], [sflag:$0x6], $0x2800, $0x38;
	[tilespmem:$0x1F480] =	vst v63  }
0x3ff: {  	_ =	swait.ge [sflag:s24], $0x2800  }
0x400: {  	s3 =	sld [smem:$0x7F7]  }
0x401: {  	[sflag:s24] =	ssyncset.done $0x0  }
0x402: {  	[sflag:s24] =	ssyncadd.s32 $0xFFFFD800  }
0x403: {  	[tilespmem:s11], [sflag:$0x7] =	stream.linear.gather [spmem:s3], $0x2800, $0x38;
	[tilespmem:$0x1F480] =	vst v63  }
0x404: {  	_ =	swait.ge [sflag:s1], $0x2800  }
0x405: {  	[sflag:s1] =	ssyncset.done $0x0  }
0x406: {  	s4 =	rddreg [dreg:$0x1a];
	[sflag:s1] =	ssyncadd.s32 $0xFFFFD800  }
0x407: {  	[hbm4b:s4+s21] =	stream.linear.scatter [tilespmem:s11], [sflag:$0x6], $0x2800, $0x38;
	[tilespmem:$0x1F480] =	vst v63  }
0x408: {  	_ =	swait.ge [sflag:s24], $0x2800  }
0x409: {  	s5 =	sld [smem:$0x7F8]  }
0x40a: {  	[sflag:s24] =	ssyncset.done $0x0  }
0x40b: {  	[sflag:s24] =	ssyncadd.s32 $0xFFFFD800  }
0x40c: {  	[tilespmem:s11], [sflag:$0x7] =	stream.linear.gather [spmem:s5], $0x2800, $0x38;
	[tilespmem:$0x1F480] =	vst v63  }
0x40d: {  	_ =	swait.ge [sflag:s1], $0x2800  }
0x40e: {  	[sflag:s1] =	ssyncset.done $0x0  }
0x40f: {  	s6 =	rddreg [dreg:$0x1b];
	[sflag:s1] =	ssyncadd.s32 $0xFFFFD800  }
0x410: {  	[hbm4b:s6+s21] =	stream.linear.scatter [tilespmem:s11], [sflag:$0x6], $0x2800, $0x38;
	[tilespmem:$0x1F480] =	vst v63  }
0x411: {  	_ =	swait.ge [sflag:s24], $0x2800  }
0x412: {  	s7 =	sld [smem:$0x7F9]  }
0x413: {  	[sflag:s24] =	ssyncset.done $0x0  }
0x414: {  	[sflag:s24] =	ssyncadd.s32 $0xFFFFD800  }
0x415: {  	[tilespmem:s11], [sflag:$0x7] =	stream.linear.gather [spmem:s7], $0x2800, $0x38;
	[tilespmem:$0x1F480] =	vst v63  }
0x416: {  	_ =	swait.ge [sflag:s1], $0x2800  }
0x417: {  	[sflag:s1] =	ssyncset.done $0x0  }
0x418: {  	s8 =	rddreg [dreg:$0x1c];
	[sflag:s1] =	ssyncadd.s32 $0xFFFFD800  }
0x419: {  	[hbm4b:s8+s21] =	stream.linear.scatter [tilespmem:s11], [sflag:$0x6], $0x2800, $0x38;
	[tilespmem:$0x1F480] =	vst v63  }
0x41a: {  	_ =	swait.ge [sflag:s24], $0x2800  }
0x41b: {  	s9 =	sld [smem:$0x7FA]  }
0x41c: {  	[sflag:s24] =	ssyncset.done $0x0  }
0x41d: {  	[sflag:s24] =	ssyncadd.s32 $0xFFFFD800  }
0x41e: {  	[tilespmem:s11], [sflag:$0x7] =	stream.linear.gather [spmem:s9], $0x2800, $0x38;
	[tilespmem:$0x1F480] =	vst v63  }
0x41f: {  	_ =	swait.ge [sflag:s1], $0x2800  }
0x420: {  	[sflag:s1] =	ssyncset.done $0x0  }
0x421: {  	s10 =	rddreg [dreg:$0x1d];
	[sflag:s1] =	ssyncadd.s32 $0xFFFFD800  }
0x422: {  	[hbm4b:s10+s21] =	stream.linear.scatter [tilespmem:s11], [sflag:$0x6], $0x2800, $0x38;
	[tilespmem:$0x1F480] =	vst v63  }
0x423: {  	_ =	swait.ge [sflag:s24], $0x2800  }
0x424: {  	s15 =	sld [smem:$0x7FB]  }
0x425: {  	[sflag:s24] =	ssyncset.done $0x0  }
0x426: {  	[sflag:s24] =	ssyncadd.s32 $0xFFFFD800  }
0x427: {  	[tilespmem:s11], [sflag:$0x7] =	stream.linear.gather [spmem:s15], $0x2800, $0x38;
	[tilespmem:$0x1F480] =	vst v63  }
0x428: {  	_ =	swait.ge [sflag:s1], $0x2800  }
0x429: {  	[sflag:s1] =	ssyncset.done $0x0  }
0x42a: {  	s16 =	rddreg [dreg:$0x1e];
	[sflag:s1] =	ssyncadd.s32 $0xFFFFD800  }
0x42b: {  	[hbm4b:s16+s21] =	stream.linear.scatter [tilespmem:s11], [sflag:$0x6], $0x2800, $0x38;
	[tilespmem:$0x1F480] =	vst v63  }
0x42c: {  	_ =	swait.ge [sflag:s24], $0x2800  }
0x42d: {  	s18 =	sld [smem:$0x7FC]  }
0x42e: {  	[sflag:s24] =	ssyncset.done $0x0  }
0x42f: {  	[sflag:s24] =	ssyncadd.s32 $0xFFFFD800  }
0x430: {  	[tilespmem:s11], [sflag:$0x7] =	stream.linear.gather [spmem:s18], $0x2800, $0x38;
	[tilespmem:$0x1F480] =	vst v63  }
0x431: {  	_ =	swait.ge [sflag:s1], $0x2800  }
0x432: {  	[sflag:s1] =	ssyncset.done $0x0  }
0x433: {  	s20 =	rddreg [dreg:$0x1f];
	[sflag:s1] =	ssyncadd.s32 $0xFFFFD800  }
0x434: {  	[hbm4b:s20+s21] =	stream.linear.scatter [tilespmem:s11], [sflag:$0x6], $0x2800, $0x38;
	[tilespmem:$0x1F480] =	vst v63  }
0x435: {  	_ =	swait.ge [sflag:s24], $0x2800  }
0x436: {  	s3 =	sld [smem:$0x7FD]  }
0x437: {  	[sflag:s24] =	ssyncset.done $0x0  }
0x438: {  	s0 =	simm.s32 @!p0 $0x2000;
	[sflag:s24] =	ssyncadd.s32 $0xFFFFD800  }
0x439: {  	[tilespmem:s0], [sflag:$0x7] =	stream.linear.gather @!p0 [spmem:s3], $0x2800, $0x38;
	[tilespmem:$0x1F480] =	vst v63  }
0x43a: {  	s3 =	simm.s32 @!p0 $0x7  }
0x43b: {  	_ =	swait.ge @!p0 [sflag:s3], $0x2800  }
0x43c: {  	s4 =	sld [smem:$0x7F4]  }
0x43d: {  	[sflag:s3] =	ssyncset.done @!p0 $0x0  }
0x43e: {  	[sflag:s3] =	ssyncadd.s32 @!p0 $0xFFFFD800;
	s3 =	simm.s32 @!p0 $0x0  }
0x43f: {  	[hbm4b:s4+s3] =	stream.linear.scatter @!p0 [tilespmem:s0], [sflag:$0x6], $0x2800, $0x38;
	[tilespmem:$0x1F480] =	vst v63  }
0x440: {  	s3 =	simm.s32 @!p0 $0x6  }
0x441: {  	_ =	swait.ge @!p0 [sflag:s3], $0x2800  }
0x442: {  	s26 =	sld [smem:$0x7F3]  }
0x443: {  	s30 =	sld [smem:$0x7F5];
	_ =	sdelay $0x1  }
0x444: {  	s0 =	sadd.s32 $0x1, s26  }
0x445: {  	p2 =	sne.s32 s0, s30  }
.Ltmp1:
0x446: {  	_ = 	snop;
	(pc) =	sbr.rel @p2 .LBB2_1-.Ltmp1, $3  }
0x447: {  	_ =	sdelay $0x1  }
0x448: {  	[sflag:s3] =	ssyncset.done @!p0 $0x0  }
0x449: {  	[sflag:s3] =	ssyncadd.s32 @!p0 $0xFFFFD800  }
0x44a: {  	_ =	sfence.sel $0x180000  }
0x44b: {  	[bflag:$0x0] =	sbarrier.arrive $0xFFFF  }
0x44c: {  	_ =	strace $0x90000047  }
0x44d: {  	s0 =	stileid.u32;
	[bflag:$0x2] =	sbarrier.arrive $0xFFFF  }
0x44e: {  	p0 =	sne.s32 s0, $0x0;
	s0 =	rddreg [dreg:$0x4]  }
0x44f: {  	s0 =	sadd.s32 @!p0 $0x100000, s0  }
0x450: {  	[sflag:s0] =	ssyncadd.tile.s32 @!p0 $0x1;
	_ =	shalt  }
.Lfunc_end2:
_tile_overlayer_lowered:
.L_overlay_start_2:
0x451: {  	(tag) =	ssettag $0x2  }
0x452: {  	s0 =	rddreg [dreg:$0x0];
	s2 =	stileid.u32  }
0x453: {  	s1 =	rddreg [dreg:$0x1];
	p0 =	sne.s32 s2, $0x0  }
0x454: {  	s3 =	rddreg [dreg:$0x2];
	[bflag:$0x3] =	sbarrier.arrive $0xFFFF;
	s2 =	simm.s32 @!p0 $0x1C06  }
0x455: {  	[timem:s3], [sflag:s2] =	dma.local @!p0 [hbm:s0], s1  }
0x456: {  	s0 =	simm.s32 @!p0 $0x6  }
0x457: {  	_ =	swait.ge @!p0 [sflag:s0], s1  }
0x458: {  	s1 =	ssub.s32 @!p0 $0x0, s1;
	[sflag:s0] =	ssyncset.done @!p0 $0x0  }
0x459: {  	[sflag:s0] =	ssyncadd.s32 @!p0 s1  }
0x45a: {  	[bflag:$0x3] =	sbarrier.arrive $0xFFFF  }
0x45b: {  	_ =	shalt  }

</sc_bundles>
